<compile_context>
chip_gen: v7x
topology: tpu7x:2x2x1
jax: 0.10.2.dev20260603
libtpu: 0.0.44.dev20260713+nightly
codegen_flags: <defaults>
</compile_context>

<pallas_src>
import functools
import jax
import jax.numpy as jnp
from jax import lax
from jax.experimental import pallas as pl
from jax.experimental.pallas import tpu as pltpu, tpu_sc as plsc

B, S, D = 4, 8192, 768
L = 16
W = 128
RW = D // W
NW = 32
PPW = S // NW
CP = 32
CR = CP * RW
NG = PPW // CP
NU = NG * B

_mesh = plsc.VectorSubcoreMesh(core_axis_name="c", subcore_axis_name="s")


@functools.partial(
    pl.kernel,
    mesh=_mesh,
    out_type=jax.ShapeDtypeStruct((B * S * D // W, W), jnp.float32),
    scratch_types=[
        pltpu.VMEM((CR, W), jnp.float32), pltpu.VMEM((CR, W), jnp.float32),
        pltpu.VMEM((CR, W), jnp.float32), pltpu.VMEM((CR, W), jnp.float32),
        pltpu.SemaphoreType.DMA, pltpu.SemaphoreType.DMA,
        pltpu.SemaphoreType.DMA, pltpu.SemaphoreType.DMA,
        pltpu.SemaphoreType.DMA, pltpu.SemaphoreType.DMA,
    ],
)
def _sc_add(x_hbm, t_hbm, out_hbm,
            xb0, xb1, tb0, tb1,
            si0, si1, so0, so1, st0, st1):
    w = lax.axis_index("c") * 16 + lax.axis_index("s")
    t_base = w * (PPW * RW)
    xbs = (xb0, xb1)
    tbs = (tb0, tb1)
    sis = (si0, si1)
    sos = (so0, so1)
    sts = (st0, st1)

    def u_off(u):
        gc = lax.div(u, B)
        b = lax.rem(u, B)
        return b * (S * RW) + t_base + gc * CR

    def start_x(u, p):
        pltpu.async_copy(x_hbm.at[pl.ds(u_off(u), CR), :], xbs[p], sis[p])

    def wait_x(p):
        pltpu.make_async_copy(x_hbm.at[pl.ds(0, CR), :], xbs[p], sis[p]).wait()

    def start_t(gc, q):
        pltpu.async_copy(t_hbm.at[pl.ds(t_base + gc * CR, CR), :],
                         tbs[q], sts[q])

    def wait_t(q):
        pltpu.make_async_copy(t_hbm.at[pl.ds(0, CR), :], tbs[q],
                              sts[q]).wait()

    def start_out(u, p):
        pltpu.async_copy(xbs[p], out_hbm.at[pl.ds(u_off(u), CR), :], sos[p])

    def wait_out(p):
        pltpu.make_async_copy(xbs[p], out_hbm.at[pl.ds(0, CR), :],
                              sos[p]).wait()

    def compute(p, q):
        xb, tb = xbs[p], tbs[q]

        def rows2(i, _):
            r = i * 2
            for rr in (0, 1):
                for j in range(W // L):
                    sl = pl.ds(j * L, L)
                    xb[r + rr, sl] = xb[r + rr, sl] + tb[r + rr, sl]
            return 0

        lax.fori_loop(0, CR // 2, rows2, 0)

    start_t(0, 0)
    start_x(0, 0)
    start_x(1, 1)

    def do_chunk(gc, q):
        wait_t(q)

        @pl.when(gc + 1 < NG)
        def _():
            start_t(gc + 1, 1 - q)

        for jp in range(B // 2):
            uA = gc * B + 2 * jp
            wait_x(0)
            compute(0, q)
            start_out(uA, 0)
            wait_x(1)
            compute(1, q)
            start_out(uA + 1, 1)

            @pl.when(uA + 2 < NU)
            def _():
                wait_out(0)
                start_x(uA + 2, 0)

            @pl.when(uA + 3 < NU)
            def _():
                wait_out(1)
                start_x(uA + 3, 1)

    def macro(m, _):
        do_chunk(2 * m, 0)
        do_chunk(2 * m + 1, 1)
        return 0

    lax.fori_loop(0, NG // 2, macro, 0)
    wait_out(0)
    wait_out(1)


def kernel(x, embed_table):
    Bx, Sx, Dx = x.shape
    xf = x.reshape(Bx * Sx * Dx // W, W)
    tf = embed_table.reshape(-1, W)
    out = _sc_add(xf, tf)
    return out.reshape(Bx, Sx, Dx)

# --- scband reference (transcript-rebuilt; emitter-appended) ---
"""Pipeline reference for scband-learned-positional-embedding-38972533244617 (READ-ONLY COPY).

The authoritative reference and input builder live on the scoring server;
editing this copy changes nothing except your own understanding.
"""

import jax, jax.numpy as jnp
import numpy as np

VOCAB_SIZE = 8192
D_MODEL = 768
BATCH = 4
SEQ_LEN = 8192

def setup_inputs(seed: int = 0) -> dict:
    key = jax.random.key(seed)
    k_x, k_emb = jax.random.split(key)
    x = jax.random.normal(k_x, (BATCH, SEQ_LEN, D_MODEL), dtype=jnp.float32)
    # nnx.Embed default init: variance-scaling-like normal; use normal scaled
    embed_table = jax.random.normal(k_emb, (VOCAB_SIZE, D_MODEL), dtype=jnp.float32) * 0.02
    return {"x": x, "embed_table": embed_table}

def reference(x, embed_table):
    B, S, D = x.shape
    position_ids = jnp.arange(S)
    position_ids = jnp.broadcast_to(position_ids, (B, S))
    # embedding lookup (gather)
    pos_x = jnp.take(embed_table, position_ids, axis=0)
    # dropout is identity in deterministic/eval mode
    pos_embeddings = x + pos_x
    return pos_embeddings

if __name__ == "__main__":
    import jax
    _d = setup_inputs()
    print(jax.jit(kernel)(*tuple(_d.values())))

</pallas_src>

<mosaic_0001>
#map = affine_map<(d0, d1) -> (0, 0)>
module attributes {stable_mosaic.version = 14 : i64} {
  func.func @_sc_add(%arg0: i32, %arg1: i32, %arg2: memref<196608x128xf32, #tpu.memory_space<hbm>>, %arg3: memref<49152x128xf32, #tpu.memory_space<hbm>>, %arg4: memref<196608x128xf32, #tpu.memory_space<hbm>>, %arg5: memref<192x128xf32, #tpu.memory_space<vmem>>, %arg6: memref<192x128xf32, #tpu.memory_space<vmem>>, %arg7: memref<192x128xf32, #tpu.memory_space<vmem>>, %arg8: memref<192x128xf32, #tpu.memory_space<vmem>>, %arg9: memref<!tpu.dma_semaphore, #tpu.memory_space<semaphore_mem>>, %arg10: memref<!tpu.dma_semaphore, #tpu.memory_space<semaphore_mem>>, %arg11: memref<!tpu.dma_semaphore, #tpu.memory_space<semaphore_mem>>, %arg12: memref<!tpu.dma_semaphore, #tpu.memory_space<semaphore_mem>>, %arg13: memref<!tpu.dma_semaphore, #tpu.memory_space<semaphore_mem>>, %arg14: memref<!tpu.dma_semaphore, #tpu.memory_space<semaphore_mem>>) attributes {dimension_semantics = [#tpu.dimension_semantics<core_parallel>, #tpu.dimension_semantics<subcore_parallel>], iteration_bounds = array<i64: 2, 16>, scalar_prefetch = 0 : i64, scratch_operands = 10 : i64, tpu.core_type = #tpu.core_type<sc_vector_subcore>, window_params = [{transform_indices = #map}, {transform_indices = #map}, {transform_indices = #map}]} {
    %mul3A = arith.constant 16 : i32
    %mul3A_0 = arith.muli %arg0, %mul3A : i32
    %add3A = arith.addi %mul3A_0, %arg1 : i32
    %mul3A_1 = arith.constant 1536 : i32
    %mul3A_2 = arith.muli %add3A, %mul3A_1 : i32
    %add3A_3 = arith.constant 0 : i32
    %add3A_4 = arith.addi %mul3A_2, %add3A_3 : i32
    %dma_start3A = arith.constant 0 : i32
    %dma_start3A_5 = tpu.memref_slice %arg3[%add3A_4, %dma_start3A] : memref<49152x128xf32, #tpu.memory_space<hbm>> -> memref<192x128xf32, #tpu.memory_space<hbm>>
    %dma_start3A_6 = arith.constant 0 : i32
    %dma_start3A_7 = tpu.memref_slice %arg3[%add3A_4, %dma_start3A_6] : memref<49152x128xf32, #tpu.memory_space<hbm>> -> memref<192x128xf32, #tpu.memory_space<hbm>>
    tpu.enqueue_dma source(%dma_start3A_7 : memref<192x128xf32, #tpu.memory_space<hbm>>) target(%arg7 : memref<192x128xf32, #tpu.memory_space<vmem>>) target_semaphore(%arg13 : memref<!tpu.dma_semaphore, #tpu.memory_space<semaphore_mem>>)
    %div3A = arith.constant 0 : i32
    %div3A_8 = arith.constant 4 : i32
    %div3A_9 = arith.divsi %div3A, %div3A_8 : i32
    %rem3A = arith.constant 0 : i32
    %rem3A_10 = arith.constant 4 : i32
    %rem3A_11 = arith.remsi %rem3A, %rem3A_10 : i32
    %mul3A_12 = arith.constant 49152 : i32
    %mul3A_13 = arith.muli %rem3A_11, %mul3A_12 : i32
    %add3A_14 = arith.addi %mul3A_13, %mul3A_2 : i32
    %mul3A_15 = arith.constant 192 : i32
    %mul3A_16 = arith.muli %div3A_9, %mul3A_15 : i32
    %add3A_17 = arith.addi %add3A_14, %mul3A_16 : i32
    %dma_start3A_18 = arith.constant 0 : i32
    %dma_start3A_19 = tpu.memref_slice %arg2[%add3A_17, %dma_start3A_18] : memref<196608x128xf32, #tpu.memory_space<hbm>> -> memref<192x128xf32, #tpu.memory_space<hbm>>
    %dma_start3A_20 = arith.constant 0 : i32
    %dma_start3A_21 = tpu.memref_slice %arg2[%add3A_17, %dma_start3A_20] : memref<196608x128xf32, #tpu.memory_space<hbm>> -> memref<192x128xf32, #tpu.memory_space<hbm>>
    tpu.enqueue_dma source(%dma_start3A_21 : memref<192x128xf32, #tpu.memory_space<hbm>>) target(%arg5 : memref<192x128xf32, #tpu.memory_space<vmem>>) target_semaphore(%arg9 : memref<!tpu.dma_semaphore, #tpu.memory_space<semaphore_mem>>)
    %div3A_22 = arith.constant 1 : i32
    %div3A_23 = arith.constant 4 : i32
    %div3A_24 = arith.divsi %div3A_22, %div3A_23 : i32
    %rem3A_25 = arith.constant 1 : i32
    %rem3A_26 = arith.constant 4 : i32
    %rem3A_27 = arith.remsi %rem3A_25, %rem3A_26 : i32
    %mul3A_28 = arith.constant 49152 : i32
    %mul3A_29 = arith.muli %rem3A_27, %mul3A_28 : i32
    %add3A_30 = arith.addi %mul3A_29, %mul3A_2 : i32
    %mul3A_31 = arith.constant 192 : i32
    %mul3A_32 = arith.muli %div3A_24, %mul3A_31 : i32
    %add3A_33 = arith.addi %add3A_30, %mul3A_32 : i32
    %dma_start3A_34 = arith.constant 0 : i32
    %dma_start3A_35 = tpu.memref_slice %arg2[%add3A_33, %dma_start3A_34] : memref<196608x128xf32, #tpu.memory_space<hbm>> -> memref<192x128xf32, #tpu.memory_space<hbm>>
    %dma_start3A_36 = arith.constant 0 : i32
    %dma_start3A_37 = tpu.memref_slice %arg2[%add3A_33, %dma_start3A_36] : memref<196608x128xf32, #tpu.memory_space<hbm>> -> memref<192x128xf32, #tpu.memory_space<hbm>>
    tpu.enqueue_dma source(%dma_start3A_37 : memref<192x128xf32, #tpu.memory_space<hbm>>) target(%arg6 : memref<192x128xf32, #tpu.memory_space<vmem>>) target_semaphore(%arg10 : memref<!tpu.dma_semaphore, #tpu.memory_space<semaphore_mem>>)
    %scan3A = arith.constant 0 : i32
    %scan3A_38 = arith.constant 0 : i32
    %scan3A_39 = arith.constant 4 : i32
    %scan3A_40 = arith.addi %scan3A_38, %scan3A_39 : i32
    %scan3A_41 = arith.constant 1 : i32
    %scan3A_42 = scf.for %scan3A_55 = %scan3A_38 to %scan3A_40 step %scan3A_41 iter_args(%scan3A_56 = %scan3A) -> (i32)  : i32 {
      %mul3A_57 = arith.constant 2 : i32
      %mul3A_58 = arith.muli %mul3A_57, %scan3A_55 : i32
      %dma_wait3A_59 = arith.constant 0 : i32
      %dma_wait3A_60 = arith.constant 0 : i32
      %dma_wait3A_61 = tpu.memref_slice %arg3[%dma_wait3A_59, %dma_wait3A_60] : memref<49152x128xf32, #tpu.memory_space<hbm>> -> memref<192x128xf32, #tpu.memory_space<hbm>>
      %dma_wait3A_62 = arith.constant 0 : i32
      %dma_wait3A_63 = arith.constant 0 : i32
      %dma_wait3A_64 = tpu.memref_slice %arg3[%dma_wait3A_62, %dma_wait3A_63] : memref<49152x128xf32, #tpu.memory_space<hbm>> -> memref<192x128xf32, #tpu.memory_space<hbm>>
      tpu.wait_dma2 semaphore(%arg13 : memref<!tpu.dma_semaphore, #tpu.memory_space<semaphore_mem>>) src(%dma_wait3A_64 : memref<192x128xf32, #tpu.memory_space<hbm>>) dst(%arg7 : memref<192x128xf32, #tpu.memory_space<vmem>>)
      %add3A_65 = arith.constant 1 : i32
      %add3A_66 = arith.addi %mul3A_58, %add3A_65 : i32
      %lt3A = arith.constant 8 : i32
      %lt3A_67 = arith.cmpi slt, %add3A_66, %lt3A : i32
      %convert_element_type3A = arith.extui %lt3A_67 : i1 to i32
      %cond3A = arith.constant 0 : i32
      %cond3A_68 = arith.cmpi ne, %convert_element_type3A, %cond3A : i32
      scf.if %cond3A_68 {
        %add3A_383 = arith.constant 1 : i32
        %add3A_384 = arith.addi %mul3A_58, %add3A_383 : i32
        %mul3A_385 = arith.constant 192 : i32
        %mul3A_386 = arith.muli %add3A_384, %mul3A_385 : i32
        %add3A_387 = arith.addi %mul3A_2, %mul3A_386 : i32
        %dma_start3A_388 = arith.constant 0 : i32
        %dma_start3A_389 = tpu.memref_slice %arg3[%add3A_387, %dma_start3A_388] : memref<49152x128xf32, #tpu.memory_space<hbm>> -> memref<192x128xf32, #tpu.memory_space<hbm>>
        %dma_start3A_390 = arith.constant 0 : i32
        %dma_start3A_391 = tpu.memref_slice %arg3[%add3A_387, %dma_start3A_390] : memref<49152x128xf32, #tpu.memory_space<hbm>> -> memref<192x128xf32, #tpu.memory_space<hbm>>
        tpu.enqueue_dma source(%dma_start3A_391 : memref<192x128xf32, #tpu.memory_space<hbm>>) target(%arg8 : memref<192x128xf32, #tpu.memory_space<vmem>>) target_semaphore(%arg14 : memref<!tpu.dma_semaphore, #tpu.memory_space<semaphore_mem>>)
      } else {
      }
      %mul3A_69 = arith.constant 4 : i32
      %mul3A_70 = arith.muli %mul3A_58, %mul3A_69 : i32
      %add3A_71 = arith.constant 0 : i32
      %add3A_72 = arith.addi %mul3A_70, %add3A_71 : i32
      %dma_wait3A_73 = arith.constant 0 : i32
      %dma_wait3A_74 = arith.constant 0 : i32
      %dma_wait3A_75 = tpu.memref_slice %arg2[%dma_wait3A_73, %dma_wait3A_74] : memref<196608x128xf32, #tpu.memory_space<hbm>> -> memref<192x128xf32, #tpu.memory_space<hbm>>
      %dma_wait3A_76 = arith.constant 0 : i32
      %dma_wait3A_77 = arith.constant 0 : i32
      %dma_wait3A_78 = tpu.memref_slice %arg2[%dma_wait3A_76, %dma_wait3A_77] : memref<196608x128xf32, #tpu.memory_space<hbm>> -> memref<192x128xf32, #tpu.memory_space<hbm>>
      tpu.wait_dma2 semaphore(%arg9 : memref<!tpu.dma_semaphore, #tpu.memory_space<semaphore_mem>>) src(%dma_wait3A_78 : memref<192x128xf32, #tpu.memory_space<hbm>>) dst(%arg5 : memref<192x128xf32, #tpu.memory_space<vmem>>)
      %scan3A_79 = arith.constant 0 : i32
      %scan3A_80 = arith.constant 0 : i32
      %scan3A_81 = arith.constant 96 : i32
      %scan3A_82 = arith.addi %scan3A_80, %scan3A_81 : i32
      %scan3A_83 = arith.constant 1 : i32
      %scan3A_84 = scf.for %scan3A_383 = %scan3A_80 to %scan3A_82 step %scan3A_83 iter_args(%scan3A_384 = %scan3A_79) -> (i32)  : i32 {
        %mul3A_385 = arith.constant 2 : i32
        %mul3A_386 = arith.muli %scan3A_383, %mul3A_385 : i32
        %add3A_387 = arith.constant 0 : i32
        %add3A_388 = arith.addi %mul3A_386, %add3A_387 : i32
        %get3A = arith.index_cast %add3A_388 : i32 to index
        %get3A_389 = arith.constant 0 : index
        %get3A_390 = tpu.vector_load %arg5[%get3A, %get3A_389] {strides = array<i32>} : memref<192x128xf32, #tpu.memory_space<vmem>>, vector<1x16xf32>,
        %get3A_391 = vector.shape_cast %get3A_390 : vector<1x16xf32> to vector<16xf32>
        %add3A_392 = arith.constant 0 : i32
        %add3A_393 = arith.addi %mul3A_386, %add3A_392 : i32
        %get3A_394 = arith.index_cast %add3A_393 : i32 to index
        %get3A_395 = arith.constant 0 : index
        %get3A_396 = tpu.vector_load %arg7[%get3A_394, %get3A_395] {strides = array<i32>} : memref<192x128xf32, #tpu.memory_space<vmem>>, vector<1x16xf32>,
        %get3A_397 = vector.shape_cast %get3A_396 : vector<1x16xf32> to vector<16xf32>
        %add3A_398 = arith.addf %get3A_391, %get3A_397 : vector<16xf32>
        %add3A_399 = arith.constant 0 : i32
        %add3A_400 = arith.addi %mul3A_386, %add3A_399 : i32
        %swap3A = arith.index_cast %add3A_400 : i32 to index
        %swap3A_401 = arith.constant 0 : index
        %swap3A_402 = tpu.vector_load %arg5[%swap3A, %swap3A_401] {strides = array<i32>} : memref<192x128xf32, #tpu.memory_space<vmem>>, vector<1x16xf32>,
        %swap3A_403 = vector.shape_cast %swap3A_402 : vector<1x16xf32> to vector<16xf32>
        %swap3A_404 = vector.shape_cast %add3A_398 : vector<16xf32> to vector<1x16xf32>
        tpu.vector_store %arg5[%swap3A, %swap3A_401], %swap3A_404 {strides = array<i32>} : memref<192x128xf32, #tpu.memory_space<vmem>>, vector<1x16xf32>,
        %add3A_405 = arith.constant 0 : i32
        %add3A_406 = arith.addi %mul3A_386, %add3A_405 : i32
        %get3A_407 = arith.index_cast %add3A_406 : i32 to index
        %get3A_408 = arith.constant 16 : index
        %get3A_409 = tpu.vector_load %arg5[%get3A_407, %get3A_408] {strides = array<i32>} : memref<192x128xf32, #tpu.memory_space<vmem>>, vector<1x16xf32>,
        %get3A_410 = vector.shape_cast %get3A_409 : vector<1x16xf32> to vector<16xf32>
        %add3A_411 = arith.constant 0 : i32
        %add3A_412 = arith.addi %mul3A_386, %add3A_411 : i32
        %get3A_413 = arith.index_cast %add3A_412 : i32 to index
        %get3A_414 = arith.constant 16 : index
        %get3A_415 = tpu.vector_load %arg7[%get3A_413, %get3A_414] {strides = array<i32>} : memref<192x128xf32, #tpu.memory_space<vmem>>, vector<1x16xf32>,
        %get3A_416 = vector.shape_cast %get3A_415 : vector<1x16xf32> to vector<16xf32>
        %add3A_417 = arith.addf %get3A_410, %get3A_416 : vector<16xf32>
        %add3A_418 = arith.constant 0 : i32
        %add3A_419 = arith.addi %mul3A_386, %add3A_418 : i32
        %swap3A_420 = arith.index_cast %add3A_419 : i32 to index
        %swap3A_421 = arith.constant 16 : index
        %swap3A_422 = tpu.vector_load %arg5[%swap3A_420, %swap3A_421] {strides = array<i32>} : memref<192x128xf32, #tpu.memory_space<vmem>>, vector<1x16xf32>,
        %swap3A_423 = vector.shape_cast %swap3A_422 : vector<1x16xf32> to vector<16xf32>
        %swap3A_424 = vector.shape_cast %add3A_417 : vector<16xf32> to vector<1x16xf32>
        tpu.vector_store %arg5[%swap3A_420, %swap3A_421], %swap3A_424 {strides = array<i32>} : memref<192x128xf32, #tpu.memory_space<vmem>>, vector<1x16xf32>,
        %add3A_425 = arith.constant 0 : i32
        %add3A_426 = arith.addi %mul3A_386, %add3A_425 : i32
        %get3A_427 = arith.index_cast %add3A_426 : i32 to index
        %get3A_428 = arith.constant 32 : index
        %get3A_429 = tpu.vector_load %arg5[%get3A_427, %get3A_428] {strides = array<i32>} : memref<192x128xf32, #tpu.memory_space<vmem>>, vector<1x16xf32>,
        %get3A_430 = vector.shape_cast %get3A_429 : vector<1x16xf32> to vector<16xf32>
        %add3A_431 = arith.constant 0 : i32
        %add3A_432 = arith.addi %mul3A_386, %add3A_431 : i32
        %get3A_433 = arith.index_cast %add3A_432 : i32 to index
        %get3A_434 = arith.constant 32 : index
        %get3A_435 = tpu.vector_load %arg7[%get3A_433, %get3A_434] {strides = array<i32>} : memref<192x128xf32, #tpu.memory_space<vmem>>, vector<1x16xf32>,
        %get3A_436 = vector.shape_cast %get3A_435 : vector<1x16xf32> to vector<16xf32>
        %add3A_437 = arith.addf %get3A_430, %get3A_436 : vector<16xf32>
        %add3A_438 = arith.constant 0 : i32
        %add3A_439 = arith.addi %mul3A_386, %add3A_438 : i32
        %swap3A_440 = arith.index_cast %add3A_439 : i32 to index
        %swap3A_441 = arith.constant 32 : index
        %swap3A_442 = tpu.vector_load %arg5[%swap3A_440, %swap3A_441] {strides = array<i32>} : memref<192x128xf32, #tpu.memory_space<vmem>>, vector<1x16xf32>,
        %swap3A_443 = vector.shape_cast %swap3A_442 : vector<1x16xf32> to vector<16xf32>
        %swap3A_444 = vector.shape_cast %add3A_437 : vector<16xf32> to vector<1x16xf32>
        tpu.vector_store %arg5[%swap3A_440, %swap3A_441], %swap3A_444 {strides = array<i32>} : memref<192x128xf32, #tpu.memory_space<vmem>>, vector<1x16xf32>,
        %add3A_445 = arith.constant 0 : i32
        %add3A_446 = arith.addi %mul3A_386, %add3A_445 : i32
        %get3A_447 = arith.index_cast %add3A_446 : i32 to index
        %get3A_448 = arith.constant 48 : index
        %get3A_449 = tpu.vector_load %arg5[%get3A_447, %get3A_448] {strides = array<i32>} : memref<192x128xf32, #tpu.memory_space<vmem>>, vector<1x16xf32>,
        %get3A_450 = vector.shape_cast %get3A_449 : vector<1x16xf32> to vector<16xf32>
        %add3A_451 = arith.constant 0 : i32
        %add3A_452 = arith.addi %mul3A_386, %add3A_451 : i32
        %get3A_453 = arith.index_cast %add3A_452 : i32 to index
        %get3A_454 = arith.constant 48 : index
        %get3A_455 = tpu.vector_load %arg7[%get3A_453, %get3A_454] {strides = array<i32>} : memref<192x128xf32, #tpu.memory_space<vmem>>, vector<1x16xf32>,
        %get3A_456 = vector.shape_cast %get3A_455 : vector<1x16xf32> to vector<16xf32>
        %add3A_457 = arith.addf %get3A_450, %get3A_456 : vector<16xf32>
        %add3A_458 = arith.constant 0 : i32
        %add3A_459 = arith.addi %mul3A_386, %add3A_458 : i32
        %swap3A_460 = arith.index_cast %add3A_459 : i32 to index
        %swap3A_461 = arith.constant 48 : index
        %swap3A_462 = tpu.vector_load %arg5[%swap3A_460, %swap3A_461] {strides = array<i32>} : memref<192x128xf32, #tpu.memory_space<vmem>>, vector<1x16xf32>,
        %swap3A_463 = vector.shape_cast %swap3A_462 : vector<1x16xf32> to vector<16xf32>
        %swap3A_464 = vector.shape_cast %add3A_457 : vector<16xf32> to vector<1x16xf32>
        tpu.vector_store %arg5[%swap3A_460, %swap3A_461], %swap3A_464 {strides = array<i32>} : memref<192x128xf32, #tpu.memory_space<vmem>>, vector<1x16xf32>,
        %add3A_465 = arith.constant 0 : i32
        %add3A_466 = arith.addi %mul3A_386, %add3A_465 : i32
        %get3A_467 = arith.index_cast %add3A_466 : i32 to index
        %get3A_468 = arith.constant 64 : index
        %get3A_469 = tpu.vector_load %arg5[%get3A_467, %get3A_468] {strides = array<i32>} : memref<192x128xf32, #tpu.memory_space<vmem>>, vector<1x16xf32>,
        %get3A_470 = vector.shape_cast %get3A_469 : vector<1x16xf32> to vector<16xf32>
        %add3A_471 = arith.constant 0 : i32
        %add3A_472 = arith.addi %mul3A_386, %add3A_471 : i32
        %get3A_473 = arith.index_cast %add3A_472 : i32 to index
        %get3A_474 = arith.constant 64 : index
        %get3A_475 = tpu.vector_load %arg7[%get3A_473, %get3A_474] {strides = array<i32>} : memref<192x128xf32, #tpu.memory_space<vmem>>, vector<1x16xf32>,
        %get3A_476 = vector.shape_cast %get3A_475 : vector<1x16xf32> to vector<16xf32>
        %add3A_477 = arith.addf %get3A_470, %get3A_476 : vector<16xf32>
        %add3A_478 = arith.constant 0 : i32
        %add3A_479 = arith.addi %mul3A_386, %add3A_478 : i32
        %swap3A_480 = arith.index_cast %add3A_479 : i32 to index
        %swap3A_481 = arith.constant 64 : index
        %swap3A_482 = tpu.vector_load %arg5[%swap3A_480, %swap3A_481] {strides = array<i32>} : memref<192x128xf32, #tpu.memory_space<vmem>>, vector<1x16xf32>,
        %swap3A_483 = vector.shape_cast %swap3A_482 : vector<1x16xf32> to vector<16xf32>
        %swap3A_484 = vector.shape_cast %add3A_477 : vector<16xf32> to vector<1x16xf32>
        tpu.vector_store %arg5[%swap3A_480, %swap3A_481], %swap3A_484 {strides = array<i32>} : memref<192x128xf32, #tpu.memory_space<vmem>>, vector<1x16xf32>,
        %add3A_485 = arith.constant 0 : i32
        %add3A_486 = arith.addi %mul3A_386, %add3A_485 : i32
        %get3A_487 = arith.index_cast %add3A_486 : i32 to index
        %get3A_488 = arith.constant 80 : index
        %get3A_489 = tpu.vector_load %arg5[%get3A_487, %get3A_488] {strides = array<i32>} : memref<192x128xf32, #tpu.memory_space<vmem>>, vector<1x16xf32>,
        %get3A_490 = vector.shape_cast %get3A_489 : vector<1x16xf32> to vector<16xf32>
        %add3A_491 = arith.constant 0 : i32
        %add3A_492 = arith.addi %mul3A_386, %add3A_491 : i32
        %get3A_493 = arith.index_cast %add3A_492 : i32 to index
        %get3A_494 = arith.constant 80 : index
        %get3A_495 = tpu.vector_load %arg7[%get3A_493, %get3A_494] {strides = array<i32>} : memref<192x128xf32, #tpu.memory_space<vmem>>, vector<1x16xf32>,
        %get3A_496 = vector.shape_cast %get3A_495 : vector<1x16xf32> to vector<16xf32>
        %add3A_497 = arith.addf %get3A_490, %get3A_496 : vector<16xf32>
        %add3A_498 = arith.constant 0 : i32
        %add3A_499 = arith.addi %mul3A_386, %add3A_498 : i32
        %swap3A_500 = arith.index_cast %add3A_499 : i32 to index
        %swap3A_501 = arith.constant 80 : index
        %swap3A_502 = tpu.vector_load %arg5[%swap3A_500, %swap3A_501] {strides = array<i32>} : memref<192x128xf32, #tpu.memory_space<vmem>>, vector<1x16xf32>,
        %swap3A_503 = vector.shape_cast %swap3A_502 : vector<1x16xf32> to vector<16xf32>
        %swap3A_504 = vector.shape_cast %add3A_497 : vector<16xf32> to vector<1x16xf32>
        tpu.vector_store %arg5[%swap3A_500, %swap3A_501], %swap3A_504 {strides = array<i32>} : memref<192x128xf32, #tpu.memory_space<vmem>>, vector<1x16xf32>,
        %add3A_505 = arith.constant 0 : i32
        %add3A_506 = arith.addi %mul3A_386, %add3A_505 : i32
        %get3A_507 = arith.index_cast %add3A_506 : i32 to index
        %get3A_508 = arith.constant 96 : index
        %get3A_509 = tpu.vector_load %arg5[%get3A_507, %get3A_508] {strides = array<i32>} : memref<192x128xf32, #tpu.memory_space<vmem>>, vector<1x16xf32>,
        %get3A_510 = vector.shape_cast %get3A_509 : vector<1x16xf32> to vector<16xf32>
        %add3A_511 = arith.constant 0 : i32
        %add3A_512 = arith.addi %mul3A_386, %add3A_511 : i32
        %get3A_513 = arith.index_cast %add3A_512 : i32 to index
        %get3A_514 = arith.constant 96 : index
        %get3A_515 = tpu.vector_load %arg7[%get3A_513, %get3A_514] {strides = array<i32>} : memref<192x128xf32, #tpu.memory_space<vmem>>, vector<1x16xf32>,
        %get3A_516 = vector.shape_cast %get3A_515 : vector<1x16xf32> to vector<16xf32>
        %add3A_517 = arith.addf %get3A_510, %get3A_516 : vector<16xf32>
        %add3A_518 = arith.constant 0 : i32
        %add3A_519 = arith.addi %mul3A_386, %add3A_518 : i32
        %swap3A_520 = arith.index_cast %add3A_519 : i32 to index
        %swap3A_521 = arith.constant 96 : index
        %swap3A_522 = tpu.vector_load %arg5[%swap3A_520, %swap3A_521] {strides = array<i32>} : memref<192x128xf32, #tpu.memory_space<vmem>>, vector<1x16xf32>,
        %swap3A_523 = vector.shape_cast %swap3A_522 : vector<1x16xf32> to vector<16xf32>
        %swap3A_524 = vector.shape_cast %add3A_517 : vector<16xf32> to vector<1x16xf32>
        tpu.vector_store %arg5[%swap3A_520, %swap3A_521], %swap3A_524 {strides = array<i32>} : memref<192x128xf32, #tpu.memory_space<vmem>>, vector<1x16xf32>,
        %add3A_525 = arith.constant 0 : i32
        %add3A_526 = arith.addi %mul3A_386, %add3A_525 : i32
        %get3A_527 = arith.index_cast %add3A_526 : i32 to index
        %get3A_528 = arith.constant 112 : index
        %get3A_529 = tpu.vector_load %arg5[%get3A_527, %get3A_528] {strides = array<i32>} : memref<192x128xf32, #tpu.memory_space<vmem>>, vector<1x16xf32>,
        %get3A_530 = vector.shape_cast %get3A_529 : vector<1x16xf32> to vector<16xf32>
        %add3A_531 = arith.constant 0 : i32
        %add3A_532 = arith.addi %mul3A_386, %add3A_531 : i32
        %get3A_533 = arith.index_cast %add3A_532 : i32 to index
        %get3A_534 = arith.constant 112 : index
        %get3A_535 = tpu.vector_load %arg7[%get3A_533, %get3A_534] {strides = array<i32>} : memref<192x128xf32, #tpu.memory_space<vmem>>, vector<1x16xf32>,
        %get3A_536 = vector.shape_cast %get3A_535 : vector<1x16xf32> to vector<16xf32>
        %add3A_537 = arith.addf %get3A_530, %get3A_536 : vector<16xf32>
        %add3A_538 = arith.constant 0 : i32
        %add3A_539 = arith.addi %mul3A_386, %add3A_538 : i32
        %swap3A_540 = arith.index_cast %add3A_539 : i32 to index
        %swap3A_541 = arith.constant 112 : index
        %swap3A_542 = tpu.vector_load %arg5[%swap3A_540, %swap3A_541] {strides = array<i32>} : memref<192x128xf32, #tpu.memory_space<vmem>>, vector<1x16xf32>,
        %swap3A_543 = vector.shape_cast %swap3A_542 : vector<1x16xf32> to vector<16xf32>
        %swap3A_544 = vector.shape_cast %add3A_537 : vector<16xf32> to vector<1x16xf32>
        tpu.vector_store %arg5[%swap3A_540, %swap3A_541], %swap3A_544 {strides = array<i32>} : memref<192x128xf32, #tpu.memory_space<vmem>>, vector<1x16xf32>,
        %add3A_545 = arith.constant 1 : i32
        %add3A_546 = arith.addi %mul3A_386, %add3A_545 : i32
        %get3A_547 = arith.index_cast %add3A_546 : i32 to index
        %get3A_548 = arith.constant 0 : index
        %get3A_549 = tpu.vector_load %arg5[%get3A_547, %get3A_548] {strides = array<i32>} : memref<192x128xf32, #tpu.memory_space<vmem>>, vector<1x16xf32>,
        %get3A_550 = vector.shape_cast %get3A_549 : vector<1x16xf32> to vector<16xf32>
        %add3A_551 = arith.constant 1 : i32
        %add3A_552 = arith.addi %mul3A_386, %add3A_551 : i32
        %get3A_553 = arith.index_cast %add3A_552 : i32 to index
        %get3A_554 = arith.constant 0 : index
        %get3A_555 = tpu.vector_load %arg7[%get3A_553, %get3A_554] {strides = array<i32>} : memref<192x128xf32, #tpu.memory_space<vmem>>, vector<1x16xf32>,
        %get3A_556 = vector.shape_cast %get3A_555 : vector<1x16xf32> to vector<16xf32>
        %add3A_557 = arith.addf %get3A_550, %get3A_556 : vector<16xf32>
        %add3A_558 = arith.constant 1 : i32
        %add3A_559 = arith.addi %mul3A_386, %add3A_558 : i32
        %swap3A_560 = arith.index_cast %add3A_559 : i32 to index
        %swap3A_561 = arith.constant 0 : index
        %swap3A_562 = tpu.vector_load %arg5[%swap3A_560, %swap3A_561] {strides = array<i32>} : memref<192x128xf32, #tpu.memory_space<vmem>>, vector<1x16xf32>,
        %swap3A_563 = vector.shape_cast %swap3A_562 : vector<1x16xf32> to vector<16xf32>
        %swap3A_564 = vector.shape_cast %add3A_557 : vector<16xf32> to vector<1x16xf32>
        tpu.vector_store %arg5[%swap3A_560, %swap3A_561], %swap3A_564 {strides = array<i32>} : memref<192x128xf32, #tpu.memory_space<vmem>>, vector<1x16xf32>,
        %add3A_565 = arith.constant 1 : i32
        %add3A_566 = arith.addi %mul3A_386, %add3A_565 : i32
        %get3A_567 = arith.index_cast %add3A_566 : i32 to index
        %get3A_568 = arith.constant 16 : index
        %get3A_569 = tpu.vector_load %arg5[%get3A_567, %get3A_568] {strides = array<i32>} : memref<192x128xf32, #tpu.memory_space<vmem>>, vector<1x16xf32>,
        %get3A_570 = vector.shape_cast %get3A_569 : vector<1x16xf32> to vector<16xf32>
        %add3A_571 = arith.constant 1 : i32
        %add3A_572 = arith.addi %mul3A_386, %add3A_571 : i32
        %get3A_573 = arith.index_cast %add3A_572 : i32 to index
        %get3A_574 = arith.constant 16 : index
        %get3A_575 = tpu.vector_load %arg7[%get3A_573, %get3A_574] {strides = array<i32>} : memref<192x128xf32, #tpu.memory_space<vmem>>, vector<1x16xf32>,
        %get3A_576 = vector.shape_cast %get3A_575 : vector<1x16xf32> to vector<16xf32>
        %add3A_577 = arith.addf %get3A_570, %get3A_576 : vector<16xf32>
        %add3A_578 = arith.constant 1 : i32
        %add3A_579 = arith.addi %mul3A_386, %add3A_578 : i32
        %swap3A_580 = arith.index_cast %add3A_579 : i32 to index
        %swap3A_581 = arith.constant 16 : index
        %swap3A_582 = tpu.vector_load %arg5[%swap3A_580, %swap3A_581] {strides = array<i32>} : memref<192x128xf32, #tpu.memory_space<vmem>>, vector<1x16xf32>,
        %swap3A_583 = vector.shape_cast %swap3A_582 : vector<1x16xf32> to vector<16xf32>
        %swap3A_584 = vector.shape_cast %add3A_577 : vector<16xf32> to vector<1x16xf32>
        tpu.vector_store %arg5[%swap3A_580, %swap3A_581], %swap3A_584 {strides = array<i32>} : memref<192x128xf32, #tpu.memory_space<vmem>>, vector<1x16xf32>,
        %add3A_585 = arith.constant 1 : i32
        %add3A_586 = arith.addi %mul3A_386, %add3A_585 : i32
        %get3A_587 = arith.index_cast %add3A_586 : i32 to index
        %get3A_588 = arith.constant 32 : index
        %get3A_589 = tpu.vector_load %arg5[%get3A_587, %get3A_588] {strides = array<i32>} : memref<192x128xf32, #tpu.memory_space<vmem>>, vector<1x16xf32>,
        %get3A_590 = vector.shape_cast %get3A_589 : vector<1x16xf32> to vector<16xf32>
        %add3A_591 = arith.constant 1 : i32
        %add3A_592 = arith.addi %mul3A_386, %add3A_591 : i32
        %get3A_593 = arith.index_cast %add3A_592 : i32 to index
        %get3A_594 = arith.constant 32 : index
        %get3A_595 = tpu.vector_load %arg7[%get3A_593, %get3A_594] {strides = array<i32>} : memref<192x128xf32, #tpu.memory_space<vmem>>, vector<1x16xf32>,
        %get3A_596 = vector.shape_cast %get3A_595 : vector<1x16xf32> to vector<16xf32>
        %add3A_597 = arith.addf %get3A_590, %get3A_596 : vector<16xf32>
        %add3A_598 = arith.constant 1 : i32
        %add3A_599 = arith.addi %mul3A_386, %add3A_598 : i32
        %swap3A_600 = arith.index_cast %add3A_599 : i32 to index
        %swap3A_601 = arith.constant 32 : index
        %swap3A_602 = tpu.vector_load %arg5[%swap3A_600, %swap3A_601] {strides = array<i32>} : memref<192x128xf32, #tpu.memory_space<vmem>>, vector<1x16xf32>,
        %swap3A_603 = vector.shape_cast %swap3A_602 : vector<1x16xf32> to vector<16xf32>
        %swap3A_604 = vector.shape_cast %add3A_597 : vector<16xf32> to vector<1x16xf32>
        tpu.vector_store %arg5[%swap3A_600, %swap3A_601], %swap3A_604 {strides = array<i32>} : memref<192x128xf32, #tpu.memory_space<vmem>>, vector<1x16xf32>,
        %add3A_605 = arith.constant 1 : i32
        %add3A_606 = arith.addi %mul3A_386, %add3A_605 : i32
        %get3A_607 = arith.index_cast %add3A_606 : i32 to index
        %get3A_608 = arith.constant 48 : index
        %get3A_609 = tpu.vector_load %arg5[%get3A_607, %get3A_608] {strides = array<i32>} : memref<192x128xf32, #tpu.memory_space<vmem>>, vector<1x16xf32>,
        %get3A_610 = vector.shape_cast %get3A_609 : vector<1x16xf32> to vector<16xf32>
        %add3A_611 = arith.constant 1 : i32
        %add3A_612 = arith.addi %mul3A_386, %add3A_611 : i32
        %get3A_613 = arith.index_cast %add3A_612 : i32 to index
        %get3A_614 = arith.constant 48 : index
        %get3A_615 = tpu.vector_load %arg7[%get3A_613, %get3A_614] {strides = array<i32>} : memref<192x128xf32, #tpu.memory_space<vmem>>, vector<1x16xf32>,
        %get3A_616 = vector.shape_cast %get3A_615 : vector<1x16xf32> to vector<16xf32>
        %add3A_617 = arith.addf %get3A_610, %get3A_616 : vector<16xf32>
        %add3A_618 = arith.constant 1 : i32
        %add3A_619 = arith.addi %mul3A_386, %add3A_618 : i32
        %swap3A_620 = arith.index_cast %add3A_619 : i32 to index
        %swap3A_621 = arith.constant 48 : index
        %swap3A_622 = tpu.vector_load %arg5[%swap3A_620, %swap3A_621] {strides = array<i32>} : memref<192x128xf32, #tpu.memory_space<vmem>>, vector<1x16xf32>,
        %swap3A_623 = vector.shape_cast %swap3A_622 : vector<1x16xf32> to vector<16xf32>
        %swap3A_624 = vector.shape_cast %add3A_617 : vector<16xf32> to vector<1x16xf32>
        tpu.vector_store %arg5[%swap3A_620, %swap3A_621], %swap3A_624 {strides = array<i32>} : memref<192x128xf32, #tpu.memory_space<vmem>>, vector<1x16xf32>,
        %add3A_625 = arith.constant 1 : i32
        %add3A_626 = arith.addi %mul3A_386, %add3A_625 : i32
        %get3A_627 = arith.index_cast %add3A_626 : i32 to index
        %get3A_628 = arith.constant 64 : index
        %get3A_629 = tpu.vector_load %arg5[%get3A_627, %get3A_628] {strides = array<i32>} : memref<192x128xf32, #tpu.memory_space<vmem>>, vector<1x16xf32>,
        %get3A_630 = vector.shape_cast %get3A_629 : vector<1x16xf32> to vector<16xf32>
        %add3A_631 = arith.constant 1 : i32
        %add3A_632 = arith.addi %mul3A_386, %add3A_631 : i32
        %get3A_633 = arith.index_cast %add3A_632 : i32 to index
        %get3A_634 = arith.constant 64 : index
        %get3A_635 = tpu.vector_load %arg7[%get3A_633, %get3A_634] {strides = array<i32>} : memref<192x128xf32, #tpu.memory_space<vmem>>, vector<1x16xf32>,
        %get3A_636 = vector.shape_cast %get3A_635 : vector<1x16xf32> to vector<16xf32>
        %add3A_637 = arith.addf %get3A_630, %get3A_636 : vector<16xf32>
        %add3A_638 = arith.constant 1 : i32
        %add3A_639 = arith.addi %mul3A_386, %add3A_638 : i32
        %swap3A_640 = arith.index_cast %add3A_639 : i32 to index
        %swap3A_641 = arith.constant 64 : index
        %swap3A_642 = tpu.vector_load %arg5[%swap3A_640, %swap3A_641] {strides = array<i32>} : memref<192x128xf32, #tpu.memory_space<vmem>>, vector<1x16xf32>,
        %swap3A_643 = vector.shape_cast %swap3A_642 : vector<1x16xf32> to vector<16xf32>
        %swap3A_644 = vector.shape_cast %add3A_637 : vector<16xf32> to vector<1x16xf32>
        tpu.vector_store %arg5[%swap3A_640, %swap3A_641], %swap3A_644 {strides = array<i32>} : memref<192x128xf32, #tpu.memory_space<vmem>>, vector<1x16xf32>,
        %add3A_645 = arith.constant 1 : i32
        %add3A_646 = arith.addi %mul3A_386, %add3A_645 : i32
        %get3A_647 = arith.index_cast %add3A_646 : i32 to index
        %get3A_648 = arith.constant 80 : index
        %get3A_649 = tpu.vector_load %arg5[%get3A_647, %get3A_648] {strides = array<i32>} : memref<192x128xf32, #tpu.memory_space<vmem>>, vector<1x16xf32>,
        %get3A_650 = vector.shape_cast %get3A_649 : vector<1x16xf32> to vector<16xf32>
        %add3A_651 = arith.constant 1 : i32
        %add3A_652 = arith.addi %mul3A_386, %add3A_651 : i32
        %get3A_653 = arith.index_cast %add3A_652 : i32 to index
        %get3A_654 = arith.constant 80 : index
        %get3A_655 = tpu.vector_load %arg7[%get3A_653, %get3A_654] {strides = array<i32>} : memref<192x128xf32, #tpu.memory_space<vmem>>, vector<1x16xf32>,
        %get3A_656 = vector.shape_cast %get3A_655 : vector<1x16xf32> to vector<16xf32>
        %add3A_657 = arith.addf %get3A_650, %get3A_656 : vector<16xf32>
        %add3A_658 = arith.constant 1 : i32
        %add3A_659 = arith.addi %mul3A_386, %add3A_658 : i32
        %swap3A_660 = arith.index_cast %add3A_659 : i32 to index
        %swap3A_661 = arith.constant 80 : index
        %swap3A_662 = tpu.vector_load %arg5[%swap3A_660, %swap3A_661] {strides = array<i32>} : memref<192x128xf32, #tpu.memory_space<vmem>>, vector<1x16xf32>,
        %swap3A_663 = vector.shape_cast %swap3A_662 : vector<1x16xf32> to vector<16xf32>
        %swap3A_664 = vector.shape_cast %add3A_657 : vector<16xf32> to vector<1x16xf32>
        tpu.vector_store %arg5[%swap3A_660, %swap3A_661], %swap3A_664 {strides = array<i32>} : memref<192x128xf32, #tpu.memory_space<vmem>>, vector<1x16xf32>,
        %add3A_665 = arith.constant 1 : i32
        %add3A_666 = arith.addi %mul3A_386, %add3A_665 : i32
        %get3A_667 = arith.index_cast %add3A_666 : i32 to index
        %get3A_668 = arith.constant 96 : index
        %get3A_669 = tpu.vector_load %arg5[%get3A_667, %get3A_668] {strides = array<i32>} : memref<192x128xf32, #tpu.memory_space<vmem>>, vector<1x16xf32>,
        %get3A_670 = vector.shape_cast %get3A_669 : vector<1x16xf32> to vector<16xf32>
        %add3A_671 = arith.constant 1 : i32
        %add3A_672 = arith.addi %mul3A_386, %add3A_671 : i32
        %get3A_673 = arith.index_cast %add3A_672 : i32 to index
        %get3A_674 = arith.constant 96 : index
        %get3A_675 = tpu.vector_load %arg7[%get3A_673, %get3A_674] {strides = array<i32>} : memref<192x128xf32, #tpu.memory_space<vmem>>, vector<1x16xf32>,
        %get3A_676 = vector.shape_cast %get3A_675 : vector<1x16xf32> to vector<16xf32>
        %add3A_677 = arith.addf %get3A_670, %get3A_676 : vector<16xf32>
        %add3A_678 = arith.constant 1 : i32
        %add3A_679 = arith.addi %mul3A_386, %add3A_678 : i32
        %swap3A_680 = arith.index_cast %add3A_679 : i32 to index
        %swap3A_681 = arith.constant 96 : index
        %swap3A_682 = tpu.vector_load %arg5[%swap3A_680, %swap3A_681] {strides = array<i32>} : memref<192x128xf32, #tpu.memory_space<vmem>>, vector<1x16xf32>,
        %swap3A_683 = vector.shape_cast %swap3A_682 : vector<1x16xf32> to vector<16xf32>
        %swap3A_684 = vector.shape_cast %add3A_677 : vector<16xf32> to vector<1x16xf32>
        tpu.vector_store %arg5[%swap3A_680, %swap3A_681], %swap3A_684 {strides = array<i32>} : memref<192x128xf32, #tpu.memory_space<vmem>>, vector<1x16xf32>,
        %add3A_685 = arith.constant 1 : i32
        %add3A_686 = arith.addi %mul3A_386, %add3A_685 : i32
        %get3A_687 = arith.index_cast %add3A_686 : i32 to index
        %get3A_688 = arith.constant 112 : index
        %get3A_689 = tpu.vector_load %arg5[%get3A_687, %get3A_688] {strides = array<i32>} : memref<192x128xf32, #tpu.memory_space<vmem>>, vector<1x16xf32>,
        %get3A_690 = vector.shape_cast %get3A_689 : vector<1x16xf32> to vector<16xf32>
        %add3A_691 = arith.constant 1 : i32
        %add3A_692 = arith.addi %mul3A_386, %add3A_691 : i32
        %get3A_693 = arith.index_cast %add3A_692 : i32 to index
        %get3A_694 = arith.constant 112 : index
        %get3A_695 = tpu.vector_load %arg7[%get3A_693, %get3A_694] {strides = array<i32>} : memref<192x128xf32, #tpu.memory_space<vmem>>, vector<1x16xf32>,
        %get3A_696 = vector.shape_cast %get3A_695 : vector<1x16xf32> to vector<16xf32>
        %add3A_697 = arith.addf %get3A_690, %get3A_696 : vector<16xf32>
        %add3A_698 = arith.constant 1 : i32
        %add3A_699 = arith.addi %mul3A_386, %add3A_698 : i32
        %swap3A_700 = arith.index_cast %add3A_699 : i32 to index
        %swap3A_701 = arith.constant 112 : index
        %swap3A_702 = tpu.vector_load %arg5[%swap3A_700, %swap3A_701] {strides = array<i32>} : memref<192x128xf32, #tpu.memory_space<vmem>>, vector<1x16xf32>,
        %swap3A_703 = vector.shape_cast %swap3A_702 : vector<1x16xf32> to vector<16xf32>
        %swap3A_704 = vector.shape_cast %add3A_697 : vector<16xf32> to vector<1x16xf32>
        tpu.vector_store %arg5[%swap3A_700, %swap3A_701], %swap3A_704 {strides = array<i32>} : memref<192x128xf32, #tpu.memory_space<vmem>>, vector<1x16xf32>,
        %scan3A_705 = arith.constant 0 : i32
        scf.yield %scan3A_705 : i32
      }
      %scan3A_85 = arith.constant 96 : i32
      %div3A_86 = arith.constant 4 : i32
      %div3A_87 = arith.divsi %add3A_72, %div3A_86 : i32
      %rem3A_88 = arith.constant 4 : i32
      %rem3A_89 = arith.remsi %add3A_72, %rem3A_88 : i32
      %mul3A_90 = arith.constant 49152 : i32
      %mul3A_91 = arith.muli %rem3A_89, %mul3A_90 : i32
      %add3A_92 = arith.addi %mul3A_91, %mul3A_2 : i32
      %mul3A_93 = arith.constant 192 : i32
      %mul3A_94 = arith.muli %div3A_87, %mul3A_93 : i32
      %add3A_95 = arith.addi %add3A_92, %mul3A_94 : i32
      %dma_start3A_96 = arith.constant 0 : i32
      %dma_start3A_97 = tpu.memref_slice %arg4[%add3A_95, %dma_start3A_96] : memref<196608x128xf32, #tpu.memory_space<hbm>> -> memref<192x128xf32, #tpu.memory_space<hbm>>
      %dma_start3A_98 = arith.constant 0 : i32
      %dma_start3A_99 = tpu.memref_slice %arg4[%add3A_95, %dma_start3A_98] : memref<196608x128xf32, #tpu.memory_space<hbm>> -> memref<192x128xf32, #tpu.memory_space<hbm>>
      tpu.enqueue_dma source(%arg5 : memref<192x128xf32, #tpu.memory_space<vmem>>) target(%dma_start3A_99 : memref<192x128xf32, #tpu.memory_space<hbm>>) target_semaphore(%arg11 : memref<!tpu.dma_semaphore, #tpu.memory_space<semaphore_mem>>)
      %dma_wait3A_100 = arith.constant 0 : i32
      %dma_wait3A_101 = arith.constant 0 : i32
      %dma_wait3A_102 = tpu.memref_slice %arg2[%dma_wait3A_100, %dma_wait3A_101] : memref<196608x128xf32, #tpu.memory_space<hbm>> -> memref<192x128xf32, #tpu.memory_space<hbm>>
      %dma_wait3A_103 = arith.constant 0 : i32
      %dma_wait3A_104 = arith.constant 0 : i32
      %dma_wait3A_105 = tpu.memref_slice %arg2[%dma_wait3A_103, %dma_wait3A_104] : memref<196608x128xf32, #tpu.memory_space<hbm>> -> memref<192x128xf32, #tpu.memory_space<hbm>>
      tpu.wait_dma2 semaphore(%arg10 : memref<!tpu.dma_semaphore, #tpu.memory_space<semaphore_mem>>) src(%dma_wait3A_105 : memref<192x128xf32, #tpu.memory_space<hbm>>) dst(%arg6 : memref<192x128xf32, #tpu.memory_space<vmem>>)
      %scan3A_106 = arith.constant 0 : i32
      %scan3A_107 = arith.constant 0 : i32
      %scan3A_108 = arith.constant 96 : i32
      %scan3A_109 = arith.addi %scan3A_107, %scan3A_108 : i32
      %scan3A_110 = arith.constant 1 : i32
      %scan3A_111 = scf.for %scan3A_383 = %scan3A_107 to %scan3A_109 step %scan3A_110 iter_args(%scan3A_384 = %scan3A_106) -> (i32)  : i32 {
        %mul3A_385 = arith.constant 2 : i32
        %mul3A_386 = arith.muli %scan3A_383, %mul3A_385 : i32
        %add3A_387 = arith.constant 0 : i32
        %add3A_388 = arith.addi %mul3A_386, %add3A_387 : i32
        %get3A = arith.index_cast %add3A_388 : i32 to index
        %get3A_389 = arith.constant 0 : index
        %get3A_390 = tpu.vector_load %arg6[%get3A, %get3A_389] {strides = array<i32>} : memref<192x128xf32, #tpu.memory_space<vmem>>, vector<1x16xf32>,
        %get3A_391 = vector.shape_cast %get3A_390 : vector<1x16xf32> to vector<16xf32>
        %add3A_392 = arith.constant 0 : i32
        %add3A_393 = arith.addi %mul3A_386, %add3A_392 : i32
        %get3A_394 = arith.index_cast %add3A_393 : i32 to index
        %get3A_395 = arith.constant 0 : index
        %get3A_396 = tpu.vector_load %arg7[%get3A_394, %get3A_395] {strides = array<i32>} : memref<192x128xf32, #tpu.memory_space<vmem>>, vector<1x16xf32>,
        %get3A_397 = vector.shape_cast %get3A_396 : vector<1x16xf32> to vector<16xf32>
        %add3A_398 = arith.addf %get3A_391, %get3A_397 : vector<16xf32>
        %add3A_399 = arith.constant 0 : i32
        %add3A_400 = arith.addi %mul3A_386, %add3A_399 : i32
        %swap3A = arith.index_cast %add3A_400 : i32 to index
        %swap3A_401 = arith.constant 0 : index
        %swap3A_402 = tpu.vector_load %arg6[%swap3A, %swap3A_401] {strides = array<i32>} : memref<192x128xf32, #tpu.memory_space<vmem>>, vector<1x16xf32>,
        %swap3A_403 = vector.shape_cast %swap3A_402 : vector<1x16xf32> to vector<16xf32>
        %swap3A_404 = vector.shape_cast %add3A_398 : vector<16xf32> to vector<1x16xf32>
        tpu.vector_store %arg6[%swap3A, %swap3A_401], %swap3A_404 {strides = array<i32>} : memref<192x128xf32, #tpu.memory_space<vmem>>, vector<1x16xf32>,
        %add3A_405 = arith.constant 0 : i32
        %add3A_406 = arith.addi %mul3A_386, %add3A_405 : i32
        %get3A_407 = arith.index_cast %add3A_406 : i32 to index
        %get3A_408 = arith.constant 16 : index
        %get3A_409 = tpu.vector_load %arg6[%get3A_407, %get3A_408] {strides = array<i32>} : memref<192x128xf32, #tpu.memory_space<vmem>>, vector<1x16xf32>,
        %get3A_410 = vector.shape_cast %get3A_409 : vector<1x16xf32> to vector<16xf32>
        %add3A_411 = arith.constant 0 : i32
        %add3A_412 = arith.addi %mul3A_386, %add3A_411 : i32
        %get3A_413 = arith.index_cast %add3A_412 : i32 to index
        %get3A_414 = arith.constant 16 : index
        %get3A_415 = tpu.vector_load %arg7[%get3A_413, %get3A_414] {strides = array<i32>} : memref<192x128xf32, #tpu.memory_space<vmem>>, vector<1x16xf32>,
        %get3A_416 = vector.shape_cast %get3A_415 : vector<1x16xf32> to vector<16xf32>
        %add3A_417 = arith.addf %get3A_410, %get3A_416 : vector<16xf32>
        %add3A_418 = arith.constant 0 : i32
        %add3A_419 = arith.addi %mul3A_386, %add3A_418 : i32
        %swap3A_420 = arith.index_cast %add3A_419 : i32 to index
        %swap3A_421 = arith.constant 16 : index
        %swap3A_422 = tpu.vector_load %arg6[%swap3A_420, %swap3A_421] {strides = array<i32>} : memref<192x128xf32, #tpu.memory_space<vmem>>, vector<1x16xf32>,
        %swap3A_423 = vector.shape_cast %swap3A_422 : vector<1x16xf32> to vector<16xf32>
        %swap3A_424 = vector.shape_cast %add3A_417 : vector<16xf32> to vector<1x16xf32>
        tpu.vector_store %arg6[%swap3A_420, %swap3A_421], %swap3A_424 {strides = array<i32>} : memref<192x128xf32, #tpu.memory_space<vmem>>, vector<1x16xf32>,
        %add3A_425 = arith.constant 0 : i32
        %add3A_426 = arith.addi %mul3A_386, %add3A_425 : i32
        %get3A_427 = arith.index_cast %add3A_426 : i32 to index
        %get3A_428 = arith.constant 32 : index
        %get3A_429 = tpu.vector_load %arg6[%get3A_427, %get3A_428] {strides = array<i32>} : memref<192x128xf32, #tpu.memory_space<vmem>>, vector<1x16xf32>,
        %get3A_430 = vector.shape_cast %get3A_429 : vector<1x16xf32> to vector<16xf32>
        %add3A_431 = arith.constant 0 : i32
        %add3A_432 = arith.addi %mul3A_386, %add3A_431 : i32
        %get3A_433 = arith.index_cast %add3A_432 : i32 to index
        %get3A_434 = arith.constant 32 : index
        %get3A_435 = tpu.vector_load %arg7[%get3A_433, %get3A_434] {strides = array<i32>} : memref<192x128xf32, #tpu.memory_space<vmem>>, vector<1x16xf32>,
        %get3A_436 = vector.shape_cast %get3A_435 : vector<1x16xf32> to vector<16xf32>
        %add3A_437 = arith.addf %get3A_430, %get3A_436 : vector<16xf32>
        %add3A_438 = arith.constant 0 : i32
        %add3A_439 = arith.addi %mul3A_386, %add3A_438 : i32
        %swap3A_440 = arith.index_cast %add3A_439 : i32 to index
        %swap3A_441 = arith.constant 32 : index
        %swap3A_442 = tpu.vector_load %arg6[%swap3A_440, %swap3A_441] {strides = array<i32>} : memref<192x128xf32, #tpu.memory_space<vmem>>, vector<1x16xf32>,
        %swap3A_443 = vector.shape_cast %swap3A_442 : vector<1x16xf32> to vector<16xf32>
        %swap3A_444 = vector.shape_cast %add3A_437 : vector<16xf32> to vector<1x16xf32>
        tpu.vector_store %arg6[%swap3A_440, %swap3A_441], %swap3A_444 {strides = array<i32>} : memref<192x128xf32, #tpu.memory_space<vmem>>, vector<1x16xf32>,
        %add3A_445 = arith.constant 0 : i32
        %add3A_446 = arith.addi %mul3A_386, %add3A_445 : i32
        %get3A_447 = arith.index_cast %add3A_446 : i32 to index
        %get3A_448 = arith.constant 48 : index
        %get3A_449 = tpu.vector_load %arg6[%get3A_447, %get3A_448] {strides = array<i32>} : memref<192x128xf32, #tpu.memory_space<vmem>>, vector<1x16xf32>,
        %get3A_450 = vector.shape_cast %get3A_449 : vector<1x16xf32> to vector<16xf32>
        %add3A_451 = arith.constant 0 : i32
        %add3A_452 = arith.addi %mul3A_386, %add3A_451 : i32
        %get3A_453 = arith.index_cast %add3A_452 : i32 to index
        %get3A_454 = arith.constant 48 : index
        %get3A_455 = tpu.vector_load %arg7[%get3A_453, %get3A_454] {strides = array<i32>} : memref<192x128xf32, #tpu.memory_space<vmem>>, vector<1x16xf32>,
        %get3A_456 = vector.shape_cast %get3A_455 : vector<1x16xf32> to vector<16xf32>
        %add3A_457 = arith.addf %get3A_450, %get3A_456 : vector<16xf32>
        %add3A_458 = arith.constant 0 : i32
        %add3A_459 = arith.addi %mul3A_386, %add3A_458 : i32
        %swap3A_460 = arith.index_cast %add3A_459 : i32 to index
        %swap3A_461 = arith.constant 48 : index
        %swap3A_462 = tpu.vector_load %arg6[%swap3A_460, %swap3A_461] {strides = array<i32>} : memref<192x128xf32, #tpu.memory_space<vmem>>, vector<1x16xf32>,
        %swap3A_463 = vector.shape_cast %swap3A_462 : vector<1x16xf32> to vector<16xf32>
        %swap3A_464 = vector.shape_cast %add3A_457 : vector<16xf32> to vector<1x16xf32>
        tpu.vector_store %arg6[%swap3A_460, %swap3A_461], %swap3A_464 {strides = array<i32>} : memref<192x128xf32, #tpu.memory_space<vmem>>, vector<1x16xf32>,
        %add3A_465 = arith.constant 0 : i32
        %add3A_466 = arith.addi %mul3A_386, %add3A_465 : i32
        %get3A_467 = arith.index_cast %add3A_466 : i32 to index
        %get3A_468 = arith.constant 64 : index
        %get3A_469 = tpu.vector_load %arg6[%get3A_467, %get3A_468] {strides = array<i32>} : memref<192x128xf32, #tpu.memory_space<vmem>>, vector<1x16xf32>,
        %get3A_470 = vector.shape_cast %get3A_469 : vector<1x16xf32> to vector<16xf32>
        %add3A_471 = arith.constant 0 : i32
        %add3A_472 = arith.addi %mul3A_386, %add3A_471 : i32
        %get3A_473 = arith.index_cast %add3A_472 : i32 to index
        %get3A_474 = arith.constant 64 : index
        %get3A_475 = tpu.vector_load %arg7[%get3A_473, %get3A_474] {strides = array<i32>} : memref<192x128xf32, #tpu.memory_space<vmem>>, vector<1x16xf32>,
        %get3A_476 = vector.shape_cast %get3A_475 : vector<1x16xf32> to vector<16xf32>
        %add3A_477 = arith.addf %get3A_470, %get3A_476 : vector<16xf32>
        %add3A_478 = arith.constant 0 : i32
        %add3A_479 = arith.addi %mul3A_386, %add3A_478 : i32
        %swap3A_480 = arith.index_cast %add3A_479 : i32 to index
        %swap3A_481 = arith.constant 64 : index
        %swap3A_482 = tpu.vector_load %arg6[%swap3A_480, %swap3A_481] {strides = array<i32>} : memref<192x128xf32, #tpu.memory_space<vmem>>, vector<1x16xf32>,
        %swap3A_483 = vector.shape_cast %swap3A_482 : vector<1x16xf32> to vector<16xf32>
        %swap3A_484 = vector.shape_cast %add3A_477 : vector<16xf32> to vector<1x16xf32>
        tpu.vector_store %arg6[%swap3A_480, %swap3A_481], %swap3A_484 {strides = array<i32>} : memref<192x128xf32, #tpu.memory_space<vmem>>, vector<1x16xf32>,
        %add3A_485 = arith.constant 0 : i32
        %add3A_486 = arith.addi %mul3A_386, %add3A_485 : i32
        %get3A_487 = arith.index_cast %add3A_486 : i32 to index
        %get3A_488 = arith.constant 80 : index
        %get3A_489 = tpu.vector_load %arg6[%get3A_487, %get3A_488] {strides = array<i32>} : memref<192x128xf32, #tpu.memory_space<vmem>>, vector<1x16xf32>,
        %get3A_490 = vector.shape_cast %get3A_489 : vector<1x16xf32> to vector<16xf32>
        %add3A_491 = arith.constant 0 : i32
        %add3A_492 = arith.addi %mul3A_386, %add3A_491 : i32
        %get3A_493 = arith.index_cast %add3A_492 : i32 to index
        %get3A_494 = arith.constant 80 : index
        %get3A_495 = tpu.vector_load %arg7[%get3A_493, %get3A_494] {strides = array<i32>} : memref<192x128xf32, #tpu.memory_space<vmem>>, vector<1x16xf32>,
        %get3A_496 = vector.shape_cast %get3A_495 : vector<1x16xf32> to vector<16xf32>
        %add3A_497 = arith.addf %get3A_490, %get3A_496 : vector<16xf32>
        %add3A_498 = arith.constant 0 : i32
        %add3A_499 = arith.addi %mul3A_386, %add3A_498 : i32
        %swap3A_500 = arith.index_cast %add3A_499 : i32 to index
        %swap3A_501 = arith.constant 80 : index
        %swap3A_502 = tpu.vector_load %arg6[%swap3A_500, %swap3A_501] {strides = array<i32>} : memref<192x128xf32, #tpu.memory_space<vmem>>, vector<1x16xf32>,
        %swap3A_503 = vector.shape_cast %swap3A_502 : vector<1x16xf32> to vector<16xf32>
        %swap3A_504 = vector.shape_cast %add3A_497 : vector<16xf32> to vector<1x16xf32>
        tpu.vector_store %arg6[%swap3A_500, %swap3A_501], %swap3A_504 {strides = array<i32>} : memref<192x128xf32, #tpu.memory_space<vmem>>, vector<1x16xf32>,
        %add3A_505 = arith.constant 0 : i32
        %add3A_506 = arith.addi %mul3A_386, %add3A_505 : i32
        %get3A_507 = arith.index_cast %add3A_506 : i32 to index
        %get3A_508 = arith.constant 96 : index
        %get3A_509 = tpu.vector_load %arg6[%get3A_507, %get3A_508] {strides = array<i32>} : memref<192x128xf32, #tpu.memory_space<vmem>>, vector<1x16xf32>,
        %get3A_510 = vector.shape_cast %get3A_509 : vector<1x16xf32> to vector<16xf32>
        %add3A_511 = arith.constant 0 : i32
        %add3A_512 = arith.addi %mul3A_386, %add3A_511 : i32
        %get3A_513 = arith.index_cast %add3A_512 : i32 to index
        %get3A_514 = arith.constant 96 : index
        %get3A_515 = tpu.vector_load %arg7[%get3A_513, %get3A_514] {strides = array<i32>} : memref<192x128xf32, #tpu.memory_space<vmem>>, vector<1x16xf32>,
        %get3A_516 = vector.shape_cast %get3A_515 : vector<1x16xf32> to vector<16xf32>
        %add3A_517 = arith.addf %get3A_510, %get3A_516 : vector<16xf32>
        %add3A_518 = arith.constant 0 : i32
        %add3A_519 = arith.addi %mul3A_386, %add3A_518 : i32
        %swap3A_520 = arith.index_cast %add3A_519 : i32 to index
        %swap3A_521 = arith.constant 96 : index
        %swap3A_522 = tpu.vector_load %arg6[%swap3A_520, %swap3A_521] {strides = array<i32>} : memref<192x128xf32, #tpu.memory_space<vmem>>, vector<1x16xf32>,
        %swap3A_523 = vector.shape_cast %swap3A_522 : vector<1x16xf32> to vector<16xf32>
        %swap3A_524 = vector.shape_cast %add3A_517 : vector<16xf32> to vector<1x16xf32>
        tpu.vector_store %arg6[%swap3A_520, %swap3A_521], %swap3A_524 {strides = array<i32>} : memref<192x128xf32, #tpu.memory_space<vmem>>, vector<1x16xf32>,
        %add3A_525 = arith.constant 0 : i32
        %add3A_526 = arith.addi %mul3A_386, %add3A_525 : i32
        %get3A_527 = arith.index_cast %add3A_526 : i32 to index
        %get3A_528 = arith.constant 112 : index
        %get3A_529 = tpu.vector_load %arg6[%get3A_527, %get3A_528] {strides = array<i32>} : memref<192x128xf32, #tpu.memory_space<vmem>>, vector<1x16xf32>,
        %get3A_530 = vector.shape_cast %get3A_529 : vector<1x16xf32> to vector<16xf32>
        %add3A_531 = arith.constant 0 : i32
        %add3A_532 = arith.addi %mul3A_386, %add3A_531 : i32
        %get3A_533 = arith.index_cast %add3A_532 : i32 to index
        %get3A_534 = arith.constant 112 : index
        %get3A_535 = tpu.vector_load %arg7[%get3A_533, %get3A_534] {strides = array<i32>} : memref<192x128xf32, #tpu.memory_space<vmem>>, vector<1x16xf32>,
        %get3A_536 = vector.shape_cast %get3A_535 : vector<1x16xf32> to vector<16xf32>
        %add3A_537 = arith.addf %get3A_530, %get3A_536 : vector<16xf32>
        %add3A_538 = arith.constant 0 : i32
        %add3A_539 = arith.addi %mul3A_386, %add3A_538 : i32
        %swap3A_540 = arith.index_cast %add3A_539 : i32 to index
        %swap3A_541 = arith.constant 112 : index
        %swap3A_542 = tpu.vector_load %arg6[%swap3A_540, %swap3A_541] {strides = array<i32>} : memref<192x128xf32, #tpu.memory_space<vmem>>, vector<1x16xf32>,
        %swap3A_543 = vector.shape_cast %swap3A_542 : vector<1x16xf32> to vector<16xf32>
        %swap3A_544 = vector.shape_cast %add3A_537 : vector<16xf32> to vector<1x16xf32>
        tpu.vector_store %arg6[%swap3A_540, %swap3A_541], %swap3A_544 {strides = array<i32>} : memref<192x128xf32, #tpu.memory_space<vmem>>, vector<1x16xf32>,
        %add3A_545 = arith.constant 1 : i32
        %add3A_546 = arith.addi %mul3A_386, %add3A_545 : i32
        %get3A_547 = arith.index_cast %add3A_546 : i32 to index
        %get3A_548 = arith.constant 0 : index
        %get3A_549 = tpu.vector_load %arg6[%get3A_547, %get3A_548] {strides = array<i32>} : memref<192x128xf32, #tpu.memory_space<vmem>>, vector<1x16xf32>,
        %get3A_550 = vector.shape_cast %get3A_549 : vector<1x16xf32> to vector<16xf32>
        %add3A_551 = arith.constant 1 : i32
        %add3A_552 = arith.addi %mul3A_386, %add3A_551 : i32
        %get3A_553 = arith.index_cast %add3A_552 : i32 to index
        %get3A_554 = arith.constant 0 : index
        %get3A_555 = tpu.vector_load %arg7[%get3A_553, %get3A_554] {strides = array<i32>} : memref<192x128xf32, #tpu.memory_space<vmem>>, vector<1x16xf32>,
        %get3A_556 = vector.shape_cast %get3A_555 : vector<1x16xf32> to vector<16xf32>
        %add3A_557 = arith.addf %get3A_550, %get3A_556 : vector<16xf32>
        %add3A_558 = arith.constant 1 : i32
        %add3A_559 = arith.addi %mul3A_386, %add3A_558 : i32
        %swap3A_560 = arith.index_cast %add3A_559 : i32 to index
        %swap3A_561 = arith.constant 0 : index
        %swap3A_562 = tpu.vector_load %arg6[%swap3A_560, %swap3A_561] {strides = array<i32>} : memref<192x128xf32, #tpu.memory_space<vmem>>, vector<1x16xf32>,
        %swap3A_563 = vector.shape_cast %swap3A_562 : vector<1x16xf32> to vector<16xf32>
        %swap3A_564 = vector.shape_cast %add3A_557 : vector<16xf32> to vector<1x16xf32>
        tpu.vector_store %arg6[%swap3A_560, %swap3A_561], %swap3A_564 {strides = array<i32>} : memref<192x128xf32, #tpu.memory_space<vmem>>, vector<1x16xf32>,
        %add3A_565 = arith.constant 1 : i32
        %add3A_566 = arith.addi %mul3A_386, %add3A_565 : i32
        %get3A_567 = arith.index_cast %add3A_566 : i32 to index
        %get3A_568 = arith.constant 16 : index
        %get3A_569 = tpu.vector_load %arg6[%get3A_567, %get3A_568] {strides = array<i32>} : memref<192x128xf32, #tpu.memory_space<vmem>>, vector<1x16xf32>,
        %get3A_570 = vector.shape_cast %get3A_569 : vector<1x16xf32> to vector<16xf32>
        %add3A_571 = arith.constant 1 : i32
        %add3A_572 = arith.addi %mul3A_386, %add3A_571 : i32
        %get3A_573 = arith.index_cast %add3A_572 : i32 to index
        %get3A_574 = arith.constant 16 : index
        %get3A_575 = tpu.vector_load %arg7[%get3A_573, %get3A_574] {strides = array<i32>} : memref<192x128xf32, #tpu.memory_space<vmem>>, vector<1x16xf32>,
        %get3A_576 = vector.shape_cast %get3A_575 : vector<1x16xf32> to vector<16xf32>
        %add3A_577 = arith.addf %get3A_570, %get3A_576 : vector<16xf32>
        %add3A_578 = arith.constant 1 : i32
        %add3A_579 = arith.addi %mul3A_386, %add3A_578 : i32
        %swap3A_580 = arith.index_cast %add3A_579 : i32 to index
        %swap3A_581 = arith.constant 16 : index
        %swap3A_582 = tpu.vector_load %arg6[%swap3A_580, %swap3A_581] {strides = array<i32>} : memref<192x128xf32, #tpu.memory_space<vmem>>, vector<1x16xf32>,
        %swap3A_583 = vector.shape_cast %swap3A_582 : vector<1x16xf32> to vector<16xf32>
        %swap3A_584 = vector.shape_cast %add3A_577 : vector<16xf32> to vector<1x16xf32>
        tpu.vector_store %arg6[%swap3A_580, %swap3A_581], %swap3A_584 {strides = array<i32>} : memref<192x128xf32, #tpu.memory_space<vmem>>, vector<1x16xf32>,
        %add3A_585 = arith.constant 1 : i32
        %add3A_586 = arith.addi %mul3A_386, %add3A_585 : i32
        %get3A_587 = arith.index_cast %add3A_586 : i32 to index
        %get3A_588 = arith.constant 32 : index
        %get3A_589 = tpu.vector_load %arg6[%get3A_587, %get3A_588] {strides = array<i32>} : memref<192x128xf32, #tpu.memory_space<vmem>>, vector<1x16xf32>,
        %get3A_590 = vector.shape_cast %get3A_589 : vector<1x16xf32> to vector<16xf32>
        %add3A_591 = arith.constant 1 : i32
        %add3A_592 = arith.addi %mul3A_386, %add3A_591 : i32
        %get3A_593 = arith.index_cast %add3A_592 : i32 to index
        %get3A_594 = arith.constant 32 : index
        %get3A_595 = tpu.vector_load %arg7[%get3A_593, %get3A_594] {strides = array<i32>} : memref<192x128xf32, #tpu.memory_space<vmem>>, vector<1x16xf32>,
        %get3A_596 = vector.shape_cast %get3A_595 : vector<1x16xf32> to vector<16xf32>
        %add3A_597 = arith.addf %get3A_590, %get3A_596 : vector<16xf32>
        %add3A_598 = arith.constant 1 : i32
        %add3A_599 = arith.addi %mul3A_386, %add3A_598 : i32
        %swap3A_600 = arith.index_cast %add3A_599 : i32 to index
        %swap3A_601 = arith.constant 32 : index
        %swap3A_602 = tpu.vector_load %arg6[%swap3A_600, %swap3A_601] {strides = array<i32>} : memref<192x128xf32, #tpu.memory_space<vmem>>, vector<1x16xf32>,
        %swap3A_603 = vector.shape_cast %swap3A_602 : vector<1x16xf32> to vector<16xf32>
        %swap3A_604 = vector.shape_cast %add3A_597 : vector<16xf32> to vector<1x16xf32>
        tpu.vector_store %arg6[%swap3A_600, %swap3A_601], %swap3A_604 {strides = array<i32>} : memref<192x128xf32, #tpu.memory_space<vmem>>, vector<1x16xf32>,
        %add3A_605 = arith.constant 1 : i32
        %add3A_606 = arith.addi %mul3A_386, %add3A_605 : i32
        %get3A_607 = arith.index_cast %add3A_606 : i32 to index
        %get3A_608 = arith.constant 48 : index
        %get3A_609 = tpu.vector_load %arg6[%get3A_607, %get3A_608] {strides = array<i32>} : memref<192x128xf32, #tpu.memory_space<vmem>>, vector<1x16xf32>,
        %get3A_610 = vector.shape_cast %get3A_609 : vector<1x16xf32> to vector<16xf32>
        %add3A_611 = arith.constant 1 : i32
        %add3A_612 = arith.addi %mul3A_386, %add3A_611 : i32
        %get3A_613 = arith.index_cast %add3A_612 : i32 to index
        %get3A_614 = arith.constant 48 : index
        %get3A_615 = tpu.vector_load %arg7[%get3A_613, %get3A_614] {strides = array<i32>} : memref<192x128xf32, #tpu.memory_space<vmem>>, vector<1x16xf32>,
        %get3A_616 = vector.shape_cast %get3A_615 : vector<1x16xf32> to vector<16xf32>
        %add3A_617 = arith.addf %get3A_610, %get3A_616 : vector<16xf32>
        %add3A_618 = arith.constant 1 : i32
        %add3A_619 = arith.addi %mul3A_386, %add3A_618 : i32
        %swap3A_620 = arith.index_cast %add3A_619 : i32 to index
        %swap3A_621 = arith.constant 48 : index
        %swap3A_622 = tpu.vector_load %arg6[%swap3A_620, %swap3A_621] {strides = array<i32>} : memref<192x128xf32, #tpu.memory_space<vmem>>, vector<1x16xf32>,
        %swap3A_623 = vector.shape_cast %swap3A_622 : vector<1x16xf32> to vector<16xf32>
        %swap3A_624 = vector.shape_cast %add3A_617 : vector<16xf32> to vector<1x16xf32>
        tpu.vector_store %arg6[%swap3A_620, %swap3A_621], %swap3A_624 {strides = array<i32>} : memref<192x128xf32, #tpu.memory_space<vmem>>, vector<1x16xf32>,
        %add3A_625 = arith.constant 1 : i32
        %add3A_626 = arith.addi %mul3A_386, %add3A_625 : i32
        %get3A_627 = arith.index_cast %add3A_626 : i32 to index
        %get3A_628 = arith.constant 64 : index
        %get3A_629 = tpu.vector_load %arg6[%get3A_627, %get3A_628] {strides = array<i32>} : memref<192x128xf32, #tpu.memory_space<vmem>>, vector<1x16xf32>,
        %get3A_630 = vector.shape_cast %get3A_629 : vector<1x16xf32> to vector<16xf32>
        %add3A_631 = arith.constant 1 : i32
        %add3A_632 = arith.addi %mul3A_386, %add3A_631 : i32
        %get3A_633 = arith.index_cast %add3A_632 : i32 to index
        %get3A_634 = arith.constant 64 : index
        %get3A_635 = tpu.vector_load %arg7[%get3A_633, %get3A_634] {strides = array<i32>} : memref<192x128xf32, #tpu.memory_space<vmem>>, vector<1x16xf32>,
        %get3A_636 = vector.shape_cast %get3A_635 : vector<1x16xf32> to vector<16xf32>
        %add3A_637 = arith.addf %get3A_630, %get3A_636 : vector<16xf32>
        %add3A_638 = arith.constant 1 : i32
        %add3A_639 = arith.addi %mul3A_386, %add3A_638 : i32
        %swap3A_640 = arith.index_cast %add3A_639 : i32 to index
        %swap3A_641 = arith.constant 64 : index
        %swap3A_642 = tpu.vector_load %arg6[%swap3A_640, %swap3A_641] {strides = array<i32>} : memref<192x128xf32, #tpu.memory_space<vmem>>, vector<1x16xf32>,
        %swap3A_643 = vector.shape_cast %swap3A_642 : vector<1x16xf32> to vector<16xf32>
        %swap3A_644 = vector.shape_cast %add3A_637 : vector<16xf32> to vector<1x16xf32>
        tpu.vector_store %arg6[%swap3A_640, %swap3A_641], %swap3A_644 {strides = array<i32>} : memref<192x128xf32, #tpu.memory_space<vmem>>, vector<1x16xf32>,
        %add3A_645 = arith.constant 1 : i32
        %add3A_646 = arith.addi %mul3A_386, %add3A_645 : i32
        %get3A_647 = arith.index_cast %add3A_646 : i32 to index
        %get3A_648 = arith.constant 80 : index
        %get3A_649 = tpu.vector_load %arg6[%get3A_647, %get3A_648] {strides = array<i32>} : memref<192x128xf32, #tpu.memory_space<vmem>>, vector<1x16xf32>,
        %get3A_650 = vector.shape_cast %get3A_649 : vector<1x16xf32> to vector<16xf32>
        %add3A_651 = arith.constant 1 : i32
        %add3A_652 = arith.addi %mul3A_386, %add3A_651 : i32
        %get3A_653 = arith.index_cast %add3A_652 : i32 to index
        %get3A_654 = arith.constant 80 : index
        %get3A_655 = tpu.vector_load %arg7[%get3A_653, %get3A_654] {strides = array<i32>} : memref<192x128xf32, #tpu.memory_space<vmem>>, vector<1x16xf32>,
        %get3A_656 = vector.shape_cast %get3A_655 : vector<1x16xf32> to vector<16xf32>
        %add3A_657 = arith.addf %get3A_650, %get3A_656 : vector<16xf32>
        %add3A_658 = arith.constant 1 : i32
        %add3A_659 = arith.addi %mul3A_386, %add3A_658 : i32
        %swap3A_660 = arith.index_cast %add3A_659 : i32 to index
        %swap3A_661 = arith.constant 80 : index
        %swap3A_662 = tpu.vector_load %arg6[%swap3A_660, %swap3A_661] {strides = array<i32>} : memref<192x128xf32, #tpu.memory_space<vmem>>, vector<1x16xf32>,
        %swap3A_663 = vector.shape_cast %swap3A_662 : vector<1x16xf32> to vector<16xf32>
        %swap3A_664 = vector.shape_cast %add3A_657 : vector<16xf32> to vector<1x16xf32>
        tpu.vector_store %arg6[%swap3A_660, %swap3A_661], %swap3A_664 {strides = array<i32>} : memref<192x128xf32, #tpu.memory_space<vmem>>, vector<1x16xf32>,
        %add3A_665 = arith.constant 1 : i32
        %add3A_666 = arith.addi %mul3A_386, %add3A_665 : i32
        %get3A_667 = arith.index_cast %add3A_666 : i32 to index
        %get3A_668 = arith.constant 96 : index
        %get3A_669 = tpu.vector_load %arg6[%get3A_667, %get3A_668] {strides = array<i32>} : memref<192x128xf32, #tpu.memory_space<vmem>>, vector<1x16xf32>,
        %get3A_670 = vector.shape_cast %get3A_669 : vector<1x16xf32> to vector<16xf32>
        %add3A_671 = arith.constant 1 : i32
        %add3A_672 = arith.addi %mul3A_386, %add3A_671 : i32
        %get3A_673 = arith.index_cast %add3A_672 : i32 to index
        %get3A_674 = arith.constant 96 : index
        %get3A_675 = tpu.vector_load %arg7[%get3A_673, %get3A_674] {strides = array<i32>} : memref<192x128xf32, #tpu.memory_space<vmem>>, vector<1x16xf32>,
        %get3A_676 = vector.shape_cast %get3A_675 : vector<1x16xf32> to vector<16xf32>
        %add3A_677 = arith.addf %get3A_670, %get3A_676 : vector<16xf32>
        %add3A_678 = arith.constant 1 : i32
        %add3A_679 = arith.addi %mul3A_386, %add3A_678 : i32
        %swap3A_680 = arith.index_cast %add3A_679 : i32 to index
        %swap3A_681 = arith.constant 96 : index
        %swap3A_682 = tpu.vector_load %arg6[%swap3A_680, %swap3A_681] {strides = array<i32>} : memref<192x128xf32, #tpu.memory_space<vmem>>, vector<1x16xf32>,
        %swap3A_683 = vector.shape_cast %swap3A_682 : vector<1x16xf32> to vector<16xf32>
        %swap3A_684 = vector.shape_cast %add3A_677 : vector<16xf32> to vector<1x16xf32>
        tpu.vector_store %arg6[%swap3A_680, %swap3A_681], %swap3A_684 {strides = array<i32>} : memref<192x128xf32, #tpu.memory_space<vmem>>, vector<1x16xf32>,
        %add3A_685 = arith.constant 1 : i32
        %add3A_686 = arith.addi %mul3A_386, %add3A_685 : i32
        %get3A_687 = arith.index_cast %add3A_686 : i32 to index
        %get3A_688 = arith.constant 112 : index
        %get3A_689 = tpu.vector_load %arg6[%get3A_687, %get3A_688] {strides = array<i32>} : memref<192x128xf32, #tpu.memory_space<vmem>>, vector<1x16xf32>,
        %get3A_690 = vector.shape_cast %get3A_689 : vector<1x16xf32> to vector<16xf32>
        %add3A_691 = arith.constant 1 : i32
        %add3A_692 = arith.addi %mul3A_386, %add3A_691 : i32
        %get3A_693 = arith.index_cast %add3A_692 : i32 to index
        %get3A_694 = arith.constant 112 : index
        %get3A_695 = tpu.vector_load %arg7[%get3A_693, %get3A_694] {strides = array<i32>} : memref<192x128xf32, #tpu.memory_space<vmem>>, vector<1x16xf32>,
        %get3A_696 = vector.shape_cast %get3A_695 : vector<1x16xf32> to vector<16xf32>
        %add3A_697 = arith.addf %get3A_690, %get3A_696 : vector<16xf32>
        %add3A_698 = arith.constant 1 : i32
        %add3A_699 = arith.addi %mul3A_386, %add3A_698 : i32
        %swap3A_700 = arith.index_cast %add3A_699 : i32 to index
        %swap3A_701 = arith.constant 112 : index
        %swap3A_702 = tpu.vector_load %arg6[%swap3A_700, %swap3A_701] {strides = array<i32>} : memref<192x128xf32, #tpu.memory_space<vmem>>, vector<1x16xf32>,
        %swap3A_703 = vector.shape_cast %swap3A_702 : vector<1x16xf32> to vector<16xf32>
        %swap3A_704 = vector.shape_cast %add3A_697 : vector<16xf32> to vector<1x16xf32>
        tpu.vector_store %arg6[%swap3A_700, %swap3A_701], %swap3A_704 {strides = array<i32>} : memref<192x128xf32, #tpu.memory_space<vmem>>, vector<1x16xf32>,
        %scan3A_705 = arith.constant 0 : i32
        scf.yield %scan3A_705 : i32
      }
      %scan3A_112 = arith.constant 96 : i32
      %add3A_113 = arith.constant 1 : i32
      %add3A_114 = arith.addi %add3A_72, %add3A_113 : i32
      %div3A_115 = arith.constant 4 : i32
      %div3A_116 = arith.divsi %add3A_114, %div3A_115 : i32
      %rem3A_117 = arith.constant 4 : i32
      %rem3A_118 = arith.remsi %add3A_114, %rem3A_117 : i32
      %mul3A_119 = arith.constant 49152 : i32
      %mul3A_120 = arith.muli %rem3A_118, %mul3A_119 : i32
      %add3A_121 = arith.addi %mul3A_120, %mul3A_2 : i32
      %mul3A_122 = arith.constant 192 : i32
      %mul3A_123 = arith.muli %div3A_116, %mul3A_122 : i32
      %add3A_124 = arith.addi %add3A_121, %mul3A_123 : i32
      %dma_start3A_125 = arith.constant 0 : i32
      %dma_start3A_126 = tpu.memref_slice %arg4[%add3A_124, %dma_start3A_125] : memref<196608x128xf32, #tpu.memory_space<hbm>> -> memref<192x128xf32, #tpu.memory_space<hbm>>
      %dma_start3A_127 = arith.constant 0 : i32
      %dma_start3A_128 = tpu.memref_slice %arg4[%add3A_124, %dma_start3A_127] : memref<196608x128xf32, #tpu.memory_space<hbm>> -> memref<192x128xf32, #tpu.memory_space<hbm>>
      tpu.enqueue_dma source(%arg6 : memref<192x128xf32, #tpu.memory_space<vmem>>) target(%dma_start3A_128 : memref<192x128xf32, #tpu.memory_space<hbm>>) target_semaphore(%arg12 : memref<!tpu.dma_semaphore, #tpu.memory_space<semaphore_mem>>)
      %add3A_129 = arith.constant 2 : i32
      %add3A_130 = arith.addi %add3A_72, %add3A_129 : i32
      %lt3A_131 = arith.constant 32 : i32
      %lt3A_132 = arith.cmpi slt, %add3A_130, %lt3A_131 : i32
      %convert_element_type3A_133 = arith.extui %lt3A_132 : i1 to i32
      %cond3A_134 = arith.constant 0 : i32
      %cond3A_135 = arith.cmpi ne, %convert_element_type3A_133, %cond3A_134 : i32
      scf.if %cond3A_135 {
        %dma_wait3A_383 = arith.constant 0 : i32
        %dma_wait3A_384 = arith.constant 0 : i32
        %dma_wait3A_385 = tpu.memref_slice %arg4[%dma_wait3A_383, %dma_wait3A_384] : memref<196608x128xf32, #tpu.memory_space<hbm>> -> memref<192x128xf32, #tpu.memory_space<hbm>>
        %dma_wait3A_386 = arith.constant 0 : i32
        %dma_wait3A_387 = arith.constant 0 : i32
        %dma_wait3A_388 = tpu.memref_slice %arg4[%dma_wait3A_386, %dma_wait3A_387] : memref<196608x128xf32, #tpu.memory_space<hbm>> -> memref<192x128xf32, #tpu.memory_space<hbm>>
        tpu.wait_dma2 semaphore(%arg11 : memref<!tpu.dma_semaphore, #tpu.memory_space<semaphore_mem>>) src(%arg5 : memref<192x128xf32, #tpu.memory_space<vmem>>) dst(%dma_wait3A_388 : memref<192x128xf32, #tpu.memory_space<hbm>>)
        %add3A_389 = arith.constant 2 : i32
        %add3A_390 = arith.addi %add3A_72, %add3A_389 : i32
        %div3A_391 = arith.constant 4 : i32
        %div3A_392 = arith.divsi %add3A_390, %div3A_391 : i32
        %rem3A_393 = arith.constant 4 : i32
        %rem3A_394 = arith.remsi %add3A_390, %rem3A_393 : i32
        %mul3A_395 = arith.constant 49152 : i32
        %mul3A_396 = arith.muli %rem3A_394, %mul3A_395 : i32
        %add3A_397 = arith.addi %mul3A_396, %mul3A_2 : i32
        %mul3A_398 = arith.constant 192 : i32
        %mul3A_399 = arith.muli %div3A_392, %mul3A_398 : i32
        %add3A_400 = arith.addi %add3A_397, %mul3A_399 : i32
        %dma_start3A_401 = arith.constant 0 : i32
        %dma_start3A_402 = tpu.memref_slice %arg2[%add3A_400, %dma_start3A_401] : memref<196608x128xf32, #tpu.memory_space<hbm>> -> memref<192x128xf32, #tpu.memory_space<hbm>>
        %dma_start3A_403 = arith.constant 0 : i32
        %dma_start3A_404 = tpu.memref_slice %arg2[%add3A_400, %dma_start3A_403] : memref<196608x128xf32, #tpu.memory_space<hbm>> -> memref<192x128xf32, #tpu.memory_space<hbm>>
        tpu.enqueue_dma source(%dma_start3A_404 : memref<192x128xf32, #tpu.memory_space<hbm>>) target(%arg5 : memref<192x128xf32, #tpu.memory_space<vmem>>) target_semaphore(%arg9 : memref<!tpu.dma_semaphore, #tpu.memory_space<semaphore_mem>>)
      } else {
      }
      %add3A_136 = arith.constant 3 : i32
      %add3A_137 = arith.addi %add3A_72, %add3A_136 : i32
      %lt3A_138 = arith.constant 32 : i32
      %lt3A_139 = arith.cmpi slt, %add3A_137, %lt3A_138 : i32
      %convert_element_type3A_140 = arith.extui %lt3A_139 : i1 to i32
      %cond3A_141 = arith.constant 0 : i32
      %cond3A_142 = arith.cmpi ne, %convert_element_type3A_140, %cond3A_141 : i32
      scf.if %cond3A_142 {
        %dma_wait3A_383 = arith.constant 0 : i32
        %dma_wait3A_384 = arith.constant 0 : i32
        %dma_wait3A_385 = tpu.memref_slice %arg4[%dma_wait3A_383, %dma_wait3A_384] : memref<196608x128xf32, #tpu.memory_space<hbm>> -> memref<192x128xf32, #tpu.memory_space<hbm>>
        %dma_wait3A_386 = arith.constant 0 : i32
        %dma_wait3A_387 = arith.constant 0 : i32
        %dma_wait3A_388 = tpu.memref_slice %arg4[%dma_wait3A_386, %dma_wait3A_387] : memref<196608x128xf32, #tpu.memory_space<hbm>> -> memref<192x128xf32, #tpu.memory_space<hbm>>
        tpu.wait_dma2 semaphore(%arg12 : memref<!tpu.dma_semaphore, #tpu.memory_space<semaphore_mem>>) src(%arg6 : memref<192x128xf32, #tpu.memory_space<vmem>>) dst(%dma_wait3A_388 : memref<192x128xf32, #tpu.memory_space<hbm>>)
        %add3A_389 = arith.constant 3 : i32
        %add3A_390 = arith.addi %add3A_72, %add3A_389 : i32
        %div3A_391 = arith.constant 4 : i32
        %div3A_392 = arith.divsi %add3A_390, %div3A_391 : i32
        %rem3A_393 = arith.constant 4 : i32
        %rem3A_394 = arith.remsi %add3A_390, %rem3A_393 : i32
        %mul3A_395 = arith.constant 49152 : i32
        %mul3A_396 = arith.muli %rem3A_394, %mul3A_395 : i32
        %add3A_397 = arith.addi %mul3A_396, %mul3A_2 : i32
        %mul3A_398 = arith.constant 192 : i32
        %mul3A_399 = arith.muli %div3A_392, %mul3A_398 : i32
        %add3A_400 = arith.addi %add3A_397, %mul3A_399 : i32
        %dma_start3A_401 = arith.constant 0 : i32
        %dma_start3A_402 = tpu.memref_slice %arg2[%add3A_400, %dma_start3A_401] : memref<196608x128xf32, #tpu.memory_space<hbm>> -> memref<192x128xf32, #tpu.memory_space<hbm>>
        %dma_start3A_403 = arith.constant 0 : i32
        %dma_start3A_404 = tpu.memref_slice %arg2[%add3A_400, %dma_start3A_403] : memref<196608x128xf32, #tpu.memory_space<hbm>> -> memref<192x128xf32, #tpu.memory_space<hbm>>
        tpu.enqueue_dma source(%dma_start3A_404 : memref<192x128xf32, #tpu.memory_space<hbm>>) target(%arg6 : memref<192x128xf32, #tpu.memory_space<vmem>>) target_semaphore(%arg10 : memref<!tpu.dma_semaphore, #tpu.memory_space<semaphore_mem>>)
      } else {
      }
      %mul3A_143 = arith.constant 4 : i32
      %mul3A_144 = arith.muli %mul3A_58, %mul3A_143 : i32
      %add3A_145 = arith.constant 2 : i32
      %add3A_146 = arith.addi %mul3A_144, %add3A_145 : i32
      %dma_wait3A_147 = arith.constant 0 : i32
      %dma_wait3A_148 = arith.constant 0 : i32
      %dma_wait3A_149 = tpu.memref_slice %arg2[%dma_wait3A_147, %dma_wait3A_148] : memref<196608x128xf32, #tpu.memory_space<hbm>> -> memref<192x128xf32, #tpu.memory_space<hbm>>
      %dma_wait3A_150 = arith.constant 0 : i32
      %dma_wait3A_151 = arith.constant 0 : i32
      %dma_wait3A_152 = tpu.memref_slice %arg2[%dma_wait3A_150, %dma_wait3A_151] : memref<196608x128xf32, #tpu.memory_space<hbm>> -> memref<192x128xf32, #tpu.memory_space<hbm>>
      tpu.wait_dma2 semaphore(%arg9 : memref<!tpu.dma_semaphore, #tpu.memory_space<semaphore_mem>>) src(%dma_wait3A_152 : memref<192x128xf32, #tpu.memory_space<hbm>>) dst(%arg5 : memref<192x128xf32, #tpu.memory_space<vmem>>)
      %scan3A_153 = arith.constant 0 : i32
      %scan3A_154 = arith.constant 0 : i32
      %scan3A_155 = arith.constant 96 : i32
      %scan3A_156 = arith.addi %scan3A_154, %scan3A_155 : i32
      %scan3A_157 = arith.constant 1 : i32
      %scan3A_158 = scf.for %scan3A_383 = %scan3A_154 to %scan3A_156 step %scan3A_157 iter_args(%scan3A_384 = %scan3A_153) -> (i32)  : i32 {
        %mul3A_385 = arith.constant 2 : i32
        %mul3A_386 = arith.muli %scan3A_383, %mul3A_385 : i32
        %add3A_387 = arith.constant 0 : i32
        %add3A_388 = arith.addi %mul3A_386, %add3A_387 : i32
        %get3A = arith.index_cast %add3A_388 : i32 to index
        %get3A_389 = arith.constant 0 : index
        %get3A_390 = tpu.vector_load %arg5[%get3A, %get3A_389] {strides = array<i32>} : memref<192x128xf32, #tpu.memory_space<vmem>>, vector<1x16xf32>,
        %get3A_391 = vector.shape_cast %get3A_390 : vector<1x16xf32> to vector<16xf32>
        %add3A_392 = arith.constant 0 : i32
        %add3A_393 = arith.addi %mul3A_386, %add3A_392 : i32
        %get3A_394 = arith.index_cast %add3A_393 : i32 to index
        %get3A_395 = arith.constant 0 : index
        %get3A_396 = tpu.vector_load %arg7[%get3A_394, %get3A_395] {strides = array<i32>} : memref<192x128xf32, #tpu.memory_space<vmem>>, vector<1x16xf32>,
        %get3A_397 = vector.shape_cast %get3A_396 : vector<1x16xf32> to vector<16xf32>
        %add3A_398 = arith.addf %get3A_391, %get3A_397 : vector<16xf32>
        %add3A_399 = arith.constant 0 : i32
        %add3A_400 = arith.addi %mul3A_386, %add3A_399 : i32
        %swap3A = arith.index_cast %add3A_400 : i32 to index
        %swap3A_401 = arith.constant 0 : index
        %swap3A_402 = tpu.vector_load %arg5[%swap3A, %swap3A_401] {strides = array<i32>} : memref<192x128xf32, #tpu.memory_space<vmem>>, vector<1x16xf32>,
        %swap3A_403 = vector.shape_cast %swap3A_402 : vector<1x16xf32> to vector<16xf32>
        %swap3A_404 = vector.shape_cast %add3A_398 : vector<16xf32> to vector<1x16xf32>
        tpu.vector_store %arg5[%swap3A, %swap3A_401], %swap3A_404 {strides = array<i32>} : memref<192x128xf32, #tpu.memory_space<vmem>>, vector<1x16xf32>,
        %add3A_405 = arith.constant 0 : i32
        %add3A_406 = arith.addi %mul3A_386, %add3A_405 : i32
        %get3A_407 = arith.index_cast %add3A_406 : i32 to index
        %get3A_408 = arith.constant 16 : index
        %get3A_409 = tpu.vector_load %arg5[%get3A_407, %get3A_408] {strides = array<i32>} : memref<192x128xf32, #tpu.memory_space<vmem>>, vector<1x16xf32>,
        %get3A_410 = vector.shape_cast %get3A_409 : vector<1x16xf32> to vector<16xf32>
        %add3A_411 = arith.constant 0 : i32
        %add3A_412 = arith.addi %mul3A_386, %add3A_411 : i32
        %get3A_413 = arith.index_cast %add3A_412 : i32 to index
        %get3A_414 = arith.constant 16 : index
        %get3A_415 = tpu.vector_load %arg7[%get3A_413, %get3A_414] {strides = array<i32>} : memref<192x128xf32, #tpu.memory_space<vmem>>, vector<1x16xf32>,
        %get3A_416 = vector.shape_cast %get3A_415 : vector<1x16xf32> to vector<16xf32>
        %add3A_417 = arith.addf %get3A_410, %get3A_416 : vector<16xf32>
        %add3A_418 = arith.constant 0 : i32
        %add3A_419 = arith.addi %mul3A_386, %add3A_418 : i32
        %swap3A_420 = arith.index_cast %add3A_419 : i32 to index
        %swap3A_421 = arith.constant 16 : index
        %swap3A_422 = tpu.vector_load %arg5[%swap3A_420, %swap3A_421] {strides = array<i32>} : memref<192x128xf32, #tpu.memory_space<vmem>>, vector<1x16xf32>,
        %swap3A_423 = vector.shape_cast %swap3A_422 : vector<1x16xf32> to vector<16xf32>
        %swap3A_424 = vector.shape_cast %add3A_417 : vector<16xf32> to vector<1x16xf32>
        tpu.vector_store %arg5[%swap3A_420, %swap3A_421], %swap3A_424 {strides = array<i32>} : memref<192x128xf32, #tpu.memory_space<vmem>>, vector<1x16xf32>,
        %add3A_425 = arith.constant 0 : i32
        %add3A_426 = arith.addi %mul3A_386, %add3A_425 : i32
        %get3A_427 = arith.index_cast %add3A_426 : i32 to index
        %get3A_428 = arith.constant 32 : index
        %get3A_429 = tpu.vector_load %arg5[%get3A_427, %get3A_428] {strides = array<i32>} : memref<192x128xf32, #tpu.memory_space<vmem>>, vector<1x16xf32>,
        %get3A_430 = vector.shape_cast %get3A_429 : vector<1x16xf32> to vector<16xf32>
        %add3A_431 = arith.constant 0 : i32
        %add3A_432 = arith.addi %mul3A_386, %add3A_431 : i32
        %get3A_433 = arith.index_cast %add3A_432 : i32 to index
        %get3A_434 = arith.constant 32 : index
        %get3A_435 = tpu.vector_load %arg7[%get3A_433, %get3A_434] {strides = array<i32>} : memref<192x128xf32, #tpu.memory_space<vmem>>, vector<1x16xf32>,
        %get3A_436 = vector.shape_cast %get3A_435 : vector<1x16xf32> to vector<16xf32>
        %add3A_437 = arith.addf %get3A_430, %get3A_436 : vector<16xf32>
        %add3A_438 = arith.constant 0 : i32
        %add3A_439 = arith.addi %mul3A_386, %add3A_438 : i32
        %swap3A_440 = arith.index_cast %add3A_439 : i32 to index
        %swap3A_441 = arith.constant 32 : index
        %swap3A_442 = tpu.vector_load %arg5[%swap3A_440, %swap3A_441] {strides = array<i32>} : memref<192x128xf32, #tpu.memory_space<vmem>>, vector<1x16xf32>,
        %swap3A_443 = vector.shape_cast %swap3A_442 : vector<1x16xf32> to vector<16xf32>
        %swap3A_444 = vector.shape_cast %add3A_437 : vector<16xf32> to vector<1x16xf32>
        tpu.vector_store %arg5[%swap3A_440, %swap3A_441], %swap3A_444 {strides = array<i32>} : memref<192x128xf32, #tpu.memory_space<vmem>>, vector<1x16xf32>,
        %add3A_445 = arith.constant 0 : i32
        %add3A_446 = arith.addi %mul3A_386, %add3A_445 : i32
        %get3A_447 = arith.index_cast %add3A_446 : i32 to index
        %get3A_448 = arith.constant 48 : index
        %get3A_449 = tpu.vector_load %arg5[%get3A_447, %get3A_448] {strides = array<i32>} : memref<192x128xf32, #tpu.memory_space<vmem>>, vector<1x16xf32>,
        %get3A_450 = vector.shape_cast %get3A_449 : vector<1x16xf32> to vector<16xf32>
        %add3A_451 = arith.constant 0 : i32
        %add3A_452 = arith.addi %mul3A_386, %add3A_451 : i32
        %get3A_453 = arith.index_cast %add3A_452 : i32 to index
        %get3A_454 = arith.constant 48 : index
        %get3A_455 = tpu.vector_load %arg7[%get3A_453, %get3A_454] {strides = array<i32>} : memref<192x128xf32, #tpu.memory_space<vmem>>, vector<1x16xf32>,
        %get3A_456 = vector.shape_cast %get3A_455 : vector<1x16xf32> to vector<16xf32>
        %add3A_457 = arith.addf %get3A_450, %get3A_456 : vector<16xf32>
        %add3A_458 = arith.constant 0 : i32
        %add3A_459 = arith.addi %mul3A_386, %add3A_458 : i32
        %swap3A_460 = arith.index_cast %add3A_459 : i32 to index
        %swap3A_461 = arith.constant 48 : index
        %swap3A_462 = tpu.vector_load %arg5[%swap3A_460, %swap3A_461] {strides = array<i32>} : memref<192x128xf32, #tpu.memory_space<vmem>>, vector<1x16xf32>,
        %swap3A_463 = vector.shape_cast %swap3A_462 : vector<1x16xf32> to vector<16xf32>
        %swap3A_464 = vector.shape_cast %add3A_457 : vector<16xf32> to vector<1x16xf32>
        tpu.vector_store %arg5[%swap3A_460, %swap3A_461], %swap3A_464 {strides = array<i32>} : memref<192x128xf32, #tpu.memory_space<vmem>>, vector<1x16xf32>,
        %add3A_465 = arith.constant 0 : i32
        %add3A_466 = arith.addi %mul3A_386, %add3A_465 : i32
        %get3A_467 = arith.index_cast %add3A_466 : i32 to index
        %get3A_468 = arith.constant 64 : index
        %get3A_469 = tpu.vector_load %arg5[%get3A_467, %get3A_468] {strides = array<i32>} : memref<192x128xf32, #tpu.memory_space<vmem>>, vector<1x16xf32>,
        %get3A_470 = vector.shape_cast %get3A_469 : vector<1x16xf32> to vector<16xf32>
        %add3A_471 = arith.constant 0 : i32
        %add3A_472 = arith.addi %mul3A_386, %add3A_471 : i32
        %get3A_473 = arith.index_cast %add3A_472 : i32 to index
        %get3A_474 = arith.constant 64 : index
        %get3A_475 = tpu.vector_load %arg7[%get3A_473, %get3A_474] {strides = array<i32>} : memref<192x128xf32, #tpu.memory_space<vmem>>, vector<1x16xf32>,
        %get3A_476 = vector.shape_cast %get3A_475 : vector<1x16xf32> to vector<16xf32>
        %add3A_477 = arith.addf %get3A_470, %get3A_476 : vector<16xf32>
        %add3A_478 = arith.constant 0 : i32
        %add3A_479 = arith.addi %mul3A_386, %add3A_478 : i32
        %swap3A_480 = arith.index_cast %add3A_479 : i32 to index
        %swap3A_481 = arith.constant 64 : index
        %swap3A_482 = tpu.vector_load %arg5[%swap3A_480, %swap3A_481] {strides = array<i32>} : memref<192x128xf32, #tpu.memory_space<vmem>>, vector<1x16xf32>,
        %swap3A_483 = vector.shape_cast %swap3A_482 : vector<1x16xf32> to vector<16xf32>
        %swap3A_484 = vector.shape_cast %add3A_477 : vector<16xf32> to vector<1x16xf32>
        tpu.vector_store %arg5[%swap3A_480, %swap3A_481], %swap3A_484 {strides = array<i32>} : memref<192x128xf32, #tpu.memory_space<vmem>>, vector<1x16xf32>,
        %add3A_485 = arith.constant 0 : i32
        %add3A_486 = arith.addi %mul3A_386, %add3A_485 : i32
        %get3A_487 = arith.index_cast %add3A_486 : i32 to index
        %get3A_488 = arith.constant 80 : index
        %get3A_489 = tpu.vector_load %arg5[%get3A_487, %get3A_488] {strides = array<i32>} : memref<192x128xf32, #tpu.memory_space<vmem>>, vector<1x16xf32>,
        %get3A_490 = vector.shape_cast %get3A_489 : vector<1x16xf32> to vector<16xf32>
        %add3A_491 = arith.constant 0 : i32
        %add3A_492 = arith.addi %mul3A_386, %add3A_491 : i32
        %get3A_493 = arith.index_cast %add3A_492 : i32 to index
        %get3A_494 = arith.constant 80 : index
        %get3A_495 = tpu.vector_load %arg7[%get3A_493, %get3A_494] {strides = array<i32>} : memref<192x128xf32, #tpu.memory_space<vmem>>, vector<1x16xf32>,
        %get3A_496 = vector.shape_cast %get3A_495 : vector<1x16xf32> to vector<16xf32>
        %add3A_497 = arith.addf %get3A_490, %get3A_496 : vector<16xf32>
        %add3A_498 = arith.constant 0 : i32
        %add3A_499 = arith.addi %mul3A_386, %add3A_498 : i32
        %swap3A_500 = arith.index_cast %add3A_499 : i32 to index
        %swap3A_501 = arith.constant 80 : index
        %swap3A_502 = tpu.vector_load %arg5[%swap3A_500, %swap3A_501] {strides = array<i32>} : memref<192x128xf32, #tpu.memory_space<vmem>>, vector<1x16xf32>,
        %swap3A_503 = vector.shape_cast %swap3A_502 : vector<1x16xf32> to vector<16xf32>
        %swap3A_504 = vector.shape_cast %add3A_497 : vector<16xf32> to vector<1x16xf32>
        tpu.vector_store %arg5[%swap3A_500, %swap3A_501], %swap3A_504 {strides = array<i32>} : memref<192x128xf32, #tpu.memory_space<vmem>>, vector<1x16xf32>,
        %add3A_505 = arith.constant 0 : i32
        %add3A_506 = arith.addi %mul3A_386, %add3A_505 : i32
        %get3A_507 = arith.index_cast %add3A_506 : i32 to index
        %get3A_508 = arith.constant 96 : index
        %get3A_509 = tpu.vector_load %arg5[%get3A_507, %get3A_508] {strides = array<i32>} : memref<192x128xf32, #tpu.memory_space<vmem>>, vector<1x16xf32>,
        %get3A_510 = vector.shape_cast %get3A_509 : vector<1x16xf32> to vector<16xf32>
        %add3A_511 = arith.constant 0 : i32
        %add3A_512 = arith.addi %mul3A_386, %add3A_511 : i32
        %get3A_513 = arith.index_cast %add3A_512 : i32 to index
        %get3A_514 = arith.constant 96 : index
        %get3A_515 = tpu.vector_load %arg7[%get3A_513, %get3A_514] {strides = array<i32>} : memref<192x128xf32, #tpu.memory_space<vmem>>, vector<1x16xf32>,
        %get3A_516 = vector.shape_cast %get3A_515 : vector<1x16xf32> to vector<16xf32>
        %add3A_517 = arith.addf %get3A_510, %get3A_516 : vector<16xf32>
        %add3A_518 = arith.constant 0 : i32
        %add3A_519 = arith.addi %mul3A_386, %add3A_518 : i32
        %swap3A_520 = arith.index_cast %add3A_519 : i32 to index
        %swap3A_521 = arith.constant 96 : index
        %swap3A_522 = tpu.vector_load %arg5[%swap3A_520, %swap3A_521] {strides = array<i32>} : memref<192x128xf32, #tpu.memory_space<vmem>>, vector<1x16xf32>,
        %swap3A_523 = vector.shape_cast %swap3A_522 : vector<1x16xf32> to vector<16xf32>
        %swap3A_524 = vector.shape_cast %add3A_517 : vector<16xf32> to vector<1x16xf32>
        tpu.vector_store %arg5[%swap3A_520, %swap3A_521], %swap3A_524 {strides = array<i32>} : memref<192x128xf32, #tpu.memory_space<vmem>>, vector<1x16xf32>,
        %add3A_525 = arith.constant 0 : i32
        %add3A_526 = arith.addi %mul3A_386, %add3A_525 : i32
        %get3A_527 = arith.index_cast %add3A_526 : i32 to index
        %get3A_528 = arith.constant 112 : index
        %get3A_529 = tpu.vector_load %arg5[%get3A_527, %get3A_528] {strides = array<i32>} : memref<192x128xf32, #tpu.memory_space<vmem>>, vector<1x16xf32>,
        %get3A_530 = vector.shape_cast %get3A_529 : vector<1x16xf32> to vector<16xf32>
        %add3A_531 = arith.constant 0 : i32
        %add3A_532 = arith.addi %mul3A_386, %add3A_531 : i32
        %get3A_533 = arith.index_cast %add3A_532 : i32 to index
        %get3A_534 = arith.constant 112 : index
        %get3A_535 = tpu.vector_load %arg7[%get3A_533, %get3A_534] {strides = array<i32>} : memref<192x128xf32, #tpu.memory_space<vmem>>, vector<1x16xf32>,
        %get3A_536 = vector.shape_cast %get3A_535 : vector<1x16xf32> to vector<16xf32>
        %add3A_537 = arith.addf %get3A_530, %get3A_536 : vector<16xf32>
        %add3A_538 = arith.constant 0 : i32
        %add3A_539 = arith.addi %mul3A_386, %add3A_538 : i32
        %swap3A_540 = arith.index_cast %add3A_539 : i32 to index
        %swap3A_541 = arith.constant 112 : index
        %swap3A_542 = tpu.vector_load %arg5[%swap3A_540, %swap3A_541] {strides = array<i32>} : memref<192x128xf32, #tpu.memory_space<vmem>>, vector<1x16xf32>,
        %swap3A_543 = vector.shape_cast %swap3A_542 : vector<1x16xf32> to vector<16xf32>
        %swap3A_544 = vector.shape_cast %add3A_537 : vector<16xf32> to vector<1x16xf32>
        tpu.vector_store %arg5[%swap3A_540, %swap3A_541], %swap3A_544 {strides = array<i32>} : memref<192x128xf32, #tpu.memory_space<vmem>>, vector<1x16xf32>,
        %add3A_545 = arith.constant 1 : i32
        %add3A_546 = arith.addi %mul3A_386, %add3A_545 : i32
        %get3A_547 = arith.index_cast %add3A_546 : i32 to index
        %get3A_548 = arith.constant 0 : index
        %get3A_549 = tpu.vector_load %arg5[%get3A_547, %get3A_548] {strides = array<i32>} : memref<192x128xf32, #tpu.memory_space<vmem>>, vector<1x16xf32>,
        %get3A_550 = vector.shape_cast %get3A_549 : vector<1x16xf32> to vector<16xf32>
        %add3A_551 = arith.constant 1 : i32
        %add3A_552 = arith.addi %mul3A_386, %add3A_551 : i32
        %get3A_553 = arith.index_cast %add3A_552 : i32 to index
        %get3A_554 = arith.constant 0 : index
        %get3A_555 = tpu.vector_load %arg7[%get3A_553, %get3A_554] {strides = array<i32>} : memref<192x128xf32, #tpu.memory_space<vmem>>, vector<1x16xf32>,
        %get3A_556 = vector.shape_cast %get3A_555 : vector<1x16xf32> to vector<16xf32>
        %add3A_557 = arith.addf %get3A_550, %get3A_556 : vector<16xf32>
        %add3A_558 = arith.constant 1 : i32
        %add3A_559 = arith.addi %mul3A_386, %add3A_558 : i32
        %swap3A_560 = arith.index_cast %add3A_559 : i32 to index
        %swap3A_561 = arith.constant 0 : index
        %swap3A_562 = tpu.vector_load %arg5[%swap3A_560, %swap3A_561] {strides = array<i32>} : memref<192x128xf32, #tpu.memory_space<vmem>>, vector<1x16xf32>,
        %swap3A_563 = vector.shape_cast %swap3A_562 : vector<1x16xf32> to vector<16xf32>
        %swap3A_564 = vector.shape_cast %add3A_557 : vector<16xf32> to vector<1x16xf32>
        tpu.vector_store %arg5[%swap3A_560, %swap3A_561], %swap3A_564 {strides = array<i32>} : memref<192x128xf32, #tpu.memory_space<vmem>>, vector<1x16xf32>,
        %add3A_565 = arith.constant 1 : i32
        %add3A_566 = arith.addi %mul3A_386, %add3A_565 : i32
        %get3A_567 = arith.index_cast %add3A_566 : i32 to index
        %get3A_568 = arith.constant 16 : index
        %get3A_569 = tpu.vector_load %arg5[%get3A_567, %get3A_568] {strides = array<i32>} : memref<192x128xf32, #tpu.memory_space<vmem>>, vector<1x16xf32>,
        %get3A_570 = vector.shape_cast %get3A_569 : vector<1x16xf32> to vector<16xf32>
        %add3A_571 = arith.constant 1 : i32
        %add3A_572 = arith.addi %mul3A_386, %add3A_571 : i32
        %get3A_573 = arith.index_cast %add3A_572 : i32 to index
        %get3A_574 = arith.constant 16 : index
        %get3A_575 = tpu.vector_load %arg7[%get3A_573, %get3A_574] {strides = array<i32>} : memref<192x128xf32, #tpu.memory_space<vmem>>, vector<1x16xf32>,
        %get3A_576 = vector.shape_cast %get3A_575 : vector<1x16xf32> to vector<16xf32>
        %add3A_577 = arith.addf %get3A_570, %get3A_576 : vector<16xf32>
        %add3A_578 = arith.constant 1 : i32
        %add3A_579 = arith.addi %mul3A_386, %add3A_578 : i32
        %swap3A_580 = arith.index_cast %add3A_579 : i32 to index
        %swap3A_581 = arith.constant 16 : index
        %swap3A_582 = tpu.vector_load %arg5[%swap3A_580, %swap3A_581] {strides = array<i32>} : memref<192x128xf32, #tpu.memory_space<vmem>>, vector<1x16xf32>,
        %swap3A_583 = vector.shape_cast %swap3A_582 : vector<1x16xf32> to vector<16xf32>
        %swap3A_584 = vector.shape_cast %add3A_577 : vector<16xf32> to vector<1x16xf32>
        tpu.vector_store %arg5[%swap3A_580, %swap3A_581], %swap3A_584 {strides = array<i32>} : memref<192x128xf32, #tpu.memory_space<vmem>>, vector<1x16xf32>,
        %add3A_585 = arith.constant 1 : i32
        %add3A_586 = arith.addi %mul3A_386, %add3A_585 : i32
        %get3A_587 = arith.index_cast %add3A_586 : i32 to index
        %get3A_588 = arith.constant 32 : index
        %get3A_589 = tpu.vector_load %arg5[%get3A_587, %get3A_588] {strides = array<i32>} : memref<192x128xf32, #tpu.memory_space<vmem>>, vector<1x16xf32>,
        %get3A_590 = vector.shape_cast %get3A_589 : vector<1x16xf32> to vector<16xf32>
        %add3A_591 = arith.constant 1 : i32
        %add3A_592 = arith.addi %mul3A_386, %add3A_591 : i32
        %get3A_593 = arith.index_cast %add3A_592 : i32 to index
        %get3A_594 = arith.constant 32 : index
        %get3A_595 = tpu.vector_load %arg7[%get3A_593, %get3A_594] {strides = array<i32>} : memref<192x128xf32, #tpu.memory_space<vmem>>, vector<1x16xf32>,
        %get3A_596 = vector.shape_cast %get3A_595 : vector<1x16xf32> to vector<16xf32>
        %add3A_597 = arith.addf %get3A_590, %get3A_596 : vector<16xf32>
        %add3A_598 = arith.constant 1 : i32
        %add3A_599 = arith.addi %mul3A_386, %add3A_598 : i32
        %swap3A_600 = arith.index_cast %add3A_599 : i32 to index
        %swap3A_601 = arith.constant 32 : index
        %swap3A_602 = tpu.vector_load %arg5[%swap3A_600, %swap3A_601] {strides = array<i32>} : memref<192x128xf32, #tpu.memory_space<vmem>>, vector<1x16xf32>,
        %swap3A_603 = vector.shape_cast %swap3A_602 : vector<1x16xf32> to vector<16xf32>
        %swap3A_604 = vector.shape_cast %add3A_597 : vector<16xf32> to vector<1x16xf32>
        tpu.vector_store %arg5[%swap3A_600, %swap3A_601], %swap3A_604 {strides = array<i32>} : memref<192x128xf32, #tpu.memory_space<vmem>>, vector<1x16xf32>,
        %add3A_605 = arith.constant 1 : i32
        %add3A_606 = arith.addi %mul3A_386, %add3A_605 : i32
        %get3A_607 = arith.index_cast %add3A_606 : i32 to index
        %get3A_608 = arith.constant 48 : index
        %get3A_609 = tpu.vector_load %arg5[%get3A_607, %get3A_608] {strides = array<i32>} : memref<192x128xf32, #tpu.memory_space<vmem>>, vector<1x16xf32>,
        %get3A_610 = vector.shape_cast %get3A_609 : vector<1x16xf32> to vector<16xf32>
        %add3A_611 = arith.constant 1 : i32
        %add3A_612 = arith.addi %mul3A_386, %add3A_611 : i32
        %get3A_613 = arith.index_cast %add3A_612 : i32 to index
        %get3A_614 = arith.constant 48 : index
        %get3A_615 = tpu.vector_load %arg7[%get3A_613, %get3A_614] {strides = array<i32>} : memref<192x128xf32, #tpu.memory_space<vmem>>, vector<1x16xf32>,
        %get3A_616 = vector.shape_cast %get3A_615 : vector<1x16xf32> to vector<16xf32>
        %add3A_617 = arith.addf %get3A_610, %get3A_616 : vector<16xf32>
        %add3A_618 = arith.constant 1 : i32
        %add3A_619 = arith.addi %mul3A_386, %add3A_618 : i32
        %swap3A_620 = arith.index_cast %add3A_619 : i32 to index
        %swap3A_621 = arith.constant 48 : index
        %swap3A_622 = tpu.vector_load %arg5[%swap3A_620, %swap3A_621] {strides = array<i32>} : memref<192x128xf32, #tpu.memory_space<vmem>>, vector<1x16xf32>,
        %swap3A_623 = vector.shape_cast %swap3A_622 : vector<1x16xf32> to vector<16xf32>
        %swap3A_624 = vector.shape_cast %add3A_617 : vector<16xf32> to vector<1x16xf32>
        tpu.vector_store %arg5[%swap3A_620, %swap3A_621], %swap3A_624 {strides = array<i32>} : memref<192x128xf32, #tpu.memory_space<vmem>>, vector<1x16xf32>,
        %add3A_625 = arith.constant 1 : i32
        %add3A_626 = arith.addi %mul3A_386, %add3A_625 : i32
        %get3A_627 = arith.index_cast %add3A_626 : i32 to index
        %get3A_628 = arith.constant 64 : index
        %get3A_629 = tpu.vector_load %arg5[%get3A_627, %get3A_628] {strides = array<i32>} : memref<192x128xf32, #tpu.memory_space<vmem>>, vector<1x16xf32>,
        %get3A_630 = vector.shape_cast %get3A_629 : vector<1x16xf32> to vector<16xf32>
        %add3A_631 = arith.constant 1 : i32
        %add3A_632 = arith.addi %mul3A_386, %add3A_631 : i32
        %get3A_633 = arith.index_cast %add3A_632 : i32 to index
        %get3A_634 = arith.constant 64 : index
        %get3A_635 = tpu.vector_load %arg7[%get3A_633, %get3A_634] {strides = array<i32>} : memref<192x128xf32, #tpu.memory_space<vmem>>, vector<1x16xf32>,
        %get3A_636 = vector.shape_cast %get3A_635 : vector<1x16xf32> to vector<16xf32>
        %add3A_637 = arith.addf %get3A_630, %get3A_636 : vector<16xf32>
        %add3A_638 = arith.constant 1 : i32
        %add3A_639 = arith.addi %mul3A_386, %add3A_638 : i32
        %swap3A_640 = arith.index_cast %add3A_639 : i32 to index
        %swap3A_641 = arith.constant 64 : index
        %swap3A_642 = tpu.vector_load %arg5[%swap3A_640, %swap3A_641] {strides = array<i32>} : memref<192x128xf32, #tpu.memory_space<vmem>>, vector<1x16xf32>,
        %swap3A_643 = vector.shape_cast %swap3A_642 : vector<1x16xf32> to vector<16xf32>
        %swap3A_644 = vector.shape_cast %add3A_637 : vector<16xf32> to vector<1x16xf32>
        tpu.vector_store %arg5[%swap3A_640, %swap3A_641], %swap3A_644 {strides = array<i32>} : memref<192x128xf32, #tpu.memory_space<vmem>>, vector<1x16xf32>,
        %add3A_645 = arith.constant 1 : i32
        %add3A_646 = arith.addi %mul3A_386, %add3A_645 : i32
        %get3A_647 = arith.index_cast %add3A_646 : i32 to index
        %get3A_648 = arith.constant 80 : index
        %get3A_649 = tpu.vector_load %arg5[%get3A_647, %get3A_648] {strides = array<i32>} : memref<192x128xf32, #tpu.memory_space<vmem>>, vector<1x16xf32>,
        %get3A_650 = vector.shape_cast %get3A_649 : vector<1x16xf32> to vector<16xf32>
        %add3A_651 = arith.constant 1 : i32
        %add3A_652 = arith.addi %mul3A_386, %add3A_651 : i32
        %get3A_653 = arith.index_cast %add3A_652 : i32 to index
        %get3A_654 = arith.constant 80 : index
        %get3A_655 = tpu.vector_load %arg7[%get3A_653, %get3A_654] {strides = array<i32>} : memref<192x128xf32, #tpu.memory_space<vmem>>, vector<1x16xf32>,
        %get3A_656 = vector.shape_cast %get3A_655 : vector<1x16xf32> to vector<16xf32>
        %add3A_657 = arith.addf %get3A_650, %get3A_656 : vector<16xf32>
        %add3A_658 = arith.constant 1 : i32
        %add3A_659 = arith.addi %mul3A_386, %add3A_658 : i32
        %swap3A_660 = arith.index_cast %add3A_659 : i32 to index
        %swap3A_661 = arith.constant 80 : index
        %swap3A_662 = tpu.vector_load %arg5[%swap3A_660, %swap3A_661] {strides = array<i32>} : memref<192x128xf32, #tpu.memory_space<vmem>>, vector<1x16xf32>,
        %swap3A_663 = vector.shape_cast %swap3A_662 : vector<1x16xf32> to vector<16xf32>
        %swap3A_664 = vector.shape_cast %add3A_657 : vector<16xf32> to vector<1x16xf32>
        tpu.vector_store %arg5[%swap3A_660, %swap3A_661], %swap3A_664 {strides = array<i32>} : memref<192x128xf32, #tpu.memory_space<vmem>>, vector<1x16xf32>,
        %add3A_665 = arith.constant 1 : i32
        %add3A_666 = arith.addi %mul3A_386, %add3A_665 : i32
        %get3A_667 = arith.index_cast %add3A_666 : i32 to index
        %get3A_668 = arith.constant 96 : index
        %get3A_669 = tpu.vector_load %arg5[%get3A_667, %get3A_668] {strides = array<i32>} : memref<192x128xf32, #tpu.memory_space<vmem>>, vector<1x16xf32>,
        %get3A_670 = vector.shape_cast %get3A_669 : vector<1x16xf32> to vector<16xf32>
        %add3A_671 = arith.constant 1 : i32
        %add3A_672 = arith.addi %mul3A_386, %add3A_671 : i32
        %get3A_673 = arith.index_cast %add3A_672 : i32 to index
        %get3A_674 = arith.constant 96 : index
        %get3A_675 = tpu.vector_load %arg7[%get3A_673, %get3A_674] {strides = array<i32>} : memref<192x128xf32, #tpu.memory_space<vmem>>, vector<1x16xf32>,
        %get3A_676 = vector.shape_cast %get3A_675 : vector<1x16xf32> to vector<16xf32>
        %add3A_677 = arith.addf %get3A_670, %get3A_676 : vector<16xf32>
        %add3A_678 = arith.constant 1 : i32
        %add3A_679 = arith.addi %mul3A_386, %add3A_678 : i32
        %swap3A_680 = arith.index_cast %add3A_679 : i32 to index
        %swap3A_681 = arith.constant 96 : index
        %swap3A_682 = tpu.vector_load %arg5[%swap3A_680, %swap3A_681] {strides = array<i32>} : memref<192x128xf32, #tpu.memory_space<vmem>>, vector<1x16xf32>,
        %swap3A_683 = vector.shape_cast %swap3A_682 : vector<1x16xf32> to vector<16xf32>
        %swap3A_684 = vector.shape_cast %add3A_677 : vector<16xf32> to vector<1x16xf32>
        tpu.vector_store %arg5[%swap3A_680, %swap3A_681], %swap3A_684 {strides = array<i32>} : memref<192x128xf32, #tpu.memory_space<vmem>>, vector<1x16xf32>,
        %add3A_685 = arith.constant 1 : i32
        %add3A_686 = arith.addi %mul3A_386, %add3A_685 : i32
        %get3A_687 = arith.index_cast %add3A_686 : i32 to index
        %get3A_688 = arith.constant 112 : index
        %get3A_689 = tpu.vector_load %arg5[%get3A_687, %get3A_688] {strides = array<i32>} : memref<192x128xf32, #tpu.memory_space<vmem>>, vector<1x16xf32>,
        %get3A_690 = vector.shape_cast %get3A_689 : vector<1x16xf32> to vector<16xf32>
        %add3A_691 = arith.constant 1 : i32
        %add3A_692 = arith.addi %mul3A_386, %add3A_691 : i32
        %get3A_693 = arith.index_cast %add3A_692 : i32 to index
        %get3A_694 = arith.constant 112 : index
        %get3A_695 = tpu.vector_load %arg7[%get3A_693, %get3A_694] {strides = array<i32>} : memref<192x128xf32, #tpu.memory_space<vmem>>, vector<1x16xf32>,
        %get3A_696 = vector.shape_cast %get3A_695 : vector<1x16xf32> to vector<16xf32>
        %add3A_697 = arith.addf %get3A_690, %get3A_696 : vector<16xf32>
        %add3A_698 = arith.constant 1 : i32
        %add3A_699 = arith.addi %mul3A_386, %add3A_698 : i32
        %swap3A_700 = arith.index_cast %add3A_699 : i32 to index
        %swap3A_701 = arith.constant 112 : index
        %swap3A_702 = tpu.vector_load %arg5[%swap3A_700, %swap3A_701] {strides = array<i32>} : memref<192x128xf32, #tpu.memory_space<vmem>>, vector<1x16xf32>,
        %swap3A_703 = vector.shape_cast %swap3A_702 : vector<1x16xf32> to vector<16xf32>
        %swap3A_704 = vector.shape_cast %add3A_697 : vector<16xf32> to vector<1x16xf32>
        tpu.vector_store %arg5[%swap3A_700, %swap3A_701], %swap3A_704 {strides = array<i32>} : memref<192x128xf32, #tpu.memory_space<vmem>>, vector<1x16xf32>,
        %scan3A_705 = arith.constant 0 : i32
        scf.yield %scan3A_705 : i32
      }
      %scan3A_159 = arith.constant 96 : i32
      %div3A_160 = arith.constant 4 : i32
      %div3A_161 = arith.divsi %add3A_146, %div3A_160 : i32
      %rem3A_162 = arith.constant 4 : i32
      %rem3A_163 = arith.remsi %add3A_146, %rem3A_162 : i32
      %mul3A_164 = arith.constant 49152 : i32
      %mul3A_165 = arith.muli %rem3A_163, %mul3A_164 : i32
      %add3A_166 = arith.addi %mul3A_165, %mul3A_2 : i32
      %mul3A_167 = arith.constant 192 : i32
      %mul3A_168 = arith.muli %div3A_161, %mul3A_167 : i32
      %add3A_169 = arith.addi %add3A_166, %mul3A_168 : i32
      %dma_start3A_170 = arith.constant 0 : i32
      %dma_start3A_171 = tpu.memref_slice %arg4[%add3A_169, %dma_start3A_170] : memref<196608x128xf32, #tpu.memory_space<hbm>> -> memref<192x128xf32, #tpu.memory_space<hbm>>
      %dma_start3A_172 = arith.constant 0 : i32
      %dma_start3A_173 = tpu.memref_slice %arg4[%add3A_169, %dma_start3A_172] : memref<196608x128xf32, #tpu.memory_space<hbm>> -> memref<192x128xf32, #tpu.memory_space<hbm>>
      tpu.enqueue_dma source(%arg5 : memref<192x128xf32, #tpu.memory_space<vmem>>) target(%dma_start3A_173 : memref<192x128xf32, #tpu.memory_space<hbm>>) target_semaphore(%arg11 : memref<!tpu.dma_semaphore, #tpu.memory_space<semaphore_mem>>)
      %dma_wait3A_174 = arith.constant 0 : i32
      %dma_wait3A_175 = arith.constant 0 : i32
      %dma_wait3A_176 = tpu.memref_slice %arg2[%dma_wait3A_174, %dma_wait3A_175] : memref<196608x128xf32, #tpu.memory_space<hbm>> -> memref<192x128xf32, #tpu.memory_space<hbm>>
      %dma_wait3A_177 = arith.constant 0 : i32
      %dma_wait3A_178 = arith.constant 0 : i32
      %dma_wait3A_179 = tpu.memref_slice %arg2[%dma_wait3A_177, %dma_wait3A_178] : memref<196608x128xf32, #tpu.memory_space<hbm>> -> memref<192x128xf32, #tpu.memory_space<hbm>>
      tpu.wait_dma2 semaphore(%arg10 : memref<!tpu.dma_semaphore, #tpu.memory_space<semaphore_mem>>) src(%dma_wait3A_179 : memref<192x128xf32, #tpu.memory_space<hbm>>) dst(%arg6 : memref<192x128xf32, #tpu.memory_space<vmem>>)
      %scan3A_180 = arith.constant 0 : i32
      %scan3A_181 = arith.constant 0 : i32
      %scan3A_182 = arith.constant 96 : i32
      %scan3A_183 = arith.addi %scan3A_181, %scan3A_182 : i32
      %scan3A_184 = arith.constant 1 : i32
      %scan3A_185 = scf.for %scan3A_383 = %scan3A_181 to %scan3A_183 step %scan3A_184 iter_args(%scan3A_384 = %scan3A_180) -> (i32)  : i32 {
        %mul3A_385 = arith.constant 2 : i32
        %mul3A_386 = arith.muli %scan3A_383, %mul3A_385 : i32
        %add3A_387 = arith.constant 0 : i32
        %add3A_388 = arith.addi %mul3A_386, %add3A_387 : i32
        %get3A = arith.index_cast %add3A_388 : i32 to index
        %get3A_389 = arith.constant 0 : index
        %get3A_390 = tpu.vector_load %arg6[%get3A, %get3A_389] {strides = array<i32>} : memref<192x128xf32, #tpu.memory_space<vmem>>, vector<1x16xf32>,
        %get3A_391 = vector.shape_cast %get3A_390 : vector<1x16xf32> to vector<16xf32>
        %add3A_392 = arith.constant 0 : i32
        %add3A_393 = arith.addi %mul3A_386, %add3A_392 : i32
        %get3A_394 = arith.index_cast %add3A_393 : i32 to index
        %get3A_395 = arith.constant 0 : index
        %get3A_396 = tpu.vector_load %arg7[%get3A_394, %get3A_395] {strides = array<i32>} : memref<192x128xf32, #tpu.memory_space<vmem>>, vector<1x16xf32>,
        %get3A_397 = vector.shape_cast %get3A_396 : vector<1x16xf32> to vector<16xf32>
        %add3A_398 = arith.addf %get3A_391, %get3A_397 : vector<16xf32>
        %add3A_399 = arith.constant 0 : i32
        %add3A_400 = arith.addi %mul3A_386, %add3A_399 : i32
        %swap3A = arith.index_cast %add3A_400 : i32 to index
        %swap3A_401 = arith.constant 0 : index
        %swap3A_402 = tpu.vector_load %arg6[%swap3A, %swap3A_401] {strides = array<i32>} : memref<192x128xf32, #tpu.memory_space<vmem>>, vector<1x16xf32>,
        %swap3A_403 = vector.shape_cast %swap3A_402 : vector<1x16xf32> to vector<16xf32>
        %swap3A_404 = vector.shape_cast %add3A_398 : vector<16xf32> to vector<1x16xf32>
        tpu.vector_store %arg6[%swap3A, %swap3A_401], %swap3A_404 {strides = array<i32>} : memref<192x128xf32, #tpu.memory_space<vmem>>, vector<1x16xf32>,
        %add3A_405 = arith.constant 0 : i32
        %add3A_406 = arith.addi %mul3A_386, %add3A_405 : i32
        %get3A_407 = arith.index_cast %add3A_406 : i32 to index
        %get3A_408 = arith.constant 16 : index
        %get3A_409 = tpu.vector_load %arg6[%get3A_407, %get3A_408] {strides = array<i32>} : memref<192x128xf32, #tpu.memory_space<vmem>>, vector<1x16xf32>,
        %get3A_410 = vector.shape_cast %get3A_409 : vector<1x16xf32> to vector<16xf32>
        %add3A_411 = arith.constant 0 : i32
        %add3A_412 = arith.addi %mul3A_386, %add3A_411 : i32
        %get3A_413 = arith.index_cast %add3A_412 : i32 to index
        %get3A_414 = arith.constant 16 : index
        %get3A_415 = tpu.vector_load %arg7[%get3A_413, %get3A_414] {strides = array<i32>} : memref<192x128xf32, #tpu.memory_space<vmem>>, vector<1x16xf32>,
        %get3A_416 = vector.shape_cast %get3A_415 : vector<1x16xf32> to vector<16xf32>
        %add3A_417 = arith.addf %get3A_410, %get3A_416 : vector<16xf32>
        %add3A_418 = arith.constant 0 : i32
        %add3A_419 = arith.addi %mul3A_386, %add3A_418 : i32
        %swap3A_420 = arith.index_cast %add3A_419 : i32 to index
        %swap3A_421 = arith.constant 16 : index
        %swap3A_422 = tpu.vector_load %arg6[%swap3A_420, %swap3A_421] {strides = array<i32>} : memref<192x128xf32, #tpu.memory_space<vmem>>, vector<1x16xf32>,
        %swap3A_423 = vector.shape_cast %swap3A_422 : vector<1x16xf32> to vector<16xf32>
        %swap3A_424 = vector.shape_cast %add3A_417 : vector<16xf32> to vector<1x16xf32>
        tpu.vector_store %arg6[%swap3A_420, %swap3A_421], %swap3A_424 {strides = array<i32>} : memref<192x128xf32, #tpu.memory_space<vmem>>, vector<1x16xf32>,
        %add3A_425 = arith.constant 0 : i32
        %add3A_426 = arith.addi %mul3A_386, %add3A_425 : i32
        %get3A_427 = arith.index_cast %add3A_426 : i32 to index
        %get3A_428 = arith.constant 32 : index
        %get3A_429 = tpu.vector_load %arg6[%get3A_427, %get3A_428] {strides = array<i32>} : memref<192x128xf32, #tpu.memory_space<vmem>>, vector<1x16xf32>,
        %get3A_430 = vector.shape_cast %get3A_429 : vector<1x16xf32> to vector<16xf32>
        %add3A_431 = arith.constant 0 : i32
        %add3A_432 = arith.addi %mul3A_386, %add3A_431 : i32
        %get3A_433 = arith.index_cast %add3A_432 : i32 to index
        %get3A_434 = arith.constant 32 : index
        %get3A_435 = tpu.vector_load %arg7[%get3A_433, %get3A_434] {strides = array<i32>} : memref<192x128xf32, #tpu.memory_space<vmem>>, vector<1x16xf32>,
        %get3A_436 = vector.shape_cast %get3A_435 : vector<1x16xf32> to vector<16xf32>
        %add3A_437 = arith.addf %get3A_430, %get3A_436 : vector<16xf32>
        %add3A_438 = arith.constant 0 : i32
        %add3A_439 = arith.addi %mul3A_386, %add3A_438 : i32
        %swap3A_440 = arith.index_cast %add3A_439 : i32 to index
        %swap3A_441 = arith.constant 32 : index
        %swap3A_442 = tpu.vector_load %arg6[%swap3A_440, %swap3A_441] {strides = array<i32>} : memref<192x128xf32, #tpu.memory_space<vmem>>, vector<1x16xf32>,
        %swap3A_443 = vector.shape_cast %swap3A_442 : vector<1x16xf32> to vector<16xf32>
        %swap3A_444 = vector.shape_cast %add3A_437 : vector<16xf32> to vector<1x16xf32>
        tpu.vector_store %arg6[%swap3A_440, %swap3A_441], %swap3A_444 {strides = array<i32>} : memref<192x128xf32, #tpu.memory_space<vmem>>, vector<1x16xf32>,
        %add3A_445 = arith.constant 0 : i32
        %add3A_446 = arith.addi %mul3A_386, %add3A_445 : i32
        %get3A_447 = arith.index_cast %add3A_446 : i32 to index
        %get3A_448 = arith.constant 48 : index
        %get3A_449 = tpu.vector_load %arg6[%get3A_447, %get3A_448] {strides = array<i32>} : memref<192x128xf32, #tpu.memory_space<vmem>>, vector<1x16xf32>,
        %get3A_450 = vector.shape_cast %get3A_449 : vector<1x16xf32> to vector<16xf32>
        %add3A_451 = arith.constant 0 : i32
        %add3A_452 = arith.addi %mul3A_386, %add3A_451 : i32
        %get3A_453 = arith.index_cast %add3A_452 : i32 to index
        %get3A_454 = arith.constant 48 : index
        %get3A_455 = tpu.vector_load %arg7[%get3A_453, %get3A_454] {strides = array<i32>} : memref<192x128xf32, #tpu.memory_space<vmem>>, vector<1x16xf32>,
        %get3A_456 = vector.shape_cast %get3A_455 : vector<1x16xf32> to vector<16xf32>
        %add3A_457 = arith.addf %get3A_450, %get3A_456 : vector<16xf32>
        %add3A_458 = arith.constant 0 : i32
        %add3A_459 = arith.addi %mul3A_386, %add3A_458 : i32
        %swap3A_460 = arith.index_cast %add3A_459 : i32 to index
        %swap3A_461 = arith.constant 48 : index
        %swap3A_462 = tpu.vector_load %arg6[%swap3A_460, %swap3A_461] {strides = array<i32>} : memref<192x128xf32, #tpu.memory_space<vmem>>, vector<1x16xf32>,
        %swap3A_463 = vector.shape_cast %swap3A_462 : vector<1x16xf32> to vector<16xf32>
        %swap3A_464 = vector.shape_cast %add3A_457 : vector<16xf32> to vector<1x16xf32>
        tpu.vector_store %arg6[%swap3A_460, %swap3A_461], %swap3A_464 {strides = array<i32>} : memref<192x128xf32, #tpu.memory_space<vmem>>, vector<1x16xf32>,
        %add3A_465 = arith.constant 0 : i32
        %add3A_466 = arith.addi %mul3A_386, %add3A_465 : i32
        %get3A_467 = arith.index_cast %add3A_466 : i32 to index
        %get3A_468 = arith.constant 64 : index
        %get3A_469 = tpu.vector_load %arg6[%get3A_467, %get3A_468] {strides = array<i32>} : memref<192x128xf32, #tpu.memory_space<vmem>>, vector<1x16xf32>,
        %get3A_470 = vector.shape_cast %get3A_469 : vector<1x16xf32> to vector<16xf32>
        %add3A_471 = arith.constant 0 : i32
        %add3A_472 = arith.addi %mul3A_386, %add3A_471 : i32
        %get3A_473 = arith.index_cast %add3A_472 : i32 to index
        %get3A_474 = arith.constant 64 : index
        %get3A_475 = tpu.vector_load %arg7[%get3A_473, %get3A_474] {strides = array<i32>} : memref<192x128xf32, #tpu.memory_space<vmem>>, vector<1x16xf32>,
        %get3A_476 = vector.shape_cast %get3A_475 : vector<1x16xf32> to vector<16xf32>
        %add3A_477 = arith.addf %get3A_470, %get3A_476 : vector<16xf32>
        %add3A_478 = arith.constant 0 : i32
        %add3A_479 = arith.addi %mul3A_386, %add3A_478 : i32
        %swap3A_480 = arith.index_cast %add3A_479 : i32 to index
        %swap3A_481 = arith.constant 64 : index
        %swap3A_482 = tpu.vector_load %arg6[%swap3A_480, %swap3A_481] {strides = array<i32>} : memref<192x128xf32, #tpu.memory_space<vmem>>, vector<1x16xf32>,
        %swap3A_483 = vector.shape_cast %swap3A_482 : vector<1x16xf32> to vector<16xf32>
        %swap3A_484 = vector.shape_cast %add3A_477 : vector<16xf32> to vector<1x16xf32>
        tpu.vector_store %arg6[%swap3A_480, %swap3A_481], %swap3A_484 {strides = array<i32>} : memref<192x128xf32, #tpu.memory_space<vmem>>, vector<1x16xf32>,
        %add3A_485 = arith.constant 0 : i32
        %add3A_486 = arith.addi %mul3A_386, %add3A_485 : i32
        %get3A_487 = arith.index_cast %add3A_486 : i32 to index
        %get3A_488 = arith.constant 80 : index
        %get3A_489 = tpu.vector_load %arg6[%get3A_487, %get3A_488] {strides = array<i32>} : memref<192x128xf32, #tpu.memory_space<vmem>>, vector<1x16xf32>,
        %get3A_490 = vector.shape_cast %get3A_489 : vector<1x16xf32> to vector<16xf32>
        %add3A_491 = arith.constant 0 : i32
        %add3A_492 = arith.addi %mul3A_386, %add3A_491 : i32
        %get3A_493 = arith.index_cast %add3A_492 : i32 to index
        %get3A_494 = arith.constant 80 : index
        %get3A_495 = tpu.vector_load %arg7[%get3A_493, %get3A_494] {strides = array<i32>} : memref<192x128xf32, #tpu.memory_space<vmem>>, vector<1x16xf32>,
        %get3A_496 = vector.shape_cast %get3A_495 : vector<1x16xf32> to vector<16xf32>
        %add3A_497 = arith.addf %get3A_490, %get3A_496 : vector<16xf32>
        %add3A_498 = arith.constant 0 : i32
        %add3A_499 = arith.addi %mul3A_386, %add3A_498 : i32
        %swap3A_500 = arith.index_cast %add3A_499 : i32 to index
        %swap3A_501 = arith.constant 80 : index
        %swap3A_502 = tpu.vector_load %arg6[%swap3A_500, %swap3A_501] {strides = array<i32>} : memref<192x128xf32, #tpu.memory_space<vmem>>, vector<1x16xf32>,
        %swap3A_503 = vector.shape_cast %swap3A_502 : vector<1x16xf32> to vector<16xf32>
        %swap3A_504 = vector.shape_cast %add3A_497 : vector<16xf32> to vector<1x16xf32>
        tpu.vector_store %arg6[%swap3A_500, %swap3A_501], %swap3A_504 {strides = array<i32>} : memref<192x128xf32, #tpu.memory_space<vmem>>, vector<1x16xf32>,
        %add3A_505 = arith.constant 0 : i32
        %add3A_506 = arith.addi %mul3A_386, %add3A_505 : i32
        %get3A_507 = arith.index_cast %add3A_506 : i32 to index
        %get3A_508 = arith.constant 96 : index
        %get3A_509 = tpu.vector_load %arg6[%get3A_507, %get3A_508] {strides = array<i32>} : memref<192x128xf32, #tpu.memory_space<vmem>>, vector<1x16xf32>,
        %get3A_510 = vector.shape_cast %get3A_509 : vector<1x16xf32> to vector<16xf32>
        %add3A_511 = arith.constant 0 : i32
        %add3A_512 = arith.addi %mul3A_386, %add3A_511 : i32
        %get3A_513 = arith.index_cast %add3A_512 : i32 to index
        %get3A_514 = arith.constant 96 : index
        %get3A_515 = tpu.vector_load %arg7[%get3A_513, %get3A_514] {strides = array<i32>} : memref<192x128xf32, #tpu.memory_space<vmem>>, vector<1x16xf32>,
        %get3A_516 = vector.shape_cast %get3A_515 : vector<1x16xf32> to vector<16xf32>
        %add3A_517 = arith.addf %get3A_510, %get3A_516 : vector<16xf32>
        %add3A_518 = arith.constant 0 : i32
        %add3A_519 = arith.addi %mul3A_386, %add3A_518 : i32
        %swap3A_520 = arith.index_cast %add3A_519 : i32 to index
        %swap3A_521 = arith.constant 96 : index
        %swap3A_522 = tpu.vector_load %arg6[%swap3A_520, %swap3A_521] {strides = array<i32>} : memref<192x128xf32, #tpu.memory_space<vmem>>, vector<1x16xf32>,
        %swap3A_523 = vector.shape_cast %swap3A_522 : vector<1x16xf32> to vector<16xf32>
        %swap3A_524 = vector.shape_cast %add3A_517 : vector<16xf32> to vector<1x16xf32>
        tpu.vector_store %arg6[%swap3A_520, %swap3A_521], %swap3A_524 {strides = array<i32>} : memref<192x128xf32, #tpu.memory_space<vmem>>, vector<1x16xf32>,
        %add3A_525 = arith.constant 0 : i32
        %add3A_526 = arith.addi %mul3A_386, %add3A_525 : i32
        %get3A_527 = arith.index_cast %add3A_526 : i32 to index
        %get3A_528 = arith.constant 112 : index
        %get3A_529 = tpu.vector_load %arg6[%get3A_527, %get3A_528] {strides = array<i32>} : memref<192x128xf32, #tpu.memory_space<vmem>>, vector<1x16xf32>,
        %get3A_530 = vector.shape_cast %get3A_529 : vector<1x16xf32> to vector<16xf32>
        %add3A_531 = arith.constant 0 : i32
        %add3A_532 = arith.addi %mul3A_386, %add3A_531 : i32
        %get3A_533 = arith.index_cast %add3A_532 : i32 to index
        %get3A_534 = arith.constant 112 : index
        %get3A_535 = tpu.vector_load %arg7[%get3A_533, %get3A_534] {strides = array<i32>} : memref<192x128xf32, #tpu.memory_space<vmem>>, vector<1x16xf32>,
        %get3A_536 = vector.shape_cast %get3A_535 : vector<1x16xf32> to vector<16xf32>
        %add3A_537 = arith.addf %get3A_530, %get3A_536 : vector<16xf32>
        %add3A_538 = arith.constant 0 : i32
        %add3A_539 = arith.addi %mul3A_386, %add3A_538 : i32
        %swap3A_540 = arith.index_cast %add3A_539 : i32 to index
        %swap3A_541 = arith.constant 112 : index
        %swap3A_542 = tpu.vector_load %arg6[%swap3A_540, %swap3A_541] {strides = array<i32>} : memref<192x128xf32, #tpu.memory_space<vmem>>, vector<1x16xf32>,
        %swap3A_543 = vector.shape_cast %swap3A_542 : vector<1x16xf32> to vector<16xf32>
        %swap3A_544 = vector.shape_cast %add3A_537 : vector<16xf32> to vector<1x16xf32>
        tpu.vector_store %arg6[%swap3A_540, %swap3A_541], %swap3A_544 {strides = array<i32>} : memref<192x128xf32, #tpu.memory_space<vmem>>, vector<1x16xf32>,
        %add3A_545 = arith.constant 1 : i32
        %add3A_546 = arith.addi %mul3A_386, %add3A_545 : i32
        %get3A_547 = arith.index_cast %add3A_546 : i32 to index
        %get3A_548 = arith.constant 0 : index
        %get3A_549 = tpu.vector_load %arg6[%get3A_547, %get3A_548] {strides = array<i32>} : memref<192x128xf32, #tpu.memory_space<vmem>>, vector<1x16xf32>,
        %get3A_550 = vector.shape_cast %get3A_549 : vector<1x16xf32> to vector<16xf32>
        %add3A_551 = arith.constant 1 : i32
        %add3A_552 = arith.addi %mul3A_386, %add3A_551 : i32
        %get3A_553 = arith.index_cast %add3A_552 : i32 to index
        %get3A_554 = arith.constant 0 : index
        %get3A_555 = tpu.vector_load %arg7[%get3A_553, %get3A_554] {strides = array<i32>} : memref<192x128xf32, #tpu.memory_space<vmem>>, vector<1x16xf32>,
        %get3A_556 = vector.shape_cast %get3A_555 : vector<1x16xf32> to vector<16xf32>
        %add3A_557 = arith.addf %get3A_550, %get3A_556 : vector<16xf32>
        %add3A_558 = arith.constant 1 : i32
        %add3A_559 = arith.addi %mul3A_386, %add3A_558 : i32
        %swap3A_560 = arith.index_cast %add3A_559 : i32 to index
        %swap3A_561 = arith.constant 0 : index
        %swap3A_562 = tpu.vector_load %arg6[%swap3A_560, %swap3A_561] {strides = array<i32>} : memref<192x128xf32, #tpu.memory_space<vmem>>, vector<1x16xf32>,
        %swap3A_563 = vector.shape_cast %swap3A_562 : vector<1x16xf32> to vector<16xf32>
        %swap3A_564 = vector.shape_cast %add3A_557 : vector<16xf32> to vector<1x16xf32>
        tpu.vector_store %arg6[%swap3A_560, %swap3A_561], %swap3A_564 {strides = array<i32>} : memref<192x128xf32, #tpu.memory_space<vmem>>, vector<1x16xf32>,
        %add3A_565 = arith.constant 1 : i32
        %add3A_566 = arith.addi %mul3A_386, %add3A_565 : i32
        %get3A_567 = arith.index_cast %add3A_566 : i32 to index
        %get3A_568 = arith.constant 16 : index
        %get3A_569 = tpu.vector_load %arg6[%get3A_567, %get3A_568] {strides = array<i32>} : memref<192x128xf32, #tpu.memory_space<vmem>>, vector<1x16xf32>,
        %get3A_570 = vector.shape_cast %get3A_569 : vector<1x16xf32> to vector<16xf32>
        %add3A_571 = arith.constant 1 : i32
        %add3A_572 = arith.addi %mul3A_386, %add3A_571 : i32
        %get3A_573 = arith.index_cast %add3A_572 : i32 to index
        %get3A_574 = arith.constant 16 : index
        %get3A_575 = tpu.vector_load %arg7[%get3A_573, %get3A_574] {strides = array<i32>} : memref<192x128xf32, #tpu.memory_space<vmem>>, vector<1x16xf32>,
        %get3A_576 = vector.shape_cast %get3A_575 : vector<1x16xf32> to vector<16xf32>
        %add3A_577 = arith.addf %get3A_570, %get3A_576 : vector<16xf32>
        %add3A_578 = arith.constant 1 : i32
        %add3A_579 = arith.addi %mul3A_386, %add3A_578 : i32
        %swap3A_580 = arith.index_cast %add3A_579 : i32 to index
        %swap3A_581 = arith.constant 16 : index
        %swap3A_582 = tpu.vector_load %arg6[%swap3A_580, %swap3A_581] {strides = array<i32>} : memref<192x128xf32, #tpu.memory_space<vmem>>, vector<1x16xf32>,
        %swap3A_583 = vector.shape_cast %swap3A_582 : vector<1x16xf32> to vector<16xf32>
        %swap3A_584 = vector.shape_cast %add3A_577 : vector<16xf32> to vector<1x16xf32>
        tpu.vector_store %arg6[%swap3A_580, %swap3A_581], %swap3A_584 {strides = array<i32>} : memref<192x128xf32, #tpu.memory_space<vmem>>, vector<1x16xf32>,
        %add3A_585 = arith.constant 1 : i32
        %add3A_586 = arith.addi %mul3A_386, %add3A_585 : i32
        %get3A_587 = arith.index_cast %add3A_586 : i32 to index
        %get3A_588 = arith.constant 32 : index
        %get3A_589 = tpu.vector_load %arg6[%get3A_587, %get3A_588] {strides = array<i32>} : memref<192x128xf32, #tpu.memory_space<vmem>>, vector<1x16xf32>,
        %get3A_590 = vector.shape_cast %get3A_589 : vector<1x16xf32> to vector<16xf32>
        %add3A_591 = arith.constant 1 : i32
        %add3A_592 = arith.addi %mul3A_386, %add3A_591 : i32
        %get3A_593 = arith.index_cast %add3A_592 : i32 to index
        %get3A_594 = arith.constant 32 : index
        %get3A_595 = tpu.vector_load %arg7[%get3A_593, %get3A_594] {strides = array<i32>} : memref<192x128xf32, #tpu.memory_space<vmem>>, vector<1x16xf32>,
        %get3A_596 = vector.shape_cast %get3A_595 : vector<1x16xf32> to vector<16xf32>
        %add3A_597 = arith.addf %get3A_590, %get3A_596 : vector<16xf32>
        %add3A_598 = arith.constant 1 : i32
        %add3A_599 = arith.addi %mul3A_386, %add3A_598 : i32
        %swap3A_600 = arith.index_cast %add3A_599 : i32 to index
        %swap3A_601 = arith.constant 32 : index
        %swap3A_602 = tpu.vector_load %arg6[%swap3A_600, %swap3A_601] {strides = array<i32>} : memref<192x128xf32, #tpu.memory_space<vmem>>, vector<1x16xf32>,
        %swap3A_603 = vector.shape_cast %swap3A_602 : vector<1x16xf32> to vector<16xf32>
        %swap3A_604 = vector.shape_cast %add3A_597 : vector<16xf32> to vector<1x16xf32>
        tpu.vector_store %arg6[%swap3A_600, %swap3A_601], %swap3A_604 {strides = array<i32>} : memref<192x128xf32, #tpu.memory_space<vmem>>, vector<1x16xf32>,
        %add3A_605 = arith.constant 1 : i32
        %add3A_606 = arith.addi %mul3A_386, %add3A_605 : i32
        %get3A_607 = arith.index_cast %add3A_606 : i32 to index
        %get3A_608 = arith.constant 48 : index
        %get3A_609 = tpu.vector_load %arg6[%get3A_607, %get3A_608] {strides = array<i32>} : memref<192x128xf32, #tpu.memory_space<vmem>>, vector<1x16xf32>,
        %get3A_610 = vector.shape_cast %get3A_609 : vector<1x16xf32> to vector<16xf32>
        %add3A_611 = arith.constant 1 : i32
        %add3A_612 = arith.addi %mul3A_386, %add3A_611 : i32
        %get3A_613 = arith.index_cast %add3A_612 : i32 to index
        %get3A_614 = arith.constant 48 : index
        %get3A_615 = tpu.vector_load %arg7[%get3A_613, %get3A_614] {strides = array<i32>} : memref<192x128xf32, #tpu.memory_space<vmem>>, vector<1x16xf32>,
        %get3A_616 = vector.shape_cast %get3A_615 : vector<1x16xf32> to vector<16xf32>
        %add3A_617 = arith.addf %get3A_610, %get3A_616 : vector<16xf32>
        %add3A_618 = arith.constant 1 : i32
        %add3A_619 = arith.addi %mul3A_386, %add3A_618 : i32
        %swap3A_620 = arith.index_cast %add3A_619 : i32 to index
        %swap3A_621 = arith.constant 48 : index
        %swap3A_622 = tpu.vector_load %arg6[%swap3A_620, %swap3A_621] {strides = array<i32>} : memref<192x128xf32, #tpu.memory_space<vmem>>, vector<1x16xf32>,
        %swap3A_623 = vector.shape_cast %swap3A_622 : vector<1x16xf32> to vector<16xf32>
        %swap3A_624 = vector.shape_cast %add3A_617 : vector<16xf32> to vector<1x16xf32>
        tpu.vector_store %arg6[%swap3A_620, %swap3A_621], %swap3A_624 {strides = array<i32>} : memref<192x128xf32, #tpu.memory_space<vmem>>, vector<1x16xf32>,
        %add3A_625 = arith.constant 1 : i32
        %add3A_626 = arith.addi %mul3A_386, %add3A_625 : i32
        %get3A_627 = arith.index_cast %add3A_626 : i32 to index
        %get3A_628 = arith.constant 64 : index
        %get3A_629 = tpu.vector_load %arg6[%get3A_627, %get3A_628] {strides = array<i32>} : memref<192x128xf32, #tpu.memory_space<vmem>>, vector<1x16xf32>,
        %get3A_630 = vector.shape_cast %get3A_629 : vector<1x16xf32> to vector<16xf32>
        %add3A_631 = arith.constant 1 : i32
        %add3A_632 = arith.addi %mul3A_386, %add3A_631 : i32
        %get3A_633 = arith.index_cast %add3A_632 : i32 to index
        %get3A_634 = arith.constant 64 : index
        %get3A_635 = tpu.vector_load %arg7[%get3A_633, %get3A_634] {strides = array<i32>} : memref<192x128xf32, #tpu.memory_space<vmem>>, vector<1x16xf32>,
        %get3A_636 = vector.shape_cast %get3A_635 : vector<1x16xf32> to vector<16xf32>
        %add3A_637 = arith.addf %get3A_630, %get3A_636 : vector<16xf32>
        %add3A_638 = arith.constant 1 : i32
        %add3A_639 = arith.addi %mul3A_386, %add3A_638 : i32
        %swap3A_640 = arith.index_cast %add3A_639 : i32 to index
        %swap3A_641 = arith.constant 64 : index
        %swap3A_642 = tpu.vector_load %arg6[%swap3A_640, %swap3A_641] {strides = array<i32>} : memref<192x128xf32, #tpu.memory_space<vmem>>, vector<1x16xf32>,
        %swap3A_643 = vector.shape_cast %swap3A_642 : vector<1x16xf32> to vector<16xf32>
        %swap3A_644 = vector.shape_cast %add3A_637 : vector<16xf32> to vector<1x16xf32>
        tpu.vector_store %arg6[%swap3A_640, %swap3A_641], %swap3A_644 {strides = array<i32>} : memref<192x128xf32, #tpu.memory_space<vmem>>, vector<1x16xf32>,
        %add3A_645 = arith.constant 1 : i32
        %add3A_646 = arith.addi %mul3A_386, %add3A_645 : i32
        %get3A_647 = arith.index_cast %add3A_646 : i32 to index
        %get3A_648 = arith.constant 80 : index
        %get3A_649 = tpu.vector_load %arg6[%get3A_647, %get3A_648] {strides = array<i32>} : memref<192x128xf32, #tpu.memory_space<vmem>>, vector<1x16xf32>,
        %get3A_650 = vector.shape_cast %get3A_649 : vector<1x16xf32> to vector<16xf32>
        %add3A_651 = arith.constant 1 : i32
        %add3A_652 = arith.addi %mul3A_386, %add3A_651 : i32
        %get3A_653 = arith.index_cast %add3A_652 : i32 to index
        %get3A_654 = arith.constant 80 : index
        %get3A_655 = tpu.vector_load %arg7[%get3A_653, %get3A_654] {strides = array<i32>} : memref<192x128xf32, #tpu.memory_space<vmem>>, vector<1x16xf32>,
        %get3A_656 = vector.shape_cast %get3A_655 : vector<1x16xf32> to vector<16xf32>
        %add3A_657 = arith.addf %get3A_650, %get3A_656 : vector<16xf32>
        %add3A_658 = arith.constant 1 : i32
        %add3A_659 = arith.addi %mul3A_386, %add3A_658 : i32
        %swap3A_660 = arith.index_cast %add3A_659 : i32 to index
        %swap3A_661 = arith.constant 80 : index
        %swap3A_662 = tpu.vector_load %arg6[%swap3A_660, %swap3A_661] {strides = array<i32>} : memref<192x128xf32, #tpu.memory_space<vmem>>, vector<1x16xf32>,
        %swap3A_663 = vector.shape_cast %swap3A_662 : vector<1x16xf32> to vector<16xf32>
        %swap3A_664 = vector.shape_cast %add3A_657 : vector<16xf32> to vector<1x16xf32>
        tpu.vector_store %arg6[%swap3A_660, %swap3A_661], %swap3A_664 {strides = array<i32>} : memref<192x128xf32, #tpu.memory_space<vmem>>, vector<1x16xf32>,
        %add3A_665 = arith.constant 1 : i32
        %add3A_666 = arith.addi %mul3A_386, %add3A_665 : i32
        %get3A_667 = arith.index_cast %add3A_666 : i32 to index
        %get3A_668 = arith.constant 96 : index
        %get3A_669 = tpu.vector_load %arg6[%get3A_667, %get3A_668] {strides = array<i32>} : memref<192x128xf32, #tpu.memory_space<vmem>>, vector<1x16xf32>,
        %get3A_670 = vector.shape_cast %get3A_669 : vector<1x16xf32> to vector<16xf32>
        %add3A_671 = arith.constant 1 : i32
        %add3A_672 = arith.addi %mul3A_386, %add3A_671 : i32
        %get3A_673 = arith.index_cast %add3A_672 : i32 to index
        %get3A_674 = arith.constant 96 : index
        %get3A_675 = tpu.vector_load %arg7[%get3A_673, %get3A_674] {strides = array<i32>} : memref<192x128xf32, #tpu.memory_space<vmem>>, vector<1x16xf32>,
        %get3A_676 = vector.shape_cast %get3A_675 : vector<1x16xf32> to vector<16xf32>
        %add3A_677 = arith.addf %get3A_670, %get3A_676 : vector<16xf32>
        %add3A_678 = arith.constant 1 : i32
        %add3A_679 = arith.addi %mul3A_386, %add3A_678 : i32
        %swap3A_680 = arith.index_cast %add3A_679 : i32 to index
        %swap3A_681 = arith.constant 96 : index
        %swap3A_682 = tpu.vector_load %arg6[%swap3A_680, %swap3A_681] {strides = array<i32>} : memref<192x128xf32, #tpu.memory_space<vmem>>, vector<1x16xf32>,
        %swap3A_683 = vector.shape_cast %swap3A_682 : vector<1x16xf32> to vector<16xf32>
        %swap3A_684 = vector.shape_cast %add3A_677 : vector<16xf32> to vector<1x16xf32>
        tpu.vector_store %arg6[%swap3A_680, %swap3A_681], %swap3A_684 {strides = array<i32>} : memref<192x128xf32, #tpu.memory_space<vmem>>, vector<1x16xf32>,
        %add3A_685 = arith.constant 1 : i32
        %add3A_686 = arith.addi %mul3A_386, %add3A_685 : i32
        %get3A_687 = arith.index_cast %add3A_686 : i32 to index
        %get3A_688 = arith.constant 112 : index
        %get3A_689 = tpu.vector_load %arg6[%get3A_687, %get3A_688] {strides = array<i32>} : memref<192x128xf32, #tpu.memory_space<vmem>>, vector<1x16xf32>,
        %get3A_690 = vector.shape_cast %get3A_689 : vector<1x16xf32> to vector<16xf32>
        %add3A_691 = arith.constant 1 : i32
        %add3A_692 = arith.addi %mul3A_386, %add3A_691 : i32
        %get3A_693 = arith.index_cast %add3A_692 : i32 to index
        %get3A_694 = arith.constant 112 : index
        %get3A_695 = tpu.vector_load %arg7[%get3A_693, %get3A_694] {strides = array<i32>} : memref<192x128xf32, #tpu.memory_space<vmem>>, vector<1x16xf32>,
        %get3A_696 = vector.shape_cast %get3A_695 : vector<1x16xf32> to vector<16xf32>
        %add3A_697 = arith.addf %get3A_690, %get3A_696 : vector<16xf32>
        %add3A_698 = arith.constant 1 : i32
        %add3A_699 = arith.addi %mul3A_386, %add3A_698 : i32
        %swap3A_700 = arith.index_cast %add3A_699 : i32 to index
        %swap3A_701 = arith.constant 112 : index
        %swap3A_702 = tpu.vector_load %arg6[%swap3A_700, %swap3A_701] {strides = array<i32>} : memref<192x128xf32, #tpu.memory_space<vmem>>, vector<1x16xf32>,
        %swap3A_703 = vector.shape_cast %swap3A_702 : vector<1x16xf32> to vector<16xf32>
        %swap3A_704 = vector.shape_cast %add3A_697 : vector<16xf32> to vector<1x16xf32>
        tpu.vector_store %arg6[%swap3A_700, %swap3A_701], %swap3A_704 {strides = array<i32>} : memref<192x128xf32, #tpu.memory_space<vmem>>, vector<1x16xf32>,
        %scan3A_705 = arith.constant 0 : i32
        scf.yield %scan3A_705 : i32
      }
      %scan3A_186 = arith.constant 96 : i32
      %add3A_187 = arith.constant 1 : i32
      %add3A_188 = arith.addi %add3A_146, %add3A_187 : i32
      %div3A_189 = arith.constant 4 : i32
      %div3A_190 = arith.divsi %add3A_188, %div3A_189 : i32
      %rem3A_191 = arith.constant 4 : i32
      %rem3A_192 = arith.remsi %add3A_188, %rem3A_191 : i32
      %mul3A_193 = arith.constant 49152 : i32
      %mul3A_194 = arith.muli %rem3A_192, %mul3A_193 : i32
      %add3A_195 = arith.addi %mul3A_194, %mul3A_2 : i32
      %mul3A_196 = arith.constant 192 : i32
      %mul3A_197 = arith.muli %div3A_190, %mul3A_196 : i32
      %add3A_198 = arith.addi %add3A_195, %mul3A_197 : i32
      %dma_start3A_199 = arith.constant 0 : i32
      %dma_start3A_200 = tpu.memref_slice %arg4[%add3A_198, %dma_start3A_199] : memref<196608x128xf32, #tpu.memory_space<hbm>> -> memref<192x128xf32, #tpu.memory_space<hbm>>
      %dma_start3A_201 = arith.constant 0 : i32
      %dma_start3A_202 = tpu.memref_slice %arg4[%add3A_198, %dma_start3A_201] : memref<196608x128xf32, #tpu.memory_space<hbm>> -> memref<192x128xf32, #tpu.memory_space<hbm>>
      tpu.enqueue_dma source(%arg6 : memref<192x128xf32, #tpu.memory_space<vmem>>) target(%dma_start3A_202 : memref<192x128xf32, #tpu.memory_space<hbm>>) target_semaphore(%arg12 : memref<!tpu.dma_semaphore, #tpu.memory_space<semaphore_mem>>)
      %add3A_203 = arith.constant 2 : i32
      %add3A_204 = arith.addi %add3A_146, %add3A_203 : i32
      %lt3A_205 = arith.constant 32 : i32
      %lt3A_206 = arith.cmpi slt, %add3A_204, %lt3A_205 : i32
      %convert_element_type3A_207 = arith.extui %lt3A_206 : i1 to i32
      %cond3A_208 = arith.constant 0 : i32
      %cond3A_209 = arith.cmpi ne, %convert_element_type3A_207, %cond3A_208 : i32
      scf.if %cond3A_209 {
        %dma_wait3A_383 = arith.constant 0 : i32
        %dma_wait3A_384 = arith.constant 0 : i32
        %dma_wait3A_385 = tpu.memref_slice %arg4[%dma_wait3A_383, %dma_wait3A_384] : memref<196608x128xf32, #tpu.memory_space<hbm>> -> memref<192x128xf32, #tpu.memory_space<hbm>>
        %dma_wait3A_386 = arith.constant 0 : i32
        %dma_wait3A_387 = arith.constant 0 : i32
        %dma_wait3A_388 = tpu.memref_slice %arg4[%dma_wait3A_386, %dma_wait3A_387] : memref<196608x128xf32, #tpu.memory_space<hbm>> -> memref<192x128xf32, #tpu.memory_space<hbm>>
        tpu.wait_dma2 semaphore(%arg11 : memref<!tpu.dma_semaphore, #tpu.memory_space<semaphore_mem>>) src(%arg5 : memref<192x128xf32, #tpu.memory_space<vmem>>) dst(%dma_wait3A_388 : memref<192x128xf32, #tpu.memory_space<hbm>>)
        %add3A_389 = arith.constant 2 : i32
        %add3A_390 = arith.addi %add3A_146, %add3A_389 : i32
        %div3A_391 = arith.constant 4 : i32
        %div3A_392 = arith.divsi %add3A_390, %div3A_391 : i32
        %rem3A_393 = arith.constant 4 : i32
        %rem3A_394 = arith.remsi %add3A_390, %rem3A_393 : i32
        %mul3A_395 = arith.constant 49152 : i32
        %mul3A_396 = arith.muli %rem3A_394, %mul3A_395 : i32
        %add3A_397 = arith.addi %mul3A_396, %mul3A_2 : i32
        %mul3A_398 = arith.constant 192 : i32
        %mul3A_399 = arith.muli %div3A_392, %mul3A_398 : i32
        %add3A_400 = arith.addi %add3A_397, %mul3A_399 : i32
        %dma_start3A_401 = arith.constant 0 : i32
        %dma_start3A_402 = tpu.memref_slice %arg2[%add3A_400, %dma_start3A_401] : memref<196608x128xf32, #tpu.memory_space<hbm>> -> memref<192x128xf32, #tpu.memory_space<hbm>>
        %dma_start3A_403 = arith.constant 0 : i32
        %dma_start3A_404 = tpu.memref_slice %arg2[%add3A_400, %dma_start3A_403] : memref<196608x128xf32, #tpu.memory_space<hbm>> -> memref<192x128xf32, #tpu.memory_space<hbm>>
        tpu.enqueue_dma source(%dma_start3A_404 : memref<192x128xf32, #tpu.memory_space<hbm>>) target(%arg5 : memref<192x128xf32, #tpu.memory_space<vmem>>) target_semaphore(%arg9 : memref<!tpu.dma_semaphore, #tpu.memory_space<semaphore_mem>>)
      } else {
      }
      %add3A_210 = arith.constant 3 : i32
      %add3A_211 = arith.addi %add3A_146, %add3A_210 : i32
      %lt3A_212 = arith.constant 32 : i32
      %lt3A_213 = arith.cmpi slt, %add3A_211, %lt3A_212 : i32
      %convert_element_type3A_214 = arith.extui %lt3A_213 : i1 to i32
      %cond3A_215 = arith.constant 0 : i32
      %cond3A_216 = arith.cmpi ne, %convert_element_type3A_214, %cond3A_215 : i32
      scf.if %cond3A_216 {
        %dma_wait3A_383 = arith.constant 0 : i32
        %dma_wait3A_384 = arith.constant 0 : i32
        %dma_wait3A_385 = tpu.memref_slice %arg4[%dma_wait3A_383, %dma_wait3A_384] : memref<196608x128xf32, #tpu.memory_space<hbm>> -> memref<192x128xf32, #tpu.memory_space<hbm>>
        %dma_wait3A_386 = arith.constant 0 : i32
        %dma_wait3A_387 = arith.constant 0 : i32
        %dma_wait3A_388 = tpu.memref_slice %arg4[%dma_wait3A_386, %dma_wait3A_387] : memref<196608x128xf32, #tpu.memory_space<hbm>> -> memref<192x128xf32, #tpu.memory_space<hbm>>
        tpu.wait_dma2 semaphore(%arg12 : memref<!tpu.dma_semaphore, #tpu.memory_space<semaphore_mem>>) src(%arg6 : memref<192x128xf32, #tpu.memory_space<vmem>>) dst(%dma_wait3A_388 : memref<192x128xf32, #tpu.memory_space<hbm>>)
        %add3A_389 = arith.constant 3 : i32
        %add3A_390 = arith.addi %add3A_146, %add3A_389 : i32
        %div3A_391 = arith.constant 4 : i32
        %div3A_392 = arith.divsi %add3A_390, %div3A_391 : i32
        %rem3A_393 = arith.constant 4 : i32
        %rem3A_394 = arith.remsi %add3A_390, %rem3A_393 : i32
        %mul3A_395 = arith.constant 49152 : i32
        %mul3A_396 = arith.muli %rem3A_394, %mul3A_395 : i32
        %add3A_397 = arith.addi %mul3A_396, %mul3A_2 : i32
        %mul3A_398 = arith.constant 192 : i32
        %mul3A_399 = arith.muli %div3A_392, %mul3A_398 : i32
        %add3A_400 = arith.addi %add3A_397, %mul3A_399 : i32
        %dma_start3A_401 = arith.constant 0 : i32
        %dma_start3A_402 = tpu.memref_slice %arg2[%add3A_400, %dma_start3A_401] : memref<196608x128xf32, #tpu.memory_space<hbm>> -> memref<192x128xf32, #tpu.memory_space<hbm>>
        %dma_start3A_403 = arith.constant 0 : i32
        %dma_start3A_404 = tpu.memref_slice %arg2[%add3A_400, %dma_start3A_403] : memref<196608x128xf32, #tpu.memory_space<hbm>> -> memref<192x128xf32, #tpu.memory_space<hbm>>
        tpu.enqueue_dma source(%dma_start3A_404 : memref<192x128xf32, #tpu.memory_space<hbm>>) target(%arg6 : memref<192x128xf32, #tpu.memory_space<vmem>>) target_semaphore(%arg10 : memref<!tpu.dma_semaphore, #tpu.memory_space<semaphore_mem>>)
      } else {
      }
      %mul3A_217 = arith.constant 2 : i32
      %mul3A_218 = arith.muli %mul3A_217, %scan3A_55 : i32
      %add3A_219 = arith.constant 1 : i32
      %add3A_220 = arith.addi %mul3A_218, %add3A_219 : i32
      %dma_wait3A_221 = arith.constant 0 : i32
      %dma_wait3A_222 = arith.constant 0 : i32
      %dma_wait3A_223 = tpu.memref_slice %arg3[%dma_wait3A_221, %dma_wait3A_222] : memref<49152x128xf32, #tpu.memory_space<hbm>> -> memref<192x128xf32, #tpu.memory_space<hbm>>
      %dma_wait3A_224 = arith.constant 0 : i32
      %dma_wait3A_225 = arith.constant 0 : i32
      %dma_wait3A_226 = tpu.memref_slice %arg3[%dma_wait3A_224, %dma_wait3A_225] : memref<49152x128xf32, #tpu.memory_space<hbm>> -> memref<192x128xf32, #tpu.memory_space<hbm>>
      tpu.wait_dma2 semaphore(%arg14 : memref<!tpu.dma_semaphore, #tpu.memory_space<semaphore_mem>>) src(%dma_wait3A_226 : memref<192x128xf32, #tpu.memory_space<hbm>>) dst(%arg8 : memref<192x128xf32, #tpu.memory_space<vmem>>)
      %add3A_227 = arith.constant 1 : i32
      %add3A_228 = arith.addi %add3A_220, %add3A_227 : i32
      %lt3A_229 = arith.constant 8 : i32
      %lt3A_230 = arith.cmpi slt, %add3A_228, %lt3A_229 : i32
      %convert_element_type3A_231 = arith.extui %lt3A_230 : i1 to i32
      %cond3A_232 = arith.constant 0 : i32
      %cond3A_233 = arith.cmpi ne, %convert_element_type3A_231, %cond3A_232 : i32
      scf.if %cond3A_233 {
        %add3A_383 = arith.constant 1 : i32
        %add3A_384 = arith.addi %add3A_220, %add3A_383 : i32
        %mul3A_385 = arith.constant 192 : i32
        %mul3A_386 = arith.muli %add3A_384, %mul3A_385 : i32
        %add3A_387 = arith.addi %mul3A_2, %mul3A_386 : i32
        %dma_start3A_388 = arith.constant 0 : i32
        %dma_start3A_389 = tpu.memref_slice %arg3[%add3A_387, %dma_start3A_388] : memref<49152x128xf32, #tpu.memory_space<hbm>> -> memref<192x128xf32, #tpu.memory_space<hbm>>
        %dma_start3A_390 = arith.constant 0 : i32
        %dma_start3A_391 = tpu.memref_slice %arg3[%add3A_387, %dma_start3A_390] : memref<49152x128xf32, #tpu.memory_space<hbm>> -> memref<192x128xf32, #tpu.memory_space<hbm>>
        tpu.enqueue_dma source(%dma_start3A_391 : memref<192x128xf32, #tpu.memory_space<hbm>>) target(%arg7 : memref<192x128xf32, #tpu.memory_space<vmem>>) target_semaphore(%arg13 : memref<!tpu.dma_semaphore, #tpu.memory_space<semaphore_mem>>)
      } else {
      }
      %mul3A_234 = arith.constant 4 : i32
      %mul3A_235 = arith.muli %add3A_220, %mul3A_234 : i32
      %add3A_236 = arith.constant 0 : i32
      %add3A_237 = arith.addi %mul3A_235, %add3A_236 : i32
      %dma_wait3A_238 = arith.constant 0 : i32
      %dma_wait3A_239 = arith.constant 0 : i32
      %dma_wait3A_240 = tpu.memref_slice %arg2[%dma_wait3A_238, %dma_wait3A_239] : memref<196608x128xf32, #tpu.memory_space<hbm>> -> memref<192x128xf32, #tpu.memory_space<hbm>>
      %dma_wait3A_241 = arith.constant 0 : i32
      %dma_wait3A_242 = arith.constant 0 : i32
      %dma_wait3A_243 = tpu.memref_slice %arg2[%dma_wait3A_241, %dma_wait3A_242] : memref<196608x128xf32, #tpu.memory_space<hbm>> -> memref<192x128xf32, #tpu.memory_space<hbm>>
      tpu.wait_dma2 semaphore(%arg9 : memref<!tpu.dma_semaphore, #tpu.memory_space<semaphore_mem>>) src(%dma_wait3A_243 : memref<192x128xf32, #tpu.memory_space<hbm>>) dst(%arg5 : memref<192x128xf32, #tpu.memory_space<vmem>>)
      %scan3A_244 = arith.constant 0 : i32
      %scan3A_245 = arith.constant 0 : i32
      %scan3A_246 = arith.constant 96 : i32
      %scan3A_247 = arith.addi %scan3A_245, %scan3A_246 : i32
      %scan3A_248 = arith.constant 1 : i32
      %scan3A_249 = scf.for %scan3A_383 = %scan3A_245 to %scan3A_247 step %scan3A_248 iter_args(%scan3A_384 = %scan3A_244) -> (i32)  : i32 {
        %mul3A_385 = arith.constant 2 : i32
        %mul3A_386 = arith.muli %scan3A_383, %mul3A_385 : i32
        %add3A_387 = arith.constant 0 : i32
        %add3A_388 = arith.addi %mul3A_386, %add3A_387 : i32
        %get3A = arith.index_cast %add3A_388 : i32 to index
        %get3A_389 = arith.constant 0 : index
        %get3A_390 = tpu.vector_load %arg5[%get3A, %get3A_389] {strides = array<i32>} : memref<192x128xf32, #tpu.memory_space<vmem>>, vector<1x16xf32>,
        %get3A_391 = vector.shape_cast %get3A_390 : vector<1x16xf32> to vector<16xf32>
        %add3A_392 = arith.constant 0 : i32
        %add3A_393 = arith.addi %mul3A_386, %add3A_392 : i32
        %get3A_394 = arith.index_cast %add3A_393 : i32 to index
        %get3A_395 = arith.constant 0 : index
        %get3A_396 = tpu.vector_load %arg8[%get3A_394, %get3A_395] {strides = array<i32>} : memref<192x128xf32, #tpu.memory_space<vmem>>, vector<1x16xf32>,
        %get3A_397 = vector.shape_cast %get3A_396 : vector<1x16xf32> to vector<16xf32>
        %add3A_398 = arith.addf %get3A_391, %get3A_397 : vector<16xf32>
        %add3A_399 = arith.constant 0 : i32
        %add3A_400 = arith.addi %mul3A_386, %add3A_399 : i32
        %swap3A = arith.index_cast %add3A_400 : i32 to index
        %swap3A_401 = arith.constant 0 : index
        %swap3A_402 = tpu.vector_load %arg5[%swap3A, %swap3A_401] {strides = array<i32>} : memref<192x128xf32, #tpu.memory_space<vmem>>, vector<1x16xf32>,
        %swap3A_403 = vector.shape_cast %swap3A_402 : vector<1x16xf32> to vector<16xf32>
        %swap3A_404 = vector.shape_cast %add3A_398 : vector<16xf32> to vector<1x16xf32>
        tpu.vector_store %arg5[%swap3A, %swap3A_401], %swap3A_404 {strides = array<i32>} : memref<192x128xf32, #tpu.memory_space<vmem>>, vector<1x16xf32>,
        %add3A_405 = arith.constant 0 : i32
        %add3A_406 = arith.addi %mul3A_386, %add3A_405 : i32
        %get3A_407 = arith.index_cast %add3A_406 : i32 to index
        %get3A_408 = arith.constant 16 : index
        %get3A_409 = tpu.vector_load %arg5[%get3A_407, %get3A_408] {strides = array<i32>} : memref<192x128xf32, #tpu.memory_space<vmem>>, vector<1x16xf32>,
        %get3A_410 = vector.shape_cast %get3A_409 : vector<1x16xf32> to vector<16xf32>
        %add3A_411 = arith.constant 0 : i32
        %add3A_412 = arith.addi %mul3A_386, %add3A_411 : i32
        %get3A_413 = arith.index_cast %add3A_412 : i32 to index
        %get3A_414 = arith.constant 16 : index
        %get3A_415 = tpu.vector_load %arg8[%get3A_413, %get3A_414] {strides = array<i32>} : memref<192x128xf32, #tpu.memory_space<vmem>>, vector<1x16xf32>,
        %get3A_416 = vector.shape_cast %get3A_415 : vector<1x16xf32> to vector<16xf32>
        %add3A_417 = arith.addf %get3A_410, %get3A_416 : vector<16xf32>
        %add3A_418 = arith.constant 0 : i32
        %add3A_419 = arith.addi %mul3A_386, %add3A_418 : i32
        %swap3A_420 = arith.index_cast %add3A_419 : i32 to index
        %swap3A_421 = arith.constant 16 : index
        %swap3A_422 = tpu.vector_load %arg5[%swap3A_420, %swap3A_421] {strides = array<i32>} : memref<192x128xf32, #tpu.memory_space<vmem>>, vector<1x16xf32>,
        %swap3A_423 = vector.shape_cast %swap3A_422 : vector<1x16xf32> to vector<16xf32>
        %swap3A_424 = vector.shape_cast %add3A_417 : vector<16xf32> to vector<1x16xf32>
        tpu.vector_store %arg5[%swap3A_420, %swap3A_421], %swap3A_424 {strides = array<i32>} : memref<192x128xf32, #tpu.memory_space<vmem>>, vector<1x16xf32>,
        %add3A_425 = arith.constant 0 : i32
        %add3A_426 = arith.addi %mul3A_386, %add3A_425 : i32
        %get3A_427 = arith.index_cast %add3A_426 : i32 to index
        %get3A_428 = arith.constant 32 : index
        %get3A_429 = tpu.vector_load %arg5[%get3A_427, %get3A_428] {strides = array<i32>} : memref<192x128xf32, #tpu.memory_space<vmem>>, vector<1x16xf32>,
        %get3A_430 = vector.shape_cast %get3A_429 : vector<1x16xf32> to vector<16xf32>
        %add3A_431 = arith.constant 0 : i32
        %add3A_432 = arith.addi %mul3A_386, %add3A_431 : i32
        %get3A_433 = arith.index_cast %add3A_432 : i32 to index
        %get3A_434 = arith.constant 32 : index
        %get3A_435 = tpu.vector_load %arg8[%get3A_433, %get3A_434] {strides = array<i32>} : memref<192x128xf32, #tpu.memory_space<vmem>>, vector<1x16xf32>,
        %get3A_436 = vector.shape_cast %get3A_435 : vector<1x16xf32> to vector<16xf32>
        %add3A_437 = arith.addf %get3A_430, %get3A_436 : vector<16xf32>
        %add3A_438 = arith.constant 0 : i32
        %add3A_439 = arith.addi %mul3A_386, %add3A_438 : i32
        %swap3A_440 = arith.index_cast %add3A_439 : i32 to index
        %swap3A_441 = arith.constant 32 : index
        %swap3A_442 = tpu.vector_load %arg5[%swap3A_440, %swap3A_441] {strides = array<i32>} : memref<192x128xf32, #tpu.memory_space<vmem>>, vector<1x16xf32>,
        %swap3A_443 = vector.shape_cast %swap3A_442 : vector<1x16xf32> to vector<16xf32>
        %swap3A_444 = vector.shape_cast %add3A_437 : vector<16xf32> to vector<1x16xf32>
        tpu.vector_store %arg5[%swap3A_440, %swap3A_441], %swap3A_444 {strides = array<i32>} : memref<192x128xf32, #tpu.memory_space<vmem>>, vector<1x16xf32>,
        %add3A_445 = arith.constant 0 : i32
        %add3A_446 = arith.addi %mul3A_386, %add3A_445 : i32
        %get3A_447 = arith.index_cast %add3A_446 : i32 to index
        %get3A_448 = arith.constant 48 : index
        %get3A_449 = tpu.vector_load %arg5[%get3A_447, %get3A_448] {strides = array<i32>} : memref<192x128xf32, #tpu.memory_space<vmem>>, vector<1x16xf32>,
        %get3A_450 = vector.shape_cast %get3A_449 : vector<1x16xf32> to vector<16xf32>
        %add3A_451 = arith.constant 0 : i32
        %add3A_452 = arith.addi %mul3A_386, %add3A_451 : i32
        %get3A_453 = arith.index_cast %add3A_452 : i32 to index
        %get3A_454 = arith.constant 48 : index
        %get3A_455 = tpu.vector_load %arg8[%get3A_453, %get3A_454] {strides = array<i32>} : memref<192x128xf32, #tpu.memory_space<vmem>>, vector<1x16xf32>,
        %get3A_456 = vector.shape_cast %get3A_455 : vector<1x16xf32> to vector<16xf32>
        %add3A_457 = arith.addf %get3A_450, %get3A_456 : vector<16xf32>
        %add3A_458 = arith.constant 0 : i32
        %add3A_459 = arith.addi %mul3A_386, %add3A_458 : i32
        %swap3A_460 = arith.index_cast %add3A_459 : i32 to index
        %swap3A_461 = arith.constant 48 : index
        %swap3A_462 = tpu.vector_load %arg5[%swap3A_460, %swap3A_461] {strides = array<i32>} : memref<192x128xf32, #tpu.memory_space<vmem>>, vector<1x16xf32>,
        %swap3A_463 = vector.shape_cast %swap3A_462 : vector<1x16xf32> to vector<16xf32>
        %swap3A_464 = vector.shape_cast %add3A_457 : vector<16xf32> to vector<1x16xf32>
        tpu.vector_store %arg5[%swap3A_460, %swap3A_461], %swap3A_464 {strides = array<i32>} : memref<192x128xf32, #tpu.memory_space<vmem>>, vector<1x16xf32>,
        %add3A_465 = arith.constant 0 : i32
        %add3A_466 = arith.addi %mul3A_386, %add3A_465 : i32
        %get3A_467 = arith.index_cast %add3A_466 : i32 to index
        %get3A_468 = arith.constant 64 : index
        %get3A_469 = tpu.vector_load %arg5[%get3A_467, %get3A_468] {strides = array<i32>} : memref<192x128xf32, #tpu.memory_space<vmem>>, vector<1x16xf32>,
        %get3A_470 = vector.shape_cast %get3A_469 : vector<1x16xf32> to vector<16xf32>
        %add3A_471 = arith.constant 0 : i32
        %add3A_472 = arith.addi %mul3A_386, %add3A_471 : i32
        %get3A_473 = arith.index_cast %add3A_472 : i32 to index
        %get3A_474 = arith.constant 64 : index
        %get3A_475 = tpu.vector_load %arg8[%get3A_473, %get3A_474] {strides = array<i32>} : memref<192x128xf32, #tpu.memory_space<vmem>>, vector<1x16xf32>,
        %get3A_476 = vector.shape_cast %get3A_475 : vector<1x16xf32> to vector<16xf32>
        %add3A_477 = arith.addf %get3A_470, %get3A_476 : vector<16xf32>
        %add3A_478 = arith.constant 0 : i32
        %add3A_479 = arith.addi %mul3A_386, %add3A_478 : i32
        %swap3A_480 = arith.index_cast %add3A_479 : i32 to index
        %swap3A_481 = arith.constant 64 : index
        %swap3A_482 = tpu.vector_load %arg5[%swap3A_480, %swap3A_481] {strides = array<i32>} : memref<192x128xf32, #tpu.memory_space<vmem>>, vector<1x16xf32>,
        %swap3A_483 = vector.shape_cast %swap3A_482 : vector<1x16xf32> to vector<16xf32>
        %swap3A_484 = vector.shape_cast %add3A_477 : vector<16xf32> to vector<1x16xf32>
        tpu.vector_store %arg5[%swap3A_480, %swap3A_481], %swap3A_484 {strides = array<i32>} : memref<192x128xf32, #tpu.memory_space<vmem>>, vector<1x16xf32>,
        %add3A_485 = arith.constant 0 : i32
        %add3A_486 = arith.addi %mul3A_386, %add3A_485 : i32
        %get3A_487 = arith.index_cast %add3A_486 : i32 to index
        %get3A_488 = arith.constant 80 : index
        %get3A_489 = tpu.vector_load %arg5[%get3A_487, %get3A_488] {strides = array<i32>} : memref<192x128xf32, #tpu.memory_space<vmem>>, vector<1x16xf32>,
        %get3A_490 = vector.shape_cast %get3A_489 : vector<1x16xf32> to vector<16xf32>
        %add3A_491 = arith.constant 0 : i32
        %add3A_492 = arith.addi %mul3A_386, %add3A_491 : i32
        %get3A_493 = arith.index_cast %add3A_492 : i32 to index
        %get3A_494 = arith.constant 80 : index
        %get3A_495 = tpu.vector_load %arg8[%get3A_493, %get3A_494] {strides = array<i32>} : memref<192x128xf32, #tpu.memory_space<vmem>>, vector<1x16xf32>,
        %get3A_496 = vector.shape_cast %get3A_495 : vector<1x16xf32> to vector<16xf32>
        %add3A_497 = arith.addf %get3A_490, %get3A_496 : vector<16xf32>
        %add3A_498 = arith.constant 0 : i32
        %add3A_499 = arith.addi %mul3A_386, %add3A_498 : i32
        %swap3A_500 = arith.index_cast %add3A_499 : i32 to index
        %swap3A_501 = arith.constant 80 : index
        %swap3A_502 = tpu.vector_load %arg5[%swap3A_500, %swap3A_501] {strides = array<i32>} : memref<192x128xf32, #tpu.memory_space<vmem>>, vector<1x16xf32>,
        %swap3A_503 = vector.shape_cast %swap3A_502 : vector<1x16xf32> to vector<16xf32>
        %swap3A_504 = vector.shape_cast %add3A_497 : vector<16xf32> to vector<1x16xf32>
        tpu.vector_store %arg5[%swap3A_500, %swap3A_501], %swap3A_504 {strides = array<i32>} : memref<192x128xf32, #tpu.memory_space<vmem>>, vector<1x16xf32>,
        %add3A_505 = arith.constant 0 : i32
        %add3A_506 = arith.addi %mul3A_386, %add3A_505 : i32
        %get3A_507 = arith.index_cast %add3A_506 : i32 to index
        %get3A_508 = arith.constant 96 : index
        %get3A_509 = tpu.vector_load %arg5[%get3A_507, %get3A_508] {strides = array<i32>} : memref<192x128xf32, #tpu.memory_space<vmem>>, vector<1x16xf32>,
        %get3A_510 = vector.shape_cast %get3A_509 : vector<1x16xf32> to vector<16xf32>
        %add3A_511 = arith.constant 0 : i32
        %add3A_512 = arith.addi %mul3A_386, %add3A_511 : i32
        %get3A_513 = arith.index_cast %add3A_512 : i32 to index
        %get3A_514 = arith.constant 96 : index
        %get3A_515 = tpu.vector_load %arg8[%get3A_513, %get3A_514] {strides = array<i32>} : memref<192x128xf32, #tpu.memory_space<vmem>>, vector<1x16xf32>,
        %get3A_516 = vector.shape_cast %get3A_515 : vector<1x16xf32> to vector<16xf32>
        %add3A_517 = arith.addf %get3A_510, %get3A_516 : vector<16xf32>
        %add3A_518 = arith.constant 0 : i32
        %add3A_519 = arith.addi %mul3A_386, %add3A_518 : i32
        %swap3A_520 = arith.index_cast %add3A_519 : i32 to index
        %swap3A_521 = arith.constant 96 : index
        %swap3A_522 = tpu.vector_load %arg5[%swap3A_520, %swap3A_521] {strides = array<i32>} : memref<192x128xf32, #tpu.memory_space<vmem>>, vector<1x16xf32>,
        %swap3A_523 = vector.shape_cast %swap3A_522 : vector<1x16xf32> to vector<16xf32>
        %swap3A_524 = vector.shape_cast %add3A_517 : vector<16xf32> to vector<1x16xf32>
        tpu.vector_store %arg5[%swap3A_520, %swap3A_521], %swap3A_524 {strides = array<i32>} : memref<192x128xf32, #tpu.memory_space<vmem>>, vector<1x16xf32>,
        %add3A_525 = arith.constant 0 : i32
        %add3A_526 = arith.addi %mul3A_386, %add3A_525 : i32
        %get3A_527 = arith.index_cast %add3A_526 : i32 to index
        %get3A_528 = arith.constant 112 : index
        %get3A_529 = tpu.vector_load %arg5[%get3A_527, %get3A_528] {strides = array<i32>} : memref<192x128xf32, #tpu.memory_space<vmem>>, vector<1x16xf32>,
        %get3A_530 = vector.shape_cast %get3A_529 : vector<1x16xf32> to vector<16xf32>
        %add3A_531 = arith.constant 0 : i32
        %add3A_532 = arith.addi %mul3A_386, %add3A_531 : i32
        %get3A_533 = arith.index_cast %add3A_532 : i32 to index
        %get3A_534 = arith.constant 112 : index
        %get3A_535 = tpu.vector_load %arg8[%get3A_533, %get3A_534] {strides = array<i32>} : memref<192x128xf32, #tpu.memory_space<vmem>>, vector<1x16xf32>,
        %get3A_536 = vector.shape_cast %get3A_535 : vector<1x16xf32> to vector<16xf32>
        %add3A_537 = arith.addf %get3A_530, %get3A_536 : vector<16xf32>
        %add3A_538 = arith.constant 0 : i32
        %add3A_539 = arith.addi %mul3A_386, %add3A_538 : i32
        %swap3A_540 = arith.index_cast %add3A_539 : i32 to index
        %swap3A_541 = arith.constant 112 : index
        %swap3A_542 = tpu.vector_load %arg5[%swap3A_540, %swap3A_541] {strides = array<i32>} : memref<192x128xf32, #tpu.memory_space<vmem>>, vector<1x16xf32>,
        %swap3A_543 = vector.shape_cast %swap3A_542 : vector<1x16xf32> to vector<16xf32>
        %swap3A_544 = vector.shape_cast %add3A_537 : vector<16xf32> to vector<1x16xf32>
        tpu.vector_store %arg5[%swap3A_540, %swap3A_541], %swap3A_544 {strides = array<i32>} : memref<192x128xf32, #tpu.memory_space<vmem>>, vector<1x16xf32>,
        %add3A_545 = arith.constant 1 : i32
        %add3A_546 = arith.addi %mul3A_386, %add3A_545 : i32
        %get3A_547 = arith.index_cast %add3A_546 : i32 to index
        %get3A_548 = arith.constant 0 : index
        %get3A_549 = tpu.vector_load %arg5[%get3A_547, %get3A_548] {strides = array<i32>} : memref<192x128xf32, #tpu.memory_space<vmem>>, vector<1x16xf32>,
        %get3A_550 = vector.shape_cast %get3A_549 : vector<1x16xf32> to vector<16xf32>
        %add3A_551 = arith.constant 1 : i32
        %add3A_552 = arith.addi %mul3A_386, %add3A_551 : i32
        %get3A_553 = arith.index_cast %add3A_552 : i32 to index
        %get3A_554 = arith.constant 0 : index
        %get3A_555 = tpu.vector_load %arg8[%get3A_553, %get3A_554] {strides = array<i32>} : memref<192x128xf32, #tpu.memory_space<vmem>>, vector<1x16xf32>,
        %get3A_556 = vector.shape_cast %get3A_555 : vector<1x16xf32> to vector<16xf32>
        %add3A_557 = arith.addf %get3A_550, %get3A_556 : vector<16xf32>
        %add3A_558 = arith.constant 1 : i32
        %add3A_559 = arith.addi %mul3A_386, %add3A_558 : i32
        %swap3A_560 = arith.index_cast %add3A_559 : i32 to index
        %swap3A_561 = arith.constant 0 : index
        %swap3A_562 = tpu.vector_load %arg5[%swap3A_560, %swap3A_561] {strides = array<i32>} : memref<192x128xf32, #tpu.memory_space<vmem>>, vector<1x16xf32>,
        %swap3A_563 = vector.shape_cast %swap3A_562 : vector<1x16xf32> to vector<16xf32>
        %swap3A_564 = vector.shape_cast %add3A_557 : vector<16xf32> to vector<1x16xf32>
        tpu.vector_store %arg5[%swap3A_560, %swap3A_561], %swap3A_564 {strides = array<i32>} : memref<192x128xf32, #tpu.memory_space<vmem>>, vector<1x16xf32>,
        %add3A_565 = arith.constant 1 : i32
        %add3A_566 = arith.addi %mul3A_386, %add3A_565 : i32
        %get3A_567 = arith.index_cast %add3A_566 : i32 to index
        %get3A_568 = arith.constant 16 : index
        %get3A_569 = tpu.vector_load %arg5[%get3A_567, %get3A_568] {strides = array<i32>} : memref<192x128xf32, #tpu.memory_space<vmem>>, vector<1x16xf32>,
        %get3A_570 = vector.shape_cast %get3A_569 : vector<1x16xf32> to vector<16xf32>
        %add3A_571 = arith.constant 1 : i32
        %add3A_572 = arith.addi %mul3A_386, %add3A_571 : i32
        %get3A_573 = arith.index_cast %add3A_572 : i32 to index
        %get3A_574 = arith.constant 16 : index
        %get3A_575 = tpu.vector_load %arg8[%get3A_573, %get3A_574] {strides = array<i32>} : memref<192x128xf32, #tpu.memory_space<vmem>>, vector<1x16xf32>,
        %get3A_576 = vector.shape_cast %get3A_575 : vector<1x16xf32> to vector<16xf32>
        %add3A_577 = arith.addf %get3A_570, %get3A_576 : vector<16xf32>
        %add3A_578 = arith.constant 1 : i32
        %add3A_579 = arith.addi %mul3A_386, %add3A_578 : i32
        %swap3A_580 = arith.index_cast %add3A_579 : i32 to index
        %swap3A_581 = arith.constant 16 : index
        %swap3A_582 = tpu.vector_load %arg5[%swap3A_580, %swap3A_581] {strides = array<i32>} : memref<192x128xf32, #tpu.memory_space<vmem>>, vector<1x16xf32>,
        %swap3A_583 = vector.shape_cast %swap3A_582 : vector<1x16xf32> to vector<16xf32>
        %swap3A_584 = vector.shape_cast %add3A_577 : vector<16xf32> to vector<1x16xf32>
        tpu.vector_store %arg5[%swap3A_580, %swap3A_581], %swap3A_584 {strides = array<i32>} : memref<192x128xf32, #tpu.memory_space<vmem>>, vector<1x16xf32>,
        %add3A_585 = arith.constant 1 : i32
        %add3A_586 = arith.addi %mul3A_386, %add3A_585 : i32
        %get3A_587 = arith.index_cast %add3A_586 : i32 to index
        %get3A_588 = arith.constant 32 : index
        %get3A_589 = tpu.vector_load %arg5[%get3A_587, %get3A_588] {strides = array<i32>} : memref<192x128xf32, #tpu.memory_space<vmem>>, vector<1x16xf32>,
        %get3A_590 = vector.shape_cast %get3A_589 : vector<1x16xf32> to vector<16xf32>
        %add3A_591 = arith.constant 1 : i32
        %add3A_592 = arith.addi %mul3A_386, %add3A_591 : i32
        %get3A_593 = arith.index_cast %add3A_592 : i32 to index
        %get3A_594 = arith.constant 32 : index
        %get3A_595 = tpu.vector_load %arg8[%get3A_593, %get3A_594] {strides = array<i32>} : memref<192x128xf32, #tpu.memory_space<vmem>>, vector<1x16xf32>,
        %get3A_596 = vector.shape_cast %get3A_595 : vector<1x16xf32> to vector<16xf32>
        %add3A_597 = arith.addf %get3A_590, %get3A_596 : vector<16xf32>
        %add3A_598 = arith.constant 1 : i32
        %add3A_599 = arith.addi %mul3A_386, %add3A_598 : i32
        %swap3A_600 = arith.index_cast %add3A_599 : i32 to index
        %swap3A_601 = arith.constant 32 : index
        %swap3A_602 = tpu.vector_load %arg5[%swap3A_600, %swap3A_601] {strides = array<i32>} : memref<192x128xf32, #tpu.memory_space<vmem>>, vector<1x16xf32>,
        %swap3A_603 = vector.shape_cast %swap3A_602 : vector<1x16xf32> to vector<16xf32>
        %swap3A_604 = vector.shape_cast %add3A_597 : vector<16xf32> to vector<1x16xf32>
        tpu.vector_store %arg5[%swap3A_600, %swap3A_601], %swap3A_604 {strides = array<i32>} : memref<192x128xf32, #tpu.memory_space<vmem>>, vector<1x16xf32>,
        %add3A_605 = arith.constant 1 : i32
        %add3A_606 = arith.addi %mul3A_386, %add3A_605 : i32
        %get3A_607 = arith.index_cast %add3A_606 : i32 to index
        %get3A_608 = arith.constant 48 : index
        %get3A_609 = tpu.vector_load %arg5[%get3A_607, %get3A_608] {strides = array<i32>} : memref<192x128xf32, #tpu.memory_space<vmem>>, vector<1x16xf32>,
        %get3A_610 = vector.shape_cast %get3A_609 : vector<1x16xf32> to vector<16xf32>
        %add3A_611 = arith.constant 1 : i32
        %add3A_612 = arith.addi %mul3A_386, %add3A_611 : i32
        %get3A_613 = arith.index_cast %add3A_612 : i32 to index
        %get3A_614 = arith.constant 48 : index
        %get3A_615 = tpu.vector_load %arg8[%get3A_613, %get3A_614] {strides = array<i32>} : memref<192x128xf32, #tpu.memory_space<vmem>>, vector<1x16xf32>,
        %get3A_616 = vector.shape_cast %get3A_615 : vector<1x16xf32> to vector<16xf32>
        %add3A_617 = arith.addf %get3A_610, %get3A_616 : vector<16xf32>
        %add3A_618 = arith.constant 1 : i32
        %add3A_619 = arith.addi %mul3A_386, %add3A_618 : i32
        %swap3A_620 = arith.index_cast %add3A_619 : i32 to index
        %swap3A_621 = arith.constant 48 : index
        %swap3A_622 = tpu.vector_load %arg5[%swap3A_620, %swap3A_621] {strides = array<i32>} : memref<192x128xf32, #tpu.memory_space<vmem>>, vector<1x16xf32>,
        %swap3A_623 = vector.shape_cast %swap3A_622 : vector<1x16xf32> to vector<16xf32>
        %swap3A_624 = vector.shape_cast %add3A_617 : vector<16xf32> to vector<1x16xf32>
        tpu.vector_store %arg5[%swap3A_620, %swap3A_621], %swap3A_624 {strides = array<i32>} : memref<192x128xf32, #tpu.memory_space<vmem>>, vector<1x16xf32>,
        %add3A_625 = arith.constant 1 : i32
        %add3A_626 = arith.addi %mul3A_386, %add3A_625 : i32
        %get3A_627 = arith.index_cast %add3A_626 : i32 to index
        %get3A_628 = arith.constant 64 : index
        %get3A_629 = tpu.vector_load %arg5[%get3A_627, %get3A_628] {strides = array<i32>} : memref<192x128xf32, #tpu.memory_space<vmem>>, vector<1x16xf32>,
        %get3A_630 = vector.shape_cast %get3A_629 : vector<1x16xf32> to vector<16xf32>
        %add3A_631 = arith.constant 1 : i32
        %add3A_632 = arith.addi %mul3A_386, %add3A_631 : i32
        %get3A_633 = arith.index_cast %add3A_632 : i32 to index
        %get3A_634 = arith.constant 64 : index
        %get3A_635 = tpu.vector_load %arg8[%get3A_633, %get3A_634] {strides = array<i32>} : memref<192x128xf32, #tpu.memory_space<vmem>>, vector<1x16xf32>,
        %get3A_636 = vector.shape_cast %get3A_635 : vector<1x16xf32> to vector<16xf32>
        %add3A_637 = arith.addf %get3A_630, %get3A_636 : vector<16xf32>
        %add3A_638 = arith.constant 1 : i32
        %add3A_639 = arith.addi %mul3A_386, %add3A_638 : i32
        %swap3A_640 = arith.index_cast %add3A_639 : i32 to index
        %swap3A_641 = arith.constant 64 : index
        %swap3A_642 = tpu.vector_load %arg5[%swap3A_640, %swap3A_641] {strides = array<i32>} : memref<192x128xf32, #tpu.memory_space<vmem>>, vector<1x16xf32>,
        %swap3A_643 = vector.shape_cast %swap3A_642 : vector<1x16xf32> to vector<16xf32>
        %swap3A_644 = vector.shape_cast %add3A_637 : vector<16xf32> to vector<1x16xf32>
        tpu.vector_store %arg5[%swap3A_640, %swap3A_641], %swap3A_644 {strides = array<i32>} : memref<192x128xf32, #tpu.memory_space<vmem>>, vector<1x16xf32>,
        %add3A_645 = arith.constant 1 : i32
        %add3A_646 = arith.addi %mul3A_386, %add3A_645 : i32
        %get3A_647 = arith.index_cast %add3A_646 : i32 to index
        %get3A_648 = arith.constant 80 : index
        %get3A_649 = tpu.vector_load %arg5[%get3A_647, %get3A_648] {strides = array<i32>} : memref<192x128xf32, #tpu.memory_space<vmem>>, vector<1x16xf32>,
        %get3A_650 = vector.shape_cast %get3A_649 : vector<1x16xf32> to vector<16xf32>
        %add3A_651 = arith.constant 1 : i32
        %add3A_652 = arith.addi %mul3A_386, %add3A_651 : i32
        %get3A_653 = arith.index_cast %add3A_652 : i32 to index
        %get3A_654 = arith.constant 80 : index
        %get3A_655 = tpu.vector_load %arg8[%get3A_653, %get3A_654] {strides = array<i32>} : memref<192x128xf32, #tpu.memory_space<vmem>>, vector<1x16xf32>,
        %get3A_656 = vector.shape_cast %get3A_655 : vector<1x16xf32> to vector<16xf32>
        %add3A_657 = arith.addf %get3A_650, %get3A_656 : vector<16xf32>
        %add3A_658 = arith.constant 1 : i32
        %add3A_659 = arith.addi %mul3A_386, %add3A_658 : i32
        %swap3A_660 = arith.index_cast %add3A_659 : i32 to index
        %swap3A_661 = arith.constant 80 : index
        %swap3A_662 = tpu.vector_load %arg5[%swap3A_660, %swap3A_661] {strides = array<i32>} : memref<192x128xf32, #tpu.memory_space<vmem>>, vector<1x16xf32>,
        %swap3A_663 = vector.shape_cast %swap3A_662 : vector<1x16xf32> to vector<16xf32>
        %swap3A_664 = vector.shape_cast %add3A_657 : vector<16xf32> to vector<1x16xf32>
        tpu.vector_store %arg5[%swap3A_660, %swap3A_661], %swap3A_664 {strides = array<i32>} : memref<192x128xf32, #tpu.memory_space<vmem>>, vector<1x16xf32>,
        %add3A_665 = arith.constant 1 : i32
        %add3A_666 = arith.addi %mul3A_386, %add3A_665 : i32
        %get3A_667 = arith.index_cast %add3A_666 : i32 to index
        %get3A_668 = arith.constant 96 : index
        %get3A_669 = tpu.vector_load %arg5[%get3A_667, %get3A_668] {strides = array<i32>} : memref<192x128xf32, #tpu.memory_space<vmem>>, vector<1x16xf32>,
        %get3A_670 = vector.shape_cast %get3A_669 : vector<1x16xf32> to vector<16xf32>
        %add3A_671 = arith.constant 1 : i32
        %add3A_672 = arith.addi %mul3A_386, %add3A_671 : i32
        %get3A_673 = arith.index_cast %add3A_672 : i32 to index
        %get3A_674 = arith.constant 96 : index
        %get3A_675 = tpu.vector_load %arg8[%get3A_673, %get3A_674] {strides = array<i32>} : memref<192x128xf32, #tpu.memory_space<vmem>>, vector<1x16xf32>,
        %get3A_676 = vector.shape_cast %get3A_675 : vector<1x16xf32> to vector<16xf32>
        %add3A_677 = arith.addf %get3A_670, %get3A_676 : vector<16xf32>
        %add3A_678 = arith.constant 1 : i32
        %add3A_679 = arith.addi %mul3A_386, %add3A_678 : i32
        %swap3A_680 = arith.index_cast %add3A_679 : i32 to index
        %swap3A_681 = arith.constant 96 : index
        %swap3A_682 = tpu.vector_load %arg5[%swap3A_680, %swap3A_681] {strides = array<i32>} : memref<192x128xf32, #tpu.memory_space<vmem>>, vector<1x16xf32>,
        %swap3A_683 = vector.shape_cast %swap3A_682 : vector<1x16xf32> to vector<16xf32>
        %swap3A_684 = vector.shape_cast %add3A_677 : vector<16xf32> to vector<1x16xf32>
        tpu.vector_store %arg5[%swap3A_680, %swap3A_681], %swap3A_684 {strides = array<i32>} : memref<192x128xf32, #tpu.memory_space<vmem>>, vector<1x16xf32>,
        %add3A_685 = arith.constant 1 : i32
        %add3A_686 = arith.addi %mul3A_386, %add3A_685 : i32
        %get3A_687 = arith.index_cast %add3A_686 : i32 to index
        %get3A_688 = arith.constant 112 : index
        %get3A_689 = tpu.vector_load %arg5[%get3A_687, %get3A_688] {strides = array<i32>} : memref<192x128xf32, #tpu.memory_space<vmem>>, vector<1x16xf32>,
        %get3A_690 = vector.shape_cast %get3A_689 : vector<1x16xf32> to vector<16xf32>
        %add3A_691 = arith.constant 1 : i32
        %add3A_692 = arith.addi %mul3A_386, %add3A_691 : i32
        %get3A_693 = arith.index_cast %add3A_692 : i32 to index
        %get3A_694 = arith.constant 112 : index
        %get3A_695 = tpu.vector_load %arg8[%get3A_693, %get3A_694] {strides = array<i32>} : memref<192x128xf32, #tpu.memory_space<vmem>>, vector<1x16xf32>,
        %get3A_696 = vector.shape_cast %get3A_695 : vector<1x16xf32> to vector<16xf32>
        %add3A_697 = arith.addf %get3A_690, %get3A_696 : vector<16xf32>
        %add3A_698 = arith.constant 1 : i32
        %add3A_699 = arith.addi %mul3A_386, %add3A_698 : i32
        %swap3A_700 = arith.index_cast %add3A_699 : i32 to index
        %swap3A_701 = arith.constant 112 : index
        %swap3A_702 = tpu.vector_load %arg5[%swap3A_700, %swap3A_701] {strides = array<i32>} : memref<192x128xf32, #tpu.memory_space<vmem>>, vector<1x16xf32>,
        %swap3A_703 = vector.shape_cast %swap3A_702 : vector<1x16xf32> to vector<16xf32>
        %swap3A_704 = vector.shape_cast %add3A_697 : vector<16xf32> to vector<1x16xf32>
        tpu.vector_store %arg5[%swap3A_700, %swap3A_701], %swap3A_704 {strides = array<i32>} : memref<192x128xf32, #tpu.memory_space<vmem>>, vector<1x16xf32>,
        %scan3A_705 = arith.constant 0 : i32
        scf.yield %scan3A_705 : i32
      }
      %scan3A_250 = arith.constant 96 : i32
      %div3A_251 = arith.constant 4 : i32
      %div3A_252 = arith.divsi %add3A_237, %div3A_251 : i32
      %rem3A_253 = arith.constant 4 : i32
      %rem3A_254 = arith.remsi %add3A_237, %rem3A_253 : i32
      %mul3A_255 = arith.constant 49152 : i32
      %mul3A_256 = arith.muli %rem3A_254, %mul3A_255 : i32
      %add3A_257 = arith.addi %mul3A_256, %mul3A_2 : i32
      %mul3A_258 = arith.constant 192 : i32
      %mul3A_259 = arith.muli %div3A_252, %mul3A_258 : i32
      %add3A_260 = arith.addi %add3A_257, %mul3A_259 : i32
      %dma_start3A_261 = arith.constant 0 : i32
      %dma_start3A_262 = tpu.memref_slice %arg4[%add3A_260, %dma_start3A_261] : memref<196608x128xf32, #tpu.memory_space<hbm>> -> memref<192x128xf32, #tpu.memory_space<hbm>>
      %dma_start3A_263 = arith.constant 0 : i32
      %dma_start3A_264 = tpu.memref_slice %arg4[%add3A_260, %dma_start3A_263] : memref<196608x128xf32, #tpu.memory_space<hbm>> -> memref<192x128xf32, #tpu.memory_space<hbm>>
      tpu.enqueue_dma source(%arg5 : memref<192x128xf32, #tpu.memory_space<vmem>>) target(%dma_start3A_264 : memref<192x128xf32, #tpu.memory_space<hbm>>) target_semaphore(%arg11 : memref<!tpu.dma_semaphore, #tpu.memory_space<semaphore_mem>>)
      %dma_wait3A_265 = arith.constant 0 : i32
      %dma_wait3A_266 = arith.constant 0 : i32
      %dma_wait3A_267 = tpu.memref_slice %arg2[%dma_wait3A_265, %dma_wait3A_266] : memref<196608x128xf32, #tpu.memory_space<hbm>> -> memref<192x128xf32, #tpu.memory_space<hbm>>
      %dma_wait3A_268 = arith.constant 0 : i32
      %dma_wait3A_269 = arith.constant 0 : i32
      %dma_wait3A_270 = tpu.memref_slice %arg2[%dma_wait3A_268, %dma_wait3A_269] : memref<196608x128xf32, #tpu.memory_space<hbm>> -> memref<192x128xf32, #tpu.memory_space<hbm>>
      tpu.wait_dma2 semaphore(%arg10 : memref<!tpu.dma_semaphore, #tpu.memory_space<semaphore_mem>>) src(%dma_wait3A_270 : memref<192x128xf32, #tpu.memory_space<hbm>>) dst(%arg6 : memref<192x128xf32, #tpu.memory_space<vmem>>)
      %scan3A_271 = arith.constant 0 : i32
      %scan3A_272 = arith.constant 0 : i32
      %scan3A_273 = arith.constant 96 : i32
      %scan3A_274 = arith.addi %scan3A_272, %scan3A_273 : i32
      %scan3A_275 = arith.constant 1 : i32
      %scan3A_276 = scf.for %scan3A_383 = %scan3A_272 to %scan3A_274 step %scan3A_275 iter_args(%scan3A_384 = %scan3A_271) -> (i32)  : i32 {
        %mul3A_385 = arith.constant 2 : i32
        %mul3A_386 = arith.muli %scan3A_383, %mul3A_385 : i32
        %add3A_387 = arith.constant 0 : i32
        %add3A_388 = arith.addi %mul3A_386, %add3A_387 : i32
        %get3A = arith.index_cast %add3A_388 : i32 to index
        %get3A_389 = arith.constant 0 : index
        %get3A_390 = tpu.vector_load %arg6[%get3A, %get3A_389] {strides = array<i32>} : memref<192x128xf32, #tpu.memory_space<vmem>>, vector<1x16xf32>,
        %get3A_391 = vector.shape_cast %get3A_390 : vector<1x16xf32> to vector<16xf32>
        %add3A_392 = arith.constant 0 : i32
        %add3A_393 = arith.addi %mul3A_386, %add3A_392 : i32
        %get3A_394 = arith.index_cast %add3A_393 : i32 to index
        %get3A_395 = arith.constant 0 : index
        %get3A_396 = tpu.vector_load %arg8[%get3A_394, %get3A_395] {strides = array<i32>} : memref<192x128xf32, #tpu.memory_space<vmem>>, vector<1x16xf32>,
        %get3A_397 = vector.shape_cast %get3A_396 : vector<1x16xf32> to vector<16xf32>
        %add3A_398 = arith.addf %get3A_391, %get3A_397 : vector<16xf32>
        %add3A_399 = arith.constant 0 : i32
        %add3A_400 = arith.addi %mul3A_386, %add3A_399 : i32
        %swap3A = arith.index_cast %add3A_400 : i32 to index
        %swap3A_401 = arith.constant 0 : index
        %swap3A_402 = tpu.vector_load %arg6[%swap3A, %swap3A_401] {strides = array<i32>} : memref<192x128xf32, #tpu.memory_space<vmem>>, vector<1x16xf32>,
        %swap3A_403 = vector.shape_cast %swap3A_402 : vector<1x16xf32> to vector<16xf32>
        %swap3A_404 = vector.shape_cast %add3A_398 : vector<16xf32> to vector<1x16xf32>
        tpu.vector_store %arg6[%swap3A, %swap3A_401], %swap3A_404 {strides = array<i32>} : memref<192x128xf32, #tpu.memory_space<vmem>>, vector<1x16xf32>,
        %add3A_405 = arith.constant 0 : i32
        %add3A_406 = arith.addi %mul3A_386, %add3A_405 : i32
        %get3A_407 = arith.index_cast %add3A_406 : i32 to index
        %get3A_408 = arith.constant 16 : index
        %get3A_409 = tpu.vector_load %arg6[%get3A_407, %get3A_408] {strides = array<i32>} : memref<192x128xf32, #tpu.memory_space<vmem>>, vector<1x16xf32>,
        %get3A_410 = vector.shape_cast %get3A_409 : vector<1x16xf32> to vector<16xf32>
        %add3A_411 = arith.constant 0 : i32
        %add3A_412 = arith.addi %mul3A_386, %add3A_411 : i32
        %get3A_413 = arith.index_cast %add3A_412 : i32 to index
        %get3A_414 = arith.constant 16 : index
        %get3A_415 = tpu.vector_load %arg8[%get3A_413, %get3A_414] {strides = array<i32>} : memref<192x128xf32, #tpu.memory_space<vmem>>, vector<1x16xf32>,
        %get3A_416 = vector.shape_cast %get3A_415 : vector<1x16xf32> to vector<16xf32>
        %add3A_417 = arith.addf %get3A_410, %get3A_416 : vector<16xf32>
        %add3A_418 = arith.constant 0 : i32
        %add3A_419 = arith.addi %mul3A_386, %add3A_418 : i32
        %swap3A_420 = arith.index_cast %add3A_419 : i32 to index
        %swap3A_421 = arith.constant 16 : index
        %swap3A_422 = tpu.vector_load %arg6[%swap3A_420, %swap3A_421] {strides = array<i32>} : memref<192x128xf32, #tpu.memory_space<vmem>>, vector<1x16xf32>,
        %swap3A_423 = vector.shape_cast %swap3A_422 : vector<1x16xf32> to vector<16xf32>
        %swap3A_424 = vector.shape_cast %add3A_417 : vector<16xf32> to vector<1x16xf32>
        tpu.vector_store %arg6[%swap3A_420, %swap3A_421], %swap3A_424 {strides = array<i32>} : memref<192x128xf32, #tpu.memory_space<vmem>>, vector<1x16xf32>,
        %add3A_425 = arith.constant 0 : i32
        %add3A_426 = arith.addi %mul3A_386, %add3A_425 : i32
        %get3A_427 = arith.index_cast %add3A_426 : i32 to index
        %get3A_428 = arith.constant 32 : index
        %get3A_429 = tpu.vector_load %arg6[%get3A_427, %get3A_428] {strides = array<i32>} : memref<192x128xf32, #tpu.memory_space<vmem>>, vector<1x16xf32>,
        %get3A_430 = vector.shape_cast %get3A_429 : vector<1x16xf32> to vector<16xf32>
        %add3A_431 = arith.constant 0 : i32
        %add3A_432 = arith.addi %mul3A_386, %add3A_431 : i32
        %get3A_433 = arith.index_cast %add3A_432 : i32 to index
        %get3A_434 = arith.constant 32 : index
        %get3A_435 = tpu.vector_load %arg8[%get3A_433, %get3A_434] {strides = array<i32>} : memref<192x128xf32, #tpu.memory_space<vmem>>, vector<1x16xf32>,
        %get3A_436 = vector.shape_cast %get3A_435 : vector<1x16xf32> to vector<16xf32>
        %add3A_437 = arith.addf %get3A_430, %get3A_436 : vector<16xf32>
        %add3A_438 = arith.constant 0 : i32
        %add3A_439 = arith.addi %mul3A_386, %add3A_438 : i32
        %swap3A_440 = arith.index_cast %add3A_439 : i32 to index
        %swap3A_441 = arith.constant 32 : index
        %swap3A_442 = tpu.vector_load %arg6[%swap3A_440, %swap3A_441] {strides = array<i32>} : memref<192x128xf32, #tpu.memory_space<vmem>>, vector<1x16xf32>,
        %swap3A_443 = vector.shape_cast %swap3A_442 : vector<1x16xf32> to vector<16xf32>
        %swap3A_444 = vector.shape_cast %add3A_437 : vector<16xf32> to vector<1x16xf32>
        tpu.vector_store %arg6[%swap3A_440, %swap3A_441], %swap3A_444 {strides = array<i32>} : memref<192x128xf32, #tpu.memory_space<vmem>>, vector<1x16xf32>,
        %add3A_445 = arith.constant 0 : i32
        %add3A_446 = arith.addi %mul3A_386, %add3A_445 : i32
        %get3A_447 = arith.index_cast %add3A_446 : i32 to index
        %get3A_448 = arith.constant 48 : index
        %get3A_449 = tpu.vector_load %arg6[%get3A_447, %get3A_448] {strides = array<i32>} : memref<192x128xf32, #tpu.memory_space<vmem>>, vector<1x16xf32>,
        %get3A_450 = vector.shape_cast %get3A_449 : vector<1x16xf32> to vector<16xf32>
        %add3A_451 = arith.constant 0 : i32
        %add3A_452 = arith.addi %mul3A_386, %add3A_451 : i32
        %get3A_453 = arith.index_cast %add3A_452 : i32 to index
        %get3A_454 = arith.constant 48 : index
        %get3A_455 = tpu.vector_load %arg8[%get3A_453, %get3A_454] {strides = array<i32>} : memref<192x128xf32, #tpu.memory_space<vmem>>, vector<1x16xf32>,
        %get3A_456 = vector.shape_cast %get3A_455 : vector<1x16xf32> to vector<16xf32>
        %add3A_457 = arith.addf %get3A_450, %get3A_456 : vector<16xf32>
        %add3A_458 = arith.constant 0 : i32
        %add3A_459 = arith.addi %mul3A_386, %add3A_458 : i32
        %swap3A_460 = arith.index_cast %add3A_459 : i32 to index
        %swap3A_461 = arith.constant 48 : index
        %swap3A_462 = tpu.vector_load %arg6[%swap3A_460, %swap3A_461] {strides = array<i32>} : memref<192x128xf32, #tpu.memory_space<vmem>>, vector<1x16xf32>,
        %swap3A_463 = vector.shape_cast %swap3A_462 : vector<1x16xf32> to vector<16xf32>
        %swap3A_464 = vector.shape_cast %add3A_457 : vector<16xf32> to vector<1x16xf32>
        tpu.vector_store %arg6[%swap3A_460, %swap3A_461], %swap3A_464 {strides = array<i32>} : memref<192x128xf32, #tpu.memory_space<vmem>>, vector<1x16xf32>,
        %add3A_465 = arith.constant 0 : i32
        %add3A_466 = arith.addi %mul3A_386, %add3A_465 : i32
        %get3A_467 = arith.index_cast %add3A_466 : i32 to index
        %get3A_468 = arith.constant 64 : index
        %get3A_469 = tpu.vector_load %arg6[%get3A_467, %get3A_468] {strides = array<i32>} : memref<192x128xf32, #tpu.memory_space<vmem>>, vector<1x16xf32>,
        %get3A_470 = vector.shape_cast %get3A_469 : vector<1x16xf32> to vector<16xf32>
        %add3A_471 = arith.constant 0 : i32
        %add3A_472 = arith.addi %mul3A_386, %add3A_471 : i32
        %get3A_473 = arith.index_cast %add3A_472 : i32 to index
        %get3A_474 = arith.constant 64 : index
        %get3A_475 = tpu.vector_load %arg8[%get3A_473, %get3A_474] {strides = array<i32>} : memref<192x128xf32, #tpu.memory_space<vmem>>, vector<1x16xf32>,
        %get3A_476 = vector.shape_cast %get3A_475 : vector<1x16xf32> to vector<16xf32>
        %add3A_477 = arith.addf %get3A_470, %get3A_476 : vector<16xf32>
        %add3A_478 = arith.constant 0 : i32
        %add3A_479 = arith.addi %mul3A_386, %add3A_478 : i32
        %swap3A_480 = arith.index_cast %add3A_479 : i32 to index
        %swap3A_481 = arith.constant 64 : index
        %swap3A_482 = tpu.vector_load %arg6[%swap3A_480, %swap3A_481] {strides = array<i32>} : memref<192x128xf32, #tpu.memory_space<vmem>>, vector<1x16xf32>,
        %swap3A_483 = vector.shape_cast %swap3A_482 : vector<1x16xf32> to vector<16xf32>
        %swap3A_484 = vector.shape_cast %add3A_477 : vector<16xf32> to vector<1x16xf32>
        tpu.vector_store %arg6[%swap3A_480, %swap3A_481], %swap3A_484 {strides = array<i32>} : memref<192x128xf32, #tpu.memory_space<vmem>>, vector<1x16xf32>,
        %add3A_485 = arith.constant 0 : i32
        %add3A_486 = arith.addi %mul3A_386, %add3A_485 : i32
        %get3A_487 = arith.index_cast %add3A_486 : i32 to index
        %get3A_488 = arith.constant 80 : index
        %get3A_489 = tpu.vector_load %arg6[%get3A_487, %get3A_488] {strides = array<i32>} : memref<192x128xf32, #tpu.memory_space<vmem>>, vector<1x16xf32>,
        %get3A_490 = vector.shape_cast %get3A_489 : vector<1x16xf32> to vector<16xf32>
        %add3A_491 = arith.constant 0 : i32
        %add3A_492 = arith.addi %mul3A_386, %add3A_491 : i32
        %get3A_493 = arith.index_cast %add3A_492 : i32 to index
        %get3A_494 = arith.constant 80 : index
        %get3A_495 = tpu.vector_load %arg8[%get3A_493, %get3A_494] {strides = array<i32>} : memref<192x128xf32, #tpu.memory_space<vmem>>, vector<1x16xf32>,
        %get3A_496 = vector.shape_cast %get3A_495 : vector<1x16xf32> to vector<16xf32>
        %add3A_497 = arith.addf %get3A_490, %get3A_496 : vector<16xf32>
        %add3A_498 = arith.constant 0 : i32
        %add3A_499 = arith.addi %mul3A_386, %add3A_498 : i32
        %swap3A_500 = arith.index_cast %add3A_499 : i32 to index
        %swap3A_501 = arith.constant 80 : index
        %swap3A_502 = tpu.vector_load %arg6[%swap3A_500, %swap3A_501] {strides = array<i32>} : memref<192x128xf32, #tpu.memory_space<vmem>>, vector<1x16xf32>,
        %swap3A_503 = vector.shape_cast %swap3A_502 : vector<1x16xf32> to vector<16xf32>
        %swap3A_504 = vector.shape_cast %add3A_497 : vector<16xf32> to vector<1x16xf32>
        tpu.vector_store %arg6[%swap3A_500, %swap3A_501], %swap3A_504 {strides = array<i32>} : memref<192x128xf32, #tpu.memory_space<vmem>>, vector<1x16xf32>,
        %add3A_505 = arith.constant 0 : i32
        %add3A_506 = arith.addi %mul3A_386, %add3A_505 : i32
        %get3A_507 = arith.index_cast %add3A_506 : i32 to index
        %get3A_508 = arith.constant 96 : index
        %get3A_509 = tpu.vector_load %arg6[%get3A_507, %get3A_508] {strides = array<i32>} : memref<192x128xf32, #tpu.memory_space<vmem>>, vector<1x16xf32>,
        %get3A_510 = vector.shape_cast %get3A_509 : vector<1x16xf32> to vector<16xf32>
        %add3A_511 = arith.constant 0 : i32
        %add3A_512 = arith.addi %mul3A_386, %add3A_511 : i32
        %get3A_513 = arith.index_cast %add3A_512 : i32 to index
        %get3A_514 = arith.constant 96 : index
        %get3A_515 = tpu.vector_load %arg8[%get3A_513, %get3A_514] {strides = array<i32>} : memref<192x128xf32, #tpu.memory_space<vmem>>, vector<1x16xf32>,
        %get3A_516 = vector.shape_cast %get3A_515 : vector<1x16xf32> to vector<16xf32>
        %add3A_517 = arith.addf %get3A_510, %get3A_516 : vector<16xf32>
        %add3A_518 = arith.constant 0 : i32
        %add3A_519 = arith.addi %mul3A_386, %add3A_518 : i32
        %swap3A_520 = arith.index_cast %add3A_519 : i32 to index
        %swap3A_521 = arith.constant 96 : index
        %swap3A_522 = tpu.vector_load %arg6[%swap3A_520, %swap3A_521] {strides = array<i32>} : memref<192x128xf32, #tpu.memory_space<vmem>>, vector<1x16xf32>,
        %swap3A_523 = vector.shape_cast %swap3A_522 : vector<1x16xf32> to vector<16xf32>
        %swap3A_524 = vector.shape_cast %add3A_517 : vector<16xf32> to vector<1x16xf32>
        tpu.vector_store %arg6[%swap3A_520, %swap3A_521], %swap3A_524 {strides = array<i32>} : memref<192x128xf32, #tpu.memory_space<vmem>>, vector<1x16xf32>,
        %add3A_525 = arith.constant 0 : i32
        %add3A_526 = arith.addi %mul3A_386, %add3A_525 : i32
        %get3A_527 = arith.index_cast %add3A_526 : i32 to index
        %get3A_528 = arith.constant 112 : index
        %get3A_529 = tpu.vector_load %arg6[%get3A_527, %get3A_528] {strides = array<i32>} : memref<192x128xf32, #tpu.memory_space<vmem>>, vector<1x16xf32>,
        %get3A_530 = vector.shape_cast %get3A_529 : vector<1x16xf32> to vector<16xf32>
        %add3A_531 = arith.constant 0 : i32
        %add3A_532 = arith.addi %mul3A_386, %add3A_531 : i32
        %get3A_533 = arith.index_cast %add3A_532 : i32 to index
        %get3A_534 = arith.constant 112 : index
        %get3A_535 = tpu.vector_load %arg8[%get3A_533, %get3A_534] {strides = array<i32>} : memref<192x128xf32, #tpu.memory_space<vmem>>, vector<1x16xf32>,
        %get3A_536 = vector.shape_cast %get3A_535 : vector<1x16xf32> to vector<16xf32>
        %add3A_537 = arith.addf %get3A_530, %get3A_536 : vector<16xf32>
        %add3A_538 = arith.constant 0 : i32
        %add3A_539 = arith.addi %mul3A_386, %add3A_538 : i32
        %swap3A_540 = arith.index_cast %add3A_539 : i32 to index
        %swap3A_541 = arith.constant 112 : index
        %swap3A_542 = tpu.vector_load %arg6[%swap3A_540, %swap3A_541] {strides = array<i32>} : memref<192x128xf32, #tpu.memory_space<vmem>>, vector<1x16xf32>,
        %swap3A_543 = vector.shape_cast %swap3A_542 : vector<1x16xf32> to vector<16xf32>
        %swap3A_544 = vector.shape_cast %add3A_537 : vector<16xf32> to vector<1x16xf32>
        tpu.vector_store %arg6[%swap3A_540, %swap3A_541], %swap3A_544 {strides = array<i32>} : memref<192x128xf32, #tpu.memory_space<vmem>>, vector<1x16xf32>,
        %add3A_545 = arith.constant 1 : i32
        %add3A_546 = arith.addi %mul3A_386, %add3A_545 : i32
        %get3A_547 = arith.index_cast %add3A_546 : i32 to index
        %get3A_548 = arith.constant 0 : index
        %get3A_549 = tpu.vector_load %arg6[%get3A_547, %get3A_548] {strides = array<i32>} : memref<192x128xf32, #tpu.memory_space<vmem>>, vector<1x16xf32>,
        %get3A_550 = vector.shape_cast %get3A_549 : vector<1x16xf32> to vector<16xf32>
        %add3A_551 = arith.constant 1 : i32
        %add3A_552 = arith.addi %mul3A_386, %add3A_551 : i32
        %get3A_553 = arith.index_cast %add3A_552 : i32 to index
        %get3A_554 = arith.constant 0 : index
        %get3A_555 = tpu.vector_load %arg8[%get3A_553, %get3A_554] {strides = array<i32>} : memref<192x128xf32, #tpu.memory_space<vmem>>, vector<1x16xf32>,
        %get3A_556 = vector.shape_cast %get3A_555 : vector<1x16xf32> to vector<16xf32>
        %add3A_557 = arith.addf %get3A_550, %get3A_556 : vector<16xf32>
        %add3A_558 = arith.constant 1 : i32
        %add3A_559 = arith.addi %mul3A_386, %add3A_558 : i32
        %swap3A_560 = arith.index_cast %add3A_559 : i32 to index
        %swap3A_561 = arith.constant 0 : index
        %swap3A_562 = tpu.vector_load %arg6[%swap3A_560, %swap3A_561] {strides = array<i32>} : memref<192x128xf32, #tpu.memory_space<vmem>>, vector<1x16xf32>,
        %swap3A_563 = vector.shape_cast %swap3A_562 : vector<1x16xf32> to vector<16xf32>
        %swap3A_564 = vector.shape_cast %add3A_557 : vector<16xf32> to vector<1x16xf32>
        tpu.vector_store %arg6[%swap3A_560, %swap3A_561], %swap3A_564 {strides = array<i32>} : memref<192x128xf32, #tpu.memory_space<vmem>>, vector<1x16xf32>,
        %add3A_565 = arith.constant 1 : i32
        %add3A_566 = arith.addi %mul3A_386, %add3A_565 : i32
        %get3A_567 = arith.index_cast %add3A_566 : i32 to index
        %get3A_568 = arith.constant 16 : index
        %get3A_569 = tpu.vector_load %arg6[%get3A_567, %get3A_568] {strides = array<i32>} : memref<192x128xf32, #tpu.memory_space<vmem>>, vector<1x16xf32>,
        %get3A_570 = vector.shape_cast %get3A_569 : vector<1x16xf32> to vector<16xf32>
        %add3A_571 = arith.constant 1 : i32
        %add3A_572 = arith.addi %mul3A_386, %add3A_571 : i32
        %get3A_573 = arith.index_cast %add3A_572 : i32 to index
        %get3A_574 = arith.constant 16 : index
        %get3A_575 = tpu.vector_load %arg8[%get3A_573, %get3A_574] {strides = array<i32>} : memref<192x128xf32, #tpu.memory_space<vmem>>, vector<1x16xf32>,
        %get3A_576 = vector.shape_cast %get3A_575 : vector<1x16xf32> to vector<16xf32>
        %add3A_577 = arith.addf %get3A_570, %get3A_576 : vector<16xf32>
        %add3A_578 = arith.constant 1 : i32
        %add3A_579 = arith.addi %mul3A_386, %add3A_578 : i32
        %swap3A_580 = arith.index_cast %add3A_579 : i32 to index
        %swap3A_581 = arith.constant 16 : index
        %swap3A_582 = tpu.vector_load %arg6[%swap3A_580, %swap3A_581] {strides = array<i32>} : memref<192x128xf32, #tpu.memory_space<vmem>>, vector<1x16xf32>,
        %swap3A_583 = vector.shape_cast %swap3A_582 : vector<1x16xf32> to vector<16xf32>
        %swap3A_584 = vector.shape_cast %add3A_577 : vector<16xf32> to vector<1x16xf32>
        tpu.vector_store %arg6[%swap3A_580, %swap3A_581], %swap3A_584 {strides = array<i32>} : memref<192x128xf32, #tpu.memory_space<vmem>>, vector<1x16xf32>,
        %add3A_585 = arith.constant 1 : i32
        %add3A_586 = arith.addi %mul3A_386, %add3A_585 : i32
        %get3A_587 = arith.index_cast %add3A_586 : i32 to index
        %get3A_588 = arith.constant 32 : index
        %get3A_589 = tpu.vector_load %arg6[%get3A_587, %get3A_588] {strides = array<i32>} : memref<192x128xf32, #tpu.memory_space<vmem>>, vector<1x16xf32>,
        %get3A_590 = vector.shape_cast %get3A_589 : vector<1x16xf32> to vector<16xf32>
        %add3A_591 = arith.constant 1 : i32
        %add3A_592 = arith.addi %mul3A_386, %add3A_591 : i32
        %get3A_593 = arith.index_cast %add3A_592 : i32 to index
        %get3A_594 = arith.constant 32 : index
        %get3A_595 = tpu.vector_load %arg8[%get3A_593, %get3A_594] {strides = array<i32>} : memref<192x128xf32, #tpu.memory_space<vmem>>, vector<1x16xf32>,
        %get3A_596 = vector.shape_cast %get3A_595 : vector<1x16xf32> to vector<16xf32>
        %add3A_597 = arith.addf %get3A_590, %get3A_596 : vector<16xf32>
        %add3A_598 = arith.constant 1 : i32
        %add3A_599 = arith.addi %mul3A_386, %add3A_598 : i32
        %swap3A_600 = arith.index_cast %add3A_599 : i32 to index
        %swap3A_601 = arith.constant 32 : index
        %swap3A_602 = tpu.vector_load %arg6[%swap3A_600, %swap3A_601] {strides = array<i32>} : memref<192x128xf32, #tpu.memory_space<vmem>>, vector<1x16xf32>,
        %swap3A_603 = vector.shape_cast %swap3A_602 : vector<1x16xf32> to vector<16xf32>
        %swap3A_604 = vector.shape_cast %add3A_597 : vector<16xf32> to vector<1x16xf32>
        tpu.vector_store %arg6[%swap3A_600, %swap3A_601], %swap3A_604 {strides = array<i32>} : memref<192x128xf32, #tpu.memory_space<vmem>>, vector<1x16xf32>,
        %add3A_605 = arith.constant 1 : i32
        %add3A_606 = arith.addi %mul3A_386, %add3A_605 : i32
        %get3A_607 = arith.index_cast %add3A_606 : i32 to index
        %get3A_608 = arith.constant 48 : index
        %get3A_609 = tpu.vector_load %arg6[%get3A_607, %get3A_608] {strides = array<i32>} : memref<192x128xf32, #tpu.memory_space<vmem>>, vector<1x16xf32>,
        %get3A_610 = vector.shape_cast %get3A_609 : vector<1x16xf32> to vector<16xf32>
        %add3A_611 = arith.constant 1 : i32
        %add3A_612 = arith.addi %mul3A_386, %add3A_611 : i32
        %get3A_613 = arith.index_cast %add3A_612 : i32 to index
        %get3A_614 = arith.constant 48 : index
        %get3A_615 = tpu.vector_load %arg8[%get3A_613, %get3A_614] {strides = array<i32>} : memref<192x128xf32, #tpu.memory_space<vmem>>, vector<1x16xf32>,
        %get3A_616 = vector.shape_cast %get3A_615 : vector<1x16xf32> to vector<16xf32>
        %add3A_617 = arith.addf %get3A_610, %get3A_616 : vector<16xf32>
        %add3A_618 = arith.constant 1 : i32
        %add3A_619 = arith.addi %mul3A_386, %add3A_618 : i32
        %swap3A_620 = arith.index_cast %add3A_619 : i32 to index
        %swap3A_621 = arith.constant 48 : index
        %swap3A_622 = tpu.vector_load %arg6[%swap3A_620, %swap3A_621] {strides = array<i32>} : memref<192x128xf32, #tpu.memory_space<vmem>>, vector<1x16xf32>,
        %swap3A_623 = vector.shape_cast %swap3A_622 : vector<1x16xf32> to vector<16xf32>
        %swap3A_624 = vector.shape_cast %add3A_617 : vector<16xf32> to vector<1x16xf32>
        tpu.vector_store %arg6[%swap3A_620, %swap3A_621], %swap3A_624 {strides = array<i32>} : memref<192x128xf32, #tpu.memory_space<vmem>>, vector<1x16xf32>,
        %add3A_625 = arith.constant 1 : i32
        %add3A_626 = arith.addi %mul3A_386, %add3A_625 : i32
        %get3A_627 = arith.index_cast %add3A_626 : i32 to index
        %get3A_628 = arith.constant 64 : index
        %get3A_629 = tpu.vector_load %arg6[%get3A_627, %get3A_628] {strides = array<i32>} : memref<192x128xf32, #tpu.memory_space<vmem>>, vector<1x16xf32>,
        %get3A_630 = vector.shape_cast %get3A_629 : vector<1x16xf32> to vector<16xf32>
        %add3A_631 = arith.constant 1 : i32
        %add3A_632 = arith.addi %mul3A_386, %add3A_631 : i32
        %get3A_633 = arith.index_cast %add3A_632 : i32 to index
        %get3A_634 = arith.constant 64 : index
        %get3A_635 = tpu.vector_load %arg8[%get3A_633, %get3A_634] {strides = array<i32>} : memref<192x128xf32, #tpu.memory_space<vmem>>, vector<1x16xf32>,
        %get3A_636 = vector.shape_cast %get3A_635 : vector<1x16xf32> to vector<16xf32>
        %add3A_637 = arith.addf %get3A_630, %get3A_636 : vector<16xf32>
        %add3A_638 = arith.constant 1 : i32
        %add3A_639 = arith.addi %mul3A_386, %add3A_638 : i32
        %swap3A_640 = arith.index_cast %add3A_639 : i32 to index
        %swap3A_641 = arith.constant 64 : index
        %swap3A_642 = tpu.vector_load %arg6[%swap3A_640, %swap3A_641] {strides = array<i32>} : memref<192x128xf32, #tpu.memory_space<vmem>>, vector<1x16xf32>,
        %swap3A_643 = vector.shape_cast %swap3A_642 : vector<1x16xf32> to vector<16xf32>
        %swap3A_644 = vector.shape_cast %add3A_637 : vector<16xf32> to vector<1x16xf32>
        tpu.vector_store %arg6[%swap3A_640, %swap3A_641], %swap3A_644 {strides = array<i32>} : memref<192x128xf32, #tpu.memory_space<vmem>>, vector<1x16xf32>,
        %add3A_645 = arith.constant 1 : i32
        %add3A_646 = arith.addi %mul3A_386, %add3A_645 : i32
        %get3A_647 = arith.index_cast %add3A_646 : i32 to index
        %get3A_648 = arith.constant 80 : index
        %get3A_649 = tpu.vector_load %arg6[%get3A_647, %get3A_648] {strides = array<i32>} : memref<192x128xf32, #tpu.memory_space<vmem>>, vector<1x16xf32>,
        %get3A_650 = vector.shape_cast %get3A_649 : vector<1x16xf32> to vector<16xf32>
        %add3A_651 = arith.constant 1 : i32
        %add3A_652 = arith.addi %mul3A_386, %add3A_651 : i32
        %get3A_653 = arith.index_cast %add3A_652 : i32 to index
        %get3A_654 = arith.constant 80 : index
        %get3A_655 = tpu.vector_load %arg8[%get3A_653, %get3A_654] {strides = array<i32>} : memref<192x128xf32, #tpu.memory_space<vmem>>, vector<1x16xf32>,
        %get3A_656 = vector.shape_cast %get3A_655 : vector<1x16xf32> to vector<16xf32>
        %add3A_657 = arith.addf %get3A_650, %get3A_656 : vector<16xf32>
        %add3A_658 = arith.constant 1 : i32
        %add3A_659 = arith.addi %mul3A_386, %add3A_658 : i32
        %swap3A_660 = arith.index_cast %add3A_659 : i32 to index
        %swap3A_661 = arith.constant 80 : index
        %swap3A_662 = tpu.vector_load %arg6[%swap3A_660, %swap3A_661] {strides = array<i32>} : memref<192x128xf32, #tpu.memory_space<vmem>>, vector<1x16xf32>,
        %swap3A_663 = vector.shape_cast %swap3A_662 : vector<1x16xf32> to vector<16xf32>
        %swap3A_664 = vector.shape_cast %add3A_657 : vector<16xf32> to vector<1x16xf32>
        tpu.vector_store %arg6[%swap3A_660, %swap3A_661], %swap3A_664 {strides = array<i32>} : memref<192x128xf32, #tpu.memory_space<vmem>>, vector<1x16xf32>,
        %add3A_665 = arith.constant 1 : i32
        %add3A_666 = arith.addi %mul3A_386, %add3A_665 : i32
        %get3A_667 = arith.index_cast %add3A_666 : i32 to index
        %get3A_668 = arith.constant 96 : index
        %get3A_669 = tpu.vector_load %arg6[%get3A_667, %get3A_668] {strides = array<i32>} : memref<192x128xf32, #tpu.memory_space<vmem>>, vector<1x16xf32>,
        %get3A_670 = vector.shape_cast %get3A_669 : vector<1x16xf32> to vector<16xf32>
        %add3A_671 = arith.constant 1 : i32
        %add3A_672 = arith.addi %mul3A_386, %add3A_671 : i32
        %get3A_673 = arith.index_cast %add3A_672 : i32 to index
        %get3A_674 = arith.constant 96 : index
        %get3A_675 = tpu.vector_load %arg8[%get3A_673, %get3A_674] {strides = array<i32>} : memref<192x128xf32, #tpu.memory_space<vmem>>, vector<1x16xf32>,
        %get3A_676 = vector.shape_cast %get3A_675 : vector<1x16xf32> to vector<16xf32>
        %add3A_677 = arith.addf %get3A_670, %get3A_676 : vector<16xf32>
        %add3A_678 = arith.constant 1 : i32
        %add3A_679 = arith.addi %mul3A_386, %add3A_678 : i32
        %swap3A_680 = arith.index_cast %add3A_679 : i32 to index
        %swap3A_681 = arith.constant 96 : index
        %swap3A_682 = tpu.vector_load %arg6[%swap3A_680, %swap3A_681] {strides = array<i32>} : memref<192x128xf32, #tpu.memory_space<vmem>>, vector<1x16xf32>,
        %swap3A_683 = vector.shape_cast %swap3A_682 : vector<1x16xf32> to vector<16xf32>
        %swap3A_684 = vector.shape_cast %add3A_677 : vector<16xf32> to vector<1x16xf32>
        tpu.vector_store %arg6[%swap3A_680, %swap3A_681], %swap3A_684 {strides = array<i32>} : memref<192x128xf32, #tpu.memory_space<vmem>>, vector<1x16xf32>,
        %add3A_685 = arith.constant 1 : i32
        %add3A_686 = arith.addi %mul3A_386, %add3A_685 : i32
        %get3A_687 = arith.index_cast %add3A_686 : i32 to index
        %get3A_688 = arith.constant 112 : index
        %get3A_689 = tpu.vector_load %arg6[%get3A_687, %get3A_688] {strides = array<i32>} : memref<192x128xf32, #tpu.memory_space<vmem>>, vector<1x16xf32>,
        %get3A_690 = vector.shape_cast %get3A_689 : vector<1x16xf32> to vector<16xf32>
        %add3A_691 = arith.constant 1 : i32
        %add3A_692 = arith.addi %mul3A_386, %add3A_691 : i32
        %get3A_693 = arith.index_cast %add3A_692 : i32 to index
        %get3A_694 = arith.constant 112 : index
        %get3A_695 = tpu.vector_load %arg8[%get3A_693, %get3A_694] {strides = array<i32>} : memref<192x128xf32, #tpu.memory_space<vmem>>, vector<1x16xf32>,
        %get3A_696 = vector.shape_cast %get3A_695 : vector<1x16xf32> to vector<16xf32>
        %add3A_697 = arith.addf %get3A_690, %get3A_696 : vector<16xf32>
        %add3A_698 = arith.constant 1 : i32
        %add3A_699 = arith.addi %mul3A_386, %add3A_698 : i32
        %swap3A_700 = arith.index_cast %add3A_699 : i32 to index
        %swap3A_701 = arith.constant 112 : index
        %swap3A_702 = tpu.vector_load %arg6[%swap3A_700, %swap3A_701] {strides = array<i32>} : memref<192x128xf32, #tpu.memory_space<vmem>>, vector<1x16xf32>,
        %swap3A_703 = vector.shape_cast %swap3A_702 : vector<1x16xf32> to vector<16xf32>
        %swap3A_704 = vector.shape_cast %add3A_697 : vector<16xf32> to vector<1x16xf32>
        tpu.vector_store %arg6[%swap3A_700, %swap3A_701], %swap3A_704 {strides = array<i32>} : memref<192x128xf32, #tpu.memory_space<vmem>>, vector<1x16xf32>,
        %scan3A_705 = arith.constant 0 : i32
        scf.yield %scan3A_705 : i32
      }
      %scan3A_277 = arith.constant 96 : i32
      %add3A_278 = arith.constant 1 : i32
      %add3A_279 = arith.addi %add3A_237, %add3A_278 : i32
      %div3A_280 = arith.constant 4 : i32
      %div3A_281 = arith.divsi %add3A_279, %div3A_280 : i32
      %rem3A_282 = arith.constant 4 : i32
      %rem3A_283 = arith.remsi %add3A_279, %rem3A_282 : i32
      %mul3A_284 = arith.constant 49152 : i32
      %mul3A_285 = arith.muli %rem3A_283, %mul3A_284 : i32
      %add3A_286 = arith.addi %mul3A_285, %mul3A_2 : i32
      %mul3A_287 = arith.constant 192 : i32
      %mul3A_288 = arith.muli %div3A_281, %mul3A_287 : i32
      %add3A_289 = arith.addi %add3A_286, %mul3A_288 : i32
      %dma_start3A_290 = arith.constant 0 : i32
      %dma_start3A_291 = tpu.memref_slice %arg4[%add3A_289, %dma_start3A_290] : memref<196608x128xf32, #tpu.memory_space<hbm>> -> memref<192x128xf32, #tpu.memory_space<hbm>>
      %dma_start3A_292 = arith.constant 0 : i32
      %dma_start3A_293 = tpu.memref_slice %arg4[%add3A_289, %dma_start3A_292] : memref<196608x128xf32, #tpu.memory_space<hbm>> -> memref<192x128xf32, #tpu.memory_space<hbm>>
      tpu.enqueue_dma source(%arg6 : memref<192x128xf32, #tpu.memory_space<vmem>>) target(%dma_start3A_293 : memref<192x128xf32, #tpu.memory_space<hbm>>) target_semaphore(%arg12 : memref<!tpu.dma_semaphore, #tpu.memory_space<semaphore_mem>>)
      %add3A_294 = arith.constant 2 : i32
      %add3A_295 = arith.addi %add3A_237, %add3A_294 : i32
      %lt3A_296 = arith.constant 32 : i32
      %lt3A_297 = arith.cmpi slt, %add3A_295, %lt3A_296 : i32
      %convert_element_type3A_298 = arith.extui %lt3A_297 : i1 to i32
      %cond3A_299 = arith.constant 0 : i32
      %cond3A_300 = arith.cmpi ne, %convert_element_type3A_298, %cond3A_299 : i32
      scf.if %cond3A_300 {
        %dma_wait3A_383 = arith.constant 0 : i32
        %dma_wait3A_384 = arith.constant 0 : i32
        %dma_wait3A_385 = tpu.memref_slice %arg4[%dma_wait3A_383, %dma_wait3A_384] : memref<196608x128xf32, #tpu.memory_space<hbm>> -> memref<192x128xf32, #tpu.memory_space<hbm>>
        %dma_wait3A_386 = arith.constant 0 : i32
        %dma_wait3A_387 = arith.constant 0 : i32
        %dma_wait3A_388 = tpu.memref_slice %arg4[%dma_wait3A_386, %dma_wait3A_387] : memref<196608x128xf32, #tpu.memory_space<hbm>> -> memref<192x128xf32, #tpu.memory_space<hbm>>
        tpu.wait_dma2 semaphore(%arg11 : memref<!tpu.dma_semaphore, #tpu.memory_space<semaphore_mem>>) src(%arg5 : memref<192x128xf32, #tpu.memory_space<vmem>>) dst(%dma_wait3A_388 : memref<192x128xf32, #tpu.memory_space<hbm>>)
        %add3A_389 = arith.constant 2 : i32
        %add3A_390 = arith.addi %add3A_237, %add3A_389 : i32
        %div3A_391 = arith.constant 4 : i32
        %div3A_392 = arith.divsi %add3A_390, %div3A_391 : i32
        %rem3A_393 = arith.constant 4 : i32
        %rem3A_394 = arith.remsi %add3A_390, %rem3A_393 : i32
        %mul3A_395 = arith.constant 49152 : i32
        %mul3A_396 = arith.muli %rem3A_394, %mul3A_395 : i32
        %add3A_397 = arith.addi %mul3A_396, %mul3A_2 : i32
        %mul3A_398 = arith.constant 192 : i32
        %mul3A_399 = arith.muli %div3A_392, %mul3A_398 : i32
        %add3A_400 = arith.addi %add3A_397, %mul3A_399 : i32
        %dma_start3A_401 = arith.constant 0 : i32
        %dma_start3A_402 = tpu.memref_slice %arg2[%add3A_400, %dma_start3A_401] : memref<196608x128xf32, #tpu.memory_space<hbm>> -> memref<192x128xf32, #tpu.memory_space<hbm>>
        %dma_start3A_403 = arith.constant 0 : i32
        %dma_start3A_404 = tpu.memref_slice %arg2[%add3A_400, %dma_start3A_403] : memref<196608x128xf32, #tpu.memory_space<hbm>> -> memref<192x128xf32, #tpu.memory_space<hbm>>
        tpu.enqueue_dma source(%dma_start3A_404 : memref<192x128xf32, #tpu.memory_space<hbm>>) target(%arg5 : memref<192x128xf32, #tpu.memory_space<vmem>>) target_semaphore(%arg9 : memref<!tpu.dma_semaphore, #tpu.memory_space<semaphore_mem>>)
      } else {
      }
      %add3A_301 = arith.constant 3 : i32
      %add3A_302 = arith.addi %add3A_237, %add3A_301 : i32
      %lt3A_303 = arith.constant 32 : i32
      %lt3A_304 = arith.cmpi slt, %add3A_302, %lt3A_303 : i32
      %convert_element_type3A_305 = arith.extui %lt3A_304 : i1 to i32
      %cond3A_306 = arith.constant 0 : i32
      %cond3A_307 = arith.cmpi ne, %convert_element_type3A_305, %cond3A_306 : i32
      scf.if %cond3A_307 {
        %dma_wait3A_383 = arith.constant 0 : i32
        %dma_wait3A_384 = arith.constant 0 : i32
        %dma_wait3A_385 = tpu.memref_slice %arg4[%dma_wait3A_383, %dma_wait3A_384] : memref<196608x128xf32, #tpu.memory_space<hbm>> -> memref<192x128xf32, #tpu.memory_space<hbm>>
        %dma_wait3A_386 = arith.constant 0 : i32
        %dma_wait3A_387 = arith.constant 0 : i32
        %dma_wait3A_388 = tpu.memref_slice %arg4[%dma_wait3A_386, %dma_wait3A_387] : memref<196608x128xf32, #tpu.memory_space<hbm>> -> memref<192x128xf32, #tpu.memory_space<hbm>>
        tpu.wait_dma2 semaphore(%arg12 : memref<!tpu.dma_semaphore, #tpu.memory_space<semaphore_mem>>) src(%arg6 : memref<192x128xf32, #tpu.memory_space<vmem>>) dst(%dma_wait3A_388 : memref<192x128xf32, #tpu.memory_space<hbm>>)
        %add3A_389 = arith.constant 3 : i32
        %add3A_390 = arith.addi %add3A_237, %add3A_389 : i32
        %div3A_391 = arith.constant 4 : i32
        %div3A_392 = arith.divsi %add3A_390, %div3A_391 : i32
        %rem3A_393 = arith.constant 4 : i32
        %rem3A_394 = arith.remsi %add3A_390, %rem3A_393 : i32
        %mul3A_395 = arith.constant 49152 : i32
        %mul3A_396 = arith.muli %rem3A_394, %mul3A_395 : i32
        %add3A_397 = arith.addi %mul3A_396, %mul3A_2 : i32
        %mul3A_398 = arith.constant 192 : i32
        %mul3A_399 = arith.muli %div3A_392, %mul3A_398 : i32
        %add3A_400 = arith.addi %add3A_397, %mul3A_399 : i32
        %dma_start3A_401 = arith.constant 0 : i32
        %dma_start3A_402 = tpu.memref_slice %arg2[%add3A_400, %dma_start3A_401] : memref<196608x128xf32, #tpu.memory_space<hbm>> -> memref<192x128xf32, #tpu.memory_space<hbm>>
        %dma_start3A_403 = arith.constant 0 : i32
        %dma_start3A_404 = tpu.memref_slice %arg2[%add3A_400, %dma_start3A_403] : memref<196608x128xf32, #tpu.memory_space<hbm>> -> memref<192x128xf32, #tpu.memory_space<hbm>>
        tpu.enqueue_dma source(%dma_start3A_404 : memref<192x128xf32, #tpu.memory_space<hbm>>) target(%arg6 : memref<192x128xf32, #tpu.memory_space<vmem>>) target_semaphore(%arg10 : memref<!tpu.dma_semaphore, #tpu.memory_space<semaphore_mem>>)
      } else {
      }
      %mul3A_308 = arith.constant 4 : i32
      %mul3A_309 = arith.muli %add3A_220, %mul3A_308 : i32
      %add3A_310 = arith.constant 2 : i32
      %add3A_311 = arith.addi %mul3A_309, %add3A_310 : i32
      %dma_wait3A_312 = arith.constant 0 : i32
      %dma_wait3A_313 = arith.constant 0 : i32
      %dma_wait3A_314 = tpu.memref_slice %arg2[%dma_wait3A_312, %dma_wait3A_313] : memref<196608x128xf32, #tpu.memory_space<hbm>> -> memref<192x128xf32, #tpu.memory_space<hbm>>
      %dma_wait3A_315 = arith.constant 0 : i32
      %dma_wait3A_316 = arith.constant 0 : i32
      %dma_wait3A_317 = tpu.memref_slice %arg2[%dma_wait3A_315, %dma_wait3A_316] : memref<196608x128xf32, #tpu.memory_space<hbm>> -> memref<192x128xf32, #tpu.memory_space<hbm>>
      tpu.wait_dma2 semaphore(%arg9 : memref<!tpu.dma_semaphore, #tpu.memory_space<semaphore_mem>>) src(%dma_wait3A_317 : memref<192x128xf32, #tpu.memory_space<hbm>>) dst(%arg5 : memref<192x128xf32, #tpu.memory_space<vmem>>)
      %scan3A_318 = arith.constant 0 : i32
      %scan3A_319 = arith.constant 0 : i32
      %scan3A_320 = arith.constant 96 : i32
      %scan3A_321 = arith.addi %scan3A_319, %scan3A_320 : i32
      %scan3A_322 = arith.constant 1 : i32
      %scan3A_323 = scf.for %scan3A_383 = %scan3A_319 to %scan3A_321 step %scan3A_322 iter_args(%scan3A_384 = %scan3A_318) -> (i32)  : i32 {
        %mul3A_385 = arith.constant 2 : i32
        %mul3A_386 = arith.muli %scan3A_383, %mul3A_385 : i32
        %add3A_387 = arith.constant 0 : i32
        %add3A_388 = arith.addi %mul3A_386, %add3A_387 : i32
        %get3A = arith.index_cast %add3A_388 : i32 to index
        %get3A_389 = arith.constant 0 : index
        %get3A_390 = tpu.vector_load %arg5[%get3A, %get3A_389] {strides = array<i32>} : memref<192x128xf32, #tpu.memory_space<vmem>>, vector<1x16xf32>,
        %get3A_391 = vector.shape_cast %get3A_390 : vector<1x16xf32> to vector<16xf32>
        %add3A_392 = arith.constant 0 : i32
        %add3A_393 = arith.addi %mul3A_386, %add3A_392 : i32
        %get3A_394 = arith.index_cast %add3A_393 : i32 to index
        %get3A_395 = arith.constant 0 : index
        %get3A_396 = tpu.vector_load %arg8[%get3A_394, %get3A_395] {strides = array<i32>} : memref<192x128xf32, #tpu.memory_space<vmem>>, vector<1x16xf32>,
        %get3A_397 = vector.shape_cast %get3A_396 : vector<1x16xf32> to vector<16xf32>
        %add3A_398 = arith.addf %get3A_391, %get3A_397 : vector<16xf32>
        %add3A_399 = arith.constant 0 : i32
        %add3A_400 = arith.addi %mul3A_386, %add3A_399 : i32
        %swap3A = arith.index_cast %add3A_400 : i32 to index
        %swap3A_401 = arith.constant 0 : index
        %swap3A_402 = tpu.vector_load %arg5[%swap3A, %swap3A_401] {strides = array<i32>} : memref<192x128xf32, #tpu.memory_space<vmem>>, vector<1x16xf32>,
        %swap3A_403 = vector.shape_cast %swap3A_402 : vector<1x16xf32> to vector<16xf32>
        %swap3A_404 = vector.shape_cast %add3A_398 : vector<16xf32> to vector<1x16xf32>
        tpu.vector_store %arg5[%swap3A, %swap3A_401], %swap3A_404 {strides = array<i32>} : memref<192x128xf32, #tpu.memory_space<vmem>>, vector<1x16xf32>,
        %add3A_405 = arith.constant 0 : i32
        %add3A_406 = arith.addi %mul3A_386, %add3A_405 : i32
        %get3A_407 = arith.index_cast %add3A_406 : i32 to index
        %get3A_408 = arith.constant 16 : index
        %get3A_409 = tpu.vector_load %arg5[%get3A_407, %get3A_408] {strides = array<i32>} : memref<192x128xf32, #tpu.memory_space<vmem>>, vector<1x16xf32>,
        %get3A_410 = vector.shape_cast %get3A_409 : vector<1x16xf32> to vector<16xf32>
        %add3A_411 = arith.constant 0 : i32
        %add3A_412 = arith.addi %mul3A_386, %add3A_411 : i32
        %get3A_413 = arith.index_cast %add3A_412 : i32 to index
        %get3A_414 = arith.constant 16 : index
        %get3A_415 = tpu.vector_load %arg8[%get3A_413, %get3A_414] {strides = array<i32>} : memref<192x128xf32, #tpu.memory_space<vmem>>, vector<1x16xf32>,
        %get3A_416 = vector.shape_cast %get3A_415 : vector<1x16xf32> to vector<16xf32>
        %add3A_417 = arith.addf %get3A_410, %get3A_416 : vector<16xf32>
        %add3A_418 = arith.constant 0 : i32
        %add3A_419 = arith.addi %mul3A_386, %add3A_418 : i32
        %swap3A_420 = arith.index_cast %add3A_419 : i32 to index
        %swap3A_421 = arith.constant 16 : index
        %swap3A_422 = tpu.vector_load %arg5[%swap3A_420, %swap3A_421] {strides = array<i32>} : memref<192x128xf32, #tpu.memory_space<vmem>>, vector<1x16xf32>,
        %swap3A_423 = vector.shape_cast %swap3A_422 : vector<1x16xf32> to vector<16xf32>
        %swap3A_424 = vector.shape_cast %add3A_417 : vector<16xf32> to vector<1x16xf32>
        tpu.vector_store %arg5[%swap3A_420, %swap3A_421], %swap3A_424 {strides = array<i32>} : memref<192x128xf32, #tpu.memory_space<vmem>>, vector<1x16xf32>,
        %add3A_425 = arith.constant 0 : i32
        %add3A_426 = arith.addi %mul3A_386, %add3A_425 : i32
        %get3A_427 = arith.index_cast %add3A_426 : i32 to index
        %get3A_428 = arith.constant 32 : index
        %get3A_429 = tpu.vector_load %arg5[%get3A_427, %get3A_428] {strides = array<i32>} : memref<192x128xf32, #tpu.memory_space<vmem>>, vector<1x16xf32>,
        %get3A_430 = vector.shape_cast %get3A_429 : vector<1x16xf32> to vector<16xf32>
        %add3A_431 = arith.constant 0 : i32
        %add3A_432 = arith.addi %mul3A_386, %add3A_431 : i32
        %get3A_433 = arith.index_cast %add3A_432 : i32 to index
        %get3A_434 = arith.constant 32 : index
        %get3A_435 = tpu.vector_load %arg8[%get3A_433, %get3A_434] {strides = array<i32>} : memref<192x128xf32, #tpu.memory_space<vmem>>, vector<1x16xf32>,
        %get3A_436 = vector.shape_cast %get3A_435 : vector<1x16xf32> to vector<16xf32>
        %add3A_437 = arith.addf %get3A_430, %get3A_436 : vector<16xf32>
        %add3A_438 = arith.constant 0 : i32
        %add3A_439 = arith.addi %mul3A_386, %add3A_438 : i32
        %swap3A_440 = arith.index_cast %add3A_439 : i32 to index
        %swap3A_441 = arith.constant 32 : index
        %swap3A_442 = tpu.vector_load %arg5[%swap3A_440, %swap3A_441] {strides = array<i32>} : memref<192x128xf32, #tpu.memory_space<vmem>>, vector<1x16xf32>,
        %swap3A_443 = vector.shape_cast %swap3A_442 : vector<1x16xf32> to vector<16xf32>
        %swap3A_444 = vector.shape_cast %add3A_437 : vector<16xf32> to vector<1x16xf32>
        tpu.vector_store %arg5[%swap3A_440, %swap3A_441], %swap3A_444 {strides = array<i32>} : memref<192x128xf32, #tpu.memory_space<vmem>>, vector<1x16xf32>,
        %add3A_445 = arith.constant 0 : i32
        %add3A_446 = arith.addi %mul3A_386, %add3A_445 : i32
        %get3A_447 = arith.index_cast %add3A_446 : i32 to index
        %get3A_448 = arith.constant 48 : index
        %get3A_449 = tpu.vector_load %arg5[%get3A_447, %get3A_448] {strides = array<i32>} : memref<192x128xf32, #tpu.memory_space<vmem>>, vector<1x16xf32>,
        %get3A_450 = vector.shape_cast %get3A_449 : vector<1x16xf32> to vector<16xf32>
        %add3A_451 = arith.constant 0 : i32
        %add3A_452 = arith.addi %mul3A_386, %add3A_451 : i32
        %get3A_453 = arith.index_cast %add3A_452 : i32 to index
        %get3A_454 = arith.constant 48 : index
        %get3A_455 = tpu.vector_load %arg8[%get3A_453, %get3A_454] {strides = array<i32>} : memref<192x128xf32, #tpu.memory_space<vmem>>, vector<1x16xf32>,
        %get3A_456 = vector.shape_cast %get3A_455 : vector<1x16xf32> to vector<16xf32>
        %add3A_457 = arith.addf %get3A_450, %get3A_456 : vector<16xf32>
        %add3A_458 = arith.constant 0 : i32
        %add3A_459 = arith.addi %mul3A_386, %add3A_458 : i32
        %swap3A_460 = arith.index_cast %add3A_459 : i32 to index
        %swap3A_461 = arith.constant 48 : index
        %swap3A_462 = tpu.vector_load %arg5[%swap3A_460, %swap3A_461] {strides = array<i32>} : memref<192x128xf32, #tpu.memory_space<vmem>>, vector<1x16xf32>,
        %swap3A_463 = vector.shape_cast %swap3A_462 : vector<1x16xf32> to vector<16xf32>
        %swap3A_464 = vector.shape_cast %add3A_457 : vector<16xf32> to vector<1x16xf32>
        tpu.vector_store %arg5[%swap3A_460, %swap3A_461], %swap3A_464 {strides = array<i32>} : memref<192x128xf32, #tpu.memory_space<vmem>>, vector<1x16xf32>,
        %add3A_465 = arith.constant 0 : i32
        %add3A_466 = arith.addi %mul3A_386, %add3A_465 : i32
        %get3A_467 = arith.index_cast %add3A_466 : i32 to index
        %get3A_468 = arith.constant 64 : index
        %get3A_469 = tpu.vector_load %arg5[%get3A_467, %get3A_468] {strides = array<i32>} : memref<192x128xf32, #tpu.memory_space<vmem>>, vector<1x16xf32>,
        %get3A_470 = vector.shape_cast %get3A_469 : vector<1x16xf32> to vector<16xf32>
        %add3A_471 = arith.constant 0 : i32
        %add3A_472 = arith.addi %mul3A_386, %add3A_471 : i32
        %get3A_473 = arith.index_cast %add3A_472 : i32 to index
        %get3A_474 = arith.constant 64 : index
        %get3A_475 = tpu.vector_load %arg8[%get3A_473, %get3A_474] {strides = array<i32>} : memref<192x128xf32, #tpu.memory_space<vmem>>, vector<1x16xf32>,
        %get3A_476 = vector.shape_cast %get3A_475 : vector<1x16xf32> to vector<16xf32>
        %add3A_477 = arith.addf %get3A_470, %get3A_476 : vector<16xf32>
        %add3A_478 = arith.constant 0 : i32
        %add3A_479 = arith.addi %mul3A_386, %add3A_478 : i32
        %swap3A_480 = arith.index_cast %add3A_479 : i32 to index
        %swap3A_481 = arith.constant 64 : index
        %swap3A_482 = tpu.vector_load %arg5[%swap3A_480, %swap3A_481] {strides = array<i32>} : memref<192x128xf32, #tpu.memory_space<vmem>>, vector<1x16xf32>,
        %swap3A_483 = vector.shape_cast %swap3A_482 : vector<1x16xf32> to vector<16xf32>
        %swap3A_484 = vector.shape_cast %add3A_477 : vector<16xf32> to vector<1x16xf32>
        tpu.vector_store %arg5[%swap3A_480, %swap3A_481], %swap3A_484 {strides = array<i32>} : memref<192x128xf32, #tpu.memory_space<vmem>>, vector<1x16xf32>,
        %add3A_485 = arith.constant 0 : i32
        %add3A_486 = arith.addi %mul3A_386, %add3A_485 : i32
        %get3A_487 = arith.index_cast %add3A_486 : i32 to index
        %get3A_488 = arith.constant 80 : index
        %get3A_489 = tpu.vector_load %arg5[%get3A_487, %get3A_488] {strides = array<i32>} : memref<192x128xf32, #tpu.memory_space<vmem>>, vector<1x16xf32>,
        %get3A_490 = vector.shape_cast %get3A_489 : vector<1x16xf32> to vector<16xf32>
        %add3A_491 = arith.constant 0 : i32
        %add3A_492 = arith.addi %mul3A_386, %add3A_491 : i32
        %get3A_493 = arith.index_cast %add3A_492 : i32 to index
        %get3A_494 = arith.constant 80 : index
        %get3A_495 = tpu.vector_load %arg8[%get3A_493, %get3A_494] {strides = array<i32>} : memref<192x128xf32, #tpu.memory_space<vmem>>, vector<1x16xf32>,
        %get3A_496 = vector.shape_cast %get3A_495 : vector<1x16xf32> to vector<16xf32>
        %add3A_497 = arith.addf %get3A_490, %get3A_496 : vector<16xf32>
        %add3A_498 = arith.constant 0 : i32
        %add3A_499 = arith.addi %mul3A_386, %add3A_498 : i32
        %swap3A_500 = arith.index_cast %add3A_499 : i32 to index
        %swap3A_501 = arith.constant 80 : index
        %swap3A_502 = tpu.vector_load %arg5[%swap3A_500, %swap3A_501] {strides = array<i32>} : memref<192x128xf32, #tpu.memory_space<vmem>>, vector<1x16xf32>,
        %swap3A_503 = vector.shape_cast %swap3A_502 : vector<1x16xf32> to vector<16xf32>
        %swap3A_504 = vector.shape_cast %add3A_497 : vector<16xf32> to vector<1x16xf32>
        tpu.vector_store %arg5[%swap3A_500, %swap3A_501], %swap3A_504 {strides = array<i32>} : memref<192x128xf32, #tpu.memory_space<vmem>>, vector<1x16xf32>,
        %add3A_505 = arith.constant 0 : i32
        %add3A_506 = arith.addi %mul3A_386, %add3A_505 : i32
        %get3A_507 = arith.index_cast %add3A_506 : i32 to index
        %get3A_508 = arith.constant 96 : index
        %get3A_509 = tpu.vector_load %arg5[%get3A_507, %get3A_508] {strides = array<i32>} : memref<192x128xf32, #tpu.memory_space<vmem>>, vector<1x16xf32>,
        %get3A_510 = vector.shape_cast %get3A_509 : vector<1x16xf32> to vector<16xf32>
        %add3A_511 = arith.constant 0 : i32
        %add3A_512 = arith.addi %mul3A_386, %add3A_511 : i32
        %get3A_513 = arith.index_cast %add3A_512 : i32 to index
        %get3A_514 = arith.constant 96 : index
        %get3A_515 = tpu.vector_load %arg8[%get3A_513, %get3A_514] {strides = array<i32>} : memref<192x128xf32, #tpu.memory_space<vmem>>, vector<1x16xf32>,
        %get3A_516 = vector.shape_cast %get3A_515 : vector<1x16xf32> to vector<16xf32>
        %add3A_517 = arith.addf %get3A_510, %get3A_516 : vector<16xf32>
        %add3A_518 = arith.constant 0 : i32
        %add3A_519 = arith.addi %mul3A_386, %add3A_518 : i32
        %swap3A_520 = arith.index_cast %add3A_519 : i32 to index
        %swap3A_521 = arith.constant 96 : index
        %swap3A_522 = tpu.vector_load %arg5[%swap3A_520, %swap3A_521] {strides = array<i32>} : memref<192x128xf32, #tpu.memory_space<vmem>>, vector<1x16xf32>,
        %swap3A_523 = vector.shape_cast %swap3A_522 : vector<1x16xf32> to vector<16xf32>
        %swap3A_524 = vector.shape_cast %add3A_517 : vector<16xf32> to vector<1x16xf32>
        tpu.vector_store %arg5[%swap3A_520, %swap3A_521], %swap3A_524 {strides = array<i32>} : memref<192x128xf32, #tpu.memory_space<vmem>>, vector<1x16xf32>,
        %add3A_525 = arith.constant 0 : i32
        %add3A_526 = arith.addi %mul3A_386, %add3A_525 : i32
        %get3A_527 = arith.index_cast %add3A_526 : i32 to index
        %get3A_528 = arith.constant 112 : index
        %get3A_529 = tpu.vector_load %arg5[%get3A_527, %get3A_528] {strides = array<i32>} : memref<192x128xf32, #tpu.memory_space<vmem>>, vector<1x16xf32>,
        %get3A_530 = vector.shape_cast %get3A_529 : vector<1x16xf32> to vector<16xf32>
        %add3A_531 = arith.constant 0 : i32
        %add3A_532 = arith.addi %mul3A_386, %add3A_531 : i32
        %get3A_533 = arith.index_cast %add3A_532 : i32 to index
        %get3A_534 = arith.constant 112 : index
        %get3A_535 = tpu.vector_load %arg8[%get3A_533, %get3A_534] {strides = array<i32>} : memref<192x128xf32, #tpu.memory_space<vmem>>, vector<1x16xf32>,
        %get3A_536 = vector.shape_cast %get3A_535 : vector<1x16xf32> to vector<16xf32>
        %add3A_537 = arith.addf %get3A_530, %get3A_536 : vector<16xf32>
        %add3A_538 = arith.constant 0 : i32
        %add3A_539 = arith.addi %mul3A_386, %add3A_538 : i32
        %swap3A_540 = arith.index_cast %add3A_539 : i32 to index
        %swap3A_541 = arith.constant 112 : index
        %swap3A_542 = tpu.vector_load %arg5[%swap3A_540, %swap3A_541] {strides = array<i32>} : memref<192x128xf32, #tpu.memory_space<vmem>>, vector<1x16xf32>,
        %swap3A_543 = vector.shape_cast %swap3A_542 : vector<1x16xf32> to vector<16xf32>
        %swap3A_544 = vector.shape_cast %add3A_537 : vector<16xf32> to vector<1x16xf32>
        tpu.vector_store %arg5[%swap3A_540, %swap3A_541], %swap3A_544 {strides = array<i32>} : memref<192x128xf32, #tpu.memory_space<vmem>>, vector<1x16xf32>,
        %add3A_545 = arith.constant 1 : i32
        %add3A_546 = arith.addi %mul3A_386, %add3A_545 : i32
        %get3A_547 = arith.index_cast %add3A_546 : i32 to index
        %get3A_548 = arith.constant 0 : index
        %get3A_549 = tpu.vector_load %arg5[%get3A_547, %get3A_548] {strides = array<i32>} : memref<192x128xf32, #tpu.memory_space<vmem>>, vector<1x16xf32>,
        %get3A_550 = vector.shape_cast %get3A_549 : vector<1x16xf32> to vector<16xf32>
        %add3A_551 = arith.constant 1 : i32
        %add3A_552 = arith.addi %mul3A_386, %add3A_551 : i32
        %get3A_553 = arith.index_cast %add3A_552 : i32 to index
        %get3A_554 = arith.constant 0 : index
        %get3A_555 = tpu.vector_load %arg8[%get3A_553, %get3A_554] {strides = array<i32>} : memref<192x128xf32, #tpu.memory_space<vmem>>, vector<1x16xf32>,
        %get3A_556 = vector.shape_cast %get3A_555 : vector<1x16xf32> to vector<16xf32>
        %add3A_557 = arith.addf %get3A_550, %get3A_556 : vector<16xf32>
        %add3A_558 = arith.constant 1 : i32
        %add3A_559 = arith.addi %mul3A_386, %add3A_558 : i32
        %swap3A_560 = arith.index_cast %add3A_559 : i32 to index
        %swap3A_561 = arith.constant 0 : index
        %swap3A_562 = tpu.vector_load %arg5[%swap3A_560, %swap3A_561] {strides = array<i32>} : memref<192x128xf32, #tpu.memory_space<vmem>>, vector<1x16xf32>,
        %swap3A_563 = vector.shape_cast %swap3A_562 : vector<1x16xf32> to vector<16xf32>
        %swap3A_564 = vector.shape_cast %add3A_557 : vector<16xf32> to vector<1x16xf32>
        tpu.vector_store %arg5[%swap3A_560, %swap3A_561], %swap3A_564 {strides = array<i32>} : memref<192x128xf32, #tpu.memory_space<vmem>>, vector<1x16xf32>,
        %add3A_565 = arith.constant 1 : i32
        %add3A_566 = arith.addi %mul3A_386, %add3A_565 : i32
        %get3A_567 = arith.index_cast %add3A_566 : i32 to index
        %get3A_568 = arith.constant 16 : index
        %get3A_569 = tpu.vector_load %arg5[%get3A_567, %get3A_568] {strides = array<i32>} : memref<192x128xf32, #tpu.memory_space<vmem>>, vector<1x16xf32>,
        %get3A_570 = vector.shape_cast %get3A_569 : vector<1x16xf32> to vector<16xf32>
        %add3A_571 = arith.constant 1 : i32
        %add3A_572 = arith.addi %mul3A_386, %add3A_571 : i32
        %get3A_573 = arith.index_cast %add3A_572 : i32 to index
        %get3A_574 = arith.constant 16 : index
        %get3A_575 = tpu.vector_load %arg8[%get3A_573, %get3A_574] {strides = array<i32>} : memref<192x128xf32, #tpu.memory_space<vmem>>, vector<1x16xf32>,
        %get3A_576 = vector.shape_cast %get3A_575 : vector<1x16xf32> to vector<16xf32>
        %add3A_577 = arith.addf %get3A_570, %get3A_576 : vector<16xf32>
        %add3A_578 = arith.constant 1 : i32
        %add3A_579 = arith.addi %mul3A_386, %add3A_578 : i32
        %swap3A_580 = arith.index_cast %add3A_579 : i32 to index
        %swap3A_581 = arith.constant 16 : index
        %swap3A_582 = tpu.vector_load %arg5[%swap3A_580, %swap3A_581] {strides = array<i32>} : memref<192x128xf32, #tpu.memory_space<vmem>>, vector<1x16xf32>,
        %swap3A_583 = vector.shape_cast %swap3A_582 : vector<1x16xf32> to vector<16xf32>
        %swap3A_584 = vector.shape_cast %add3A_577 : vector<16xf32> to vector<1x16xf32>
        tpu.vector_store %arg5[%swap3A_580, %swap3A_581], %swap3A_584 {strides = array<i32>} : memref<192x128xf32, #tpu.memory_space<vmem>>, vector<1x16xf32>,
        %add3A_585 = arith.constant 1 : i32
        %add3A_586 = arith.addi %mul3A_386, %add3A_585 : i32
        %get3A_587 = arith.index_cast %add3A_586 : i32 to index
        %get3A_588 = arith.constant 32 : index
        %get3A_589 = tpu.vector_load %arg5[%get3A_587, %get3A_588] {strides = array<i32>} : memref<192x128xf32, #tpu.memory_space<vmem>>, vector<1x16xf32>,
        %get3A_590 = vector.shape_cast %get3A_589 : vector<1x16xf32> to vector<16xf32>
        %add3A_591 = arith.constant 1 : i32
        %add3A_592 = arith.addi %mul3A_386, %add3A_591 : i32
        %get3A_593 = arith.index_cast %add3A_592 : i32 to index
        %get3A_594 = arith.constant 32 : index
        %get3A_595 = tpu.vector_load %arg8[%get3A_593, %get3A_594] {strides = array<i32>} : memref<192x128xf32, #tpu.memory_space<vmem>>, vector<1x16xf32>,
        %get3A_596 = vector.shape_cast %get3A_595 : vector<1x16xf32> to vector<16xf32>
        %add3A_597 = arith.addf %get3A_590, %get3A_596 : vector<16xf32>
        %add3A_598 = arith.constant 1 : i32
        %add3A_599 = arith.addi %mul3A_386, %add3A_598 : i32
        %swap3A_600 = arith.index_cast %add3A_599 : i32 to index
        %swap3A_601 = arith.constant 32 : index
        %swap3A_602 = tpu.vector_load %arg5[%swap3A_600, %swap3A_601] {strides = array<i32>} : memref<192x128xf32, #tpu.memory_space<vmem>>, vector<1x16xf32>,
        %swap3A_603 = vector.shape_cast %swap3A_602 : vector<1x16xf32> to vector<16xf32>
        %swap3A_604 = vector.shape_cast %add3A_597 : vector<16xf32> to vector<1x16xf32>
        tpu.vector_store %arg5[%swap3A_600, %swap3A_601], %swap3A_604 {strides = array<i32>} : memref<192x128xf32, #tpu.memory_space<vmem>>, vector<1x16xf32>,
        %add3A_605 = arith.constant 1 : i32
        %add3A_606 = arith.addi %mul3A_386, %add3A_605 : i32
        %get3A_607 = arith.index_cast %add3A_606 : i32 to index
        %get3A_608 = arith.constant 48 : index
        %get3A_609 = tpu.vector_load %arg5[%get3A_607, %get3A_608] {strides = array<i32>} : memref<192x128xf32, #tpu.memory_space<vmem>>, vector<1x16xf32>,
        %get3A_610 = vector.shape_cast %get3A_609 : vector<1x16xf32> to vector<16xf32>
        %add3A_611 = arith.constant 1 : i32
        %add3A_612 = arith.addi %mul3A_386, %add3A_611 : i32
        %get3A_613 = arith.index_cast %add3A_612 : i32 to index
        %get3A_614 = arith.constant 48 : index
        %get3A_615 = tpu.vector_load %arg8[%get3A_613, %get3A_614] {strides = array<i32>} : memref<192x128xf32, #tpu.memory_space<vmem>>, vector<1x16xf32>,
        %get3A_616 = vector.shape_cast %get3A_615 : vector<1x16xf32> to vector<16xf32>
        %add3A_617 = arith.addf %get3A_610, %get3A_616 : vector<16xf32>
        %add3A_618 = arith.constant 1 : i32
        %add3A_619 = arith.addi %mul3A_386, %add3A_618 : i32
        %swap3A_620 = arith.index_cast %add3A_619 : i32 to index
        %swap3A_621 = arith.constant 48 : index
        %swap3A_622 = tpu.vector_load %arg5[%swap3A_620, %swap3A_621] {strides = array<i32>} : memref<192x128xf32, #tpu.memory_space<vmem>>, vector<1x16xf32>,
        %swap3A_623 = vector.shape_cast %swap3A_622 : vector<1x16xf32> to vector<16xf32>
        %swap3A_624 = vector.shape_cast %add3A_617 : vector<16xf32> to vector<1x16xf32>
        tpu.vector_store %arg5[%swap3A_620, %swap3A_621], %swap3A_624 {strides = array<i32>} : memref<192x128xf32, #tpu.memory_space<vmem>>, vector<1x16xf32>,
        %add3A_625 = arith.constant 1 : i32
        %add3A_626 = arith.addi %mul3A_386, %add3A_625 : i32
        %get3A_627 = arith.index_cast %add3A_626 : i32 to index
        %get3A_628 = arith.constant 64 : index
        %get3A_629 = tpu.vector_load %arg5[%get3A_627, %get3A_628] {strides = array<i32>} : memref<192x128xf32, #tpu.memory_space<vmem>>, vector<1x16xf32>,
        %get3A_630 = vector.shape_cast %get3A_629 : vector<1x16xf32> to vector<16xf32>
        %add3A_631 = arith.constant 1 : i32
        %add3A_632 = arith.addi %mul3A_386, %add3A_631 : i32
        %get3A_633 = arith.index_cast %add3A_632 : i32 to index
        %get3A_634 = arith.constant 64 : index
        %get3A_635 = tpu.vector_load %arg8[%get3A_633, %get3A_634] {strides = array<i32>} : memref<192x128xf32, #tpu.memory_space<vmem>>, vector<1x16xf32>,
        %get3A_636 = vector.shape_cast %get3A_635 : vector<1x16xf32> to vector<16xf32>
        %add3A_637 = arith.addf %get3A_630, %get3A_636 : vector<16xf32>
        %add3A_638 = arith.constant 1 : i32
        %add3A_639 = arith.addi %mul3A_386, %add3A_638 : i32
        %swap3A_640 = arith.index_cast %add3A_639 : i32 to index
        %swap3A_641 = arith.constant 64 : index
        %swap3A_642 = tpu.vector_load %arg5[%swap3A_640, %swap3A_641] {strides = array<i32>} : memref<192x128xf32, #tpu.memory_space<vmem>>, vector<1x16xf32>,
        %swap3A_643 = vector.shape_cast %swap3A_642 : vector<1x16xf32> to vector<16xf32>
        %swap3A_644 = vector.shape_cast %add3A_637 : vector<16xf32> to vector<1x16xf32>
        tpu.vector_store %arg5[%swap3A_640, %swap3A_641], %swap3A_644 {strides = array<i32>} : memref<192x128xf32, #tpu.memory_space<vmem>>, vector<1x16xf32>,
        %add3A_645 = arith.constant 1 : i32
        %add3A_646 = arith.addi %mul3A_386, %add3A_645 : i32
        %get3A_647 = arith.index_cast %add3A_646 : i32 to index
        %get3A_648 = arith.constant 80 : index
        %get3A_649 = tpu.vector_load %arg5[%get3A_647, %get3A_648] {strides = array<i32>} : memref<192x128xf32, #tpu.memory_space<vmem>>, vector<1x16xf32>,
        %get3A_650 = vector.shape_cast %get3A_649 : vector<1x16xf32> to vector<16xf32>
        %add3A_651 = arith.constant 1 : i32
        %add3A_652 = arith.addi %mul3A_386, %add3A_651 : i32
        %get3A_653 = arith.index_cast %add3A_652 : i32 to index
        %get3A_654 = arith.constant 80 : index
        %get3A_655 = tpu.vector_load %arg8[%get3A_653, %get3A_654] {strides = array<i32>} : memref<192x128xf32, #tpu.memory_space<vmem>>, vector<1x16xf32>,
        %get3A_656 = vector.shape_cast %get3A_655 : vector<1x16xf32> to vector<16xf32>
        %add3A_657 = arith.addf %get3A_650, %get3A_656 : vector<16xf32>
        %add3A_658 = arith.constant 1 : i32
        %add3A_659 = arith.addi %mul3A_386, %add3A_658 : i32
        %swap3A_660 = arith.index_cast %add3A_659 : i32 to index
        %swap3A_661 = arith.constant 80 : index
        %swap3A_662 = tpu.vector_load %arg5[%swap3A_660, %swap3A_661] {strides = array<i32>} : memref<192x128xf32, #tpu.memory_space<vmem>>, vector<1x16xf32>,
        %swap3A_663 = vector.shape_cast %swap3A_662 : vector<1x16xf32> to vector<16xf32>
        %swap3A_664 = vector.shape_cast %add3A_657 : vector<16xf32> to vector<1x16xf32>
        tpu.vector_store %arg5[%swap3A_660, %swap3A_661], %swap3A_664 {strides = array<i32>} : memref<192x128xf32, #tpu.memory_space<vmem>>, vector<1x16xf32>,
        %add3A_665 = arith.constant 1 : i32
        %add3A_666 = arith.addi %mul3A_386, %add3A_665 : i32
        %get3A_667 = arith.index_cast %add3A_666 : i32 to index
        %get3A_668 = arith.constant 96 : index
        %get3A_669 = tpu.vector_load %arg5[%get3A_667, %get3A_668] {strides = array<i32>} : memref<192x128xf32, #tpu.memory_space<vmem>>, vector<1x16xf32>,
        %get3A_670 = vector.shape_cast %get3A_669 : vector<1x16xf32> to vector<16xf32>
        %add3A_671 = arith.constant 1 : i32
        %add3A_672 = arith.addi %mul3A_386, %add3A_671 : i32
        %get3A_673 = arith.index_cast %add3A_672 : i32 to index
        %get3A_674 = arith.constant 96 : index
        %get3A_675 = tpu.vector_load %arg8[%get3A_673, %get3A_674] {strides = array<i32>} : memref<192x128xf32, #tpu.memory_space<vmem>>, vector<1x16xf32>,
        %get3A_676 = vector.shape_cast %get3A_675 : vector<1x16xf32> to vector<16xf32>
        %add3A_677 = arith.addf %get3A_670, %get3A_676 : vector<16xf32>
        %add3A_678 = arith.constant 1 : i32
        %add3A_679 = arith.addi %mul3A_386, %add3A_678 : i32
        %swap3A_680 = arith.index_cast %add3A_679 : i32 to index
        %swap3A_681 = arith.constant 96 : index
        %swap3A_682 = tpu.vector_load %arg5[%swap3A_680, %swap3A_681] {strides = array<i32>} : memref<192x128xf32, #tpu.memory_space<vmem>>, vector<1x16xf32>,
        %swap3A_683 = vector.shape_cast %swap3A_682 : vector<1x16xf32> to vector<16xf32>
        %swap3A_684 = vector.shape_cast %add3A_677 : vector<16xf32> to vector<1x16xf32>
        tpu.vector_store %arg5[%swap3A_680, %swap3A_681], %swap3A_684 {strides = array<i32>} : memref<192x128xf32, #tpu.memory_space<vmem>>, vector<1x16xf32>,
        %add3A_685 = arith.constant 1 : i32
        %add3A_686 = arith.addi %mul3A_386, %add3A_685 : i32
        %get3A_687 = arith.index_cast %add3A_686 : i32 to index
        %get3A_688 = arith.constant 112 : index
        %get3A_689 = tpu.vector_load %arg5[%get3A_687, %get3A_688] {strides = array<i32>} : memref<192x128xf32, #tpu.memory_space<vmem>>, vector<1x16xf32>,
        %get3A_690 = vector.shape_cast %get3A_689 : vector<1x16xf32> to vector<16xf32>
        %add3A_691 = arith.constant 1 : i32
        %add3A_692 = arith.addi %mul3A_386, %add3A_691 : i32
        %get3A_693 = arith.index_cast %add3A_692 : i32 to index
        %get3A_694 = arith.constant 112 : index
        %get3A_695 = tpu.vector_load %arg8[%get3A_693, %get3A_694] {strides = array<i32>} : memref<192x128xf32, #tpu.memory_space<vmem>>, vector<1x16xf32>,
        %get3A_696 = vector.shape_cast %get3A_695 : vector<1x16xf32> to vector<16xf32>
        %add3A_697 = arith.addf %get3A_690, %get3A_696 : vector<16xf32>
        %add3A_698 = arith.constant 1 : i32
        %add3A_699 = arith.addi %mul3A_386, %add3A_698 : i32
        %swap3A_700 = arith.index_cast %add3A_699 : i32 to index
        %swap3A_701 = arith.constant 112 : index
        %swap3A_702 = tpu.vector_load %arg5[%swap3A_700, %swap3A_701] {strides = array<i32>} : memref<192x128xf32, #tpu.memory_space<vmem>>, vector<1x16xf32>,
        %swap3A_703 = vector.shape_cast %swap3A_702 : vector<1x16xf32> to vector<16xf32>
        %swap3A_704 = vector.shape_cast %add3A_697 : vector<16xf32> to vector<1x16xf32>
        tpu.vector_store %arg5[%swap3A_700, %swap3A_701], %swap3A_704 {strides = array<i32>} : memref<192x128xf32, #tpu.memory_space<vmem>>, vector<1x16xf32>,
        %scan3A_705 = arith.constant 0 : i32
        scf.yield %scan3A_705 : i32
      }
      %scan3A_324 = arith.constant 96 : i32
      %div3A_325 = arith.constant 4 : i32
      %div3A_326 = arith.divsi %add3A_311, %div3A_325 : i32
      %rem3A_327 = arith.constant 4 : i32
      %rem3A_328 = arith.remsi %add3A_311, %rem3A_327 : i32
      %mul3A_329 = arith.constant 49152 : i32
      %mul3A_330 = arith.muli %rem3A_328, %mul3A_329 : i32
      %add3A_331 = arith.addi %mul3A_330, %mul3A_2 : i32
      %mul3A_332 = arith.constant 192 : i32
      %mul3A_333 = arith.muli %div3A_326, %mul3A_332 : i32
      %add3A_334 = arith.addi %add3A_331, %mul3A_333 : i32
      %dma_start3A_335 = arith.constant 0 : i32
      %dma_start3A_336 = tpu.memref_slice %arg4[%add3A_334, %dma_start3A_335] : memref<196608x128xf32, #tpu.memory_space<hbm>> -> memref<192x128xf32, #tpu.memory_space<hbm>>
      %dma_start3A_337 = arith.constant 0 : i32
      %dma_start3A_338 = tpu.memref_slice %arg4[%add3A_334, %dma_start3A_337] : memref<196608x128xf32, #tpu.memory_space<hbm>> -> memref<192x128xf32, #tpu.memory_space<hbm>>
      tpu.enqueue_dma source(%arg5 : memref<192x128xf32, #tpu.memory_space<vmem>>) target(%dma_start3A_338 : memref<192x128xf32, #tpu.memory_space<hbm>>) target_semaphore(%arg11 : memref<!tpu.dma_semaphore, #tpu.memory_space<semaphore_mem>>)
      %dma_wait3A_339 = arith.constant 0 : i32
      %dma_wait3A_340 = arith.constant 0 : i32
      %dma_wait3A_341 = tpu.memref_slice %arg2[%dma_wait3A_339, %dma_wait3A_340] : memref<196608x128xf32, #tpu.memory_space<hbm>> -> memref<192x128xf32, #tpu.memory_space<hbm>>
      %dma_wait3A_342 = arith.constant 0 : i32
      %dma_wait3A_343 = arith.constant 0 : i32
      %dma_wait3A_344 = tpu.memref_slice %arg2[%dma_wait3A_342, %dma_wait3A_343] : memref<196608x128xf32, #tpu.memory_space<hbm>> -> memref<192x128xf32, #tpu.memory_space<hbm>>
      tpu.wait_dma2 semaphore(%arg10 : memref<!tpu.dma_semaphore, #tpu.memory_space<semaphore_mem>>) src(%dma_wait3A_344 : memref<192x128xf32, #tpu.memory_space<hbm>>) dst(%arg6 : memref<192x128xf32, #tpu.memory_space<vmem>>)
      %scan3A_345 = arith.constant 0 : i32
      %scan3A_346 = arith.constant 0 : i32
      %scan3A_347 = arith.constant 96 : i32
      %scan3A_348 = arith.addi %scan3A_346, %scan3A_347 : i32
      %scan3A_349 = arith.constant 1 : i32
      %scan3A_350 = scf.for %scan3A_383 = %scan3A_346 to %scan3A_348 step %scan3A_349 iter_args(%scan3A_384 = %scan3A_345) -> (i32)  : i32 {
        %mul3A_385 = arith.constant 2 : i32
        %mul3A_386 = arith.muli %scan3A_383, %mul3A_385 : i32
        %add3A_387 = arith.constant 0 : i32
        %add3A_388 = arith.addi %mul3A_386, %add3A_387 : i32
        %get3A = arith.index_cast %add3A_388 : i32 to index
        %get3A_389 = arith.constant 0 : index
        %get3A_390 = tpu.vector_load %arg6[%get3A, %get3A_389] {strides = array<i32>} : memref<192x128xf32, #tpu.memory_space<vmem>>, vector<1x16xf32>,
        %get3A_391 = vector.shape_cast %get3A_390 : vector<1x16xf32> to vector<16xf32>
        %add3A_392 = arith.constant 0 : i32
        %add3A_393 = arith.addi %mul3A_386, %add3A_392 : i32
        %get3A_394 = arith.index_cast %add3A_393 : i32 to index
        %get3A_395 = arith.constant 0 : index
        %get3A_396 = tpu.vector_load %arg8[%get3A_394, %get3A_395] {strides = array<i32>} : memref<192x128xf32, #tpu.memory_space<vmem>>, vector<1x16xf32>,
        %get3A_397 = vector.shape_cast %get3A_396 : vector<1x16xf32> to vector<16xf32>
        %add3A_398 = arith.addf %get3A_391, %get3A_397 : vector<16xf32>
        %add3A_399 = arith.constant 0 : i32
        %add3A_400 = arith.addi %mul3A_386, %add3A_399 : i32
        %swap3A = arith.index_cast %add3A_400 : i32 to index
        %swap3A_401 = arith.constant 0 : index
        %swap3A_402 = tpu.vector_load %arg6[%swap3A, %swap3A_401] {strides = array<i32>} : memref<192x128xf32, #tpu.memory_space<vmem>>, vector<1x16xf32>,
        %swap3A_403 = vector.shape_cast %swap3A_402 : vector<1x16xf32> to vector<16xf32>
        %swap3A_404 = vector.shape_cast %add3A_398 : vector<16xf32> to vector<1x16xf32>
        tpu.vector_store %arg6[%swap3A, %swap3A_401], %swap3A_404 {strides = array<i32>} : memref<192x128xf32, #tpu.memory_space<vmem>>, vector<1x16xf32>,
        %add3A_405 = arith.constant 0 : i32
        %add3A_406 = arith.addi %mul3A_386, %add3A_405 : i32
        %get3A_407 = arith.index_cast %add3A_406 : i32 to index
        %get3A_408 = arith.constant 16 : index
        %get3A_409 = tpu.vector_load %arg6[%get3A_407, %get3A_408] {strides = array<i32>} : memref<192x128xf32, #tpu.memory_space<vmem>>, vector<1x16xf32>,
        %get3A_410 = vector.shape_cast %get3A_409 : vector<1x16xf32> to vector<16xf32>
        %add3A_411 = arith.constant 0 : i32
        %add3A_412 = arith.addi %mul3A_386, %add3A_411 : i32
        %get3A_413 = arith.index_cast %add3A_412 : i32 to index
        %get3A_414 = arith.constant 16 : index
        %get3A_415 = tpu.vector_load %arg8[%get3A_413, %get3A_414] {strides = array<i32>} : memref<192x128xf32, #tpu.memory_space<vmem>>, vector<1x16xf32>,
        %get3A_416 = vector.shape_cast %get3A_415 : vector<1x16xf32> to vector<16xf32>
        %add3A_417 = arith.addf %get3A_410, %get3A_416 : vector<16xf32>
        %add3A_418 = arith.constant 0 : i32
        %add3A_419 = arith.addi %mul3A_386, %add3A_418 : i32
        %swap3A_420 = arith.index_cast %add3A_419 : i32 to index
        %swap3A_421 = arith.constant 16 : index
        %swap3A_422 = tpu.vector_load %arg6[%swap3A_420, %swap3A_421] {strides = array<i32>} : memref<192x128xf32, #tpu.memory_space<vmem>>, vector<1x16xf32>,
        %swap3A_423 = vector.shape_cast %swap3A_422 : vector<1x16xf32> to vector<16xf32>
        %swap3A_424 = vector.shape_cast %add3A_417 : vector<16xf32> to vector<1x16xf32>
        tpu.vector_store %arg6[%swap3A_420, %swap3A_421], %swap3A_424 {strides = array<i32>} : memref<192x128xf32, #tpu.memory_space<vmem>>, vector<1x16xf32>,
        %add3A_425 = arith.constant 0 : i32
        %add3A_426 = arith.addi %mul3A_386, %add3A_425 : i32
        %get3A_427 = arith.index_cast %add3A_426 : i32 to index
        %get3A_428 = arith.constant 32 : index
        %get3A_429 = tpu.vector_load %arg6[%get3A_427, %get3A_428] {strides = array<i32>} : memref<192x128xf32, #tpu.memory_space<vmem>>, vector<1x16xf32>,
        %get3A_430 = vector.shape_cast %get3A_429 : vector<1x16xf32> to vector<16xf32>
        %add3A_431 = arith.constant 0 : i32
        %add3A_432 = arith.addi %mul3A_386, %add3A_431 : i32
        %get3A_433 = arith.index_cast %add3A_432 : i32 to index
        %get3A_434 = arith.constant 32 : index
        %get3A_435 = tpu.vector_load %arg8[%get3A_433, %get3A_434] {strides = array<i32>} : memref<192x128xf32, #tpu.memory_space<vmem>>, vector<1x16xf32>,
        %get3A_436 = vector.shape_cast %get3A_435 : vector<1x16xf32> to vector<16xf32>
        %add3A_437 = arith.addf %get3A_430, %get3A_436 : vector<16xf32>
        %add3A_438 = arith.constant 0 : i32
        %add3A_439 = arith.addi %mul3A_386, %add3A_438 : i32
        %swap3A_440 = arith.index_cast %add3A_439 : i32 to index
        %swap3A_441 = arith.constant 32 : index
        %swap3A_442 = tpu.vector_load %arg6[%swap3A_440, %swap3A_441] {strides = array<i32>} : memref<192x128xf32, #tpu.memory_space<vmem>>, vector<1x16xf32>,
        %swap3A_443 = vector.shape_cast %swap3A_442 : vector<1x16xf32> to vector<16xf32>
        %swap3A_444 = vector.shape_cast %add3A_437 : vector<16xf32> to vector<1x16xf32>
        tpu.vector_store %arg6[%swap3A_440, %swap3A_441], %swap3A_444 {strides = array<i32>} : memref<192x128xf32, #tpu.memory_space<vmem>>, vector<1x16xf32>,
        %add3A_445 = arith.constant 0 : i32
        %add3A_446 = arith.addi %mul3A_386, %add3A_445 : i32
        %get3A_447 = arith.index_cast %add3A_446 : i32 to index
        %get3A_448 = arith.constant 48 : index
        %get3A_449 = tpu.vector_load %arg6[%get3A_447, %get3A_448] {strides = array<i32>} : memref<192x128xf32, #tpu.memory_space<vmem>>, vector<1x16xf32>,
        %get3A_450 = vector.shape_cast %get3A_449 : vector<1x16xf32> to vector<16xf32>
        %add3A_451 = arith.constant 0 : i32
        %add3A_452 = arith.addi %mul3A_386, %add3A_451 : i32
        %get3A_453 = arith.index_cast %add3A_452 : i32 to index
        %get3A_454 = arith.constant 48 : index
        %get3A_455 = tpu.vector_load %arg8[%get3A_453, %get3A_454] {strides = array<i32>} : memref<192x128xf32, #tpu.memory_space<vmem>>, vector<1x16xf32>,
        %get3A_456 = vector.shape_cast %get3A_455 : vector<1x16xf32> to vector<16xf32>
        %add3A_457 = arith.addf %get3A_450, %get3A_456 : vector<16xf32>
        %add3A_458 = arith.constant 0 : i32
        %add3A_459 = arith.addi %mul3A_386, %add3A_458 : i32
        %swap3A_460 = arith.index_cast %add3A_459 : i32 to index
        %swap3A_461 = arith.constant 48 : index
        %swap3A_462 = tpu.vector_load %arg6[%swap3A_460, %swap3A_461] {strides = array<i32>} : memref<192x128xf32, #tpu.memory_space<vmem>>, vector<1x16xf32>,
        %swap3A_463 = vector.shape_cast %swap3A_462 : vector<1x16xf32> to vector<16xf32>
        %swap3A_464 = vector.shape_cast %add3A_457 : vector<16xf32> to vector<1x16xf32>
        tpu.vector_store %arg6[%swap3A_460, %swap3A_461], %swap3A_464 {strides = array<i32>} : memref<192x128xf32, #tpu.memory_space<vmem>>, vector<1x16xf32>,
        %add3A_465 = arith.constant 0 : i32
        %add3A_466 = arith.addi %mul3A_386, %add3A_465 : i32
        %get3A_467 = arith.index_cast %add3A_466 : i32 to index
        %get3A_468 = arith.constant 64 : index
        %get3A_469 = tpu.vector_load %arg6[%get3A_467, %get3A_468] {strides = array<i32>} : memref<192x128xf32, #tpu.memory_space<vmem>>, vector<1x16xf32>,
        %get3A_470 = vector.shape_cast %get3A_469 : vector<1x16xf32> to vector<16xf32>
        %add3A_471 = arith.constant 0 : i32
        %add3A_472 = arith.addi %mul3A_386, %add3A_471 : i32
        %get3A_473 = arith.index_cast %add3A_472 : i32 to index
        %get3A_474 = arith.constant 64 : index
        %get3A_475 = tpu.vector_load %arg8[%get3A_473, %get3A_474] {strides = array<i32>} : memref<192x128xf32, #tpu.memory_space<vmem>>, vector<1x16xf32>,
        %get3A_476 = vector.shape_cast %get3A_475 : vector<1x16xf32> to vector<16xf32>
        %add3A_477 = arith.addf %get3A_470, %get3A_476 : vector<16xf32>
        %add3A_478 = arith.constant 0 : i32
        %add3A_479 = arith.addi %mul3A_386, %add3A_478 : i32
        %swap3A_480 = arith.index_cast %add3A_479 : i32 to index
        %swap3A_481 = arith.constant 64 : index
        %swap3A_482 = tpu.vector_load %arg6[%swap3A_480, %swap3A_481] {strides = array<i32>} : memref<192x128xf32, #tpu.memory_space<vmem>>, vector<1x16xf32>,
        %swap3A_483 = vector.shape_cast %swap3A_482 : vector<1x16xf32> to vector<16xf32>
        %swap3A_484 = vector.shape_cast %add3A_477 : vector<16xf32> to vector<1x16xf32>
        tpu.vector_store %arg6[%swap3A_480, %swap3A_481], %swap3A_484 {strides = array<i32>} : memref<192x128xf32, #tpu.memory_space<vmem>>, vector<1x16xf32>,
        %add3A_485 = arith.constant 0 : i32
        %add3A_486 = arith.addi %mul3A_386, %add3A_485 : i32
        %get3A_487 = arith.index_cast %add3A_486 : i32 to index
        %get3A_488 = arith.constant 80 : index
        %get3A_489 = tpu.vector_load %arg6[%get3A_487, %get3A_488] {strides = array<i32>} : memref<192x128xf32, #tpu.memory_space<vmem>>, vector<1x16xf32>,
        %get3A_490 = vector.shape_cast %get3A_489 : vector<1x16xf32> to vector<16xf32>
        %add3A_491 = arith.constant 0 : i32
        %add3A_492 = arith.addi %mul3A_386, %add3A_491 : i32
        %get3A_493 = arith.index_cast %add3A_492 : i32 to index
        %get3A_494 = arith.constant 80 : index
        %get3A_495 = tpu.vector_load %arg8[%get3A_493, %get3A_494] {strides = array<i32>} : memref<192x128xf32, #tpu.memory_space<vmem>>, vector<1x16xf32>,
        %get3A_496 = vector.shape_cast %get3A_495 : vector<1x16xf32> to vector<16xf32>
        %add3A_497 = arith.addf %get3A_490, %get3A_496 : vector<16xf32>
        %add3A_498 = arith.constant 0 : i32
        %add3A_499 = arith.addi %mul3A_386, %add3A_498 : i32
        %swap3A_500 = arith.index_cast %add3A_499 : i32 to index
        %swap3A_501 = arith.constant 80 : index
        %swap3A_502 = tpu.vector_load %arg6[%swap3A_500, %swap3A_501] {strides = array<i32>} : memref<192x128xf32, #tpu.memory_space<vmem>>, vector<1x16xf32>,
        %swap3A_503 = vector.shape_cast %swap3A_502 : vector<1x16xf32> to vector<16xf32>
        %swap3A_504 = vector.shape_cast %add3A_497 : vector<16xf32> to vector<1x16xf32>
        tpu.vector_store %arg6[%swap3A_500, %swap3A_501], %swap3A_504 {strides = array<i32>} : memref<192x128xf32, #tpu.memory_space<vmem>>, vector<1x16xf32>,
        %add3A_505 = arith.constant 0 : i32
        %add3A_506 = arith.addi %mul3A_386, %add3A_505 : i32
        %get3A_507 = arith.index_cast %add3A_506 : i32 to index
        %get3A_508 = arith.constant 96 : index
        %get3A_509 = tpu.vector_load %arg6[%get3A_507, %get3A_508] {strides = array<i32>} : memref<192x128xf32, #tpu.memory_space<vmem>>, vector<1x16xf32>,
        %get3A_510 = vector.shape_cast %get3A_509 : vector<1x16xf32> to vector<16xf32>
        %add3A_511 = arith.constant 0 : i32
        %add3A_512 = arith.addi %mul3A_386, %add3A_511 : i32
        %get3A_513 = arith.index_cast %add3A_512 : i32 to index
        %get3A_514 = arith.constant 96 : index
        %get3A_515 = tpu.vector_load %arg8[%get3A_513, %get3A_514] {strides = array<i32>} : memref<192x128xf32, #tpu.memory_space<vmem>>, vector<1x16xf32>,
        %get3A_516 = vector.shape_cast %get3A_515 : vector<1x16xf32> to vector<16xf32>
        %add3A_517 = arith.addf %get3A_510, %get3A_516 : vector<16xf32>
        %add3A_518 = arith.constant 0 : i32
        %add3A_519 = arith.addi %mul3A_386, %add3A_518 : i32
        %swap3A_520 = arith.index_cast %add3A_519 : i32 to index
        %swap3A_521 = arith.constant 96 : index
        %swap3A_522 = tpu.vector_load %arg6[%swap3A_520, %swap3A_521] {strides = array<i32>} : memref<192x128xf32, #tpu.memory_space<vmem>>, vector<1x16xf32>,
        %swap3A_523 = vector.shape_cast %swap3A_522 : vector<1x16xf32> to vector<16xf32>
        %swap3A_524 = vector.shape_cast %add3A_517 : vector<16xf32> to vector<1x16xf32>
        tpu.vector_store %arg6[%swap3A_520, %swap3A_521], %swap3A_524 {strides = array<i32>} : memref<192x128xf32, #tpu.memory_space<vmem>>, vector<1x16xf32>,
        %add3A_525 = arith.constant 0 : i32
        %add3A_526 = arith.addi %mul3A_386, %add3A_525 : i32
        %get3A_527 = arith.index_cast %add3A_526 : i32 to index
        %get3A_528 = arith.constant 112 : index
        %get3A_529 = tpu.vector_load %arg6[%get3A_527, %get3A_528] {strides = array<i32>} : memref<192x128xf32, #tpu.memory_space<vmem>>, vector<1x16xf32>,
        %get3A_530 = vector.shape_cast %get3A_529 : vector<1x16xf32> to vector<16xf32>
        %add3A_531 = arith.constant 0 : i32
        %add3A_532 = arith.addi %mul3A_386, %add3A_531 : i32
        %get3A_533 = arith.index_cast %add3A_532 : i32 to index
        %get3A_534 = arith.constant 112 : index
        %get3A_535 = tpu.vector_load %arg8[%get3A_533, %get3A_534] {strides = array<i32>} : memref<192x128xf32, #tpu.memory_space<vmem>>, vector<1x16xf32>,
        %get3A_536 = vector.shape_cast %get3A_535 : vector<1x16xf32> to vector<16xf32>
        %add3A_537 = arith.addf %get3A_530, %get3A_536 : vector<16xf32>
        %add3A_538 = arith.constant 0 : i32
        %add3A_539 = arith.addi %mul3A_386, %add3A_538 : i32
        %swap3A_540 = arith.index_cast %add3A_539 : i32 to index
        %swap3A_541 = arith.constant 112 : index
        %swap3A_542 = tpu.vector_load %arg6[%swap3A_540, %swap3A_541] {strides = array<i32>} : memref<192x128xf32, #tpu.memory_space<vmem>>, vector<1x16xf32>,
        %swap3A_543 = vector.shape_cast %swap3A_542 : vector<1x16xf32> to vector<16xf32>
        %swap3A_544 = vector.shape_cast %add3A_537 : vector<16xf32> to vector<1x16xf32>
        tpu.vector_store %arg6[%swap3A_540, %swap3A_541], %swap3A_544 {strides = array<i32>} : memref<192x128xf32, #tpu.memory_space<vmem>>, vector<1x16xf32>,
        %add3A_545 = arith.constant 1 : i32
        %add3A_546 = arith.addi %mul3A_386, %add3A_545 : i32
        %get3A_547 = arith.index_cast %add3A_546 : i32 to index
        %get3A_548 = arith.constant 0 : index
        %get3A_549 = tpu.vector_load %arg6[%get3A_547, %get3A_548] {strides = array<i32>} : memref<192x128xf32, #tpu.memory_space<vmem>>, vector<1x16xf32>,
        %get3A_550 = vector.shape_cast %get3A_549 : vector<1x16xf32> to vector<16xf32>
        %add3A_551 = arith.constant 1 : i32
        %add3A_552 = arith.addi %mul3A_386, %add3A_551 : i32
        %get3A_553 = arith.index_cast %add3A_552 : i32 to index
        %get3A_554 = arith.constant 0 : index
        %get3A_555 = tpu.vector_load %arg8[%get3A_553, %get3A_554] {strides = array<i32>} : memref<192x128xf32, #tpu.memory_space<vmem>>, vector<1x16xf32>,
        %get3A_556 = vector.shape_cast %get3A_555 : vector<1x16xf32> to vector<16xf32>
        %add3A_557 = arith.addf %get3A_550, %get3A_556 : vector<16xf32>
        %add3A_558 = arith.constant 1 : i32
        %add3A_559 = arith.addi %mul3A_386, %add3A_558 : i32
        %swap3A_560 = arith.index_cast %add3A_559 : i32 to index
        %swap3A_561 = arith.constant 0 : index
        %swap3A_562 = tpu.vector_load %arg6[%swap3A_560, %swap3A_561] {strides = array<i32>} : memref<192x128xf32, #tpu.memory_space<vmem>>, vector<1x16xf32>,
        %swap3A_563 = vector.shape_cast %swap3A_562 : vector<1x16xf32> to vector<16xf32>
        %swap3A_564 = vector.shape_cast %add3A_557 : vector<16xf32> to vector<1x16xf32>
        tpu.vector_store %arg6[%swap3A_560, %swap3A_561], %swap3A_564 {strides = array<i32>} : memref<192x128xf32, #tpu.memory_space<vmem>>, vector<1x16xf32>,
        %add3A_565 = arith.constant 1 : i32
        %add3A_566 = arith.addi %mul3A_386, %add3A_565 : i32
        %get3A_567 = arith.index_cast %add3A_566 : i32 to index
        %get3A_568 = arith.constant 16 : index
        %get3A_569 = tpu.vector_load %arg6[%get3A_567, %get3A_568] {strides = array<i32>} : memref<192x128xf32, #tpu.memory_space<vmem>>, vector<1x16xf32>,
        %get3A_570 = vector.shape_cast %get3A_569 : vector<1x16xf32> to vector<16xf32>
        %add3A_571 = arith.constant 1 : i32
        %add3A_572 = arith.addi %mul3A_386, %add3A_571 : i32
        %get3A_573 = arith.index_cast %add3A_572 : i32 to index
        %get3A_574 = arith.constant 16 : index
        %get3A_575 = tpu.vector_load %arg8[%get3A_573, %get3A_574] {strides = array<i32>} : memref<192x128xf32, #tpu.memory_space<vmem>>, vector<1x16xf32>,
        %get3A_576 = vector.shape_cast %get3A_575 : vector<1x16xf32> to vector<16xf32>
        %add3A_577 = arith.addf %get3A_570, %get3A_576 : vector<16xf32>
        %add3A_578 = arith.constant 1 : i32
        %add3A_579 = arith.addi %mul3A_386, %add3A_578 : i32
        %swap3A_580 = arith.index_cast %add3A_579 : i32 to index
        %swap3A_581 = arith.constant 16 : index
        %swap3A_582 = tpu.vector_load %arg6[%swap3A_580, %swap3A_581] {strides = array<i32>} : memref<192x128xf32, #tpu.memory_space<vmem>>, vector<1x16xf32>,
        %swap3A_583 = vector.shape_cast %swap3A_582 : vector<1x16xf32> to vector<16xf32>
        %swap3A_584 = vector.shape_cast %add3A_577 : vector<16xf32> to vector<1x16xf32>
        tpu.vector_store %arg6[%swap3A_580, %swap3A_581], %swap3A_584 {strides = array<i32>} : memref<192x128xf32, #tpu.memory_space<vmem>>, vector<1x16xf32>,
        %add3A_585 = arith.constant 1 : i32
        %add3A_586 = arith.addi %mul3A_386, %add3A_585 : i32
        %get3A_587 = arith.index_cast %add3A_586 : i32 to index
        %get3A_588 = arith.constant 32 : index
        %get3A_589 = tpu.vector_load %arg6[%get3A_587, %get3A_588] {strides = array<i32>} : memref<192x128xf32, #tpu.memory_space<vmem>>, vector<1x16xf32>,
        %get3A_590 = vector.shape_cast %get3A_589 : vector<1x16xf32> to vector<16xf32>
        %add3A_591 = arith.constant 1 : i32
        %add3A_592 = arith.addi %mul3A_386, %add3A_591 : i32
        %get3A_593 = arith.index_cast %add3A_592 : i32 to index
        %get3A_594 = arith.constant 32 : index
        %get3A_595 = tpu.vector_load %arg8[%get3A_593, %get3A_594] {strides = array<i32>} : memref<192x128xf32, #tpu.memory_space<vmem>>, vector<1x16xf32>,
        %get3A_596 = vector.shape_cast %get3A_595 : vector<1x16xf32> to vector<16xf32>
        %add3A_597 = arith.addf %get3A_590, %get3A_596 : vector<16xf32>
        %add3A_598 = arith.constant 1 : i32
        %add3A_599 = arith.addi %mul3A_386, %add3A_598 : i32
        %swap3A_600 = arith.index_cast %add3A_599 : i32 to index
        %swap3A_601 = arith.constant 32 : index
        %swap3A_602 = tpu.vector_load %arg6[%swap3A_600, %swap3A_601] {strides = array<i32>} : memref<192x128xf32, #tpu.memory_space<vmem>>, vector<1x16xf32>,
        %swap3A_603 = vector.shape_cast %swap3A_602 : vector<1x16xf32> to vector<16xf32>
        %swap3A_604 = vector.shape_cast %add3A_597 : vector<16xf32> to vector<1x16xf32>
        tpu.vector_store %arg6[%swap3A_600, %swap3A_601], %swap3A_604 {strides = array<i32>} : memref<192x128xf32, #tpu.memory_space<vmem>>, vector<1x16xf32>,
        %add3A_605 = arith.constant 1 : i32
        %add3A_606 = arith.addi %mul3A_386, %add3A_605 : i32
        %get3A_607 = arith.index_cast %add3A_606 : i32 to index
        %get3A_608 = arith.constant 48 : index
        %get3A_609 = tpu.vector_load %arg6[%get3A_607, %get3A_608] {strides = array<i32>} : memref<192x128xf32, #tpu.memory_space<vmem>>, vector<1x16xf32>,
        %get3A_610 = vector.shape_cast %get3A_609 : vector<1x16xf32> to vector<16xf32>
        %add3A_611 = arith.constant 1 : i32
        %add3A_612 = arith.addi %mul3A_386, %add3A_611 : i32
        %get3A_613 = arith.index_cast %add3A_612 : i32 to index
        %get3A_614 = arith.constant 48 : index
        %get3A_615 = tpu.vector_load %arg8[%get3A_613, %get3A_614] {strides = array<i32>} : memref<192x128xf32, #tpu.memory_space<vmem>>, vector<1x16xf32>,
        %get3A_616 = vector.shape_cast %get3A_615 : vector<1x16xf32> to vector<16xf32>
        %add3A_617 = arith.addf %get3A_610, %get3A_616 : vector<16xf32>
        %add3A_618 = arith.constant 1 : i32
        %add3A_619 = arith.addi %mul3A_386, %add3A_618 : i32
        %swap3A_620 = arith.index_cast %add3A_619 : i32 to index
        %swap3A_621 = arith.constant 48 : index
        %swap3A_622 = tpu.vector_load %arg6[%swap3A_620, %swap3A_621] {strides = array<i32>} : memref<192x128xf32, #tpu.memory_space<vmem>>, vector<1x16xf32>,
        %swap3A_623 = vector.shape_cast %swap3A_622 : vector<1x16xf32> to vector<16xf32>
        %swap3A_624 = vector.shape_cast %add3A_617 : vector<16xf32> to vector<1x16xf32>
        tpu.vector_store %arg6[%swap3A_620, %swap3A_621], %swap3A_624 {strides = array<i32>} : memref<192x128xf32, #tpu.memory_space<vmem>>, vector<1x16xf32>,
        %add3A_625 = arith.constant 1 : i32
        %add3A_626 = arith.addi %mul3A_386, %add3A_625 : i32
        %get3A_627 = arith.index_cast %add3A_626 : i32 to index
        %get3A_628 = arith.constant 64 : index
        %get3A_629 = tpu.vector_load %arg6[%get3A_627, %get3A_628] {strides = array<i32>} : memref<192x128xf32, #tpu.memory_space<vmem>>, vector<1x16xf32>,
        %get3A_630 = vector.shape_cast %get3A_629 : vector<1x16xf32> to vector<16xf32>
        %add3A_631 = arith.constant 1 : i32
        %add3A_632 = arith.addi %mul3A_386, %add3A_631 : i32
        %get3A_633 = arith.index_cast %add3A_632 : i32 to index
        %get3A_634 = arith.constant 64 : index
        %get3A_635 = tpu.vector_load %arg8[%get3A_633, %get3A_634] {strides = array<i32>} : memref<192x128xf32, #tpu.memory_space<vmem>>, vector<1x16xf32>,
        %get3A_636 = vector.shape_cast %get3A_635 : vector<1x16xf32> to vector<16xf32>
        %add3A_637 = arith.addf %get3A_630, %get3A_636 : vector<16xf32>
        %add3A_638 = arith.constant 1 : i32
        %add3A_639 = arith.addi %mul3A_386, %add3A_638 : i32
        %swap3A_640 = arith.index_cast %add3A_639 : i32 to index
        %swap3A_641 = arith.constant 64 : index
        %swap3A_642 = tpu.vector_load %arg6[%swap3A_640, %swap3A_641] {strides = array<i32>} : memref<192x128xf32, #tpu.memory_space<vmem>>, vector<1x16xf32>,
        %swap3A_643 = vector.shape_cast %swap3A_642 : vector<1x16xf32> to vector<16xf32>
        %swap3A_644 = vector.shape_cast %add3A_637 : vector<16xf32> to vector<1x16xf32>
        tpu.vector_store %arg6[%swap3A_640, %swap3A_641], %swap3A_644 {strides = array<i32>} : memref<192x128xf32, #tpu.memory_space<vmem>>, vector<1x16xf32>,
        %add3A_645 = arith.constant 1 : i32
        %add3A_646 = arith.addi %mul3A_386, %add3A_645 : i32
        %get3A_647 = arith.index_cast %add3A_646 : i32 to index
        %get3A_648 = arith.constant 80 : index
        %get3A_649 = tpu.vector_load %arg6[%get3A_647, %get3A_648] {strides = array<i32>} : memref<192x128xf32, #tpu.memory_space<vmem>>, vector<1x16xf32>,
        %get3A_650 = vector.shape_cast %get3A_649 : vector<1x16xf32> to vector<16xf32>
        %add3A_651 = arith.constant 1 : i32
        %add3A_652 = arith.addi %mul3A_386, %add3A_651 : i32
        %get3A_653 = arith.index_cast %add3A_652 : i32 to index
        %get3A_654 = arith.constant 80 : index
        %get3A_655 = tpu.vector_load %arg8[%get3A_653, %get3A_654] {strides = array<i32>} : memref<192x128xf32, #tpu.memory_space<vmem>>, vector<1x16xf32>,
        %get3A_656 = vector.shape_cast %get3A_655 : vector<1x16xf32> to vector<16xf32>
        %add3A_657 = arith.addf %get3A_650, %get3A_656 : vector<16xf32>
        %add3A_658 = arith.constant 1 : i32
        %add3A_659 = arith.addi %mul3A_386, %add3A_658 : i32
        %swap3A_660 = arith.index_cast %add3A_659 : i32 to index
        %swap3A_661 = arith.constant 80 : index
        %swap3A_662 = tpu.vector_load %arg6[%swap3A_660, %swap3A_661] {strides = array<i32>} : memref<192x128xf32, #tpu.memory_space<vmem>>, vector<1x16xf32>,
        %swap3A_663 = vector.shape_cast %swap3A_662 : vector<1x16xf32> to vector<16xf32>
        %swap3A_664 = vector.shape_cast %add3A_657 : vector<16xf32> to vector<1x16xf32>
        tpu.vector_store %arg6[%swap3A_660, %swap3A_661], %swap3A_664 {strides = array<i32>} : memref<192x128xf32, #tpu.memory_space<vmem>>, vector<1x16xf32>,
        %add3A_665 = arith.constant 1 : i32
        %add3A_666 = arith.addi %mul3A_386, %add3A_665 : i32
        %get3A_667 = arith.index_cast %add3A_666 : i32 to index
        %get3A_668 = arith.constant 96 : index
        %get3A_669 = tpu.vector_load %arg6[%get3A_667, %get3A_668] {strides = array<i32>} : memref<192x128xf32, #tpu.memory_space<vmem>>, vector<1x16xf32>,
        %get3A_670 = vector.shape_cast %get3A_669 : vector<1x16xf32> to vector<16xf32>
        %add3A_671 = arith.constant 1 : i32
        %add3A_672 = arith.addi %mul3A_386, %add3A_671 : i32
        %get3A_673 = arith.index_cast %add3A_672 : i32 to index
        %get3A_674 = arith.constant 96 : index
        %get3A_675 = tpu.vector_load %arg8[%get3A_673, %get3A_674] {strides = array<i32>} : memref<192x128xf32, #tpu.memory_space<vmem>>, vector<1x16xf32>,
        %get3A_676 = vector.shape_cast %get3A_675 : vector<1x16xf32> to vector<16xf32>
        %add3A_677 = arith.addf %get3A_670, %get3A_676 : vector<16xf32>
        %add3A_678 = arith.constant 1 : i32
        %add3A_679 = arith.addi %mul3A_386, %add3A_678 : i32
        %swap3A_680 = arith.index_cast %add3A_679 : i32 to index
        %swap3A_681 = arith.constant 96 : index
        %swap3A_682 = tpu.vector_load %arg6[%swap3A_680, %swap3A_681] {strides = array<i32>} : memref<192x128xf32, #tpu.memory_space<vmem>>, vector<1x16xf32>,
        %swap3A_683 = vector.shape_cast %swap3A_682 : vector<1x16xf32> to vector<16xf32>
        %swap3A_684 = vector.shape_cast %add3A_677 : vector<16xf32> to vector<1x16xf32>
        tpu.vector_store %arg6[%swap3A_680, %swap3A_681], %swap3A_684 {strides = array<i32>} : memref<192x128xf32, #tpu.memory_space<vmem>>, vector<1x16xf32>,
        %add3A_685 = arith.constant 1 : i32
        %add3A_686 = arith.addi %mul3A_386, %add3A_685 : i32
        %get3A_687 = arith.index_cast %add3A_686 : i32 to index
        %get3A_688 = arith.constant 112 : index
        %get3A_689 = tpu.vector_load %arg6[%get3A_687, %get3A_688] {strides = array<i32>} : memref<192x128xf32, #tpu.memory_space<vmem>>, vector<1x16xf32>,
        %get3A_690 = vector.shape_cast %get3A_689 : vector<1x16xf32> to vector<16xf32>
        %add3A_691 = arith.constant 1 : i32
        %add3A_692 = arith.addi %mul3A_386, %add3A_691 : i32
        %get3A_693 = arith.index_cast %add3A_692 : i32 to index
        %get3A_694 = arith.constant 112 : index
        %get3A_695 = tpu.vector_load %arg8[%get3A_693, %get3A_694] {strides = array<i32>} : memref<192x128xf32, #tpu.memory_space<vmem>>, vector<1x16xf32>,
        %get3A_696 = vector.shape_cast %get3A_695 : vector<1x16xf32> to vector<16xf32>
        %add3A_697 = arith.addf %get3A_690, %get3A_696 : vector<16xf32>
        %add3A_698 = arith.constant 1 : i32
        %add3A_699 = arith.addi %mul3A_386, %add3A_698 : i32
        %swap3A_700 = arith.index_cast %add3A_699 : i32 to index
        %swap3A_701 = arith.constant 112 : index
        %swap3A_702 = tpu.vector_load %arg6[%swap3A_700, %swap3A_701] {strides = array<i32>} : memref<192x128xf32, #tpu.memory_space<vmem>>, vector<1x16xf32>,
        %swap3A_703 = vector.shape_cast %swap3A_702 : vector<1x16xf32> to vector<16xf32>
        %swap3A_704 = vector.shape_cast %add3A_697 : vector<16xf32> to vector<1x16xf32>
        tpu.vector_store %arg6[%swap3A_700, %swap3A_701], %swap3A_704 {strides = array<i32>} : memref<192x128xf32, #tpu.memory_space<vmem>>, vector<1x16xf32>,
        %scan3A_705 = arith.constant 0 : i32
        scf.yield %scan3A_705 : i32
      }
      %scan3A_351 = arith.constant 96 : i32
      %add3A_352 = arith.constant 1 : i32
      %add3A_353 = arith.addi %add3A_311, %add3A_352 : i32
      %div3A_354 = arith.constant 4 : i32
      %div3A_355 = arith.divsi %add3A_353, %div3A_354 : i32
      %rem3A_356 = arith.constant 4 : i32
      %rem3A_357 = arith.remsi %add3A_353, %rem3A_356 : i32
      %mul3A_358 = arith.constant 49152 : i32
      %mul3A_359 = arith.muli %rem3A_357, %mul3A_358 : i32
      %add3A_360 = arith.addi %mul3A_359, %mul3A_2 : i32
      %mul3A_361 = arith.constant 192 : i32
      %mul3A_362 = arith.muli %div3A_355, %mul3A_361 : i32
      %add3A_363 = arith.addi %add3A_360, %mul3A_362 : i32
      %dma_start3A_364 = arith.constant 0 : i32
      %dma_start3A_365 = tpu.memref_slice %arg4[%add3A_363, %dma_start3A_364] : memref<196608x128xf32, #tpu.memory_space<hbm>> -> memref<192x128xf32, #tpu.memory_space<hbm>>
      %dma_start3A_366 = arith.constant 0 : i32
      %dma_start3A_367 = tpu.memref_slice %arg4[%add3A_363, %dma_start3A_366] : memref<196608x128xf32, #tpu.memory_space<hbm>> -> memref<192x128xf32, #tpu.memory_space<hbm>>
      tpu.enqueue_dma source(%arg6 : memref<192x128xf32, #tpu.memory_space<vmem>>) target(%dma_start3A_367 : memref<192x128xf32, #tpu.memory_space<hbm>>) target_semaphore(%arg12 : memref<!tpu.dma_semaphore, #tpu.memory_space<semaphore_mem>>)
      %add3A_368 = arith.constant 2 : i32
      %add3A_369 = arith.addi %add3A_311, %add3A_368 : i32
      %lt3A_370 = arith.constant 32 : i32
      %lt3A_371 = arith.cmpi slt, %add3A_369, %lt3A_370 : i32
      %convert_element_type3A_372 = arith.extui %lt3A_371 : i1 to i32
      %cond3A_373 = arith.constant 0 : i32
      %cond3A_374 = arith.cmpi ne, %convert_element_type3A_372, %cond3A_373 : i32
      scf.if %cond3A_374 {
        %dma_wait3A_383 = arith.constant 0 : i32
        %dma_wait3A_384 = arith.constant 0 : i32
        %dma_wait3A_385 = tpu.memref_slice %arg4[%dma_wait3A_383, %dma_wait3A_384] : memref<196608x128xf32, #tpu.memory_space<hbm>> -> memref<192x128xf32, #tpu.memory_space<hbm>>
        %dma_wait3A_386 = arith.constant 0 : i32
        %dma_wait3A_387 = arith.constant 0 : i32
        %dma_wait3A_388 = tpu.memref_slice %arg4[%dma_wait3A_386, %dma_wait3A_387] : memref<196608x128xf32, #tpu.memory_space<hbm>> -> memref<192x128xf32, #tpu.memory_space<hbm>>
        tpu.wait_dma2 semaphore(%arg11 : memref<!tpu.dma_semaphore, #tpu.memory_space<semaphore_mem>>) src(%arg5 : memref<192x128xf32, #tpu.memory_space<vmem>>) dst(%dma_wait3A_388 : memref<192x128xf32, #tpu.memory_space<hbm>>)
        %add3A_389 = arith.constant 2 : i32
        %add3A_390 = arith.addi %add3A_311, %add3A_389 : i32
        %div3A_391 = arith.constant 4 : i32
        %div3A_392 = arith.divsi %add3A_390, %div3A_391 : i32
        %rem3A_393 = arith.constant 4 : i32
        %rem3A_394 = arith.remsi %add3A_390, %rem3A_393 : i32
        %mul3A_395 = arith.constant 49152 : i32
        %mul3A_396 = arith.muli %rem3A_394, %mul3A_395 : i32
        %add3A_397 = arith.addi %mul3A_396, %mul3A_2 : i32
        %mul3A_398 = arith.constant 192 : i32
        %mul3A_399 = arith.muli %div3A_392, %mul3A_398 : i32
        %add3A_400 = arith.addi %add3A_397, %mul3A_399 : i32
        %dma_start3A_401 = arith.constant 0 : i32
        %dma_start3A_402 = tpu.memref_slice %arg2[%add3A_400, %dma_start3A_401] : memref<196608x128xf32, #tpu.memory_space<hbm>> -> memref<192x128xf32, #tpu.memory_space<hbm>>
        %dma_start3A_403 = arith.constant 0 : i32
        %dma_start3A_404 = tpu.memref_slice %arg2[%add3A_400, %dma_start3A_403] : memref<196608x128xf32, #tpu.memory_space<hbm>> -> memref<192x128xf32, #tpu.memory_space<hbm>>
        tpu.enqueue_dma source(%dma_start3A_404 : memref<192x128xf32, #tpu.memory_space<hbm>>) target(%arg5 : memref<192x128xf32, #tpu.memory_space<vmem>>) target_semaphore(%arg9 : memref<!tpu.dma_semaphore, #tpu.memory_space<semaphore_mem>>)
      } else {
      }
      %add3A_375 = arith.constant 3 : i32
      %add3A_376 = arith.addi %add3A_311, %add3A_375 : i32
      %lt3A_377 = arith.constant 32 : i32
      %lt3A_378 = arith.cmpi slt, %add3A_376, %lt3A_377 : i32
      %convert_element_type3A_379 = arith.extui %lt3A_378 : i1 to i32
      %cond3A_380 = arith.constant 0 : i32
      %cond3A_381 = arith.cmpi ne, %convert_element_type3A_379, %cond3A_380 : i32
      scf.if %cond3A_381 {
        %dma_wait3A_383 = arith.constant 0 : i32
        %dma_wait3A_384 = arith.constant 0 : i32
        %dma_wait3A_385 = tpu.memref_slice %arg4[%dma_wait3A_383, %dma_wait3A_384] : memref<196608x128xf32, #tpu.memory_space<hbm>> -> memref<192x128xf32, #tpu.memory_space<hbm>>
        %dma_wait3A_386 = arith.constant 0 : i32
        %dma_wait3A_387 = arith.constant 0 : i32
        %dma_wait3A_388 = tpu.memref_slice %arg4[%dma_wait3A_386, %dma_wait3A_387] : memref<196608x128xf32, #tpu.memory_space<hbm>> -> memref<192x128xf32, #tpu.memory_space<hbm>>
        tpu.wait_dma2 semaphore(%arg12 : memref<!tpu.dma_semaphore, #tpu.memory_space<semaphore_mem>>) src(%arg6 : memref<192x128xf32, #tpu.memory_space<vmem>>) dst(%dma_wait3A_388 : memref<192x128xf32, #tpu.memory_space<hbm>>)
        %add3A_389 = arith.constant 3 : i32
        %add3A_390 = arith.addi %add3A_311, %add3A_389 : i32
        %div3A_391 = arith.constant 4 : i32
        %div3A_392 = arith.divsi %add3A_390, %div3A_391 : i32
        %rem3A_393 = arith.constant 4 : i32
        %rem3A_394 = arith.remsi %add3A_390, %rem3A_393 : i32
        %mul3A_395 = arith.constant 49152 : i32
        %mul3A_396 = arith.muli %rem3A_394, %mul3A_395 : i32
        %add3A_397 = arith.addi %mul3A_396, %mul3A_2 : i32
        %mul3A_398 = arith.constant 192 : i32
        %mul3A_399 = arith.muli %div3A_392, %mul3A_398 : i32
        %add3A_400 = arith.addi %add3A_397, %mul3A_399 : i32
        %dma_start3A_401 = arith.constant 0 : i32
        %dma_start3A_402 = tpu.memref_slice %arg2[%add3A_400, %dma_start3A_401] : memref<196608x128xf32, #tpu.memory_space<hbm>> -> memref<192x128xf32, #tpu.memory_space<hbm>>
        %dma_start3A_403 = arith.constant 0 : i32
        %dma_start3A_404 = tpu.memref_slice %arg2[%add3A_400, %dma_start3A_403] : memref<196608x128xf32, #tpu.memory_space<hbm>> -> memref<192x128xf32, #tpu.memory_space<hbm>>
        tpu.enqueue_dma source(%dma_start3A_404 : memref<192x128xf32, #tpu.memory_space<hbm>>) target(%arg6 : memref<192x128xf32, #tpu.memory_space<vmem>>) target_semaphore(%arg10 : memref<!tpu.dma_semaphore, #tpu.memory_space<semaphore_mem>>)
      } else {
      }
      %scan3A_382 = arith.constant 0 : i32
      scf.yield %scan3A_382 : i32
    }
    %scan3A_43 = arith.constant 4 : i32
    %dma_wait3A = arith.constant 0 : i32
    %dma_wait3A_44 = arith.constant 0 : i32
    %dma_wait3A_45 = tpu.memref_slice %arg4[%dma_wait3A, %dma_wait3A_44] : memref<196608x128xf32, #tpu.memory_space<hbm>> -> memref<192x128xf32, #tpu.memory_space<hbm>>
    %dma_wait3A_46 = arith.constant 0 : i32
    %dma_wait3A_47 = arith.constant 0 : i32
    %dma_wait3A_48 = tpu.memref_slice %arg4[%dma_wait3A_46, %dma_wait3A_47] : memref<196608x128xf32, #tpu.memory_space<hbm>> -> memref<192x128xf32, #tpu.memory_space<hbm>>
    tpu.wait_dma2 semaphore(%arg11 : memref<!tpu.dma_semaphore, #tpu.memory_space<semaphore_mem>>) src(%arg5 : memref<192x128xf32, #tpu.memory_space<vmem>>) dst(%dma_wait3A_48 : memref<192x128xf32, #tpu.memory_space<hbm>>)
    %dma_wait3A_49 = arith.constant 0 : i32
    %dma_wait3A_50 = arith.constant 0 : i32
    %dma_wait3A_51 = tpu.memref_slice %arg4[%dma_wait3A_49, %dma_wait3A_50] : memref<196608x128xf32, #tpu.memory_space<hbm>> -> memref<192x128xf32, #tpu.memory_space<hbm>>
    %dma_wait3A_52 = arith.constant 0 : i32
    %dma_wait3A_53 = arith.constant 0 : i32
    %dma_wait3A_54 = tpu.memref_slice %arg4[%dma_wait3A_52, %dma_wait3A_53] : memref<196608x128xf32, #tpu.memory_space<hbm>> -> memref<192x128xf32, #tpu.memory_space<hbm>>
    tpu.wait_dma2 semaphore(%arg12 : memref<!tpu.dma_semaphore, #tpu.memory_space<semaphore_mem>>) src(%arg6 : memref<192x128xf32, #tpu.memory_space<vmem>>) dst(%dma_wait3A_54 : memref<192x128xf32, #tpu.memory_space<hbm>>)
    return
  }
}

</mosaic_0001>

<sc_bundles>
// kernel: kernel.3.cloned.1.call-start
scs
__scs_entry_jumppad:
0x0: {  	(pc) =	sbr.rel $0x88, $3  }
0x1: {  	(tag) =	ssettag $0x0;
	lr =	simm.s32 $0x1  }
0x2: {  	[smem:$0x3F9F] =	sst lr;
	_ =	strace $0xD0000000  }
0x3: {  	_ = 	snop  }
0x4: {  	_ = 	snop  }
0x5: {  	_ = 	snop  }
0x6: {  	_ = 	snop  }
0x7: {  	_ = 	snop  }
__scs_overlays_trampoline_lowered:
0x8: {  	[smem:$0x3FAE] =	sst s0  }
0x9: {  	[smem:$0x3FAF] =	sst s1  }
0xa: {  	[smem:$0x3FB0] =	sst s2  }
0xb: {  	[smem:$0x3FB1] =	sst s3  }
0xc: {  	[smem:$0x3FB2] =	sst s4  }
0xd: {  	[smem:$0x3FB3] =	sst s5  }
0xe: {  	[smem:$0x3FB4] =	sst s6  }
0xf: {  	[smem:$0x3FB5] =	sst s7  }
0x10: {  	[smem:$0x3FB6] =	sst s8  }
0x11: {  	[smem:$0x3FB7] =	sst s9;
	s0 =	simm.s32 @!p0 $0x0  }
0x12: {  	s1 =	sld [smem:$0x3F9D];
	s0 =	simm.s32 @p0 $0x1  }
0x13: {  	[smem:$0x3FB8] =	sst s0;
	s0 =	simm.s32 @!p1 $0x0  }
0x14: {  	s2 =	sld [smem:$0x3F9C];
	s0 =	simm.s32 @p1 $0x1  }
0x15: {  	[smem:$0x3FB9] =	sst s0;
	s0 =	simm.s32 @!p2 $0x0  }
0x16: {  	s3 =	sld [smem:$0x3FDB];
	s0 =	simm.s32 @p2 $0x1  }
0x17: {  	s4 =	simm.s32 $0x1BF5;
	[smem:$0x3FBB] =	sst s0  }
0x18: {  	s0 =	sld [smem:$0x3F9E];
	_ =	swait.ge [sflag:s4], $0x0  }
0x19: {  	s7 =	sld [smem:$0x3F9F]  }
0x1a: {  	s8 =	sadd.s32 $0xFFFFE003, lr  }
0x1b: {  	s9 =	sadd.s32 $0xFFFFFEF7, lr;
	s5 =	simm.s32 $0xFFFFFFFF;
	p2 =	slt.u32 s8, $0xFFFFF086  }
0x1c: {  	p1 =	slt.u32 s9, $0xF7A;
	s5 =	simm.s32 @!p2 $0x0  }
0x1d: {  	s5 =	simm.s32 @p1 $0x1;
	p0 =	seq.s32 s7, s2  }
0x1e: {  	s7 =	smul.u32 @!p0 $0xF7A, s2;
	p2 =	seq.s32 @!p0 s5, $0x0  }
0x1f: {  	s9 =	smul.u32 $0xF7A, s1;
	s8 =	simm.s32 @!p0 $0x1BF5;
	p2 =	por !p2, p0  }
0x20: {  	[sflag:s8] =	ssyncset.s32 @!p0 $0xFFFFF086;
	s6 =	sadd.s32 @!p0 s3, s7;
	s7 =	simm.s32 @!p0 $0x108  }
0x21: {  	s3 =	sadd.s32 s3, s9;
	s6 =	sadd.s32 @!p0 $0x88, s6;
	s7 =	simm.s32 @p2 $0x1082  }
0x22: {  	[simem:s7], [sflag:s8] =	dma.local @!p0 [hbm:s6], $0xF7A  }
0x23: {  	s9 =	sor.u32 $0xD0000000, s2;
	s6 =	simm.s32 $0x108;
	_ =	swait.ge @!p0 [sflag:s8], $0x0  }
0x24: {  	s3 =	sadd.s32 $0x88, s3;
	s6 =	simm.s32 @!p1 $0x1082;
	[sflag:s4] =	ssyncset.s32 $0xFFFFF086  }
0x25: {  	[simem:s6], [sflag:s4] =	dma.local [hbm:s3], $0xF7A  }
0x26: {  	[smem:$0x3F9F] =	sst s1;
	(tag) =	ssettag s2;
	_ =	strace s9  }
0x27: {  	s1 =	sld [smem:$0x3FAF]  }
0x28: {  	s2 =	sld [smem:$0x3FB0]  }
0x29: {  	s4 =	sld [smem:$0x3FB2]  }
0x2a: {  	p0 =	seq.s32 s5, $0x0;
	s5 =	sld [smem:$0x3FB3]  }
0x2b: {  	s6 =	sld [smem:$0x3FB4]  }
0x2c: {  	s7 =	sld [smem:$0x3FB5]  }
0x2d: {  	s3 =	simm.s32 $0x108;
	s8 =	sld [smem:$0x3FB6]  }
0x2e: {  	s3 =	simm.s32 @!p0 $0x1082;
	s9 =	sld [smem:$0x3FB7]  }
0x2f: {  	lr =	sadd.s32 s0, s3;
	s0 =	sld [smem:$0x3FAE]  }
0x30: {  	s3 =	sld [smem:$0x3FB1]  }
0x31: {  	[smem:$0x3FBA] =	sst s10  }
0x32: {  	s10 =	sld [smem:$0x3FB8];
	_ =	sdelay $0x3  }
0x33: {  	p0 =	seq.s32 s10, $0x1;
	s10 =	sld [smem:$0x3FBA];
	_ =	sdelay $0x3  }
0x34: {  	[smem:$0x3FBA] =	sst s10  }
0x35: {  	s10 =	sld [smem:$0x3FB9];
	_ =	sdelay $0x3  }
0x36: {  	p1 =	seq.s32 s10, $0x1;
	s10 =	sld [smem:$0x3FBA];
	_ =	sdelay $0x3  }
0x37: {  	[smem:$0x3FBA] =	sst s10  }
0x38: {  	s10 =	sld [smem:$0x3FBB]  }
0x39: {  	_ = 	snop;
	(pc) =	sbr.ind lr, $3  }
0x3a: {  	_ = 	snop  }
0x3b: {  	_ = 	snop  }
0x3c: {  	p2 =	seq.s32 s10, $0x1;
	s10 =	sld [smem:$0x3FBA]  }
0x3d: {  	_ =	shalt  }
0x3e: {  	_ =	shalt  }
0x3f: {  	_ =	shalt  }
0x40: {  	_ =	shalt  }
0x41: {  	_ =	shalt  }
0x42: {  	_ =	shalt  }
0x43: {  	_ =	shalt  }
0x44: {  	_ =	shalt  }
0x45: {  	_ =	shalt  }
0x46: {  	_ =	shalt  }
0x47: {  	_ =	shalt  }
0x48: {  	_ =	shalt  }
0x49: {  	_ =	shalt  }
0x4a: {  	_ =	shalt  }
0x4b: {  	_ =	shalt  }
0x4c: {  	_ =	shalt  }
0x4d: {  	_ =	shalt  }
0x4e: {  	_ =	shalt  }
0x4f: {  	_ =	shalt  }
0x50: {  	_ =	shalt  }
0x51: {  	_ =	shalt  }
0x52: {  	_ =	shalt  }
0x53: {  	_ =	shalt  }
0x54: {  	_ =	shalt  }
0x55: {  	_ =	shalt  }
0x56: {  	_ =	shalt  }
0x57: {  	_ =	shalt  }
0x58: {  	_ =	shalt  }
0x59: {  	_ =	shalt  }
0x5a: {  	_ =	shalt  }
0x5b: {  	_ =	shalt  }
0x5c: {  	_ =	shalt  }
0x5d: {  	_ =	shalt  }
0x5e: {  	_ =	shalt  }
0x5f: {  	_ =	shalt  }
0x60: {  	_ =	shalt  }
0x61: {  	_ =	shalt  }
0x62: {  	_ =	shalt  }
0x63: {  	_ =	shalt  }
0x64: {  	_ =	shalt  }
0x65: {  	_ =	shalt  }
0x66: {  	_ =	shalt  }
0x67: {  	_ =	shalt  }
0x68: {  	_ =	shalt  }
0x69: {  	_ =	shalt  }
0x6a: {  	_ =	shalt  }
0x6b: {  	_ =	shalt  }
0x6c: {  	_ =	shalt  }
0x6d: {  	_ =	shalt  }
0x6e: {  	_ =	shalt  }
0x6f: {  	_ =	shalt  }
0x70: {  	_ =	shalt  }
0x71: {  	_ =	shalt  }
0x72: {  	_ =	shalt  }
0x73: {  	_ =	shalt  }
0x74: {  	_ =	shalt  }
0x75: {  	_ =	shalt  }
0x76: {  	_ =	shalt  }
0x77: {  	_ =	shalt  }
0x78: {  	_ =	shalt  }
0x79: {  	_ =	shalt  }
0x7a: {  	_ =	shalt  }
0x7b: {  	_ =	shalt  }
0x7c: {  	_ =	shalt  }
0x7d: {  	_ =	shalt  }
0x7e: {  	_ =	shalt  }
0x7f: {  	_ =	shalt  }
0x80: {  	_ =	shalt  }
0x81: {  	_ =	shalt  }
0x82: {  	_ =	shalt  }
0x83: {  	_ =	shalt  }
0x84: {  	_ =	shalt  }
0x85: {  	_ =	shalt  }
0x86: {  	_ =	shalt  }
0x87: {  	_ =	shalt  }
.Lfunc_end0:
.L_simem_size_0:
called_computation_lowered:
.L_overlay_start_0:
0x88: {  	s2 =	sld [smem:$0x3FD9]  }
0x89: {  	s3 =	sld [smem:$0x3FFE];
	_ =	sdelay $0x1  }
0x8a: {  	s1 =	srdreg.scid  }
0x8b: {  	s0 =	sand.u32 $0x1, s1  }
0x8c: {  	s17 =	sshll.u32 s0, $0xA;
	s2 =	sadd.s32 s3, s2  }
0x8d: {  	s2 =	sadd.s32 s2, s17  }
0x8e: {  	[smem:$0x3FC6] =	sst s2  }
0x8f: {  	_ = 	snop  }
0x90: {  	s2 =	sld [smem:$0x3FD0];
	(tm) =	ssettm $0x1  }
0x91: {  	s18 =	sld [smem:$0x3FFB];
	_ =	sdelay $0x3  }
0x92: {  	_ =	strace s18  }
0x93: {  	s3 =	sld [smem:$0x3FFC];
	_ =	sdelay $0x3  }
0x94: {  	_ =	strace s3  }
0x95: {  	s3 =	sld [smem:$0x3FFD];
	_ =	sdelay $0x3  }
0x96: {  	_ =	strace s3  }
0x97: {  	_ =	strace $0x8FFFFFFF  }
0x98: {  	s19 =	sld [smem:$0x3FDB];
	_ =	sdelay $0x1  }
0x99: {  	s4 =	simm.s32 $_scs_section_size  }
0x9a: {  	s5 =	simm.s32 $_size__tile_overlayer_lowered;
	s6 =	simm.s32 $_tile_overlayer_lowered  }
0x9b: {  	s22 =	simm.s32 $0x1BFF;
	s21 =	sshll.u32 s6, $0x1;
	s3 =	sadd.s32 s4, s19  }
0x9c: {  	s7 =	simm.s32 $0x0;
	s20 =	sshll.u32 s5, $0x1;
	s5 =	sadd.s32 s21, s3  }
0x9d: {  	[timem:s7], [sflag:s22] =	dma.local [hbm:s5], s20  }
0x9e: {  	_ =	swait.ge [sflag:s22], s20  }
0x9f: {  	s4 =	ssub.s32 $0x0, s20;
	[sflag:s22] =	ssyncset.done $0x0  }
0xa0: {  	[sflag:s22] =	ssyncadd.s32 s4;
	_ =	sdelay $0x1  }
0xa1: {  	s23 =	simm.s32 $0x1B8B  }
0xa2: {  	_ =	swait.ge [sflag:s23], $0x1  }
0xa3: {  	[sflag:s23] =	ssyncset.done $0x0  }
0xa4: {  	s25 =	simm.s32 $0x1B8E;
	s24 =	sld [smem:$0x3FFE];
	[sflag:s23] =	ssyncadd.s32 $0xFFFFFFFF  }
0xa5: {  	s26 =	simm.s32 $execute0_lowered;
	[smem:$0x3FD2] =	sst s25  }
0xa6: {  	s5 =	sshll.u32 s26, $0x1;
	_ =	strace $0x80000046;
	[dreg:$0x1] =	wrdreg $0xFFFFFFFF  }
0xa7: {  	s28 =	simm.s32 $_size_execute0_lowered;
	s3 =	sadd.s32 s3, s5;
	[dreg:$0x0] =	wrdreg $0x0  }
0xa8: {  	s5 =	sshll.u32 s28, $0x1;
	[dreg:$0x2] =	wrdreg s3  }
0xa9: {  	[dreg:$0x3] =	wrdreg s5  }
0xaa: {  	[dreg:$0x4] =	wrdreg $0xC0  }
0xab: {  	_ =	task [dreg:s7], $0x5FFFF  }
0xac: {  	[dreg:$0x1] =	wrdreg $0xFFFFFFFF  }
0xad: {  	[dreg:$0x0] =	wrdreg $0x60  }
0xae: {  	[dreg:$0x2] =	wrdreg s2  }
0xaf: {  	[dreg:$0x3] =	wrdreg s24  }
0xb0: {  	[dreg:$0x4] =	wrdreg $0x9  }
0xb1: {  	_ =	task.clear_ibuf [dreg:s7], $0x5FFFF;
	_ =	strace $0x90000046  }
0xb2: {  	s29 =	simm.s32 $0x9;
	_ =	strace $0x80000048  }
0xb3: {  	_ =	swait.ge [sflag:s29], $0x1  }
0xb4: {  	[sflag:s29] =	ssyncadd.s32 $0xFFFFFFFF  }
0xb5: {  	_ =	strace $0x90000048  }
0xb6: {  	_ =	sfence  }
0xb7: {  	s30 =	sld [smem:$0x0];
	_ =	sdelay $0x2  }
0xb8: {  	s31 =	sshll.u32 s1, $0xD;
	s1 =	sshrl.u32 s1, $0x2  }
0xb9: {  	s3 =	sand.u32 $0x4000, s31;
	s1 =	sadd.s32 s1, s30  }
0xba: {  	s0 =	sor.u32 s3, s0;
	s1 =	sshll.u32 s1, $0x11  }
0xbb: {  	s0 =	sor.u32 s1, s0  }
0xbc: {  	s0 =	sadd.s32 $0x8F2B, s0  }
0xbd: {  	[sflag:s0] =	ssyncadd.remote.s32 $0x1  }
0xbe: {  	_ =	sfence.sel $0xFFFF  }
0xbf: {  	[dreg:$0x0] =	wrdreg $0xFFFFFFFF;
	(pc) =	sbr.abs _section_cstart, $3  }
0xc0: {  	[dreg:$0x1] =	wrdreg $0xFFFFFFFF  }
0xc1: {  	_ =	task.clear_ibuf [dreg:s7], $0x2FFFF;
	_ =	strace $0x9FFFFFFF  }
0xc2: {  	(tm) =	ssettm $0x7FFFFFFF  }
0xc3: {  	_ =	shalt  }
tec
execute0_lowered:
.L_overlay_start_1:
0x0: {  	(tag) =	ssettag $0x1  }
0x1: {  	s1 =	rddreg [dreg:$0x0]  }
0x2: {  	s0 =	rddreg [dreg:$0x1]  }
0x3: {  	s2 =	srdreg.scid;
	s3 =	simm.s32 $0x0;
	s5 =	stileid.u32  }
0x4: {  	s19 =	simm.s32 $0x6000;
	s20 =	simm.s32 $0x5;
	s21 =	simm.s32 $0x12000  }
0x5: {  	s22 =	simm.s32 $0x1;
	s23 =	simm.s32 $0x2;
	s24 =	simm.s32 $0x3  }
0x6: {  	s25 =	simm.s32 $0x4;
	s26 =	simm.s32 $0x6;
	s2 =	sand.u32 $0x1, s2  }
0x7: {  	[smem:$0x7FF] =	sst s3;
	s14 =	sadd.s32 $0xC0C00, s1;
	s4 =	sshll.u32 s2, $0x4  }
0x8: {  	s16 =	sadd.s32 $0xC1800, s1;
	s28 =	ssub.s32 $0x2, s2;
	s6 =	sor.u32 s5, s4  }
0x9: {  	s4 =	sadd.s32 $0x400, s0;
	s2 =	sshrl.u32 s28, $0x1;
	s7 =	smul.u32 $0x30000, s6  }
0xa: {  	s5 =	sadd.s32 $0xC0400, s0;
	s8 =	smul.u32 $0x6000, s6;
	s0 =	ssub.s32 s28, s2  }
0xb: {  	_ =	strace $0x80000047;
	s6 =	smul.u32 $0x600, s6;
	s0 =	smax.u32 s0, $0x1  }
0xc: {  	s7 =	sshrl.u32 s7, $0x3;
	s30 =	sadd.s32 s4, s8;
	s31 =	sadd.s32 s1, s8  }
0xd: {  	s10 =	sadd.s32 $0xC000, s6;
	s11 =	sadd.s32 $0x18000, s6;
	[dreg:$0x6] =	wrdreg s0  }
0xe: {  	s12 =	sadd.s32 $0x24000, s6;
	s29 =	sadd.s32 s1, s7;
	[dreg:$0x3] =	wrdreg s30  }
0xf: {  	s13 =	sor.u32 $0xC0, s6;
	[dreg:$0x4] =	wrdreg s31;
	s2 =	sadd.s32 $0xC0000, s29  }
0x10: {  	s15 =	sor.u32 $0x180, s6;
	[dreg:$0x5] =	wrdreg s2;
	s2 =	simm.s32 $0x0  }
.LBB2_1:
0x11: {  	[dreg:$0x7] =	wrdreg s2  }
0x12: {  	s0 =	rddreg [dreg:$0x3];
	s28 =	simm.s32 $0xC000  }
0x13: {  	[tilespmem:s28], [sflag:$0x5] =	stream.linear.gather [hbm4b:s0+s3], $0x6000, $0x38;
	[tilespmem:$0x18000] =	vst v63  }
0x14: {  	s30 =	rddreg [dreg:$0x4]  }
0x15: {  	[tilespmem:s3], [sflag:$0x1] =	stream.linear.gather [hbm4b:s30+s3], $0x6000, $0x38;
	[tilespmem:$0x18000] =	vst v63  }
0x16: {  	s31 =	rddreg [dreg:$0x5];
	s29 =	simm.s32 $0x0  }
0x17: {  	[tilespmem:s19], [sflag:$0x2] =	stream.linear.gather [hbm4b:s31+s3], $0x6000, $0x38;
	[tilespmem:$0x18000] =	vst v63  }
.LBB2_2:
0x18: {  	s30 =	sshllo.u32 s29, $0x1  }
0x19: {  	s2 =	smul.u32 $0xC0, s30;
	_ =	sdelay $0x1  }
0x1a: {  	_ =	swait.ge [sflag:s20], $0x6000;
	s0 =	sadd.s32 s6, s2  }
0x1b: {  	[sflag:s20] =	ssyncset.done $0x0;
	s18 =	sshll.u32 s0, $0x4  }
0x1c: {  	[sflag:s20] =	ssyncadd.s32 $0xFFFFA000;
	s0 =	sadd.s32 s4, s18  }
0x1d: {  	[tilespmem:s21], [sflag:$0x6] =	stream.linear.gather [hbm4b:s0+s3], $0x6000, $0x38;
	[tilespmem:$0x18000] =	vst v63  }
0x1e: {  	_ =	swait.ge [sflag:s22], $0x6000  }
0x1f: {  	[sflag:s22] =	ssyncset.done $0x0  }
0x20: {  	s7 =	simm.s32 $0xF0;
	[sflag:s22] =	ssyncadd.s32 $0xFFFFA000  }
0x21: {  	v6 =	vld [tilespmem:s7+$0xBF10]  }
0x22: {  	v7 =	vld [tilespmem:s7+$0xBF20]  }
0x23: {  	v8 =	vld [tilespmem:s7+$0xBF30]  }
0x24: {  	v9 =	vld [tilespmem:s7+$0xBF40]  }
0x25: {  	v10 =	vld [tilespmem:s7+$0xBF50]  }
0x26: {  	v11 =	vld [tilespmem:s7+$0xBF60]  }
0x27: {  	v12 =	vld [tilespmem:s7+$0xBF70]  }
0x28: {  	v13 =	vld [tilespmem:s7+$0xBF80]  }
0x29: {  	v14 =	vld [tilespmem:s7+$0xBF90]  }
0x2a: {  	v5 =	vld [tilespmem:s7+$0xBFA0]  }
0x2b: {  	v4 =	vld [tilespmem:s7+$0xBFB0]  }
0x2c: {  	v3 =	vld [tilespmem:s7+$0xBFC0]  }
0x2d: {  	v2 =	vld [tilespmem:s7+$0xBFD0]  }
0x2e: {  	v1 =	vld [tilespmem:s7+$0xBFE0]  }
0x2f: {  	v0 =	vld [tilespmem:s7+$0xC000]  }
0x30: {  	v15 =	vld [tilespmem:s7+$0xFFFFFF10]  }
0x31: {  	v16 =	vld [tilespmem:s7+$0xFFFFFF20]  }
0x32: {  	v17 =	vld [tilespmem:s7+$0xFFFFFF30]  }
0x33: {  	v18 =	vld [tilespmem:s7+$0xFFFFFF40]  }
0x34: {  	v19 =	vld [tilespmem:s7+$0xFFFFFF50]  }
0x35: {  	v6 =	vadd.f32 v6, v15;
	v15 =	vld [tilespmem:s7+$0xFFFFFF60]  }
0x36: {  	v20 =	vld [tilespmem:s7+$0xFFFFFF70];
	v7 =	vadd.f32 v7, v16  }
0x37: {  	v62 =	vld [tilespmem:s7+$0xFFFFFF80];
	[tilespmem:s7+$0xFFFFFF10] =	vst v6;
	v6 =	vadd.f32 v8, v17  }
0x38: {  	v63 =	vld [tilespmem:s7+$0xFFFFFF90];
	[tilespmem:s7+$0xFFFFFF20] =	vst v7;
	v7 =	vadd.f32 v9, v18  }
0x39: {  	v9 =	vld [tilespmem:s7+$0xFFFFFFA0];
	v8 =	vadd.f32 v10, v19;
	[tilespmem:s7+$0xFFFFFF30] =	vst v6  }
0x3a: {  	[tilespmem:s7+$0xFFFFFF40] =	vst v7;
	v6 =	vld [tilespmem:s7+$0xFFFFFFB0];
	v10 =	vadd.f32 v11, v15  }
0x3b: {  	[tilespmem:s7+$0xFFFFFF50] =	vst v8;
	v7 =	vld [tilespmem:s7+$0xFFFFFFC0];
	v11 =	vadd.f32 v12, v20  }
0x3c: {  	v8 =	vld [tilespmem:s7+$0xFFFFFFD0];
	v12 =	vadd.f32 v13, v62;
	[tilespmem:s7+$0xFFFFFF60] =	vst v10  }
0x3d: {  	s0 =	simm.s32 $0x7C0;
	[tilespmem:s7+$0xFFFFFF70] =	vst v11;
	v11 =	vadd.f32 v14, v63;
	v10 =	vld [tilespmem:s7+$0xFFFFFFE0]  }
.LBB2_3:
0x3e: {  	p0 =	sne.s32 s0, $0x17FC0;
	[tilespmem:s7+$0xFFFFFF80] =	vst v12;
	v5 =	vadd.f32 v5, v9;
	v9 =	vld [tilespmem:s7+$0x0]  }
0x3f: {  	[tilespmem:s7+$0xFFFFFF90] =	vst v11;
	v4 =	vadd.f32 v4, v6;
	v6 =	vld [tilespmem:s7+$0xFFFFFFF0]  }
0x40: {  	s8 =	sshra.s32 s0, $0x2;
	[tilespmem:s7+$0xFFFFFFA0] =	vst v5;
	v3 =	vadd.f32 v3, v7;
	v5 =	vld [tilespmem:s7+$0xBFF0]  }
0x41: {  	v7 =	vld [tilespmem:s8+$0xBF10];
	[tilespmem:s7+$0xFFFFFFB0] =	vst v4;
	v2 =	vadd.f32 v2, v8  }
0x42: {  	v8 =	vld [tilespmem:s8+$0xBF20];
	[tilespmem:s7+$0xFFFFFFC0] =	vst v3;
	v1 =	vadd.f32 v1, v10  }
0x43: {  	v10 =	vld [tilespmem:s8+$0xBF30];
	[tilespmem:s7+$0xFFFFFFD0] =	vst v2;
	v0 =	vadd.f32 v0, v9  }
0x44: {  	v9 =	vld [tilespmem:s8+$0xBF40];
	[tilespmem:s7+$0xFFFFFFE0] =	vst v1  }
0x45: {  	v11 =	vld [tilespmem:s8+$0xBF50];
	v1 =	vadd.f32 v5, v6;
	[tilespmem:s7+$0x0] =	vst v0  }
0x46: {  	v6 =	vld [tilespmem:s8+$0xBF60]  }
0x47: {  	v12 =	vld [tilespmem:s8+$0xBF70];
	[tilespmem:s7+$0xFFFFFFF0] =	vst v1;
	s7 =	smov.u32 s8  }
0x48: {  	v13 =	vld [tilespmem:s7+$0xBF80]  }
0x49: {  	v14 =	vld [tilespmem:s7+$0xBF90]  }
0x4a: {  	v5 =	vld [tilespmem:s7+$0xBFA0]  }
0x4b: {  	v4 =	vld [tilespmem:s7+$0xBFB0]  }
0x4c: {  	v3 =	vld [tilespmem:s7+$0xBFC0]  }
0x4d: {  	v2 =	vld [tilespmem:s7+$0xBFD0]  }
0x4e: {  	v1 =	vld [tilespmem:s7+$0xBFE0]  }
0x4f: {  	v0 =	vld [tilespmem:s7+$0xC000]  }
0x50: {  	v15 =	vld [tilespmem:s7+$0xFFFFFF10]  }
0x51: {  	v16 =	vld [tilespmem:s7+$0xFFFFFF20]  }
0x52: {  	v17 =	vld [tilespmem:s7+$0xFFFFFF30]  }
0x53: {  	v18 =	vld [tilespmem:s7+$0xFFFFFF40]  }
0x54: {  	v19 =	vld [tilespmem:s7+$0xFFFFFF50]  }
0x55: {  	v7 =	vadd.f32 v7, v15;
	v15 =	vld [tilespmem:s7+$0xFFFFFF60]  }
0x56: {  	v8 =	vadd.f32 v8, v16;
	v16 =	vld [tilespmem:s7+$0xFFFFFF70]  }
0x57: {  	[tilespmem:s7+$0xFFFFFF10] =	vst v7;
	v7 =	vadd.f32 v10, v17;
	v10 =	vld [tilespmem:s7+$0xFFFFFF80]  }
0x58: {  	[tilespmem:s7+$0xFFFFFF20] =	vst v8;
	v8 =	vadd.f32 v9, v18;
	v17 =	vld [tilespmem:s7+$0xFFFFFF90]  }
.Ltmp0:
0x59: {  	[tilespmem:s7+$0xFFFFFF30] =	vst v7;
	v7 =	vadd.f32 v11, v19;
	v9 =	vld [tilespmem:s7+$0xFFFFFFA0];
	(pc) =	sbr.rel @p0 .LBB2_3-.Ltmp0, $4  }
0x5a: {  	[tilespmem:s7+$0xFFFFFF40] =	vst v8;
	v8 =	vadd.f32 v6, v15;
	v6 =	vld [tilespmem:s7+$0xFFFFFFB0]  }
0x5b: {  	[tilespmem:s7+$0xFFFFFF50] =	vst v7;
	v11 =	vadd.f32 v12, v16;
	v7 =	vld [tilespmem:s7+$0xFFFFFFC0]  }
0x5c: {  	[tilespmem:s7+$0xFFFFFF60] =	vst v8;
	v12 =	vadd.f32 v13, v10;
	v8 =	vld [tilespmem:s7+$0xFFFFFFD0]  }
0x5d: {  	s0 =	sadd.s32 $0x400, s0;
	[tilespmem:s7+$0xFFFFFF70] =	vst v11;
	v11 =	vadd.f32 v14, v17;
	v10 =	vld [tilespmem:s7+$0xFFFFFFE0]  }
0x5e: {  	[tilespmem:s7+$0xFFFFFF80] =	vst v12;
	v12 =	vld [tilespmem:s7+$0x0];
	v5 =	vadd.f32 v5, v9  }
0x5f: {  	v9 =	vld [tilespmem:s7+$0xFFFFFFF0]  }
0x60: {  	v4 =	vadd.f32 v4, v6;
	[tilespmem:s7+$0xFFFFFFA0] =	vst v5;
	v5 =	vld [tilespmem:s7+$0xBFF0]  }
0x61: {  	[tilespmem:s7+$0xFFFFFF90] =	vst v11;
	v3 =	vadd.f32 v3, v7  }
0x62: {  	[tilespmem:s7+$0xFFFFFFB0] =	vst v4;
	v2 =	vadd.f32 v2, v8  }
0x63: {  	s0 =	smul.u32 $0x180, s29;
	[tilespmem:s7+$0xFFFFFFC0] =	vst v3;
	v1 =	vadd.f32 v1, v10  }
0x64: {  	[tilespmem:s7+$0xFFFFFFD0] =	vst v2;
	v0 =	vadd.f32 v0, v12  }
0x65: {  	s8 =	sadd.s32 s6, s0;
	[tilespmem:s7+$0xFFFFFFE0] =	vst v1;
	v1 =	vadd.f32 v5, v9  }
0x66: {  	s31 =	sshll.u32 s8, $0x4;
	[tilespmem:s7+$0x0] =	vst v0  }
0x67: {  	s28 =	sadd.s32 s5, s31;
	[tilespmem:s7+$0xFFFFFFF0] =	vst v1  }
0x68: {  	[hbm4b:s28+s3] =	stream.linear.scatter [tilespmem:s3], [sflag:$0x3], $0x6000, $0x38;
	[tilespmem:$0x18000] =	vst v63  }
0x69: {  	_ =	swait.ge [sflag:s23], $0x6000  }
0x6a: {  	[sflag:s23] =	ssyncset.done $0x0  }
0x6b: {  	s7 =	simm.s32 $0xF0;
	[sflag:s23] =	ssyncadd.s32 $0xFFFFA000  }
0x6c: {  	v6 =	vld [tilespmem:s7+$0xBF10]  }
0x6d: {  	v7 =	vld [tilespmem:s7+$0xBF20]  }
0x6e: {  	v8 =	vld [tilespmem:s7+$0xBF30]  }
0x6f: {  	v9 =	vld [tilespmem:s7+$0xBF40]  }
0x70: {  	v10 =	vld [tilespmem:s7+$0xBF50]  }
0x71: {  	v11 =	vld [tilespmem:s7+$0xBF60]  }
0x72: {  	v12 =	vld [tilespmem:s7+$0xBF70]  }
0x73: {  	v13 =	vld [tilespmem:s7+$0xBF80]  }
0x74: {  	v14 =	vld [tilespmem:s7+$0xBF90]  }
0x75: {  	v15 =	vld [tilespmem:s7+$0xBFA0]  }
0x76: {  	v5 =	vld [tilespmem:s7+$0xBFB0]  }
0x77: {  	v4 =	vld [tilespmem:s7+$0xBFC0]  }
0x78: {  	v3 =	vld [tilespmem:s7+$0xBFD0]  }
0x79: {  	v2 =	vld [tilespmem:s7+$0xBFE0]  }
0x7a: {  	v1 =	vld [tilespmem:s7+$0xBFF0]  }
0x7b: {  	v0 =	vld [tilespmem:s7+$0xC000]  }
0x7c: {  	v16 =	vld [tilespmem:s7+$0x5F10]  }
0x7d: {  	v17 =	vld [tilespmem:s7+$0x5F20]  }
0x7e: {  	v18 =	vld [tilespmem:s7+$0x5F30]  }
0x7f: {  	v19 =	vld [tilespmem:s7+$0x5F40]  }
0x80: {  	v20 =	vld [tilespmem:s7+$0x5F50]  }
0x81: {  	v60 =	vld [tilespmem:s7+$0x5F60];
	v6 =	vadd.f32 v6, v16  }
0x82: {  	v21 =	vld [tilespmem:s7+$0x5F70];
	v7 =	vadd.f32 v7, v17  }
0x83: {  	v61 =	vld [tilespmem:s7+$0x5F80];
	[tilespmem:s7+$0x5F10] =	vst v6;
	v6 =	vadd.f32 v8, v18  }
0x84: {  	v62 =	vld [tilespmem:s7+$0x5F90];
	[tilespmem:s7+$0x5F20] =	vst v7;
	v7 =	vadd.f32 v9, v19  }
0x85: {  	v63 =	vld [tilespmem:s7+$0x5FA0];
	[tilespmem:s7+$0x5F30] =	vst v6;
	v6 =	vadd.f32 v10, v20  }
0x86: {  	v8 =	vadd.f32 v11, v60;
	[tilespmem:s7+$0x5F40] =	vst v7;
	v7 =	vld [tilespmem:s7+$0x5FB0]  }
0x87: {  	v9 =	vadd.f32 v12, v21;
	[tilespmem:s7+$0x5F50] =	vst v6;
	v6 =	vld [tilespmem:s7+$0x5FC0]  }
0x88: {  	[tilespmem:s7+$0x5F60] =	vst v8;
	v8 =	vld [tilespmem:s7+$0x5FD0];
	v10 =	vadd.f32 v13, v61  }
0x89: {  	v12 =	vadd.f32 v14, v62;
	[tilespmem:s7+$0x5F70] =	vst v9;
	v9 =	vld [tilespmem:s7+$0x5FE0]  }
0x8a: {  	s8 =	simm.s32 $0x7C0;
	v11 =	vadd.f32 v15, v63;
	[tilespmem:s7+$0x5F80] =	vst v10;
	v10 =	vld [tilespmem:s7+$0x5FF0]  }
.LBB2_5:
0x8b: {  	s9 =	sshra.s32 s8, $0x2;
	p0 =	sne.s32 s8, $0x17FC0;
	[tilespmem:s7+$0x5F90] =	vst v12;
	v5 =	vadd.f32 v5, v7;
	v7 =	vld [tilespmem:s7+$0x6000]  }
0x8c: {  	v12 =	vld [tilespmem:s9+$0xBF10];
	[tilespmem:s7+$0x5FA0] =	vst v11;
	v4 =	vadd.f32 v4, v6  }
0x8d: {  	v6 =	vld [tilespmem:s9+$0xBF20];
	[tilespmem:s7+$0x5FB0] =	vst v5;
	v3 =	vadd.f32 v3, v8  }
0x8e: {  	v8 =	vld [tilespmem:s9+$0xBF30];
	[tilespmem:s7+$0x5FC0] =	vst v4;
	v2 =	vadd.f32 v2, v9  }
0x8f: {  	v9 =	vld [tilespmem:s9+$0xBF40];
	[tilespmem:s7+$0x5FD0] =	vst v3;
	v1 =	vadd.f32 v1, v10  }
0x90: {  	v10 =	vld [tilespmem:s9+$0xBF50];
	[tilespmem:s7+$0x5FE0] =	vst v2;
	v0 =	vadd.f32 v0, v7  }
0x91: {  	v7 =	vld [tilespmem:s9+$0xBF60];
	[tilespmem:s7+$0x5FF0] =	vst v1  }
0x92: {  	v11 =	vld [tilespmem:s9+$0xBF70];
	[tilespmem:s7+$0x6000] =	vst v0;
	s7 =	smov.u32 s9  }
0x93: {  	v13 =	vld [tilespmem:s7+$0xBF80]  }
0x94: {  	v14 =	vld [tilespmem:s7+$0xBF90]  }
0x95: {  	v15 =	vld [tilespmem:s7+$0xBFA0]  }
0x96: {  	v5 =	vld [tilespmem:s7+$0xBFB0]  }
0x97: {  	v4 =	vld [tilespmem:s7+$0xBFC0]  }
0x98: {  	v3 =	vld [tilespmem:s7+$0xBFD0]  }
0x99: {  	v2 =	vld [tilespmem:s7+$0xBFE0]  }
0x9a: {  	v1 =	vld [tilespmem:s7+$0xBFF0]  }
0x9b: {  	v0 =	vld [tilespmem:s7+$0xC000]  }
0x9c: {  	v16 =	vld [tilespmem:s7+$0x5F10]  }
0x9d: {  	v17 =	vld [tilespmem:s7+$0x5F20]  }
0x9e: {  	v18 =	vld [tilespmem:s7+$0x5F30]  }
0x9f: {  	v19 =	vld [tilespmem:s7+$0x5F40]  }
0xa0: {  	v20 =	vld [tilespmem:s7+$0x5F50]  }
0xa1: {  	v12 =	vadd.f32 v12, v16;
	v16 =	vld [tilespmem:s7+$0x5F60]  }
0xa2: {  	v6 =	vadd.f32 v6, v17;
	v17 =	vld [tilespmem:s7+$0x5F70]  }
0xa3: {  	[tilespmem:s7+$0x5F10] =	vst v12;
	v8 =	vadd.f32 v8, v18;
	v12 =	vld [tilespmem:s7+$0x5F80]  }
0xa4: {  	[tilespmem:s7+$0x5F20] =	vst v6;
	v6 =	vadd.f32 v9, v19;
	v9 =	vld [tilespmem:s7+$0x5F90]  }
0xa5: {  	[tilespmem:s7+$0x5F30] =	vst v8;
	v8 =	vadd.f32 v10, v20;
	v10 =	vld [tilespmem:s7+$0x5FA0]  }
.Ltmp1:
0xa6: {  	[tilespmem:s7+$0x5F40] =	vst v6;
	v16 =	vadd.f32 v7, v16;
	v7 =	vld [tilespmem:s7+$0x5FB0];
	(pc) =	sbr.rel @p0 .LBB2_5-.Ltmp1, $4  }
0xa7: {  	[tilespmem:s7+$0x5F50] =	vst v8;
	v11 =	vadd.f32 v11, v17;
	v6 =	vld [tilespmem:s7+$0x5FC0]  }
0xa8: {  	[tilespmem:s7+$0x5F60] =	vst v16;
	v13 =	vadd.f32 v13, v12;
	v8 =	vld [tilespmem:s7+$0x5FD0]  }
0xa9: {  	[tilespmem:s7+$0x5F70] =	vst v11;
	v12 =	vadd.f32 v14, v9;
	v9 =	vld [tilespmem:s7+$0x5FE0]  }
0xaa: {  	s8 =	sadd.s32 $0x400, s8;
	[tilespmem:s7+$0x5F80] =	vst v13;
	v11 =	vadd.f32 v15, v10;
	v10 =	vld [tilespmem:s7+$0x5FF0]  }
0xab: {  	[tilespmem:s7+$0x5F90] =	vst v12;
	v5 =	vadd.f32 v5, v7;
	v7 =	vld [tilespmem:s7+$0x6000]  }
0xac: {  	[tilespmem:s7+$0x5FA0] =	vst v11;
	v4 =	vadd.f32 v4, v6  }
0xad: {  	[tilespmem:s7+$0x5FB0] =	vst v5;
	v3 =	vadd.f32 v3, v8  }
0xae: {  	[tilespmem:s7+$0x5FC0] =	vst v4;
	v2 =	vadd.f32 v2, v9  }
0xaf: {  	[tilespmem:s7+$0x5FD0] =	vst v3;
	v1 =	vadd.f32 v1, v10  }
0xb0: {  	s8 =	sadd.s32 s10, s0;
	[tilespmem:s7+$0x5FE0] =	vst v2;
	v0 =	vadd.f32 v0, v7  }
0xb1: {  	s8 =	sshll.u32 s8, $0x4;
	[tilespmem:s7+$0x5FF0] =	vst v1  }
0xb2: {  	s9 =	sadd.s32 s5, s8;
	[tilespmem:s7+$0x6000] =	vst v0  }
0xb3: {  	[hbm4b:s9+s3] =	stream.linear.scatter [tilespmem:s19], [sflag:$0x4], $0x6000, $0x38;
	[tilespmem:$0x18000] =	vst v63  }
0xb4: {  	s17 =	sadd.s32 s11, s0;
	_ =	swait.ge [sflag:s24], $0x6000  }
0xb5: {  	s8 =	sshll.u32 s17, $0x4;
	[sflag:s24] =	ssyncset.done $0x0  }
0xb6: {  	s7 =	sadd.s32 s1, s8;
	[sflag:s24] =	ssyncadd.s32 $0xFFFFA000  }
0xb7: {  	[tilespmem:s3], [sflag:$0x1] =	stream.linear.gather [hbm4b:s7+s3], $0x6000, $0x38;
	[tilespmem:$0x18000] =	vst v63  }
0xb8: {  	s28 =	sadd.s32 s12, s0;
	_ =	swait.ge [sflag:s25], $0x6000  }
0xb9: {  	s7 =	sshll.u32 s28, $0x4;
	[sflag:s25] =	ssyncset.done $0x0  }
0xba: {  	s9 =	sadd.s32 s1, s7;
	[sflag:s25] =	ssyncadd.s32 $0xFFFFA000  }
0xbb: {  	[tilespmem:s19], [sflag:$0x2] =	stream.linear.gather [hbm4b:s9+s3], $0x6000, $0x38;
	[tilespmem:$0x18000] =	vst v63  }
0xbc: {  	_ =	swait.ge [sflag:s22], $0x6000  }
0xbd: {  	[sflag:s22] =	ssyncset.done $0x0  }
0xbe: {  	s9 =	simm.s32 $0xF0;
	[sflag:s22] =	ssyncadd.s32 $0xFFFFA000  }
0xbf: {  	v6 =	vld [tilespmem:s9+$0xBF10]  }
0xc0: {  	v7 =	vld [tilespmem:s9+$0xBF20]  }
0xc1: {  	v8 =	vld [tilespmem:s9+$0xBF30]  }
0xc2: {  	v9 =	vld [tilespmem:s9+$0xBF40]  }
0xc3: {  	v10 =	vld [tilespmem:s9+$0xBF50]  }
0xc4: {  	v11 =	vld [tilespmem:s9+$0xBF60]  }
0xc5: {  	v12 =	vld [tilespmem:s9+$0xBF70]  }
0xc6: {  	v13 =	vld [tilespmem:s9+$0xBF80]  }
0xc7: {  	v14 =	vld [tilespmem:s9+$0xBF90]  }
0xc8: {  	v5 =	vld [tilespmem:s9+$0xBFA0]  }
0xc9: {  	v4 =	vld [tilespmem:s9+$0xBFB0]  }
0xca: {  	v3 =	vld [tilespmem:s9+$0xBFC0]  }
0xcb: {  	v2 =	vld [tilespmem:s9+$0xBFD0]  }
0xcc: {  	v1 =	vld [tilespmem:s9+$0xBFE0]  }
0xcd: {  	v0 =	vld [tilespmem:s9+$0xC000]  }
0xce: {  	v15 =	vld [tilespmem:s9+$0xFFFFFF10]  }
0xcf: {  	v16 =	vld [tilespmem:s9+$0xFFFFFF20]  }
0xd0: {  	v17 =	vld [tilespmem:s9+$0xFFFFFF30]  }
0xd1: {  	v18 =	vld [tilespmem:s9+$0xFFFFFF40]  }
0xd2: {  	v19 =	vld [tilespmem:s9+$0xFFFFFF50]  }
0xd3: {  	v6 =	vadd.f32 v6, v15;
	v15 =	vld [tilespmem:s9+$0xFFFFFF60]  }
0xd4: {  	v20 =	vld [tilespmem:s9+$0xFFFFFF70];
	v7 =	vadd.f32 v7, v16  }
0xd5: {  	v62 =	vld [tilespmem:s9+$0xFFFFFF80];
	[tilespmem:s9+$0xFFFFFF10] =	vst v6;
	v6 =	vadd.f32 v8, v17  }
0xd6: {  	v63 =	vld [tilespmem:s9+$0xFFFFFF90];
	[tilespmem:s9+$0xFFFFFF20] =	vst v7;
	v7 =	vadd.f32 v9, v18  }
0xd7: {  	v9 =	vld [tilespmem:s9+$0xFFFFFFA0];
	v8 =	vadd.f32 v10, v19;
	[tilespmem:s9+$0xFFFFFF30] =	vst v6  }
0xd8: {  	[tilespmem:s9+$0xFFFFFF40] =	vst v7;
	v6 =	vld [tilespmem:s9+$0xFFFFFFB0];
	v10 =	vadd.f32 v11, v15  }
0xd9: {  	[tilespmem:s9+$0xFFFFFF50] =	vst v8;
	v7 =	vld [tilespmem:s9+$0xFFFFFFC0];
	v11 =	vadd.f32 v12, v20  }
0xda: {  	v8 =	vld [tilespmem:s9+$0xFFFFFFD0];
	v12 =	vadd.f32 v13, v62;
	[tilespmem:s9+$0xFFFFFF60] =	vst v10  }
0xdb: {  	s17 =	simm.s32 $0x7C0;
	[tilespmem:s9+$0xFFFFFF70] =	vst v11;
	v11 =	vadd.f32 v14, v63;
	v10 =	vld [tilespmem:s9+$0xFFFFFFE0]  }
.LBB2_7:
0xdc: {  	p0 =	sne.s32 s17, $0x17FC0;
	[tilespmem:s9+$0xFFFFFF80] =	vst v12;
	v5 =	vadd.f32 v5, v9;
	v9 =	vld [tilespmem:s9+$0x0]  }
0xdd: {  	[tilespmem:s9+$0xFFFFFF90] =	vst v11;
	v4 =	vadd.f32 v4, v6;
	v6 =	vld [tilespmem:s9+$0xFFFFFFF0]  }
0xde: {  	s28 =	sshra.s32 s17, $0x2;
	[tilespmem:s9+$0xFFFFFFA0] =	vst v5;
	v3 =	vadd.f32 v3, v7;
	v5 =	vld [tilespmem:s9+$0xBFF0]  }
0xdf: {  	v7 =	vld [tilespmem:s28+$0xBF10];
	[tilespmem:s9+$0xFFFFFFB0] =	vst v4;
	v2 =	vadd.f32 v2, v8  }
0xe0: {  	v8 =	vld [tilespmem:s28+$0xBF20];
	[tilespmem:s9+$0xFFFFFFC0] =	vst v3;
	v1 =	vadd.f32 v1, v10  }
0xe1: {  	v10 =	vld [tilespmem:s28+$0xBF30];
	[tilespmem:s9+$0xFFFFFFD0] =	vst v2;
	v0 =	vadd.f32 v0, v9  }
0xe2: {  	v9 =	vld [tilespmem:s28+$0xBF40];
	[tilespmem:s9+$0xFFFFFFE0] =	vst v1  }
0xe3: {  	v11 =	vld [tilespmem:s28+$0xBF50];
	v1 =	vadd.f32 v5, v6;
	[tilespmem:s9+$0x0] =	vst v0  }
0xe4: {  	v6 =	vld [tilespmem:s28+$0xBF60]  }
0xe5: {  	v12 =	vld [tilespmem:s28+$0xBF70];
	[tilespmem:s9+$0xFFFFFFF0] =	vst v1;
	s9 =	smov.u32 s28  }
0xe6: {  	v13 =	vld [tilespmem:s9+$0xBF80]  }
0xe7: {  	v14 =	vld [tilespmem:s9+$0xBF90]  }
0xe8: {  	v5 =	vld [tilespmem:s9+$0xBFA0]  }
0xe9: {  	v4 =	vld [tilespmem:s9+$0xBFB0]  }
0xea: {  	v3 =	vld [tilespmem:s9+$0xBFC0]  }
0xeb: {  	v2 =	vld [tilespmem:s9+$0xBFD0]  }
0xec: {  	v1 =	vld [tilespmem:s9+$0xBFE0]  }
0xed: {  	v0 =	vld [tilespmem:s9+$0xC000]  }
0xee: {  	v15 =	vld [tilespmem:s9+$0xFFFFFF10]  }
0xef: {  	v16 =	vld [tilespmem:s9+$0xFFFFFF20]  }
0xf0: {  	v17 =	vld [tilespmem:s9+$0xFFFFFF30]  }
0xf1: {  	v18 =	vld [tilespmem:s9+$0xFFFFFF40]  }
0xf2: {  	v19 =	vld [tilespmem:s9+$0xFFFFFF50]  }
0xf3: {  	v7 =	vadd.f32 v7, v15;
	v15 =	vld [tilespmem:s9+$0xFFFFFF60]  }
0xf4: {  	v8 =	vadd.f32 v8, v16;
	v16 =	vld [tilespmem:s9+$0xFFFFFF70]  }
0xf5: {  	[tilespmem:s9+$0xFFFFFF10] =	vst v7;
	v7 =	vadd.f32 v10, v17;
	v10 =	vld [tilespmem:s9+$0xFFFFFF80]  }
0xf6: {  	[tilespmem:s9+$0xFFFFFF20] =	vst v8;
	v8 =	vadd.f32 v9, v18;
	v17 =	vld [tilespmem:s9+$0xFFFFFF90]  }
.Ltmp2:
0xf7: {  	[tilespmem:s9+$0xFFFFFF30] =	vst v7;
	v7 =	vadd.f32 v11, v19;
	v9 =	vld [tilespmem:s9+$0xFFFFFFA0];
	(pc) =	sbr.rel @p0 .LBB2_7-.Ltmp2, $4  }
0xf8: {  	[tilespmem:s9+$0xFFFFFF40] =	vst v8;
	v8 =	vadd.f32 v6, v15;
	v6 =	vld [tilespmem:s9+$0xFFFFFFB0]  }
0xf9: {  	[tilespmem:s9+$0xFFFFFF50] =	vst v7;
	v11 =	vadd.f32 v12, v16;
	v7 =	vld [tilespmem:s9+$0xFFFFFFC0]  }
0xfa: {  	[tilespmem:s9+$0xFFFFFF60] =	vst v8;
	v12 =	vadd.f32 v13, v10;
	v8 =	vld [tilespmem:s9+$0xFFFFFFD0]  }
0xfb: {  	s17 =	sadd.s32 $0x400, s17;
	[tilespmem:s9+$0xFFFFFF70] =	vst v11;
	v11 =	vadd.f32 v14, v17;
	v10 =	vld [tilespmem:s9+$0xFFFFFFE0]  }
0xfc: {  	[tilespmem:s9+$0xFFFFFF80] =	vst v12;
	v12 =	vld [tilespmem:s9+$0x0];
	v5 =	vadd.f32 v5, v9  }
0xfd: {  	v9 =	vld [tilespmem:s9+$0xFFFFFFF0]  }
0xfe: {  	v4 =	vadd.f32 v4, v6;
	[tilespmem:s9+$0xFFFFFFA0] =	vst v5;
	v5 =	vld [tilespmem:s9+$0xBFF0]  }
0xff: {  	[tilespmem:s9+$0xFFFFFF90] =	vst v11;
	v3 =	vadd.f32 v3, v7  }
0x100: {  	[tilespmem:s9+$0xFFFFFFB0] =	vst v4;
	v2 =	vadd.f32 v2, v8  }
0x101: {  	[tilespmem:s9+$0xFFFFFFC0] =	vst v3;
	v1 =	vadd.f32 v1, v10  }
0x102: {  	[tilespmem:s9+$0xFFFFFFD0] =	vst v2;
	v0 =	vadd.f32 v0, v12  }
0x103: {  	[tilespmem:s9+$0xFFFFFFE0] =	vst v1;
	v1 =	vadd.f32 v5, v9  }
0x104: {  	[tilespmem:s9+$0x0] =	vst v0  }
0x105: {  	s8 =	sadd.s32 s5, s8;
	[tilespmem:s9+$0xFFFFFFF0] =	vst v1  }
0x106: {  	[hbm4b:s8+s3] =	stream.linear.scatter [tilespmem:s3], [sflag:$0x3], $0x6000, $0x38;
	[tilespmem:$0x18000] =	vst v63  }
0x107: {  	_ =	swait.ge [sflag:s23], $0x6000  }
0x108: {  	[sflag:s23] =	ssyncset.done $0x0  }
0x109: {  	s8 =	simm.s32 $0xF0;
	[sflag:s23] =	ssyncadd.s32 $0xFFFFA000  }
0x10a: {  	v6 =	vld [tilespmem:s8+$0xBF10]  }
0x10b: {  	v7 =	vld [tilespmem:s8+$0xBF20]  }
0x10c: {  	v8 =	vld [tilespmem:s8+$0xBF30]  }
0x10d: {  	v9 =	vld [tilespmem:s8+$0xBF40]  }
0x10e: {  	v10 =	vld [tilespmem:s8+$0xBF50]  }
0x10f: {  	v11 =	vld [tilespmem:s8+$0xBF60]  }
0x110: {  	v12 =	vld [tilespmem:s8+$0xBF70]  }
0x111: {  	v13 =	vld [tilespmem:s8+$0xBF80]  }
0x112: {  	v14 =	vld [tilespmem:s8+$0xBF90]  }
0x113: {  	v15 =	vld [tilespmem:s8+$0xBFA0]  }
0x114: {  	v5 =	vld [tilespmem:s8+$0xBFB0]  }
0x115: {  	v4 =	vld [tilespmem:s8+$0xBFC0]  }
0x116: {  	v3 =	vld [tilespmem:s8+$0xBFD0]  }
0x117: {  	v2 =	vld [tilespmem:s8+$0xBFE0]  }
0x118: {  	v1 =	vld [tilespmem:s8+$0xBFF0]  }
0x119: {  	v0 =	vld [tilespmem:s8+$0xC000]  }
0x11a: {  	v16 =	vld [tilespmem:s8+$0x5F10]  }
0x11b: {  	v17 =	vld [tilespmem:s8+$0x5F20]  }
0x11c: {  	v18 =	vld [tilespmem:s8+$0x5F30]  }
0x11d: {  	v19 =	vld [tilespmem:s8+$0x5F40]  }
0x11e: {  	v20 =	vld [tilespmem:s8+$0x5F50]  }
0x11f: {  	v60 =	vld [tilespmem:s8+$0x5F60];
	v6 =	vadd.f32 v6, v16  }
0x120: {  	v21 =	vld [tilespmem:s8+$0x5F70];
	v7 =	vadd.f32 v7, v17  }
0x121: {  	v61 =	vld [tilespmem:s8+$0x5F80];
	[tilespmem:s8+$0x5F10] =	vst v6;
	v6 =	vadd.f32 v8, v18  }
0x122: {  	v62 =	vld [tilespmem:s8+$0x5F90];
	[tilespmem:s8+$0x5F20] =	vst v7;
	v7 =	vadd.f32 v9, v19  }
0x123: {  	v63 =	vld [tilespmem:s8+$0x5FA0];
	[tilespmem:s8+$0x5F30] =	vst v6;
	v6 =	vadd.f32 v10, v20  }
0x124: {  	v8 =	vadd.f32 v11, v60;
	[tilespmem:s8+$0x5F40] =	vst v7;
	v7 =	vld [tilespmem:s8+$0x5FB0]  }
0x125: {  	v9 =	vadd.f32 v12, v21;
	[tilespmem:s8+$0x5F50] =	vst v6;
	v6 =	vld [tilespmem:s8+$0x5FC0]  }
0x126: {  	[tilespmem:s8+$0x5F60] =	vst v8;
	v8 =	vld [tilespmem:s8+$0x5FD0];
	v10 =	vadd.f32 v13, v61  }
0x127: {  	v12 =	vadd.f32 v14, v62;
	[tilespmem:s8+$0x5F70] =	vst v9;
	v9 =	vld [tilespmem:s8+$0x5FE0]  }
0x128: {  	s9 =	simm.s32 $0x7C0;
	v11 =	vadd.f32 v15, v63;
	[tilespmem:s8+$0x5F80] =	vst v10;
	v10 =	vld [tilespmem:s8+$0x5FF0]  }
.LBB2_9:
0x129: {  	s17 =	sshra.s32 s9, $0x2;
	p0 =	sne.s32 s9, $0x17FC0;
	[tilespmem:s8+$0x5F90] =	vst v12;
	v5 =	vadd.f32 v5, v7;
	v7 =	vld [tilespmem:s8+$0x6000]  }
0x12a: {  	v12 =	vld [tilespmem:s17+$0xBF10];
	[tilespmem:s8+$0x5FA0] =	vst v11;
	v4 =	vadd.f32 v4, v6  }
0x12b: {  	v6 =	vld [tilespmem:s17+$0xBF20];
	[tilespmem:s8+$0x5FB0] =	vst v5;
	v3 =	vadd.f32 v3, v8  }
0x12c: {  	v8 =	vld [tilespmem:s17+$0xBF30];
	[tilespmem:s8+$0x5FC0] =	vst v4;
	v2 =	vadd.f32 v2, v9  }
0x12d: {  	v9 =	vld [tilespmem:s17+$0xBF40];
	[tilespmem:s8+$0x5FD0] =	vst v3;
	v1 =	vadd.f32 v1, v10  }
0x12e: {  	v10 =	vld [tilespmem:s17+$0xBF50];
	[tilespmem:s8+$0x5FE0] =	vst v2;
	v0 =	vadd.f32 v0, v7  }
0x12f: {  	v7 =	vld [tilespmem:s17+$0xBF60];
	[tilespmem:s8+$0x5FF0] =	vst v1  }
0x130: {  	v11 =	vld [tilespmem:s17+$0xBF70];
	[tilespmem:s8+$0x6000] =	vst v0;
	s8 =	smov.u32 s17  }
0x131: {  	v13 =	vld [tilespmem:s8+$0xBF80]  }
0x132: {  	v14 =	vld [tilespmem:s8+$0xBF90]  }
0x133: {  	v15 =	vld [tilespmem:s8+$0xBFA0]  }
0x134: {  	v5 =	vld [tilespmem:s8+$0xBFB0]  }
0x135: {  	v4 =	vld [tilespmem:s8+$0xBFC0]  }
0x136: {  	v3 =	vld [tilespmem:s8+$0xBFD0]  }
0x137: {  	v2 =	vld [tilespmem:s8+$0xBFE0]  }
0x138: {  	v1 =	vld [tilespmem:s8+$0xBFF0]  }
0x139: {  	v0 =	vld [tilespmem:s8+$0xC000]  }
0x13a: {  	v16 =	vld [tilespmem:s8+$0x5F10]  }
0x13b: {  	v17 =	vld [tilespmem:s8+$0x5F20]  }
0x13c: {  	v18 =	vld [tilespmem:s8+$0x5F30]  }
0x13d: {  	v19 =	vld [tilespmem:s8+$0x5F40]  }
0x13e: {  	v20 =	vld [tilespmem:s8+$0x5F50]  }
0x13f: {  	v12 =	vadd.f32 v12, v16;
	v16 =	vld [tilespmem:s8+$0x5F60]  }
0x140: {  	v6 =	vadd.f32 v6, v17;
	v17 =	vld [tilespmem:s8+$0x5F70]  }
0x141: {  	[tilespmem:s8+$0x5F10] =	vst v12;
	v8 =	vadd.f32 v8, v18;
	v12 =	vld [tilespmem:s8+$0x5F80]  }
0x142: {  	[tilespmem:s8+$0x5F20] =	vst v6;
	v6 =	vadd.f32 v9, v19;
	v9 =	vld [tilespmem:s8+$0x5F90]  }
0x143: {  	[tilespmem:s8+$0x5F30] =	vst v8;
	v8 =	vadd.f32 v10, v20;
	v10 =	vld [tilespmem:s8+$0x5FA0]  }
.Ltmp3:
0x144: {  	[tilespmem:s8+$0x5F40] =	vst v6;
	v16 =	vadd.f32 v7, v16;
	v7 =	vld [tilespmem:s8+$0x5FB0];
	(pc) =	sbr.rel @p0 .LBB2_9-.Ltmp3, $4  }
0x145: {  	[tilespmem:s8+$0x5F50] =	vst v8;
	v11 =	vadd.f32 v11, v17;
	v6 =	vld [tilespmem:s8+$0x5FC0]  }
0x146: {  	[tilespmem:s8+$0x5F60] =	vst v16;
	v13 =	vadd.f32 v13, v12;
	v8 =	vld [tilespmem:s8+$0x5FD0]  }
0x147: {  	[tilespmem:s8+$0x5F70] =	vst v11;
	v12 =	vadd.f32 v14, v9;
	v9 =	vld [tilespmem:s8+$0x5FE0]  }
0x148: {  	s9 =	sadd.s32 $0x400, s9;
	[tilespmem:s8+$0x5F80] =	vst v13;
	v11 =	vadd.f32 v15, v10;
	v10 =	vld [tilespmem:s8+$0x5FF0]  }
0x149: {  	[tilespmem:s8+$0x5F90] =	vst v12;
	v5 =	vadd.f32 v5, v7;
	v7 =	vld [tilespmem:s8+$0x6000]  }
0x14a: {  	[tilespmem:s8+$0x5FA0] =	vst v11;
	v4 =	vadd.f32 v4, v6  }
0x14b: {  	[tilespmem:s8+$0x5FB0] =	vst v5;
	v3 =	vadd.f32 v3, v8  }
0x14c: {  	[tilespmem:s8+$0x5FC0] =	vst v4;
	v2 =	vadd.f32 v2, v9  }
0x14d: {  	[tilespmem:s8+$0x5FD0] =	vst v3;
	v1 =	vadd.f32 v1, v10  }
0x14e: {  	[tilespmem:s8+$0x5FE0] =	vst v2;
	v0 =	vadd.f32 v0, v7  }
0x14f: {  	[tilespmem:s8+$0x5FF0] =	vst v1  }
0x150: {  	s7 =	sadd.s32 s5, s7;
	[tilespmem:s8+$0x6000] =	vst v0  }
0x151: {  	[hbm4b:s7+s3] =	stream.linear.scatter [tilespmem:s19], [sflag:$0x4], $0x6000, $0x38;
	[tilespmem:$0x18000] =	vst v63  }
0x152: {  	s17 =	sadd.s32 s0, s13;
	_ =	swait.ge [sflag:s24], $0x6000  }
0x153: {  	s7 =	sshll.u32 s17, $0x4;
	[sflag:s24] =	ssyncset.done $0x0  }
0x154: {  	s7 =	sadd.s32 s1, s7;
	[sflag:s24] =	ssyncadd.s32 $0xFFFFA000  }
0x155: {  	[tilespmem:s3], [sflag:$0x1] =	stream.linear.gather [hbm4b:s7+s3], $0x6000, $0x38;
	[tilespmem:$0x18000] =	vst v63  }
0x156: {  	_ =	swait.ge [sflag:s25], $0x6000  }
0x157: {  	[sflag:s25] =	ssyncset.done $0x0  }
0x158: {  	s28 =	sadd.s32 s31, s14;
	p0 =	seq.s32 s29, $0x3;
	[sflag:s25] =	ssyncadd.s32 $0xFFFFA000  }
0x159: {  	[tilespmem:s19], [sflag:$0x2] =	stream.linear.gather [hbm4b:s28+s3], $0x6000, $0x38;
	[tilespmem:$0x18000] =	vst v63  }
0x15a: {  	s7 =	sadd.s32 @!p0 s0, s15;
	_ =	swait.ge [sflag:s26], $0x6000  }
0x15b: {  	s9 =	simm.s32 @!p0 $0xC000;
	s7 =	sshll.u32 @!p0 s7, $0x4;
	[sflag:s26] =	ssyncset.done $0x0  }
0x15c: {  	s8 =	simm.s32 @!p0 $0x0;
	s7 =	sadd.s32 @!p0 s4, s7;
	[sflag:s26] =	ssyncadd.s32 $0xFFFFA000  }
0x15d: {  	[tilespmem:s9], [sflag:$0x5] =	stream.linear.gather @!p0 [hbm4b:s7+s8], $0x6000, $0x38;
	[tilespmem:$0x18000] =	vst v63  }
0x15e: {  	_ =	swait.ge [sflag:s22], $0x6000  }
0x15f: {  	[sflag:s22] =	ssyncset.done $0x0  }
0x160: {  	s7 =	simm.s32 $0xF0;
	[sflag:s22] =	ssyncadd.s32 $0xFFFFA000  }
0x161: {  	v6 =	vld [tilespmem:s7+$0x11F10]  }
0x162: {  	v7 =	vld [tilespmem:s7+$0x11F20]  }
0x163: {  	v8 =	vld [tilespmem:s7+$0x11F30]  }
0x164: {  	v9 =	vld [tilespmem:s7+$0x11F40]  }
0x165: {  	v10 =	vld [tilespmem:s7+$0x11F50]  }
0x166: {  	v11 =	vld [tilespmem:s7+$0x11F60]  }
0x167: {  	v12 =	vld [tilespmem:s7+$0x11F70]  }
0x168: {  	v13 =	vld [tilespmem:s7+$0x11F80]  }
0x169: {  	v14 =	vld [tilespmem:s7+$0x11F90]  }
0x16a: {  	v5 =	vld [tilespmem:s7+$0x11FA0]  }
0x16b: {  	v4 =	vld [tilespmem:s7+$0x11FB0]  }
0x16c: {  	v3 =	vld [tilespmem:s7+$0x11FC0]  }
0x16d: {  	v2 =	vld [tilespmem:s7+$0x11FD0]  }
0x16e: {  	v1 =	vld [tilespmem:s7+$0x11FE0]  }
0x16f: {  	v0 =	vld [tilespmem:s7+$0x12000]  }
0x170: {  	v15 =	vld [tilespmem:s7+$0xFFFFFF10]  }
0x171: {  	v16 =	vld [tilespmem:s7+$0xFFFFFF20]  }
0x172: {  	v17 =	vld [tilespmem:s7+$0xFFFFFF30]  }
0x173: {  	v18 =	vld [tilespmem:s7+$0xFFFFFF40]  }
0x174: {  	v19 =	vld [tilespmem:s7+$0xFFFFFF50]  }
0x175: {  	v6 =	vadd.f32 v6, v15;
	v15 =	vld [tilespmem:s7+$0xFFFFFF60]  }
0x176: {  	v20 =	vld [tilespmem:s7+$0xFFFFFF70];
	v7 =	vadd.f32 v7, v16  }
0x177: {  	v62 =	vld [tilespmem:s7+$0xFFFFFF80];
	[tilespmem:s7+$0xFFFFFF10] =	vst v6;
	v6 =	vadd.f32 v8, v17  }
0x178: {  	v63 =	vld [tilespmem:s7+$0xFFFFFF90];
	[tilespmem:s7+$0xFFFFFF20] =	vst v7;
	v7 =	vadd.f32 v9, v18  }
0x179: {  	v9 =	vld [tilespmem:s7+$0xFFFFFFA0];
	v8 =	vadd.f32 v10, v19;
	[tilespmem:s7+$0xFFFFFF30] =	vst v6  }
0x17a: {  	[tilespmem:s7+$0xFFFFFF40] =	vst v7;
	v6 =	vld [tilespmem:s7+$0xFFFFFFB0];
	v10 =	vadd.f32 v11, v15  }
0x17b: {  	[tilespmem:s7+$0xFFFFFF50] =	vst v8;
	v7 =	vld [tilespmem:s7+$0xFFFFFFC0];
	v11 =	vadd.f32 v12, v20  }
0x17c: {  	v8 =	vld [tilespmem:s7+$0xFFFFFFD0];
	v12 =	vadd.f32 v13, v62;
	[tilespmem:s7+$0xFFFFFF60] =	vst v10  }
0x17d: {  	s8 =	simm.s32 $0x7C0;
	[tilespmem:s7+$0xFFFFFF70] =	vst v11;
	v11 =	vadd.f32 v14, v63;
	v10 =	vld [tilespmem:s7+$0xFFFFFFE0]  }
.LBB2_11:
0x17e: {  	p0 =	sne.s32 s8, $0x17FC0;
	[tilespmem:s7+$0xFFFFFF80] =	vst v12;
	v5 =	vadd.f32 v5, v9;
	v9 =	vld [tilespmem:s7+$0x0]  }
0x17f: {  	[tilespmem:s7+$0xFFFFFF90] =	vst v11;
	v4 =	vadd.f32 v4, v6;
	v6 =	vld [tilespmem:s7+$0xFFFFFFF0]  }
0x180: {  	s9 =	sshra.s32 s8, $0x2;
	[tilespmem:s7+$0xFFFFFFA0] =	vst v5;
	v3 =	vadd.f32 v3, v7;
	v5 =	vld [tilespmem:s7+$0x11FF0]  }
0x181: {  	v7 =	vld [tilespmem:s9+$0x11F10];
	[tilespmem:s7+$0xFFFFFFB0] =	vst v4;
	v2 =	vadd.f32 v2, v8  }
0x182: {  	v8 =	vld [tilespmem:s9+$0x11F20];
	[tilespmem:s7+$0xFFFFFFC0] =	vst v3;
	v1 =	vadd.f32 v1, v10  }
0x183: {  	v10 =	vld [tilespmem:s9+$0x11F30];
	[tilespmem:s7+$0xFFFFFFD0] =	vst v2;
	v0 =	vadd.f32 v0, v9  }
0x184: {  	v9 =	vld [tilespmem:s9+$0x11F40];
	[tilespmem:s7+$0xFFFFFFE0] =	vst v1  }
0x185: {  	v11 =	vld [tilespmem:s9+$0x11F50];
	v1 =	vadd.f32 v5, v6;
	[tilespmem:s7+$0x0] =	vst v0  }
0x186: {  	v6 =	vld [tilespmem:s9+$0x11F60]  }
0x187: {  	v12 =	vld [tilespmem:s9+$0x11F70];
	[tilespmem:s7+$0xFFFFFFF0] =	vst v1;
	s7 =	smov.u32 s9  }
0x188: {  	v13 =	vld [tilespmem:s7+$0x11F80]  }
0x189: {  	v14 =	vld [tilespmem:s7+$0x11F90]  }
0x18a: {  	v5 =	vld [tilespmem:s7+$0x11FA0]  }
0x18b: {  	v4 =	vld [tilespmem:s7+$0x11FB0]  }
0x18c: {  	v3 =	vld [tilespmem:s7+$0x11FC0]  }
0x18d: {  	v2 =	vld [tilespmem:s7+$0x11FD0]  }
0x18e: {  	v1 =	vld [tilespmem:s7+$0x11FE0]  }
0x18f: {  	v0 =	vld [tilespmem:s7+$0x12000]  }
0x190: {  	v15 =	vld [tilespmem:s7+$0xFFFFFF10]  }
0x191: {  	v16 =	vld [tilespmem:s7+$0xFFFFFF20]  }
0x192: {  	v17 =	vld [tilespmem:s7+$0xFFFFFF30]  }
0x193: {  	v18 =	vld [tilespmem:s7+$0xFFFFFF40]  }
0x194: {  	v19 =	vld [tilespmem:s7+$0xFFFFFF50]  }
0x195: {  	v7 =	vadd.f32 v7, v15;
	v15 =	vld [tilespmem:s7+$0xFFFFFF60]  }
0x196: {  	v8 =	vadd.f32 v8, v16;
	v16 =	vld [tilespmem:s7+$0xFFFFFF70]  }
0x197: {  	[tilespmem:s7+$0xFFFFFF10] =	vst v7;
	v7 =	vadd.f32 v10, v17;
	v10 =	vld [tilespmem:s7+$0xFFFFFF80]  }
0x198: {  	[tilespmem:s7+$0xFFFFFF20] =	vst v8;
	v8 =	vadd.f32 v9, v18;
	v17 =	vld [tilespmem:s7+$0xFFFFFF90]  }
.Ltmp4:
0x199: {  	[tilespmem:s7+$0xFFFFFF30] =	vst v7;
	v7 =	vadd.f32 v11, v19;
	v9 =	vld [tilespmem:s7+$0xFFFFFFA0];
	(pc) =	sbr.rel @p0 .LBB2_11-.Ltmp4, $4  }
0x19a: {  	[tilespmem:s7+$0xFFFFFF40] =	vst v8;
	v8 =	vadd.f32 v6, v15;
	v6 =	vld [tilespmem:s7+$0xFFFFFFB0]  }
0x19b: {  	[tilespmem:s7+$0xFFFFFF50] =	vst v7;
	v11 =	vadd.f32 v12, v16;
	v7 =	vld [tilespmem:s7+$0xFFFFFFC0]  }
0x19c: {  	[tilespmem:s7+$0xFFFFFF60] =	vst v8;
	v12 =	vadd.f32 v13, v10;
	v8 =	vld [tilespmem:s7+$0xFFFFFFD0]  }
0x19d: {  	s8 =	sadd.s32 $0x400, s8;
	[tilespmem:s7+$0xFFFFFF70] =	vst v11;
	v11 =	vadd.f32 v14, v17;
	v10 =	vld [tilespmem:s7+$0xFFFFFFE0]  }
0x19e: {  	[tilespmem:s7+$0xFFFFFF80] =	vst v12;
	v12 =	vld [tilespmem:s7+$0x0];
	v5 =	vadd.f32 v5, v9  }
0x19f: {  	v9 =	vld [tilespmem:s7+$0xFFFFFFF0]  }
0x1a0: {  	v4 =	vadd.f32 v4, v6;
	[tilespmem:s7+$0xFFFFFFA0] =	vst v5;
	v5 =	vld [tilespmem:s7+$0x11FF0]  }
0x1a1: {  	[tilespmem:s7+$0xFFFFFF90] =	vst v11;
	v3 =	vadd.f32 v3, v7  }
0x1a2: {  	[tilespmem:s7+$0xFFFFFFB0] =	vst v4;
	v2 =	vadd.f32 v2, v8  }
0x1a3: {  	[tilespmem:s7+$0xFFFFFFC0] =	vst v3;
	v1 =	vadd.f32 v1, v10  }
0x1a4: {  	[tilespmem:s7+$0xFFFFFFD0] =	vst v2;
	v0 =	vadd.f32 v0, v12  }
0x1a5: {  	[tilespmem:s7+$0xFFFFFFE0] =	vst v1;
	v1 =	vadd.f32 v5, v9  }
0x1a6: {  	[tilespmem:s7+$0x0] =	vst v0  }
0x1a7: {  	s28 =	sadd.s32 s5, s18;
	[tilespmem:s7+$0xFFFFFFF0] =	vst v1  }
0x1a8: {  	[hbm4b:s28+s3] =	stream.linear.scatter [tilespmem:s3], [sflag:$0x3], $0x6000, $0x38;
	[tilespmem:$0x18000] =	vst v63  }
0x1a9: {  	_ =	swait.ge [sflag:s23], $0x6000  }
0x1aa: {  	[sflag:s23] =	ssyncset.done $0x0  }
0x1ab: {  	s7 =	simm.s32 $0xF0;
	[sflag:s23] =	ssyncadd.s32 $0xFFFFA000  }
0x1ac: {  	v6 =	vld [tilespmem:s7+$0x11F10]  }
0x1ad: {  	v7 =	vld [tilespmem:s7+$0x11F20]  }
0x1ae: {  	v8 =	vld [tilespmem:s7+$0x11F30]  }
0x1af: {  	v9 =	vld [tilespmem:s7+$0x11F40]  }
0x1b0: {  	v10 =	vld [tilespmem:s7+$0x11F50]  }
0x1b1: {  	v11 =	vld [tilespmem:s7+$0x11F60]  }
0x1b2: {  	v12 =	vld [tilespmem:s7+$0x11F70]  }
0x1b3: {  	v13 =	vld [tilespmem:s7+$0x11F80]  }
0x1b4: {  	v14 =	vld [tilespmem:s7+$0x11F90]  }
0x1b5: {  	v15 =	vld [tilespmem:s7+$0x11FA0]  }
0x1b6: {  	v5 =	vld [tilespmem:s7+$0x11FB0]  }
0x1b7: {  	v4 =	vld [tilespmem:s7+$0x11FC0]  }
0x1b8: {  	v3 =	vld [tilespmem:s7+$0x11FD0]  }
0x1b9: {  	v2 =	vld [tilespmem:s7+$0x11FE0]  }
0x1ba: {  	v1 =	vld [tilespmem:s7+$0x11FF0]  }
0x1bb: {  	v0 =	vld [tilespmem:s7+$0x12000]  }
0x1bc: {  	v16 =	vld [tilespmem:s7+$0x5F10]  }
0x1bd: {  	v17 =	vld [tilespmem:s7+$0x5F20]  }
0x1be: {  	v18 =	vld [tilespmem:s7+$0x5F30]  }
0x1bf: {  	v19 =	vld [tilespmem:s7+$0x5F40]  }
0x1c0: {  	v20 =	vld [tilespmem:s7+$0x5F50]  }
0x1c1: {  	v60 =	vld [tilespmem:s7+$0x5F60];
	v6 =	vadd.f32 v6, v16  }
0x1c2: {  	v21 =	vld [tilespmem:s7+$0x5F70];
	v7 =	vadd.f32 v7, v17  }
0x1c3: {  	v61 =	vld [tilespmem:s7+$0x5F80];
	[tilespmem:s7+$0x5F10] =	vst v6;
	v6 =	vadd.f32 v8, v18  }
0x1c4: {  	v62 =	vld [tilespmem:s7+$0x5F90];
	[tilespmem:s7+$0x5F20] =	vst v7;
	v7 =	vadd.f32 v9, v19  }
0x1c5: {  	v63 =	vld [tilespmem:s7+$0x5FA0];
	[tilespmem:s7+$0x5F30] =	vst v6;
	v6 =	vadd.f32 v10, v20  }
0x1c6: {  	v8 =	vadd.f32 v11, v60;
	[tilespmem:s7+$0x5F40] =	vst v7;
	v7 =	vld [tilespmem:s7+$0x5FB0]  }
0x1c7: {  	v9 =	vadd.f32 v12, v21;
	[tilespmem:s7+$0x5F50] =	vst v6;
	v6 =	vld [tilespmem:s7+$0x5FC0]  }
0x1c8: {  	[tilespmem:s7+$0x5F60] =	vst v8;
	v8 =	vld [tilespmem:s7+$0x5FD0];
	v10 =	vadd.f32 v13, v61  }
0x1c9: {  	v12 =	vadd.f32 v14, v62;
	[tilespmem:s7+$0x5F70] =	vst v9;
	v9 =	vld [tilespmem:s7+$0x5FE0]  }
0x1ca: {  	s8 =	simm.s32 $0x7C0;
	v11 =	vadd.f32 v15, v63;
	[tilespmem:s7+$0x5F80] =	vst v10;
	v10 =	vld [tilespmem:s7+$0x5FF0]  }
.LBB2_13:
0x1cb: {  	s9 =	sshra.s32 s8, $0x2;
	p0 =	sne.s32 s8, $0x17FC0;
	[tilespmem:s7+$0x5F90] =	vst v12;
	v5 =	vadd.f32 v5, v7;
	v7 =	vld [tilespmem:s7+$0x6000]  }
0x1cc: {  	v12 =	vld [tilespmem:s9+$0x11F10];
	[tilespmem:s7+$0x5FA0] =	vst v11;
	v4 =	vadd.f32 v4, v6  }
0x1cd: {  	v6 =	vld [tilespmem:s9+$0x11F20];
	[tilespmem:s7+$0x5FB0] =	vst v5;
	v3 =	vadd.f32 v3, v8  }
0x1ce: {  	v8 =	vld [tilespmem:s9+$0x11F30];
	[tilespmem:s7+$0x5FC0] =	vst v4;
	v2 =	vadd.f32 v2, v9  }
0x1cf: {  	v9 =	vld [tilespmem:s9+$0x11F40];
	[tilespmem:s7+$0x5FD0] =	vst v3;
	v1 =	vadd.f32 v1, v10  }
0x1d0: {  	v10 =	vld [tilespmem:s9+$0x11F50];
	[tilespmem:s7+$0x5FE0] =	vst v2;
	v0 =	vadd.f32 v0, v7  }
0x1d1: {  	v7 =	vld [tilespmem:s9+$0x11F60];
	[tilespmem:s7+$0x5FF0] =	vst v1  }
0x1d2: {  	v11 =	vld [tilespmem:s9+$0x11F70];
	[tilespmem:s7+$0x6000] =	vst v0;
	s7 =	smov.u32 s9  }
0x1d3: {  	v13 =	vld [tilespmem:s7+$0x11F80]  }
0x1d4: {  	v14 =	vld [tilespmem:s7+$0x11F90]  }
0x1d5: {  	v15 =	vld [tilespmem:s7+$0x11FA0]  }
0x1d6: {  	v5 =	vld [tilespmem:s7+$0x11FB0]  }
0x1d7: {  	v4 =	vld [tilespmem:s7+$0x11FC0]  }
0x1d8: {  	v3 =	vld [tilespmem:s7+$0x11FD0]  }
0x1d9: {  	v2 =	vld [tilespmem:s7+$0x11FE0]  }
0x1da: {  	v1 =	vld [tilespmem:s7+$0x11FF0]  }
0x1db: {  	v0 =	vld [tilespmem:s7+$0x12000]  }
0x1dc: {  	v16 =	vld [tilespmem:s7+$0x5F10]  }
0x1dd: {  	v17 =	vld [tilespmem:s7+$0x5F20]  }
0x1de: {  	v18 =	vld [tilespmem:s7+$0x5F30]  }
0x1df: {  	v19 =	vld [tilespmem:s7+$0x5F40]  }
0x1e0: {  	v20 =	vld [tilespmem:s7+$0x5F50]  }
0x1e1: {  	v12 =	vadd.f32 v12, v16;
	v16 =	vld [tilespmem:s7+$0x5F60]  }
0x1e2: {  	v6 =	vadd.f32 v6, v17;
	v17 =	vld [tilespmem:s7+$0x5F70]  }
0x1e3: {  	[tilespmem:s7+$0x5F10] =	vst v12;
	v8 =	vadd.f32 v8, v18;
	v12 =	vld [tilespmem:s7+$0x5F80]  }
0x1e4: {  	[tilespmem:s7+$0x5F20] =	vst v6;
	v6 =	vadd.f32 v9, v19;
	v9 =	vld [tilespmem:s7+$0x5F90]  }
0x1e5: {  	[tilespmem:s7+$0x5F30] =	vst v8;
	v8 =	vadd.f32 v10, v20;
	v10 =	vld [tilespmem:s7+$0x5FA0]  }
.Ltmp5:
0x1e6: {  	[tilespmem:s7+$0x5F40] =	vst v6;
	v16 =	vadd.f32 v7, v16;
	v7 =	vld [tilespmem:s7+$0x5FB0];
	(pc) =	sbr.rel @p0 .LBB2_13-.Ltmp5, $4  }
0x1e7: {  	[tilespmem:s7+$0x5F50] =	vst v8;
	v11 =	vadd.f32 v11, v17;
	v6 =	vld [tilespmem:s7+$0x5FC0]  }
0x1e8: {  	[tilespmem:s7+$0x5F60] =	vst v16;
	v13 =	vadd.f32 v13, v12;
	v8 =	vld [tilespmem:s7+$0x5FD0]  }
0x1e9: {  	[tilespmem:s7+$0x5F70] =	vst v11;
	v12 =	vadd.f32 v14, v9;
	v9 =	vld [tilespmem:s7+$0x5FE0]  }
0x1ea: {  	s8 =	sadd.s32 $0x400, s8;
	[tilespmem:s7+$0x5F80] =	vst v13;
	v11 =	vadd.f32 v15, v10;
	v10 =	vld [tilespmem:s7+$0x5FF0]  }
0x1eb: {  	[tilespmem:s7+$0x5F90] =	vst v12;
	v5 =	vadd.f32 v5, v7;
	v7 =	vld [tilespmem:s7+$0x6000]  }
0x1ec: {  	[tilespmem:s7+$0x5FA0] =	vst v11;
	v4 =	vadd.f32 v4, v6  }
0x1ed: {  	[tilespmem:s7+$0x5FB0] =	vst v5;
	v3 =	vadd.f32 v3, v8  }
0x1ee: {  	[tilespmem:s7+$0x5FC0] =	vst v4;
	v2 =	vadd.f32 v2, v9  }
0x1ef: {  	[tilespmem:s7+$0x5FD0] =	vst v3;
	v1 =	vadd.f32 v1, v10  }
0x1f0: {  	s8 =	sadd.s32 s10, s2;
	[tilespmem:s7+$0x5FE0] =	vst v2;
	v0 =	vadd.f32 v0, v7  }
0x1f1: {  	s8 =	sshll.u32 s8, $0x4;
	[tilespmem:s7+$0x5FF0] =	vst v1  }
0x1f2: {  	s8 =	sadd.s32 s5, s8;
	[tilespmem:s7+$0x6000] =	vst v0  }
0x1f3: {  	[hbm4b:s8+s3] =	stream.linear.scatter [tilespmem:s19], [sflag:$0x4], $0x6000, $0x38;
	[tilespmem:$0x18000] =	vst v63  }
0x1f4: {  	s9 =	sadd.s32 s11, s2;
	_ =	swait.ge [sflag:s24], $0x6000  }
0x1f5: {  	s7 =	sshll.u32 s9, $0x4;
	[sflag:s24] =	ssyncset.done $0x0  }
0x1f6: {  	s17 =	sadd.s32 s1, s7;
	[sflag:s24] =	ssyncadd.s32 $0xFFFFA000  }
0x1f7: {  	[tilespmem:s3], [sflag:$0x1] =	stream.linear.gather [hbm4b:s17+s3], $0x6000, $0x38;
	[tilespmem:$0x18000] =	vst v63  }
0x1f8: {  	s18 =	sadd.s32 s12, s2;
	_ =	swait.ge [sflag:s25], $0x6000  }
0x1f9: {  	s2 =	sshll.u32 s18, $0x4;
	[sflag:s25] =	ssyncset.done $0x0  }
0x1fa: {  	s28 =	sadd.s32 s1, s2;
	[sflag:s25] =	ssyncadd.s32 $0xFFFFA000  }
0x1fb: {  	[tilespmem:s19], [sflag:$0x2] =	stream.linear.gather [hbm4b:s28+s3], $0x6000, $0x38;
	[tilespmem:$0x18000] =	vst v63  }
0x1fc: {  	_ =	swait.ge [sflag:s22], $0x6000  }
0x1fd: {  	[sflag:s22] =	ssyncset.done $0x0  }
0x1fe: {  	s8 =	simm.s32 $0xF0;
	[sflag:s22] =	ssyncadd.s32 $0xFFFFA000  }
0x1ff: {  	v6 =	vld [tilespmem:s8+$0x11F10]  }
0x200: {  	v7 =	vld [tilespmem:s8+$0x11F20]  }
0x201: {  	v8 =	vld [tilespmem:s8+$0x11F30]  }
0x202: {  	v9 =	vld [tilespmem:s8+$0x11F40]  }
0x203: {  	v10 =	vld [tilespmem:s8+$0x11F50]  }
0x204: {  	v11 =	vld [tilespmem:s8+$0x11F60]  }
0x205: {  	v12 =	vld [tilespmem:s8+$0x11F70]  }
0x206: {  	v13 =	vld [tilespmem:s8+$0x11F80]  }
0x207: {  	v14 =	vld [tilespmem:s8+$0x11F90]  }
0x208: {  	v5 =	vld [tilespmem:s8+$0x11FA0]  }
0x209: {  	v4 =	vld [tilespmem:s8+$0x11FB0]  }
0x20a: {  	v3 =	vld [tilespmem:s8+$0x11FC0]  }
0x20b: {  	v2 =	vld [tilespmem:s8+$0x11FD0]  }
0x20c: {  	v1 =	vld [tilespmem:s8+$0x11FE0]  }
0x20d: {  	v0 =	vld [tilespmem:s8+$0x12000]  }
0x20e: {  	v15 =	vld [tilespmem:s8+$0xFFFFFF10]  }
0x20f: {  	v16 =	vld [tilespmem:s8+$0xFFFFFF20]  }
0x210: {  	v17 =	vld [tilespmem:s8+$0xFFFFFF30]  }
0x211: {  	v18 =	vld [tilespmem:s8+$0xFFFFFF40]  }
0x212: {  	v19 =	vld [tilespmem:s8+$0xFFFFFF50]  }
0x213: {  	v6 =	vadd.f32 v6, v15;
	v15 =	vld [tilespmem:s8+$0xFFFFFF60]  }
0x214: {  	v20 =	vld [tilespmem:s8+$0xFFFFFF70];
	v7 =	vadd.f32 v7, v16  }
0x215: {  	v62 =	vld [tilespmem:s8+$0xFFFFFF80];
	[tilespmem:s8+$0xFFFFFF10] =	vst v6;
	v6 =	vadd.f32 v8, v17  }
0x216: {  	v63 =	vld [tilespmem:s8+$0xFFFFFF90];
	[tilespmem:s8+$0xFFFFFF20] =	vst v7;
	v7 =	vadd.f32 v9, v18  }
0x217: {  	v9 =	vld [tilespmem:s8+$0xFFFFFFA0];
	v8 =	vadd.f32 v10, v19;
	[tilespmem:s8+$0xFFFFFF30] =	vst v6  }
0x218: {  	[tilespmem:s8+$0xFFFFFF40] =	vst v7;
	v6 =	vld [tilespmem:s8+$0xFFFFFFB0];
	v10 =	vadd.f32 v11, v15  }
0x219: {  	[tilespmem:s8+$0xFFFFFF50] =	vst v8;
	v7 =	vld [tilespmem:s8+$0xFFFFFFC0];
	v11 =	vadd.f32 v12, v20  }
0x21a: {  	v8 =	vld [tilespmem:s8+$0xFFFFFFD0];
	v12 =	vadd.f32 v13, v62;
	[tilespmem:s8+$0xFFFFFF60] =	vst v10  }
0x21b: {  	s9 =	simm.s32 $0x7C0;
	[tilespmem:s8+$0xFFFFFF70] =	vst v11;
	v11 =	vadd.f32 v14, v63;
	v10 =	vld [tilespmem:s8+$0xFFFFFFE0]  }
.LBB2_15:
0x21c: {  	p0 =	sne.s32 s9, $0x17FC0;
	[tilespmem:s8+$0xFFFFFF80] =	vst v12;
	v5 =	vadd.f32 v5, v9;
	v9 =	vld [tilespmem:s8+$0x0]  }
0x21d: {  	[tilespmem:s8+$0xFFFFFF90] =	vst v11;
	v4 =	vadd.f32 v4, v6;
	v6 =	vld [tilespmem:s8+$0xFFFFFFF0]  }
0x21e: {  	s17 =	sshra.s32 s9, $0x2;
	[tilespmem:s8+$0xFFFFFFA0] =	vst v5;
	v3 =	vadd.f32 v3, v7;
	v5 =	vld [tilespmem:s8+$0x11FF0]  }
0x21f: {  	v7 =	vld [tilespmem:s17+$0x11F10];
	[tilespmem:s8+$0xFFFFFFB0] =	vst v4;
	v2 =	vadd.f32 v2, v8  }
0x220: {  	v8 =	vld [tilespmem:s17+$0x11F20];
	[tilespmem:s8+$0xFFFFFFC0] =	vst v3;
	v1 =	vadd.f32 v1, v10  }
0x221: {  	v10 =	vld [tilespmem:s17+$0x11F30];
	[tilespmem:s8+$0xFFFFFFD0] =	vst v2;
	v0 =	vadd.f32 v0, v9  }
0x222: {  	v9 =	vld [tilespmem:s17+$0x11F40];
	[tilespmem:s8+$0xFFFFFFE0] =	vst v1  }
0x223: {  	v11 =	vld [tilespmem:s17+$0x11F50];
	v1 =	vadd.f32 v5, v6;
	[tilespmem:s8+$0x0] =	vst v0  }
0x224: {  	v6 =	vld [tilespmem:s17+$0x11F60]  }
0x225: {  	v12 =	vld [tilespmem:s17+$0x11F70];
	[tilespmem:s8+$0xFFFFFFF0] =	vst v1;
	s8 =	smov.u32 s17  }
0x226: {  	v13 =	vld [tilespmem:s8+$0x11F80]  }
0x227: {  	v14 =	vld [tilespmem:s8+$0x11F90]  }
0x228: {  	v5 =	vld [tilespmem:s8+$0x11FA0]  }
0x229: {  	v4 =	vld [tilespmem:s8+$0x11FB0]  }
0x22a: {  	v3 =	vld [tilespmem:s8+$0x11FC0]  }
0x22b: {  	v2 =	vld [tilespmem:s8+$0x11FD0]  }
0x22c: {  	v1 =	vld [tilespmem:s8+$0x11FE0]  }
0x22d: {  	v0 =	vld [tilespmem:s8+$0x12000]  }
0x22e: {  	v15 =	vld [tilespmem:s8+$0xFFFFFF10]  }
0x22f: {  	v16 =	vld [tilespmem:s8+$0xFFFFFF20]  }
0x230: {  	v17 =	vld [tilespmem:s8+$0xFFFFFF30]  }
0x231: {  	v18 =	vld [tilespmem:s8+$0xFFFFFF40]  }
0x232: {  	v19 =	vld [tilespmem:s8+$0xFFFFFF50]  }
0x233: {  	v7 =	vadd.f32 v7, v15;
	v15 =	vld [tilespmem:s8+$0xFFFFFF60]  }
0x234: {  	v8 =	vadd.f32 v8, v16;
	v16 =	vld [tilespmem:s8+$0xFFFFFF70]  }
0x235: {  	[tilespmem:s8+$0xFFFFFF10] =	vst v7;
	v7 =	vadd.f32 v10, v17;
	v10 =	vld [tilespmem:s8+$0xFFFFFF80]  }
0x236: {  	[tilespmem:s8+$0xFFFFFF20] =	vst v8;
	v8 =	vadd.f32 v9, v18;
	v17 =	vld [tilespmem:s8+$0xFFFFFF90]  }
.Ltmp6:
0x237: {  	[tilespmem:s8+$0xFFFFFF30] =	vst v7;
	v7 =	vadd.f32 v11, v19;
	v9 =	vld [tilespmem:s8+$0xFFFFFFA0];
	(pc) =	sbr.rel @p0 .LBB2_15-.Ltmp6, $4  }
0x238: {  	[tilespmem:s8+$0xFFFFFF40] =	vst v8;
	v8 =	vadd.f32 v6, v15;
	v6 =	vld [tilespmem:s8+$0xFFFFFFB0]  }
0x239: {  	[tilespmem:s8+$0xFFFFFF50] =	vst v7;
	v11 =	vadd.f32 v12, v16;
	v7 =	vld [tilespmem:s8+$0xFFFFFFC0]  }
0x23a: {  	[tilespmem:s8+$0xFFFFFF60] =	vst v8;
	v12 =	vadd.f32 v13, v10;
	v8 =	vld [tilespmem:s8+$0xFFFFFFD0]  }
0x23b: {  	s9 =	sadd.s32 $0x400, s9;
	[tilespmem:s8+$0xFFFFFF70] =	vst v11;
	v11 =	vadd.f32 v14, v17;
	v10 =	vld [tilespmem:s8+$0xFFFFFFE0]  }
0x23c: {  	[tilespmem:s8+$0xFFFFFF80] =	vst v12;
	v12 =	vld [tilespmem:s8+$0x0];
	v5 =	vadd.f32 v5, v9  }
0x23d: {  	v9 =	vld [tilespmem:s8+$0xFFFFFFF0]  }
0x23e: {  	v4 =	vadd.f32 v4, v6;
	[tilespmem:s8+$0xFFFFFFA0] =	vst v5;
	v5 =	vld [tilespmem:s8+$0x11FF0]  }
0x23f: {  	[tilespmem:s8+$0xFFFFFF90] =	vst v11;
	v3 =	vadd.f32 v3, v7  }
0x240: {  	[tilespmem:s8+$0xFFFFFFB0] =	vst v4;
	v2 =	vadd.f32 v2, v8  }
0x241: {  	[tilespmem:s8+$0xFFFFFFC0] =	vst v3;
	v1 =	vadd.f32 v1, v10  }
0x242: {  	[tilespmem:s8+$0xFFFFFFD0] =	vst v2;
	v0 =	vadd.f32 v0, v12  }
0x243: {  	[tilespmem:s8+$0xFFFFFFE0] =	vst v1;
	v1 =	vadd.f32 v5, v9  }
0x244: {  	[tilespmem:s8+$0x0] =	vst v0  }
0x245: {  	s7 =	sadd.s32 s5, s7;
	[tilespmem:s8+$0xFFFFFFF0] =	vst v1  }
0x246: {  	[hbm4b:s7+s3] =	stream.linear.scatter [tilespmem:s3], [sflag:$0x3], $0x6000, $0x38;
	[tilespmem:$0x18000] =	vst v63  }
0x247: {  	_ =	swait.ge [sflag:s23], $0x6000  }
0x248: {  	[sflag:s23] =	ssyncset.done $0x0  }
0x249: {  	s7 =	simm.s32 $0xF0;
	[sflag:s23] =	ssyncadd.s32 $0xFFFFA000  }
0x24a: {  	v6 =	vld [tilespmem:s7+$0x11F10]  }
0x24b: {  	v7 =	vld [tilespmem:s7+$0x11F20]  }
0x24c: {  	v8 =	vld [tilespmem:s7+$0x11F30]  }
0x24d: {  	v9 =	vld [tilespmem:s7+$0x11F40]  }
0x24e: {  	v10 =	vld [tilespmem:s7+$0x11F50]  }
0x24f: {  	v11 =	vld [tilespmem:s7+$0x11F60]  }
0x250: {  	v12 =	vld [tilespmem:s7+$0x11F70]  }
0x251: {  	v13 =	vld [tilespmem:s7+$0x11F80]  }
0x252: {  	v14 =	vld [tilespmem:s7+$0x11F90]  }
0x253: {  	v15 =	vld [tilespmem:s7+$0x11FA0]  }
0x254: {  	v5 =	vld [tilespmem:s7+$0x11FB0]  }
0x255: {  	v4 =	vld [tilespmem:s7+$0x11FC0]  }
0x256: {  	v3 =	vld [tilespmem:s7+$0x11FD0]  }
0x257: {  	v2 =	vld [tilespmem:s7+$0x11FE0]  }
0x258: {  	v1 =	vld [tilespmem:s7+$0x11FF0]  }
0x259: {  	v0 =	vld [tilespmem:s7+$0x12000]  }
0x25a: {  	v16 =	vld [tilespmem:s7+$0x5F10]  }
0x25b: {  	v17 =	vld [tilespmem:s7+$0x5F20]  }
0x25c: {  	v18 =	vld [tilespmem:s7+$0x5F30]  }
0x25d: {  	v19 =	vld [tilespmem:s7+$0x5F40]  }
0x25e: {  	v20 =	vld [tilespmem:s7+$0x5F50]  }
0x25f: {  	v60 =	vld [tilespmem:s7+$0x5F60];
	v6 =	vadd.f32 v6, v16  }
0x260: {  	v21 =	vld [tilespmem:s7+$0x5F70];
	v7 =	vadd.f32 v7, v17  }
0x261: {  	v61 =	vld [tilespmem:s7+$0x5F80];
	[tilespmem:s7+$0x5F10] =	vst v6;
	v6 =	vadd.f32 v8, v18  }
0x262: {  	v62 =	vld [tilespmem:s7+$0x5F90];
	[tilespmem:s7+$0x5F20] =	vst v7;
	v7 =	vadd.f32 v9, v19  }
0x263: {  	v63 =	vld [tilespmem:s7+$0x5FA0];
	[tilespmem:s7+$0x5F30] =	vst v6;
	v6 =	vadd.f32 v10, v20  }
0x264: {  	v8 =	vadd.f32 v11, v60;
	[tilespmem:s7+$0x5F40] =	vst v7;
	v7 =	vld [tilespmem:s7+$0x5FB0]  }
0x265: {  	v9 =	vadd.f32 v12, v21;
	[tilespmem:s7+$0x5F50] =	vst v6;
	v6 =	vld [tilespmem:s7+$0x5FC0]  }
0x266: {  	[tilespmem:s7+$0x5F60] =	vst v8;
	v8 =	vld [tilespmem:s7+$0x5FD0];
	v10 =	vadd.f32 v13, v61  }
0x267: {  	v12 =	vadd.f32 v14, v62;
	[tilespmem:s7+$0x5F70] =	vst v9;
	v9 =	vld [tilespmem:s7+$0x5FE0]  }
0x268: {  	s8 =	simm.s32 $0x7C0;
	v11 =	vadd.f32 v15, v63;
	[tilespmem:s7+$0x5F80] =	vst v10;
	v10 =	vld [tilespmem:s7+$0x5FF0]  }
.LBB2_17:
0x269: {  	s9 =	sshra.s32 s8, $0x2;
	p0 =	sne.s32 s8, $0x17FC0;
	[tilespmem:s7+$0x5F90] =	vst v12;
	v5 =	vadd.f32 v5, v7;
	v7 =	vld [tilespmem:s7+$0x6000]  }
0x26a: {  	v12 =	vld [tilespmem:s9+$0x11F10];
	[tilespmem:s7+$0x5FA0] =	vst v11;
	v4 =	vadd.f32 v4, v6  }
0x26b: {  	v6 =	vld [tilespmem:s9+$0x11F20];
	[tilespmem:s7+$0x5FB0] =	vst v5;
	v3 =	vadd.f32 v3, v8  }
0x26c: {  	v8 =	vld [tilespmem:s9+$0x11F30];
	[tilespmem:s7+$0x5FC0] =	vst v4;
	v2 =	vadd.f32 v2, v9  }
0x26d: {  	v9 =	vld [tilespmem:s9+$0x11F40];
	[tilespmem:s7+$0x5FD0] =	vst v3;
	v1 =	vadd.f32 v1, v10  }
0x26e: {  	v10 =	vld [tilespmem:s9+$0x11F50];
	[tilespmem:s7+$0x5FE0] =	vst v2;
	v0 =	vadd.f32 v0, v7  }
0x26f: {  	v7 =	vld [tilespmem:s9+$0x11F60];
	[tilespmem:s7+$0x5FF0] =	vst v1  }
0x270: {  	v11 =	vld [tilespmem:s9+$0x11F70];
	[tilespmem:s7+$0x6000] =	vst v0;
	s7 =	smov.u32 s9  }
0x271: {  	v13 =	vld [tilespmem:s7+$0x11F80]  }
0x272: {  	v14 =	vld [tilespmem:s7+$0x11F90]  }
0x273: {  	v15 =	vld [tilespmem:s7+$0x11FA0]  }
0x274: {  	v5 =	vld [tilespmem:s7+$0x11FB0]  }
0x275: {  	v4 =	vld [tilespmem:s7+$0x11FC0]  }
0x276: {  	v3 =	vld [tilespmem:s7+$0x11FD0]  }
0x277: {  	v2 =	vld [tilespmem:s7+$0x11FE0]  }
0x278: {  	v1 =	vld [tilespmem:s7+$0x11FF0]  }
0x279: {  	v0 =	vld [tilespmem:s7+$0x12000]  }
0x27a: {  	v16 =	vld [tilespmem:s7+$0x5F10]  }
0x27b: {  	v17 =	vld [tilespmem:s7+$0x5F20]  }
0x27c: {  	v18 =	vld [tilespmem:s7+$0x5F30]  }
0x27d: {  	v19 =	vld [tilespmem:s7+$0x5F40]  }
0x27e: {  	v20 =	vld [tilespmem:s7+$0x5F50]  }
0x27f: {  	v12 =	vadd.f32 v12, v16;
	v16 =	vld [tilespmem:s7+$0x5F60]  }
0x280: {  	v6 =	vadd.f32 v6, v17;
	v17 =	vld [tilespmem:s7+$0x5F70]  }
0x281: {  	[tilespmem:s7+$0x5F10] =	vst v12;
	v8 =	vadd.f32 v8, v18;
	v12 =	vld [tilespmem:s7+$0x5F80]  }
0x282: {  	[tilespmem:s7+$0x5F20] =	vst v6;
	v6 =	vadd.f32 v9, v19;
	v9 =	vld [tilespmem:s7+$0x5F90]  }
0x283: {  	[tilespmem:s7+$0x5F30] =	vst v8;
	v8 =	vadd.f32 v10, v20;
	v10 =	vld [tilespmem:s7+$0x5FA0]  }
.Ltmp7:
0x284: {  	[tilespmem:s7+$0x5F40] =	vst v6;
	v16 =	vadd.f32 v7, v16;
	v7 =	vld [tilespmem:s7+$0x5FB0];
	(pc) =	sbr.rel @p0 .LBB2_17-.Ltmp7, $4  }
0x285: {  	[tilespmem:s7+$0x5F50] =	vst v8;
	v11 =	vadd.f32 v11, v17;
	v6 =	vld [tilespmem:s7+$0x5FC0]  }
0x286: {  	[tilespmem:s7+$0x5F60] =	vst v16;
	v13 =	vadd.f32 v13, v12;
	v8 =	vld [tilespmem:s7+$0x5FD0]  }
0x287: {  	[tilespmem:s7+$0x5F70] =	vst v11;
	v12 =	vadd.f32 v14, v9;
	v9 =	vld [tilespmem:s7+$0x5FE0]  }
0x288: {  	s8 =	sadd.s32 $0x400, s8;
	[tilespmem:s7+$0x5F80] =	vst v13;
	v11 =	vadd.f32 v15, v10;
	v10 =	vld [tilespmem:s7+$0x5FF0]  }
0x289: {  	[tilespmem:s7+$0x5F90] =	vst v12;
	v5 =	vadd.f32 v5, v7;
	v63 =	vld [tilespmem:s7+$0x6000]  }
0x28a: {  	[tilespmem:s7+$0x5FA0] =	vst v11;
	v4 =	vadd.f32 v4, v6  }
0x28b: {  	[tilespmem:s7+$0x5FB0] =	vst v5;
	v3 =	vadd.f32 v3, v8  }
0x28c: {  	[tilespmem:s7+$0x5FC0] =	vst v4;
	v2 =	vadd.f32 v2, v9  }
0x28d: {  	[tilespmem:s7+$0x5FD0] =	vst v3;
	v1 =	vadd.f32 v1, v10  }
0x28e: {  	[tilespmem:s7+$0x5FE0] =	vst v2;
	v0 =	vadd.f32 v0, v63  }
0x28f: {  	[tilespmem:s7+$0x5FF0] =	vst v1  }
0x290: {  	s2 =	sadd.s32 s5, s2;
	p0 =	sgt.u32 s30, $0x6;
	[tilespmem:s7+$0x6000] =	vst v0  }
0x291: {  	[hbm4b:s2+s3] =	stream.linear.scatter [tilespmem:s19], [sflag:$0x4], $0x6000, $0x38;
	[tilespmem:$0x18000] =	vst v63  }
0x292: {  	s2 =	simm.s32 @!p0 $0x3  }
0x293: {  	s0 =	sadd.s32 @!p0 s0, s15;
	_ =	swait.ge @!p0 [sflag:s2], $0x6000  }
0x294: {  	s0 =	sshll.u32 @!p0 s0, $0x4;
	[sflag:s2] =	ssyncset.done @!p0 $0x0  }
0x295: {  	s0 =	sadd.s32 @!p0 s1, s0;
	[sflag:s2] =	ssyncadd.s32 @!p0 $0xFFFFA000;
	s2 =	simm.s32 @!p0 $0x0  }
0x296: {  	[tilespmem:s2], [sflag:$0x1] =	stream.linear.gather @!p0 [hbm4b:s0+s2], $0x6000, $0x38;
	[tilespmem:$0x18000] =	vst v63  }
0x297: {  	s0 =	simm.s32 @!p0 $0x4  }
0x298: {  	_ =	swait.ge @!p0 [sflag:s0], $0x6000  }
0x299: {  	s29 =	sadd.s32 $0x1, s29;
	[sflag:s0] =	ssyncset.done @!p0 $0x0  }
0x29a: {  	s7 =	simm.s32 @!p0 $0x6000;
	[sflag:s0] =	ssyncadd.s32 @!p0 $0xFFFFA000;
	s0 =	sadd.s32 @!p0 s31, s16  }
0x29b: {  	[tilespmem:s7], [sflag:$0x2] =	stream.linear.gather @!p0 [hbm4b:s0+s2], $0x6000, $0x38;
	[tilespmem:$0x18000] =	vst v63  }
0x29c: {  	p0 =	sne.s32 s29, $0x4  }
.Ltmp8:
0x29d: {  	_ = 	snop;
	(pc) =	sbr.rel @p0 .LBB2_2-.Ltmp8, $1  }
0x29e: {  	_ =	sdelay $0x3  }
0x29f: {  	_ =	swait.ge [sflag:s24], $0x6000  }
0x2a0: {  	[sflag:s24] =	ssyncset.done $0x0  }
0x2a1: {  	[sflag:s24] =	ssyncadd.s32 $0xFFFFA000  }
0x2a2: {  	_ =	swait.ge [sflag:s25], $0x6000  }
0x2a3: {  	s2 =	rddreg [dreg:$0x7]  }
0x2a4: {  	s0 =	rddreg [dreg:$0x6];
	s2 =	sadd.s32 $0x1, s2  }
0x2a5: {  	p0 =	sne.s32 s2, s0  }
.Ltmp9:
0x2a6: {  	_ = 	snop;
	(pc) =	sbr.rel @p0 .LBB2_1-.Ltmp9, $3  }
0x2a7: {  	_ =	sdelay $0x1  }
0x2a8: {  	[sflag:s25] =	ssyncset.done $0x0  }
0x2a9: {  	[sflag:s25] =	ssyncadd.s32 $0xFFFFA000  }
0x2aa: {  	_ =	sfence.sel $0x180000  }
0x2ab: {  	[bflag:$0x0] =	sbarrier.arrive $0xFFFF  }
0x2ac: {  	_ =	strace $0x90000047  }
0x2ad: {  	s0 =	stileid.u32;
	[bflag:$0x2] =	sbarrier.arrive $0xFFFF  }
0x2ae: {  	p0 =	sne.s32 s0, $0x0;
	s0 =	rddreg [dreg:$0x2]  }
0x2af: {  	s0 =	sadd.s32 @!p0 $0x100000, s0  }
0x2b0: {  	[sflag:s0] =	ssyncadd.tile.s32 @!p0 $0x1;
	_ =	shalt  }
.Lfunc_end2:
_tile_overlayer_lowered:
.L_overlay_start_2:
0x2b1: {  	(tag) =	ssettag $0x2  }
0x2b2: {  	s0 =	rddreg [dreg:$0x0];
	s2 =	stileid.u32  }
0x2b3: {  	s1 =	rddreg [dreg:$0x1];
	p0 =	sne.s32 s2, $0x0  }
0x2b4: {  	s3 =	rddreg [dreg:$0x2];
	[bflag:$0x3] =	sbarrier.arrive $0xFFFF;
	s2 =	simm.s32 @!p0 $0x1C07  }
0x2b5: {  	[timem:s3], [sflag:s2] =	dma.local @!p0 [hbm:s0], s1  }
0x2b6: {  	s0 =	simm.s32 @!p0 $0x7  }
0x2b7: {  	_ =	swait.ge @!p0 [sflag:s0], s1  }
0x2b8: {  	s1 =	ssub.s32 @!p0 $0x0, s1;
	[sflag:s0] =	ssyncset.done @!p0 $0x0  }
0x2b9: {  	[sflag:s0] =	ssyncadd.s32 @!p0 s1  }
0x2ba: {  	[bflag:$0x3] =	sbarrier.arrive $0xFFFF  }
0x2bb: {  	_ =	shalt  }

</sc_bundles>
